<compile_context>
chip_gen: v7x
topology: tpu7x:2x2x1
jax: 0.10.2.dev20260603
libtpu: 0.0.44.dev20260713+nightly
codegen_flags: <defaults>
</compile_context>

<pallas_src>
import jax
import jax.numpy as jnp
from jax import lax
from jax.experimental import pallas as pl
from jax.experimental.pallas import tpu as pltpu
from jax.experimental.pallas import tpu_sc as plsc

N_NODES = 10000
N_EDGES = 320000
D = 128
NC = 2
NS = 16
EPB = 128
BPT = 80
E_TILE = BPT * EPB
E_PAD = NC * NS * E_TILE
N_PAD = 10240
RPT = N_PAD // NS

_MESH = dict(core_axis_name="c", subcore_axis_name="s")


def _deg_body(dst_hbm, out_hbm, dst_v, obuf, zbuf, shared_deg):
    c = lax.axis_index("c")
    s = lax.axis_index("s")
    r0 = s * RPT
    pltpu.sync_copy(dst_hbm.at[c].at[s], dst_v)

    def fill_body(i, carry):
        zbuf[pl.ds(i * 16, 16)] = jnp.zeros((16,), jnp.float32)
        return carry

    lax.fori_loop(0, RPT // 16, fill_body, 0)
    for j in range(EPB // 16):
        obuf[pl.ds(j * 16, 16)] = jnp.ones((16,), jnp.float32)
    pltpu.sync_copy(zbuf, shared_deg.at[pl.ds(r0, RPT)])
    plsc.subcore_barrier()

    def acc_body(b, carry):
        pltpu.sync_copy(obuf, shared_deg.at[dst_v.at[b]], add=True)
        return carry

    lax.fori_loop(0, BPT, acc_body, 0)
    plsc.subcore_barrier()
    pltpu.sync_copy(shared_deg.at[pl.ds(r0, RPT)], out_hbm.at[c].at[pl.ds(r0, RPT)])


_deg_kernel = pl.kernel(
    _deg_body,
    out_type=jax.ShapeDtypeStruct((NC, N_PAD), jnp.float32),
    mesh=plsc.VectorSubcoreMesh(**_MESH),
    scratch_types=[
        pltpu.VMEM((BPT, EPB), jnp.int32),
        pltpu.VMEM((EPB,), jnp.float32),
        pltpu.VMEM((RPT,), jnp.float32),
        pltpu.VMEM_SHARED((N_PAD,), jnp.float32),
    ],
)


GB = 40


def _hop_body(y_hbm, src_hbm, dst_hbm, out_hbm, src_g, dst_g, rows0, rows1,
              shared, gsem0, gsem1):
    c = lax.axis_index("c")
    s = lax.axis_index("s")
    r0 = s * RPT
    pltpu.sync_copy(y_hbm.at[pl.ds(r0, RPT)], shared.at[pl.ds(r0, RPT)])
    plsc.subcore_barrier()

    bufs = (rows0, rows1)
    gsems = (gsem0, gsem1)

    def gissue(t, i):
        pltpu.async_copy(y_hbm.at[src_g.at[t]], bufs[i], gsems[i])

    def gwait(t, i):
        pltpu.make_async_copy(y_hbm.at[src_g.at[t]], bufs[i],
                              gsems[i]).wait()

    def body(k, carry):
        pltpu.sync_copy(src_hbm.at[c].at[s].at[pl.ds(k * GB, GB)], src_g)
        pltpu.sync_copy(dst_hbm.at[c].at[s].at[pl.ds(k * GB, GB)], dst_g)
        gissue(0, 0)
        for t in range(GB):
            if t + 1 < GB:
                gissue(t + 1, (t + 1) % 2)
            gwait(t, t % 2)
            pltpu.sync_copy(bufs[t % 2], shared.at[dst_g.at[t]], add=True)
        return carry

    lax.fori_loop(0, BPT // GB, body, 0)
    plsc.subcore_barrier()
    pltpu.sync_copy(shared.at[pl.ds(r0, RPT)], out_hbm.at[c].at[pl.ds(r0, RPT)])


_hop_kernel = pl.kernel(
    _hop_body,
    out_type=jax.ShapeDtypeStruct((NC, N_PAD, D), jnp.float32),
    mesh=plsc.VectorSubcoreMesh(**_MESH),
    scratch_types=[
        pltpu.VMEM((GB, EPB), jnp.int32),
        pltpu.VMEM((GB, EPB), jnp.int32),
        pltpu.VMEM((EPB, D), jnp.float32),
        pltpu.VMEM((EPB, D), jnp.float32),
        pltpu.VMEM_SHARED((N_PAD, D), jnp.float32),
        pltpu.SemaphoreType.DMA,
        pltpu.SemaphoreType.DMA,
    ],
)


def _prep_body(degp_ref, x_ref, y0_ref, dinv_ref):
    deg = jnp.sum(degp_ref[...], axis=1, keepdims=True) + 1.0
    dinv = lax.rsqrt(deg)
    dinv_ref[...] = dinv
    y0_ref[0:N_NODES, :] = dinv[0:N_NODES, :] * x_ref[...]
    y0_ref[N_NODES:N_PAD, :] = jnp.zeros((N_PAD - N_NODES, D), jnp.float32)


_prep_call = pl.pallas_call(
    _prep_body,
    out_shape=[
        jax.ShapeDtypeStruct((N_PAD, D), jnp.float32),
        jax.ShapeDtypeStruct((N_PAD, 1), jnp.float32),
    ],
)


def _mid_body(p_ref, y_ref, dinv_ref, y1_ref):
    z = p_ref[0] + p_ref[1] - y_ref[...]
    d = dinv_ref[...]
    y1_ref[...] = (d * d) * z


_mid_call = pl.pallas_call(
    _mid_body,
    out_shape=jax.ShapeDtypeStruct((N_PAD, D), jnp.float32),
)


def _fin_body(q_ref, y1_ref, dinv_ref, w_ref, b_ref, out_ref):
    z = q_ref[0, 0:N_NODES, :] + q_ref[1, 0:N_NODES, :] - y1_ref[0:N_NODES, :]
    h = dinv_ref[0:N_NODES, :] * z
    out_ref[...] = lax.dot_general(
        h, w_ref[...], (((1,), (1,)), ((), ())),
        preferred_element_type=jnp.float32,
    ) + b_ref[...]


_fin_call = pl.pallas_call(
    _fin_body,
    out_shape=jax.ShapeDtypeStruct((N_NODES, D), jnp.float32),
)


def kernel(x, edge_index, W, b):
    src = edge_index[0].astype(jnp.int32)
    dst = edge_index[1].astype(jnp.int32)
    pad = E_PAD - N_EDGES
    ar = jnp.arange(pad, dtype=jnp.int32)
    src3 = jnp.concatenate([src, ar % N_NODES])
    src3 = src3.reshape(NC, NS, BPT, EPB)
    dst3 = jnp.concatenate([dst, N_NODES + ar % (N_PAD - N_NODES)])
    dst3 = dst3.reshape(NC, NS, BPT, EPB)

    degp = _deg_kernel(dst3)
    degp_t = degp.T
    y0, dinv = _prep_call(degp_t, x)

    p = _hop_kernel(y0, src3, dst3)
    y1 = _mid_call(p, y0, dinv)
    q = _hop_kernel(y1, src3, dst3)
    return _fin_call(q, y1, dinv, W, b.reshape(1, D))

# --- scband reference (transcript-rebuilt; emitter-appended) ---
"""Pipeline reference for scband-sgc-56427280335486 (READ-ONLY COPY).

The authoritative reference and input builder live on the scoring server;
editing this copy changes nothing except your own understanding.
"""

import jax, jax.numpy as jnp
import numpy as np

N_NODES = 10000
N_EDGES = 320000
D_IN = 128
D_OUT = 128
K_HOPS = 2


def setup_inputs(seed: int = 0) -> dict:
    key = jax.random.key(seed)
    k1, k2, k3, k4 = jax.random.split(key, 4)
    x = jax.random.normal(k1, (N_NODES, D_IN), dtype=jnp.float32)
    edge_index = jax.random.randint(k2, (2, N_EDGES), 0, N_NODES, dtype=jnp.int64)
    # Linear layer params (PyTorch Linear-style: out = x @ W.T + b)
    bound = 1.0 / np.sqrt(D_IN)
    W = jax.random.uniform(k3, (D_OUT, D_IN), minval=-bound, maxval=bound, dtype=jnp.float32)
    b = jax.random.uniform(k4, (D_OUT,), minval=-bound, maxval=bound, dtype=jnp.float32)
    return {"x": x, "edge_index": edge_index, "W": W, "b": b}


def _sgc_propagate(x, edge_index, num_nodes, k_hops):
    # GCN symmetric normalization with self-loops: A_hat = D^-1/2 (A + I) D^-1/2
    src = edge_index[0]
    dst = edge_index[1]
    loop = jnp.arange(num_nodes, dtype=src.dtype)
    src2 = jnp.concatenate([src, loop])
    dst2 = jnp.concatenate([dst, loop])
    w = jnp.ones(src2.shape[0], dtype=x.dtype)
    deg = jax.ops.segment_sum(w, dst2, num_segments=num_nodes)
    deg_inv_sqrt = jnp.where(deg > 0, jax.lax.rsqrt(jnp.maximum(deg, 1e-12)), 0.0)
    norm = deg_inv_sqrt[src2] * w * deg_inv_sqrt[dst2]
    for _ in range(k_hops):
        msgs = norm[:, None] * x[src2]
        x = jax.ops.segment_sum(msgs, dst2, num_segments=num_nodes)
    return x


def reference(x, edge_index, W, b):
    # SGC with no hidden layers: single SGConv(in_feats, out_feats, K=2)
    h = _sgc_propagate(x, edge_index, N_NODES, K_HOPS)
    out = h @ W.T + b
    return out

if __name__ == "__main__":
    import jax
    _d = setup_inputs()
    print(jax.jit(kernel)(*tuple(_d.values())))

</pallas_src>

<mosaic_0001>
#map = affine_map<(d0, d1) -> (0, 0)>
#map1 = affine_map<(d0, d1) -> (0, 0, 0, 0)>
#map2 = affine_map<(d0, d1) -> (0, 0, 0)>
module attributes {stable_mosaic.version = 14 : i64} {
  func.func @_hop_body(%arg0: i32, %arg1: i32, %arg2: memref<10240x128xf32, #tpu.memory_space<hbm>>, %arg3: memref<2x16x80x128xi32, #tpu.memory_space<hbm>>, %arg4: memref<2x16x80x128xi32, #tpu.memory_space<hbm>>, %arg5: memref<2x10240x128xf32, #tpu.memory_space<hbm>>, %arg6: memref<40x128xi32, #tpu.memory_space<vmem>>, %arg7: memref<40x128xi32, #tpu.memory_space<vmem>>, %arg8: memref<128x128xf32, #tpu.memory_space<vmem>>, %arg9: memref<128x128xf32, #tpu.memory_space<vmem>>, %arg10: memref<10240x128xf32, #tpu.memory_space<vmem_shared>>, %arg11: memref<!tpu.dma_semaphore, #tpu.memory_space<semaphore_mem>>, %arg12: memref<!tpu.dma_semaphore, #tpu.memory_space<semaphore_mem>>) attributes {dimension_semantics = [#tpu.dimension_semantics<core_parallel>, #tpu.dimension_semantics<subcore_parallel>], iteration_bounds = array<i64: 2, 16>, scalar_prefetch = 0 : i64, scratch_operands = 7 : i64, tpu.core_type = #tpu.core_type<sc_vector_subcore>, window_params = [{transform_indices = #map}, {transform_indices = #map1}, {transform_indices = #map1}, {transform_indices = #map2}]} {
    %mul3A = arith.constant 640 : i32
    %mul3A_0 = arith.muli %arg1, %mul3A : i32
    "tpu.region"() ({
      %run_scoped3A = tpu.sem_alloc : memref<!tpu.dma_semaphore, #tpu.memory_space<semaphore_mem>>
      %dma_start3A = arith.constant 0 : i32
      %dma_start3A_7 = tpu.memref_slice %arg10[%mul3A_0, %dma_start3A] : memref<10240x128xf32, #tpu.memory_space<vmem_shared>> -> memref<640x128xf32, #tpu.memory_space<vmem_shared>>
      %dma_start3A_8 = arith.constant 0 : i32
      %dma_start3A_9 = tpu.memref_slice %arg2[%mul3A_0, %dma_start3A_8] : memref<10240x128xf32, #tpu.memory_space<hbm>> -> memref<640x128xf32, #tpu.memory_space<hbm>>
      tpu.enqueue_dma source(%dma_start3A_9 : memref<640x128xf32, #tpu.memory_space<hbm>>) target(%dma_start3A_7 : memref<640x128xf32, #tpu.memory_space<vmem_shared>>) target_semaphore(%run_scoped3A : memref<!tpu.dma_semaphore, #tpu.memory_space<semaphore_mem>>)
      %dma_wait3A = arith.constant 0 : i32
      %dma_wait3A_10 = tpu.memref_slice %arg10[%mul3A_0, %dma_wait3A] : memref<10240x128xf32, #tpu.memory_space<vmem_shared>> -> memref<640x128xf32, #tpu.memory_space<vmem_shared>>
      %dma_wait3A_11 = arith.constant 0 : i32
      %dma_wait3A_12 = tpu.memref_slice %arg2[%mul3A_0, %dma_wait3A_11] : memref<10240x128xf32, #tpu.memory_space<hbm>> -> memref<640x128xf32, #tpu.memory_space<hbm>>
      tpu.wait_dma2 semaphore(%run_scoped3A : memref<!tpu.dma_semaphore, #tpu.memory_space<semaphore_mem>>) src(%dma_wait3A_12 : memref<640x128xf32, #tpu.memory_space<hbm>>) dst(%dma_wait3A_10 : memref<640x128xf32, #tpu.memory_space<vmem_shared>>)
      tpu.yield
    }) : () -> ()
    %barrier3A = arith.constant 0 : index
    tpu.barrier barrier_id(%barrier3A)
    %scan3A = arith.constant 0 : i32
    %scan3A_1 = arith.constant 0 : i32
    %scan3A_2 = arith.constant 2 : i32
    %scan3A_3 = arith.addi %scan3A_1, %scan3A_2 : i32
    %scan3A_4 = arith.constant 1 : i32
    scf.for %scan3A_7 = %scan3A_1 to %scan3A_3 step %scan3A_4  : i32 {
      %mul3A_8 = arith.constant 40 : i32
      %mul3A_9 = arith.muli %scan3A_7, %mul3A_8 : i32
      "tpu.region"() ({
        %run_scoped3A_609 = tpu.sem_alloc : memref<!tpu.dma_semaphore, #tpu.memory_space<semaphore_mem>>
        %dma_start3A_610 = arith.constant 0 : i32
        %dma_start3A_611 = arith.constant 0 : i32
        %dma_start3A_612 = arith.constant 0 : i32
        %dma_start3A_613 = tpu.memref_slice %arg3[%arg0, %dma_start3A_610, %dma_start3A_611, %dma_start3A_612] : memref<2x16x80x128xi32, #tpu.memory_space<hbm>> -> memref<1x16x80x128xi32, #tpu.memory_space<hbm>>
        %dma_start3A_614 = tpu.memref_squeeze %dma_start3A_613 : memref<1x16x80x128xi32, #tpu.memory_space<hbm>> -> memref<16x80x128xi32, #tpu.memory_space<hbm>>
        %dma_start3A_615 = arith.constant 0 : i32
        %dma_start3A_616 = arith.constant 0 : i32
        %dma_start3A_617 = tpu.memref_slice %dma_start3A_614[%arg1, %dma_start3A_615, %dma_start3A_616] : memref<16x80x128xi32, #tpu.memory_space<hbm>> -> memref<1x80x128xi32, #tpu.memory_space<hbm>>
        %dma_start3A_618 = tpu.memref_squeeze %dma_start3A_617 : memref<1x80x128xi32, #tpu.memory_space<hbm>> -> memref<80x128xi32, #tpu.memory_space<hbm>>
        %dma_start3A_619 = arith.constant 0 : i32
        %dma_start3A_620 = tpu.memref_slice %dma_start3A_618[%mul3A_9, %dma_start3A_619] : memref<80x128xi32, #tpu.memory_space<hbm>> -> memref<40x128xi32, #tpu.memory_space<hbm>>
        %dma_start3A_621 = arith.constant 0 : i32
        %dma_start3A_622 = arith.constant 0 : i32
        %dma_start3A_623 = arith.constant 0 : i32
        %dma_start3A_624 = tpu.memref_slice %arg3[%arg0, %dma_start3A_621, %dma_start3A_622, %dma_start3A_623] : memref<2x16x80x128xi32, #tpu.memory_space<hbm>> -> memref<1x16x80x128xi32, #tpu.memory_space<hbm>>
        %dma_start3A_625 = tpu.memref_squeeze %dma_start3A_624 : memref<1x16x80x128xi32, #tpu.memory_space<hbm>> -> memref<16x80x128xi32, #tpu.memory_space<hbm>>
        %dma_start3A_626 = arith.constant 0 : i32
        %dma_start3A_627 = arith.constant 0 : i32
        %dma_start3A_628 = tpu.memref_slice %dma_start3A_625[%arg1, %dma_start3A_626, %dma_start3A_627] : memref<16x80x128xi32, #tpu.memory_space<hbm>> -> memref<1x80x128xi32, #tpu.memory_space<hbm>>
        %dma_start3A_629 = tpu.memref_squeeze %dma_start3A_628 : memref<1x80x128xi32, #tpu.memory_space<hbm>> -> memref<80x128xi32, #tpu.memory_space<hbm>>
        %dma_start3A_630 = arith.constant 0 : i32
        %dma_start3A_631 = tpu.memref_slice %dma_start3A_629[%mul3A_9, %dma_start3A_630] : memref<80x128xi32, #tpu.memory_space<hbm>> -> memref<40x128xi32, #tpu.memory_space<hbm>>
        tpu.enqueue_dma source(%dma_start3A_631 : memref<40x128xi32, #tpu.memory_space<hbm>>) target(%arg6 : memref<40x128xi32, #tpu.memory_space<vmem>>) target_semaphore(%run_scoped3A_609 : memref<!tpu.dma_semaphore, #tpu.memory_space<semaphore_mem>>)
        %dma_wait3A_632 = arith.constant 0 : i32
        %dma_wait3A_633 = arith.constant 0 : i32
        %dma_wait3A_634 = arith.constant 0 : i32
        %dma_wait3A_635 = tpu.memref_slice %arg3[%arg0, %dma_wait3A_632, %dma_wait3A_633, %dma_wait3A_634] : memref<2x16x80x128xi32, #tpu.memory_space<hbm>> -> memref<1x16x80x128xi32, #tpu.memory_space<hbm>>
        %dma_wait3A_636 = tpu.memref_squeeze %dma_wait3A_635 : memref<1x16x80x128xi32, #tpu.memory_space<hbm>> -> memref<16x80x128xi32, #tpu.memory_space<hbm>>
        %dma_wait3A_637 = arith.constant 0 : i32
        %dma_wait3A_638 = arith.constant 0 : i32
        %dma_wait3A_639 = tpu.memref_slice %dma_wait3A_636[%arg1, %dma_wait3A_637, %dma_wait3A_638] : memref<16x80x128xi32, #tpu.memory_space<hbm>> -> memref<1x80x128xi32, #tpu.memory_space<hbm>>
        %dma_wait3A_640 = tpu.memref_squeeze %dma_wait3A_639 : memref<1x80x128xi32, #tpu.memory_space<hbm>> -> memref<80x128xi32, #tpu.memory_space<hbm>>
        %dma_wait3A_641 = arith.constant 0 : i32
        %dma_wait3A_642 = tpu.memref_slice %dma_wait3A_640[%mul3A_9, %dma_wait3A_641] : memref<80x128xi32, #tpu.memory_space<hbm>> -> memref<40x128xi32, #tpu.memory_space<hbm>>
        %dma_wait3A_643 = arith.constant 0 : i32
        %dma_wait3A_644 = arith.constant 0 : i32
        %dma_wait3A_645 = arith.constant 0 : i32
        %dma_wait3A_646 = tpu.memref_slice %arg3[%arg0, %dma_wait3A_643, %dma_wait3A_644, %dma_wait3A_645] : memref<2x16x80x128xi32, #tpu.memory_space<hbm>> -> memref<1x16x80x128xi32, #tpu.memory_space<hbm>>
        %dma_wait3A_647 = tpu.memref_squeeze %dma_wait3A_646 : memref<1x16x80x128xi32, #tpu.memory_space<hbm>> -> memref<16x80x128xi32, #tpu.memory_space<hbm>>
        %dma_wait3A_648 = arith.constant 0 : i32
        %dma_wait3A_649 = arith.constant 0 : i32
        %dma_wait3A_650 = tpu.memref_slice %dma_wait3A_647[%arg1, %dma_wait3A_648, %dma_wait3A_649] : memref<16x80x128xi32, #tpu.memory_space<hbm>> -> memref<1x80x128xi32, #tpu.memory_space<hbm>>
        %dma_wait3A_651 = tpu.memref_squeeze %dma_wait3A_650 : memref<1x80x128xi32, #tpu.memory_space<hbm>> -> memref<80x128xi32, #tpu.memory_space<hbm>>
        %dma_wait3A_652 = arith.constant 0 : i32
        %dma_wait3A_653 = tpu.memref_slice %dma_wait3A_651[%mul3A_9, %dma_wait3A_652] : memref<80x128xi32, #tpu.memory_space<hbm>> -> memref<40x128xi32, #tpu.memory_space<hbm>>
        tpu.wait_dma2 semaphore(%run_scoped3A_609 : memref<!tpu.dma_semaphore, #tpu.memory_space<semaphore_mem>>) src(%dma_wait3A_653 : memref<40x128xi32, #tpu.memory_space<hbm>>) dst(%arg6 : memref<40x128xi32, #tpu.memory_space<vmem>>)
        tpu.yield
      }) : () -> ()
      %mul3A_10 = arith.constant 40 : i32
      %mul3A_11 = arith.muli %scan3A_7, %mul3A_10 : i32
      "tpu.region"() ({
        %run_scoped3A_609 = tpu.sem_alloc : memref<!tpu.dma_semaphore, #tpu.memory_space<semaphore_mem>>
        %dma_start3A_610 = arith.constant 0 : i32
        %dma_start3A_611 = arith.constant 0 : i32
        %dma_start3A_612 = arith.constant 0 : i32
        %dma_start3A_613 = tpu.memref_slice %arg4[%arg0, %dma_start3A_610, %dma_start3A_611, %dma_start3A_612] : memref<2x16x80x128xi32, #tpu.memory_space<hbm>> -> memref<1x16x80x128xi32, #tpu.memory_space<hbm>>
        %dma_start3A_614 = tpu.memref_squeeze %dma_start3A_613 : memref<1x16x80x128xi32, #tpu.memory_space<hbm>> -> memref<16x80x128xi32, #tpu.memory_space<hbm>>
        %dma_start3A_615 = arith.constant 0 : i32
        %dma_start3A_616 = arith.constant 0 : i32
        %dma_start3A_617 = tpu.memref_slice %dma_start3A_614[%arg1, %dma_start3A_615, %dma_start3A_616] : memref<16x80x128xi32, #tpu.memory_space<hbm>> -> memref<1x80x128xi32, #tpu.memory_space<hbm>>
        %dma_start3A_618 = tpu.memref_squeeze %dma_start3A_617 : memref<1x80x128xi32, #tpu.memory_space<hbm>> -> memref<80x128xi32, #tpu.memory_space<hbm>>
        %dma_start3A_619 = arith.constant 0 : i32
        %dma_start3A_620 = tpu.memref_slice %dma_start3A_618[%mul3A_11, %dma_start3A_619] : memref<80x128xi32, #tpu.memory_space<hbm>> -> memref<40x128xi32, #tpu.memory_space<hbm>>
        %dma_start3A_621 = arith.constant 0 : i32
        %dma_start3A_622 = arith.constant 0 : i32
        %dma_start3A_623 = arith.constant 0 : i32
        %dma_start3A_624 = tpu.memref_slice %arg4[%arg0, %dma_start3A_621, %dma_start3A_622, %dma_start3A_623] : memref<2x16x80x128xi32, #tpu.memory_space<hbm>> -> memref<1x16x80x128xi32, #tpu.memory_space<hbm>>
        %dma_start3A_625 = tpu.memref_squeeze %dma_start3A_624 : memref<1x16x80x128xi32, #tpu.memory_space<hbm>> -> memref<16x80x128xi32, #tpu.memory_space<hbm>>
        %dma_start3A_626 = arith.constant 0 : i32
        %dma_start3A_627 = arith.constant 0 : i32
        %dma_start3A_628 = tpu.memref_slice %dma_start3A_625[%arg1, %dma_start3A_626, %dma_start3A_627] : memref<16x80x128xi32, #tpu.memory_space<hbm>> -> memref<1x80x128xi32, #tpu.memory_space<hbm>>
        %dma_start3A_629 = tpu.memref_squeeze %dma_start3A_628 : memref<1x80x128xi32, #tpu.memory_space<hbm>> -> memref<80x128xi32, #tpu.memory_space<hbm>>
        %dma_start3A_630 = arith.constant 0 : i32
        %dma_start3A_631 = tpu.memref_slice %dma_start3A_629[%mul3A_11, %dma_start3A_630] : memref<80x128xi32, #tpu.memory_space<hbm>> -> memref<40x128xi32, #tpu.memory_space<hbm>>
        tpu.enqueue_dma source(%dma_start3A_631 : memref<40x128xi32, #tpu.memory_space<hbm>>) target(%arg7 : memref<40x128xi32, #tpu.memory_space<vmem>>) target_semaphore(%run_scoped3A_609 : memref<!tpu.dma_semaphore, #tpu.memory_space<semaphore_mem>>)
        %dma_wait3A_632 = arith.constant 0 : i32
        %dma_wait3A_633 = arith.constant 0 : i32
        %dma_wait3A_634 = arith.constant 0 : i32
        %dma_wait3A_635 = tpu.memref_slice %arg4[%arg0, %dma_wait3A_632, %dma_wait3A_633, %dma_wait3A_634] : memref<2x16x80x128xi32, #tpu.memory_space<hbm>> -> memref<1x16x80x128xi32, #tpu.memory_space<hbm>>
        %dma_wait3A_636 = tpu.memref_squeeze %dma_wait3A_635 : memref<1x16x80x128xi32, #tpu.memory_space<hbm>> -> memref<16x80x128xi32, #tpu.memory_space<hbm>>
        %dma_wait3A_637 = arith.constant 0 : i32
        %dma_wait3A_638 = arith.constant 0 : i32
        %dma_wait3A_639 = tpu.memref_slice %dma_wait3A_636[%arg1, %dma_wait3A_637, %dma_wait3A_638] : memref<16x80x128xi32, #tpu.memory_space<hbm>> -> memref<1x80x128xi32, #tpu.memory_space<hbm>>
        %dma_wait3A_640 = tpu.memref_squeeze %dma_wait3A_639 : memref<1x80x128xi32, #tpu.memory_space<hbm>> -> memref<80x128xi32, #tpu.memory_space<hbm>>
        %dma_wait3A_641 = arith.constant 0 : i32
        %dma_wait3A_642 = tpu.memref_slice %dma_wait3A_640[%mul3A_11, %dma_wait3A_641] : memref<80x128xi32, #tpu.memory_space<hbm>> -> memref<40x128xi32, #tpu.memory_space<hbm>>
        %dma_wait3A_643 = arith.constant 0 : i32
        %dma_wait3A_644 = arith.constant 0 : i32
        %dma_wait3A_645 = arith.constant 0 : i32
        %dma_wait3A_646 = tpu.memref_slice %arg4[%arg0, %dma_wait3A_643, %dma_wait3A_644, %dma_wait3A_645] : memref<2x16x80x128xi32, #tpu.memory_space<hbm>> -> memref<1x16x80x128xi32, #tpu.memory_space<hbm>>
        %dma_wait3A_647 = tpu.memref_squeeze %dma_wait3A_646 : memref<1x16x80x128xi32, #tpu.memory_space<hbm>> -> memref<16x80x128xi32, #tpu.memory_space<hbm>>
        %dma_wait3A_648 = arith.constant 0 : i32
        %dma_wait3A_649 = arith.constant 0 : i32
        %dma_wait3A_650 = tpu.memref_slice %dma_wait3A_647[%arg1, %dma_wait3A_648, %dma_wait3A_649] : memref<16x80x128xi32, #tpu.memory_space<hbm>> -> memref<1x80x128xi32, #tpu.memory_space<hbm>>
        %dma_wait3A_651 = tpu.memref_squeeze %dma_wait3A_650 : memref<1x80x128xi32, #tpu.memory_space<hbm>> -> memref<80x128xi32, #tpu.memory_space<hbm>>
        %dma_wait3A_652 = arith.constant 0 : i32
        %dma_wait3A_653 = tpu.memref_slice %dma_wait3A_651[%mul3A_11, %dma_wait3A_652] : memref<80x128xi32, #tpu.memory_space<hbm>> -> memref<40x128xi32, #tpu.memory_space<hbm>>
        tpu.wait_dma2 semaphore(%run_scoped3A_609 : memref<!tpu.dma_semaphore, #tpu.memory_space<semaphore_mem>>) src(%dma_wait3A_653 : memref<40x128xi32, #tpu.memory_space<hbm>>) dst(%arg7 : memref<40x128xi32, #tpu.memory_space<vmem>>)
        tpu.yield
      }) : () -> ()
      %dma_start3A = arith.constant 0 : i32
      %dma_start3A_12 = arith.constant 0 : i32
      %dma_start3A_13 = tpu.memref_slice %arg6[%dma_start3A, %dma_start3A_12] : memref<40x128xi32, #tpu.memory_space<vmem>> -> memref<1x128xi32, #tpu.memory_space<vmem>>
      %dma_start3A_14 = tpu.memref_squeeze %dma_start3A_13 : memref<1x128xi32, #tpu.memory_space<vmem>> -> memref<128xi32, #tpu.memory_space<vmem>>
      %dma_start3A_15 = arith.constant 0 : i32
      %dma_start3A_16 = arith.constant 0 : i32
      %dma_start3A_17 = tpu.memref_slice %arg2[%dma_start3A_15, %dma_start3A_16] : memref<10240x128xf32, #tpu.memory_space<hbm>> -> memref<10240x128xf32, #tpu.memory_space<hbm>>
      tpu.enqueue_indirect_dma source(%dma_start3A_17 : memref<10240x128xf32, #tpu.memory_space<hbm>>) target(%arg8 : memref<128x128xf32, #tpu.memory_space<vmem>>) offsets(%dma_start3A_14 : memref<128xi32, #tpu.memory_space<vmem>>) semaphore(%arg11 : memref<!tpu.dma_semaphore, #tpu.memory_space<semaphore_mem>>)
      %dma_start3A_18 = arith.constant 1 : i32
      %dma_start3A_19 = arith.constant 0 : i32
      %dma_start3A_20 = tpu.memref_slice %arg6[%dma_start3A_18, %dma_start3A_19] : memref<40x128xi32, #tpu.memory_space<vmem>> -> memref<1x128xi32, #tpu.memory_space<vmem>>
      %dma_start3A_21 = tpu.memref_squeeze %dma_start3A_20 : memref<1x128xi32, #tpu.memory_space<vmem>> -> memref<128xi32, #tpu.memory_space<vmem>>
      %dma_start3A_22 = arith.constant 0 : i32
      %dma_start3A_23 = arith.constant 0 : i32
      %dma_start3A_24 = tpu.memref_slice %arg2[%dma_start3A_22, %dma_start3A_23] : memref<10240x128xf32, #tpu.memory_space<hbm>> -> memref<10240x128xf32, #tpu.memory_space<hbm>>
      tpu.enqueue_indirect_dma source(%dma_start3A_24 : memref<10240x128xf32, #tpu.memory_space<hbm>>) target(%arg9 : memref<128x128xf32, #tpu.memory_space<vmem>>) offsets(%dma_start3A_21 : memref<128xi32, #tpu.memory_space<vmem>>) semaphore(%arg12 : memref<!tpu.dma_semaphore, #tpu.memory_space<semaphore_mem>>)
      %dma_wait3A = arith.constant 0 : i32
      %dma_wait3A_25 = arith.constant 0 : i32
      %dma_wait3A_26 = tpu.memref_slice %arg6[%dma_wait3A, %dma_wait3A_25] : memref<40x128xi32, #tpu.memory_space<vmem>> -> memref<1x128xi32, #tpu.memory_space<vmem>>
      %dma_wait3A_27 = tpu.memref_squeeze %dma_wait3A_26 : memref<1x128xi32, #tpu.memory_space<vmem>> -> memref<128xi32, #tpu.memory_space<vmem>>
      %dma_wait3A_28 = arith.constant 0 : i32
      %dma_wait3A_29 = arith.constant 0 : i32
      %dma_wait3A_30 = tpu.memref_slice %arg2[%dma_wait3A_28, %dma_wait3A_29] : memref<10240x128xf32, #tpu.memory_space<hbm>> -> memref<10240x128xf32, #tpu.memory_space<hbm>>
      tpu.wait_indirect_dma semaphore(%arg11 : memref<!tpu.dma_semaphore, #tpu.memory_space<semaphore_mem>>) src(%dma_wait3A_30 : memref<10240x128xf32, #tpu.memory_space<hbm>>) dst(%arg8 : memref<128x128xf32, #tpu.memory_space<vmem>>)
      %run_scoped3A = arith.constant 0 : i32
      "tpu.region"() ({
        %run_scoped3A_609 = tpu.sem_alloc : memref<!tpu.dma_semaphore, #tpu.memory_space<semaphore_mem>>
        %dma_start3A_610 = arith.constant 0 : i32
        %dma_start3A_611 = tpu.memref_slice %arg7[%run_scoped3A, %dma_start3A_610] : memref<40x128xi32, #tpu.memory_space<vmem>> -> memref<1x128xi32, #tpu.memory_space<vmem>>
        %dma_start3A_612 = tpu.memref_squeeze %dma_start3A_611 : memref<1x128xi32, #tpu.memory_space<vmem>> -> memref<128xi32, #tpu.memory_space<vmem>>
        %dma_start3A_613 = arith.constant 0 : i32
        %dma_start3A_614 = arith.constant 0 : i32
        %dma_start3A_615 = tpu.memref_slice %arg10[%dma_start3A_613, %dma_start3A_614] : memref<10240x128xf32, #tpu.memory_space<vmem_shared>> -> memref<10240x128xf32, #tpu.memory_space<vmem_shared>>
        tpu.enqueue_indirect_dma source(%arg8 : memref<128x128xf32, #tpu.memory_space<vmem>>) target(%dma_start3A_615 : memref<10240x128xf32, #tpu.memory_space<vmem_shared>>) offsets(%dma_start3A_612 : memref<128xi32, #tpu.memory_space<vmem>>) semaphore(%run_scoped3A_609 : memref<!tpu.dma_semaphore, #tpu.memory_space<semaphore_mem>>) {add = true}
        %dma_wait3A_616 = arith.constant 0 : i32
        %dma_wait3A_617 = tpu.memref_slice %arg7[%run_scoped3A, %dma_wait3A_616] : memref<40x128xi32, #tpu.memory_space<vmem>> -> memref<1x128xi32, #tpu.memory_space<vmem>>
        %dma_wait3A_618 = tpu.memref_squeeze %dma_wait3A_617 : memref<1x128xi32, #tpu.memory_space<vmem>> -> memref<128xi32, #tpu.memory_space<vmem>>
        %dma_wait3A_619 = arith.constant 0 : i32
        %dma_wait3A_620 = arith.constant 0 : i32
        %dma_wait3A_621 = tpu.memref_slice %arg10[%dma_wait3A_619, %dma_wait3A_620] : memref<10240x128xf32, #tpu.memory_space<vmem_shared>> -> memref<10240x128xf32, #tpu.memory_space<vmem_shared>>
        tpu.wait_indirect_dma semaphore(%run_scoped3A_609 : memref<!tpu.dma_semaphore, #tpu.memory_space<semaphore_mem>>) src(%arg8 : memref<128x128xf32, #tpu.memory_space<vmem>>) dst(%dma_wait3A_621 : memref<10240x128xf32, #tpu.memory_space<vmem_shared>>)
        tpu.yield
      }) : () -> ()
      %dma_start3A_31 = arith.constant 2 : i32
      %dma_start3A_32 = arith.constant 0 : i32
      %dma_start3A_33 = tpu.memref_slice %arg6[%dma_start3A_31, %dma_start3A_32] : memref<40x128xi32, #tpu.memory_space<vmem>> -> memref<1x128xi32, #tpu.memory_space<vmem>>
      %dma_start3A_34 = tpu.memref_squeeze %dma_start3A_33 : memref<1x128xi32, #tpu.memory_space<vmem>> -> memref<128xi32, #tpu.memory_space<vmem>>
      %dma_start3A_35 = arith.constant 0 : i32
      %dma_start3A_36 = arith.constant 0 : i32
      %dma_start3A_37 = tpu.memref_slice %arg2[%dma_start3A_35, %dma_start3A_36] : memref<10240x128xf32, #tpu.memory_space<hbm>> -> memref<10240x128xf32, #tpu.memory_space<hbm>>
      tpu.enqueue_indirect_dma source(%dma_start3A_37 : memref<10240x128xf32, #tpu.memory_space<hbm>>) target(%arg8 : memref<128x128xf32, #tpu.memory_space<vmem>>) offsets(%dma_start3A_34 : memref<128xi32, #tpu.memory_space<vmem>>) semaphore(%arg11 : memref<!tpu.dma_semaphore, #tpu.memory_space<semaphore_mem>>)
      %dma_wait3A_38 = arith.constant 1 : i32
      %dma_wait3A_39 = arith.constant 0 : i32
      %dma_wait3A_40 = tpu.memref_slice %arg6[%dma_wait3A_38, %dma_wait3A_39] : memref<40x128xi32, #tpu.memory_space<vmem>> -> memref<1x128xi32, #tpu.memory_space<vmem>>
      %dma_wait3A_41 = tpu.memref_squeeze %dma_wait3A_40 : memref<1x128xi32, #tpu.memory_space<vmem>> -> memref<128xi32, #tpu.memory_space<vmem>>
      %dma_wait3A_42 = arith.constant 0 : i32
      %dma_wait3A_43 = arith.constant 0 : i32
      %dma_wait3A_44 = tpu.memref_slice %arg2[%dma_wait3A_42, %dma_wait3A_43] : memref<10240x128xf32, #tpu.memory_space<hbm>> -> memref<10240x128xf32, #tpu.memory_space<hbm>>
      tpu.wait_indirect_dma semaphore(%arg12 : memref<!tpu.dma_semaphore, #tpu.memory_space<semaphore_mem>>) src(%dma_wait3A_44 : memref<10240x128xf32, #tpu.memory_space<hbm>>) dst(%arg9 : memref<128x128xf32, #tpu.memory_space<vmem>>)
      %run_scoped3A_45 = arith.constant 1 : i32
      "tpu.region"() ({
        %run_scoped3A_609 = tpu.sem_alloc : memref<!tpu.dma_semaphore, #tpu.memory_space<semaphore_mem>>
        %dma_start3A_610 = arith.constant 0 : i32
        %dma_start3A_611 = tpu.memref_slice %arg7[%run_scoped3A_45, %dma_start3A_610] : memref<40x128xi32, #tpu.memory_space<vmem>> -> memref<1x128xi32, #tpu.memory_space<vmem>>
        %dma_start3A_612 = tpu.memref_squeeze %dma_start3A_611 : memref<1x128xi32, #tpu.memory_space<vmem>> -> memref<128xi32, #tpu.memory_space<vmem>>
        %dma_start3A_613 = arith.constant 0 : i32
        %dma_start3A_614 = arith.constant 0 : i32
        %dma_start3A_615 = tpu.memref_slice %arg10[%dma_start3A_613, %dma_start3A_614] : memref<10240x128xf32, #tpu.memory_space<vmem_shared>> -> memref<10240x128xf32, #tpu.memory_space<vmem_shared>>
        tpu.enqueue_indirect_dma source(%arg9 : memref<128x128xf32, #tpu.memory_space<vmem>>) target(%dma_start3A_615 : memref<10240x128xf32, #tpu.memory_space<vmem_shared>>) offsets(%dma_start3A_612 : memref<128xi32, #tpu.memory_space<vmem>>) semaphore(%run_scoped3A_609 : memref<!tpu.dma_semaphore, #tpu.memory_space<semaphore_mem>>) {add = true}
        %dma_wait3A_616 = arith.constant 0 : i32
        %dma_wait3A_617 = tpu.memref_slice %arg7[%run_scoped3A_45, %dma_wait3A_616] : memref<40x128xi32, #tpu.memory_space<vmem>> -> memref<1x128xi32, #tpu.memory_space<vmem>>
        %dma_wait3A_618 = tpu.memref_squeeze %dma_wait3A_617 : memref<1x128xi32, #tpu.memory_space<vmem>> -> memref<128xi32, #tpu.memory_space<vmem>>
        %dma_wait3A_619 = arith.constant 0 : i32
        %dma_wait3A_620 = arith.constant 0 : i32
        %dma_wait3A_621 = tpu.memref_slice %arg10[%dma_wait3A_619, %dma_wait3A_620] : memref<10240x128xf32, #tpu.memory_space<vmem_shared>> -> memref<10240x128xf32, #tpu.memory_space<vmem_shared>>
        tpu.wait_indirect_dma semaphore(%run_scoped3A_609 : memref<!tpu.dma_semaphore, #tpu.memory_space<semaphore_mem>>) src(%arg9 : memref<128x128xf32, #tpu.memory_space<vmem>>) dst(%dma_wait3A_621 : memref<10240x128xf32, #tpu.memory_space<vmem_shared>>)
        tpu.yield
      }) : () -> ()
      %dma_start3A_46 = arith.constant 3 : i32
      %dma_start3A_47 = arith.constant 0 : i32
      %dma_start3A_48 = tpu.memref_slice %arg6[%dma_start3A_46, %dma_start3A_47] : memref<40x128xi32, #tpu.memory_space<vmem>> -> memref<1x128xi32, #tpu.memory_space<vmem>>
      %dma_start3A_49 = tpu.memref_squeeze %dma_start3A_48 : memref<1x128xi32, #tpu.memory_space<vmem>> -> memref<128xi32, #tpu.memory_space<vmem>>
      %dma_start3A_50 = arith.constant 0 : i32
      %dma_start3A_51 = arith.constant 0 : i32
      %dma_start3A_52 = tpu.memref_slice %arg2[%dma_start3A_50, %dma_start3A_51] : memref<10240x128xf32, #tpu.memory_space<hbm>> -> memref<10240x128xf32, #tpu.memory_space<hbm>>
      tpu.enqueue_indirect_dma source(%dma_start3A_52 : memref<10240x128xf32, #tpu.memory_space<hbm>>) target(%arg9 : memref<128x128xf32, #tpu.memory_space<vmem>>) offsets(%dma_start3A_49 : memref<128xi32, #tpu.memory_space<vmem>>) semaphore(%arg12 : memref<!tpu.dma_semaphore, #tpu.memory_space<semaphore_mem>>)
      %dma_wait3A_53 = arith.constant 2 : i32
      %dma_wait3A_54 = arith.constant 0 : i32
      %dma_wait3A_55 = tpu.memref_slice %arg6[%dma_wait3A_53, %dma_wait3A_54] : memref<40x128xi32, #tpu.memory_space<vmem>> -> memref<1x128xi32, #tpu.memory_space<vmem>>
      %dma_wait3A_56 = tpu.memref_squeeze %dma_wait3A_55 : memref<1x128xi32, #tpu.memory_space<vmem>> -> memref<128xi32, #tpu.memory_space<vmem>>
      %dma_wait3A_57 = arith.constant 0 : i32
      %dma_wait3A_58 = arith.constant 0 : i32
      %dma_wait3A_59 = tpu.memref_slice %arg2[%dma_wait3A_57, %dma_wait3A_58] : memref<10240x128xf32, #tpu.memory_space<hbm>> -> memref<10240x128xf32, #tpu.memory_space<hbm>>
      tpu.wait_indirect_dma semaphore(%arg11 : memref<!tpu.dma_semaphore, #tpu.memory_space<semaphore_mem>>) src(%dma_wait3A_59 : memref<10240x128xf32, #tpu.memory_space<hbm>>) dst(%arg8 : memref<128x128xf32, #tpu.memory_space<vmem>>)
      %run_scoped3A_60 = arith.constant 2 : i32
      "tpu.region"() ({
        %run_scoped3A_609 = tpu.sem_alloc : memref<!tpu.dma_semaphore, #tpu.memory_space<semaphore_mem>>
        %dma_start3A_610 = arith.constant 0 : i32
        %dma_start3A_611 = tpu.memref_slice %arg7[%run_scoped3A_60, %dma_start3A_610] : memref<40x128xi32, #tpu.memory_space<vmem>> -> memref<1x128xi32, #tpu.memory_space<vmem>>
        %dma_start3A_612 = tpu.memref_squeeze %dma_start3A_611 : memref<1x128xi32, #tpu.memory_space<vmem>> -> memref<128xi32, #tpu.memory_space<vmem>>
        %dma_start3A_613 = arith.constant 0 : i32
        %dma_start3A_614 = arith.constant 0 : i32
        %dma_start3A_615 = tpu.memref_slice %arg10[%dma_start3A_613, %dma_start3A_614] : memref<10240x128xf32, #tpu.memory_space<vmem_shared>> -> memref<10240x128xf32, #tpu.memory_space<vmem_shared>>
        tpu.enqueue_indirect_dma source(%arg8 : memref<128x128xf32, #tpu.memory_space<vmem>>) target(%dma_start3A_615 : memref<10240x128xf32, #tpu.memory_space<vmem_shared>>) offsets(%dma_start3A_612 : memref<128xi32, #tpu.memory_space<vmem>>) semaphore(%run_scoped3A_609 : memref<!tpu.dma_semaphore, #tpu.memory_space<semaphore_mem>>) {add = true}
        %dma_wait3A_616 = arith.constant 0 : i32
        %dma_wait3A_617 = tpu.memref_slice %arg7[%run_scoped3A_60, %dma_wait3A_616] : memref<40x128xi32, #tpu.memory_space<vmem>> -> memref<1x128xi32, #tpu.memory_space<vmem>>
        %dma_wait3A_618 = tpu.memref_squeeze %dma_wait3A_617 : memref<1x128xi32, #tpu.memory_space<vmem>> -> memref<128xi32, #tpu.memory_space<vmem>>
        %dma_wait3A_619 = arith.constant 0 : i32
        %dma_wait3A_620 = arith.constant 0 : i32
        %dma_wait3A_621 = tpu.memref_slice %arg10[%dma_wait3A_619, %dma_wait3A_620] : memref<10240x128xf32, #tpu.memory_space<vmem_shared>> -> memref<10240x128xf32, #tpu.memory_space<vmem_shared>>
        tpu.wait_indirect_dma semaphore(%run_scoped3A_609 : memref<!tpu.dma_semaphore, #tpu.memory_space<semaphore_mem>>) src(%arg8 : memref<128x128xf32, #tpu.memory_space<vmem>>) dst(%dma_wait3A_621 : memref<10240x128xf32, #tpu.memory_space<vmem_shared>>)
        tpu.yield
      }) : () -> ()
      %dma_start3A_61 = arith.constant 4 : i32
      %dma_start3A_62 = arith.constant 0 : i32
      %dma_start3A_63 = tpu.memref_slice %arg6[%dma_start3A_61, %dma_start3A_62] : memref<40x128xi32, #tpu.memory_space<vmem>> -> memref<1x128xi32, #tpu.memory_space<vmem>>
      %dma_start3A_64 = tpu.memref_squeeze %dma_start3A_63 : memref<1x128xi32, #tpu.memory_space<vmem>> -> memref<128xi32, #tpu.memory_space<vmem>>
      %dma_start3A_65 = arith.constant 0 : i32
      %dma_start3A_66 = arith.constant 0 : i32
      %dma_start3A_67 = tpu.memref_slice %arg2[%dma_start3A_65, %dma_start3A_66] : memref<10240x128xf32, #tpu.memory_space<hbm>> -> memref<10240x128xf32, #tpu.memory_space<hbm>>
      tpu.enqueue_indirect_dma source(%dma_start3A_67 : memref<10240x128xf32, #tpu.memory_space<hbm>>) target(%arg8 : memref<128x128xf32, #tpu.memory_space<vmem>>) offsets(%dma_start3A_64 : memref<128xi32, #tpu.memory_space<vmem>>) semaphore(%arg11 : memref<!tpu.dma_semaphore, #tpu.memory_space<semaphore_mem>>)
      %dma_wait3A_68 = arith.constant 3 : i32
      %dma_wait3A_69 = arith.constant 0 : i32
      %dma_wait3A_70 = tpu.memref_slice %arg6[%dma_wait3A_68, %dma_wait3A_69] : memref<40x128xi32, #tpu.memory_space<vmem>> -> memref<1x128xi32, #tpu.memory_space<vmem>>
      %dma_wait3A_71 = tpu.memref_squeeze %dma_wait3A_70 : memref<1x128xi32, #tpu.memory_space<vmem>> -> memref<128xi32, #tpu.memory_space<vmem>>
      %dma_wait3A_72 = arith.constant 0 : i32
      %dma_wait3A_73 = arith.constant 0 : i32
      %dma_wait3A_74 = tpu.memref_slice %arg2[%dma_wait3A_72, %dma_wait3A_73] : memref<10240x128xf32, #tpu.memory_space<hbm>> -> memref<10240x128xf32, #tpu.memory_space<hbm>>
      tpu.wait_indirect_dma semaphore(%arg12 : memref<!tpu.dma_semaphore, #tpu.memory_space<semaphore_mem>>) src(%dma_wait3A_74 : memref<10240x128xf32, #tpu.memory_space<hbm>>) dst(%arg9 : memref<128x128xf32, #tpu.memory_space<vmem>>)
      %run_scoped3A_75 = arith.constant 3 : i32
      "tpu.region"() ({
        %run_scoped3A_609 = tpu.sem_alloc : memref<!tpu.dma_semaphore, #tpu.memory_space<semaphore_mem>>
        %dma_start3A_610 = arith.constant 0 : i32
        %dma_start3A_611 = tpu.memref_slice %arg7[%run_scoped3A_75, %dma_start3A_610] : memref<40x128xi32, #tpu.memory_space<vmem>> -> memref<1x128xi32, #tpu.memory_space<vmem>>
        %dma_start3A_612 = tpu.memref_squeeze %dma_start3A_611 : memref<1x128xi32, #tpu.memory_space<vmem>> -> memref<128xi32, #tpu.memory_space<vmem>>
        %dma_start3A_613 = arith.constant 0 : i32
        %dma_start3A_614 = arith.constant 0 : i32
        %dma_start3A_615 = tpu.memref_slice %arg10[%dma_start3A_613, %dma_start3A_614] : memref<10240x128xf32, #tpu.memory_space<vmem_shared>> -> memref<10240x128xf32, #tpu.memory_space<vmem_shared>>
        tpu.enqueue_indirect_dma source(%arg9 : memref<128x128xf32, #tpu.memory_space<vmem>>) target(%dma_start3A_615 : memref<10240x128xf32, #tpu.memory_space<vmem_shared>>) offsets(%dma_start3A_612 : memref<128xi32, #tpu.memory_space<vmem>>) semaphore(%run_scoped3A_609 : memref<!tpu.dma_semaphore, #tpu.memory_space<semaphore_mem>>) {add = true}
        %dma_wait3A_616 = arith.constant 0 : i32
        %dma_wait3A_617 = tpu.memref_slice %arg7[%run_scoped3A_75, %dma_wait3A_616] : memref<40x128xi32, #tpu.memory_space<vmem>> -> memref<1x128xi32, #tpu.memory_space<vmem>>
        %dma_wait3A_618 = tpu.memref_squeeze %dma_wait3A_617 : memref<1x128xi32, #tpu.memory_space<vmem>> -> memref<128xi32, #tpu.memory_space<vmem>>
        %dma_wait3A_619 = arith.constant 0 : i32
        %dma_wait3A_620 = arith.constant 0 : i32
        %dma_wait3A_621 = tpu.memref_slice %arg10[%dma_wait3A_619, %dma_wait3A_620] : memref<10240x128xf32, #tpu.memory_space<vmem_shared>> -> memref<10240x128xf32, #tpu.memory_space<vmem_shared>>
        tpu.wait_indirect_dma semaphore(%run_scoped3A_609 : memref<!tpu.dma_semaphore, #tpu.memory_space<semaphore_mem>>) src(%arg9 : memref<128x128xf32, #tpu.memory_space<vmem>>) dst(%dma_wait3A_621 : memref<10240x128xf32, #tpu.memory_space<vmem_shared>>)
        tpu.yield
      }) : () -> ()
      %dma_start3A_76 = arith.constant 5 : i32
      %dma_start3A_77 = arith.constant 0 : i32
      %dma_start3A_78 = tpu.memref_slice %arg6[%dma_start3A_76, %dma_start3A_77] : memref<40x128xi32, #tpu.memory_space<vmem>> -> memref<1x128xi32, #tpu.memory_space<vmem>>
      %dma_start3A_79 = tpu.memref_squeeze %dma_start3A_78 : memref<1x128xi32, #tpu.memory_space<vmem>> -> memref<128xi32, #tpu.memory_space<vmem>>
      %dma_start3A_80 = arith.constant 0 : i32
      %dma_start3A_81 = arith.constant 0 : i32
      %dma_start3A_82 = tpu.memref_slice %arg2[%dma_start3A_80, %dma_start3A_81] : memref<10240x128xf32, #tpu.memory_space<hbm>> -> memref<10240x128xf32, #tpu.memory_space<hbm>>
      tpu.enqueue_indirect_dma source(%dma_start3A_82 : memref<10240x128xf32, #tpu.memory_space<hbm>>) target(%arg9 : memref<128x128xf32, #tpu.memory_space<vmem>>) offsets(%dma_start3A_79 : memref<128xi32, #tpu.memory_space<vmem>>) semaphore(%arg12 : memref<!tpu.dma_semaphore, #tpu.memory_space<semaphore_mem>>)
      %dma_wait3A_83 = arith.constant 4 : i32
      %dma_wait3A_84 = arith.constant 0 : i32
      %dma_wait3A_85 = tpu.memref_slice %arg6[%dma_wait3A_83, %dma_wait3A_84] : memref<40x128xi32, #tpu.memory_space<vmem>> -> memref<1x128xi32, #tpu.memory_space<vmem>>
      %dma_wait3A_86 = tpu.memref_squeeze %dma_wait3A_85 : memref<1x128xi32, #tpu.memory_space<vmem>> -> memref<128xi32, #tpu.memory_space<vmem>>
      %dma_wait3A_87 = arith.constant 0 : i32
      %dma_wait3A_88 = arith.constant 0 : i32
      %dma_wait3A_89 = tpu.memref_slice %arg2[%dma_wait3A_87, %dma_wait3A_88] : memref<10240x128xf32, #tpu.memory_space<hbm>> -> memref<10240x128xf32, #tpu.memory_space<hbm>>
      tpu.wait_indirect_dma semaphore(%arg11 : memref<!tpu.dma_semaphore, #tpu.memory_space<semaphore_mem>>) src(%dma_wait3A_89 : memref<10240x128xf32, #tpu.memory_space<hbm>>) dst(%arg8 : memref<128x128xf32, #tpu.memory_space<vmem>>)
      %run_scoped3A_90 = arith.constant 4 : i32
      "tpu.region"() ({
        %run_scoped3A_609 = tpu.sem_alloc : memref<!tpu.dma_semaphore, #tpu.memory_space<semaphore_mem>>
        %dma_start3A_610 = arith.constant 0 : i32
        %dma_start3A_611 = tpu.memref_slice %arg7[%run_scoped3A_90, %dma_start3A_610] : memref<40x128xi32, #tpu.memory_space<vmem>> -> memref<1x128xi32, #tpu.memory_space<vmem>>
        %dma_start3A_612 = tpu.memref_squeeze %dma_start3A_611 : memref<1x128xi32, #tpu.memory_space<vmem>> -> memref<128xi32, #tpu.memory_space<vmem>>
        %dma_start3A_613 = arith.constant 0 : i32
        %dma_start3A_614 = arith.constant 0 : i32
        %dma_start3A_615 = tpu.memref_slice %arg10[%dma_start3A_613, %dma_start3A_614] : memref<10240x128xf32, #tpu.memory_space<vmem_shared>> -> memref<10240x128xf32, #tpu.memory_space<vmem_shared>>
        tpu.enqueue_indirect_dma source(%arg8 : memref<128x128xf32, #tpu.memory_space<vmem>>) target(%dma_start3A_615 : memref<10240x128xf32, #tpu.memory_space<vmem_shared>>) offsets(%dma_start3A_612 : memref<128xi32, #tpu.memory_space<vmem>>) semaphore(%run_scoped3A_609 : memref<!tpu.dma_semaphore, #tpu.memory_space<semaphore_mem>>) {add = true}
        %dma_wait3A_616 = arith.constant 0 : i32
        %dma_wait3A_617 = tpu.memref_slice %arg7[%run_scoped3A_90, %dma_wait3A_616] : memref<40x128xi32, #tpu.memory_space<vmem>> -> memref<1x128xi32, #tpu.memory_space<vmem>>
        %dma_wait3A_618 = tpu.memref_squeeze %dma_wait3A_617 : memref<1x128xi32, #tpu.memory_space<vmem>> -> memref<128xi32, #tpu.memory_space<vmem>>
        %dma_wait3A_619 = arith.constant 0 : i32
        %dma_wait3A_620 = arith.constant 0 : i32
        %dma_wait3A_621 = tpu.memref_slice %arg10[%dma_wait3A_619, %dma_wait3A_620] : memref<10240x128xf32, #tpu.memory_space<vmem_shared>> -> memref<10240x128xf32, #tpu.memory_space<vmem_shared>>
        tpu.wait_indirect_dma semaphore(%run_scoped3A_609 : memref<!tpu.dma_semaphore, #tpu.memory_space<semaphore_mem>>) src(%arg8 : memref<128x128xf32, #tpu.memory_space<vmem>>) dst(%dma_wait3A_621 : memref<10240x128xf32, #tpu.memory_space<vmem_shared>>)
        tpu.yield
      }) : () -> ()
      %dma_start3A_91 = arith.constant 6 : i32
      %dma_start3A_92 = arith.constant 0 : i32
      %dma_start3A_93 = tpu.memref_slice %arg6[%dma_start3A_91, %dma_start3A_92] : memref<40x128xi32, #tpu.memory_space<vmem>> -> memref<1x128xi32, #tpu.memory_space<vmem>>
      %dma_start3A_94 = tpu.memref_squeeze %dma_start3A_93 : memref<1x128xi32, #tpu.memory_space<vmem>> -> memref<128xi32, #tpu.memory_space<vmem>>
      %dma_start3A_95 = arith.constant 0 : i32
      %dma_start3A_96 = arith.constant 0 : i32
      %dma_start3A_97 = tpu.memref_slice %arg2[%dma_start3A_95, %dma_start3A_96] : memref<10240x128xf32, #tpu.memory_space<hbm>> -> memref<10240x128xf32, #tpu.memory_space<hbm>>
      tpu.enqueue_indirect_dma source(%dma_start3A_97 : memref<10240x128xf32, #tpu.memory_space<hbm>>) target(%arg8 : memref<128x128xf32, #tpu.memory_space<vmem>>) offsets(%dma_start3A_94 : memref<128xi32, #tpu.memory_space<vmem>>) semaphore(%arg11 : memref<!tpu.dma_semaphore, #tpu.memory_space<semaphore_mem>>)
      %dma_wait3A_98 = arith.constant 5 : i32
      %dma_wait3A_99 = arith.constant 0 : i32
      %dma_wait3A_100 = tpu.memref_slice %arg6[%dma_wait3A_98, %dma_wait3A_99] : memref<40x128xi32, #tpu.memory_space<vmem>> -> memref<1x128xi32, #tpu.memory_space<vmem>>
      %dma_wait3A_101 = tpu.memref_squeeze %dma_wait3A_100 : memref<1x128xi32, #tpu.memory_space<vmem>> -> memref<128xi32, #tpu.memory_space<vmem>>
      %dma_wait3A_102 = arith.constant 0 : i32
      %dma_wait3A_103 = arith.constant 0 : i32
      %dma_wait3A_104 = tpu.memref_slice %arg2[%dma_wait3A_102, %dma_wait3A_103] : memref<10240x128xf32, #tpu.memory_space<hbm>> -> memref<10240x128xf32, #tpu.memory_space<hbm>>
      tpu.wait_indirect_dma semaphore(%arg12 : memref<!tpu.dma_semaphore, #tpu.memory_space<semaphore_mem>>) src(%dma_wait3A_104 : memref<10240x128xf32, #tpu.memory_space<hbm>>) dst(%arg9 : memref<128x128xf32, #tpu.memory_space<vmem>>)
      %run_scoped3A_105 = arith.constant 5 : i32
      "tpu.region"() ({
        %run_scoped3A_609 = tpu.sem_alloc : memref<!tpu.dma_semaphore, #tpu.memory_space<semaphore_mem>>
        %dma_start3A_610 = arith.constant 0 : i32
        %dma_start3A_611 = tpu.memref_slice %arg7[%run_scoped3A_105, %dma_start3A_610] : memref<40x128xi32, #tpu.memory_space<vmem>> -> memref<1x128xi32, #tpu.memory_space<vmem>>
        %dma_start3A_612 = tpu.memref_squeeze %dma_start3A_611 : memref<1x128xi32, #tpu.memory_space<vmem>> -> memref<128xi32, #tpu.memory_space<vmem>>
        %dma_start3A_613 = arith.constant 0 : i32
        %dma_start3A_614 = arith.constant 0 : i32
        %dma_start3A_615 = tpu.memref_slice %arg10[%dma_start3A_613, %dma_start3A_614] : memref<10240x128xf32, #tpu.memory_space<vmem_shared>> -> memref<10240x128xf32, #tpu.memory_space<vmem_shared>>
        tpu.enqueue_indirect_dma source(%arg9 : memref<128x128xf32, #tpu.memory_space<vmem>>) target(%dma_start3A_615 : memref<10240x128xf32, #tpu.memory_space<vmem_shared>>) offsets(%dma_start3A_612 : memref<128xi32, #tpu.memory_space<vmem>>) semaphore(%run_scoped3A_609 : memref<!tpu.dma_semaphore, #tpu.memory_space<semaphore_mem>>) {add = true}
        %dma_wait3A_616 = arith.constant 0 : i32
        %dma_wait3A_617 = tpu.memref_slice %arg7[%run_scoped3A_105, %dma_wait3A_616] : memref<40x128xi32, #tpu.memory_space<vmem>> -> memref<1x128xi32, #tpu.memory_space<vmem>>
        %dma_wait3A_618 = tpu.memref_squeeze %dma_wait3A_617 : memref<1x128xi32, #tpu.memory_space<vmem>> -> memref<128xi32, #tpu.memory_space<vmem>>
        %dma_wait3A_619 = arith.constant 0 : i32
        %dma_wait3A_620 = arith.constant 0 : i32
        %dma_wait3A_621 = tpu.memref_slice %arg10[%dma_wait3A_619, %dma_wait3A_620] : memref<10240x128xf32, #tpu.memory_space<vmem_shared>> -> memref<10240x128xf32, #tpu.memory_space<vmem_shared>>
        tpu.wait_indirect_dma semaphore(%run_scoped3A_609 : memref<!tpu.dma_semaphore, #tpu.memory_space<semaphore_mem>>) src(%arg9 : memref<128x128xf32, #tpu.memory_space<vmem>>) dst(%dma_wait3A_621 : memref<10240x128xf32, #tpu.memory_space<vmem_shared>>)
        tpu.yield
      }) : () -> ()
      %dma_start3A_106 = arith.constant 7 : i32
      %dma_start3A_107 = arith.constant 0 : i32
      %dma_start3A_108 = tpu.memref_slice %arg6[%dma_start3A_106, %dma_start3A_107] : memref<40x128xi32, #tpu.memory_space<vmem>> -> memref<1x128xi32, #tpu.memory_space<vmem>>
      %dma_start3A_109 = tpu.memref_squeeze %dma_start3A_108 : memref<1x128xi32, #tpu.memory_space<vmem>> -> memref<128xi32, #tpu.memory_space<vmem>>
      %dma_start3A_110 = arith.constant 0 : i32
      %dma_start3A_111 = arith.constant 0 : i32
      %dma_start3A_112 = tpu.memref_slice %arg2[%dma_start3A_110, %dma_start3A_111] : memref<10240x128xf32, #tpu.memory_space<hbm>> -> memref<10240x128xf32, #tpu.memory_space<hbm>>
      tpu.enqueue_indirect_dma source(%dma_start3A_112 : memref<10240x128xf32, #tpu.memory_space<hbm>>) target(%arg9 : memref<128x128xf32, #tpu.memory_space<vmem>>) offsets(%dma_start3A_109 : memref<128xi32, #tpu.memory_space<vmem>>) semaphore(%arg12 : memref<!tpu.dma_semaphore, #tpu.memory_space<semaphore_mem>>)
      %dma_wait3A_113 = arith.constant 6 : i32
      %dma_wait3A_114 = arith.constant 0 : i32
      %dma_wait3A_115 = tpu.memref_slice %arg6[%dma_wait3A_113, %dma_wait3A_114] : memref<40x128xi32, #tpu.memory_space<vmem>> -> memref<1x128xi32, #tpu.memory_space<vmem>>
      %dma_wait3A_116 = tpu.memref_squeeze %dma_wait3A_115 : memref<1x128xi32, #tpu.memory_space<vmem>> -> memref<128xi32, #tpu.memory_space<vmem>>
      %dma_wait3A_117 = arith.constant 0 : i32
      %dma_wait3A_118 = arith.constant 0 : i32
      %dma_wait3A_119 = tpu.memref_slice %arg2[%dma_wait3A_117, %dma_wait3A_118] : memref<10240x128xf32, #tpu.memory_space<hbm>> -> memref<10240x128xf32, #tpu.memory_space<hbm>>
      tpu.wait_indirect_dma semaphore(%arg11 : memref<!tpu.dma_semaphore, #tpu.memory_space<semaphore_mem>>) src(%dma_wait3A_119 : memref<10240x128xf32, #tpu.memory_space<hbm>>) dst(%arg8 : memref<128x128xf32, #tpu.memory_space<vmem>>)
      %run_scoped3A_120 = arith.constant 6 : i32
      "tpu.region"() ({
        %run_scoped3A_609 = tpu.sem_alloc : memref<!tpu.dma_semaphore, #tpu.memory_space<semaphore_mem>>
        %dma_start3A_610 = arith.constant 0 : i32
        %dma_start3A_611 = tpu.memref_slice %arg7[%run_scoped3A_120, %dma_start3A_610] : memref<40x128xi32, #tpu.memory_space<vmem>> -> memref<1x128xi32, #tpu.memory_space<vmem>>
        %dma_start3A_612 = tpu.memref_squeeze %dma_start3A_611 : memref<1x128xi32, #tpu.memory_space<vmem>> -> memref<128xi32, #tpu.memory_space<vmem>>
        %dma_start3A_613 = arith.constant 0 : i32
        %dma_start3A_614 = arith.constant 0 : i32
        %dma_start3A_615 = tpu.memref_slice %arg10[%dma_start3A_613, %dma_start3A_614] : memref<10240x128xf32, #tpu.memory_space<vmem_shared>> -> memref<10240x128xf32, #tpu.memory_space<vmem_shared>>
        tpu.enqueue_indirect_dma source(%arg8 : memref<128x128xf32, #tpu.memory_space<vmem>>) target(%dma_start3A_615 : memref<10240x128xf32, #tpu.memory_space<vmem_shared>>) offsets(%dma_start3A_612 : memref<128xi32, #tpu.memory_space<vmem>>) semaphore(%run_scoped3A_609 : memref<!tpu.dma_semaphore, #tpu.memory_space<semaphore_mem>>) {add = true}
        %dma_wait3A_616 = arith.constant 0 : i32
        %dma_wait3A_617 = tpu.memref_slice %arg7[%run_scoped3A_120, %dma_wait3A_616] : memref<40x128xi32, #tpu.memory_space<vmem>> -> memref<1x128xi32, #tpu.memory_space<vmem>>
        %dma_wait3A_618 = tpu.memref_squeeze %dma_wait3A_617 : memref<1x128xi32, #tpu.memory_space<vmem>> -> memref<128xi32, #tpu.memory_space<vmem>>
        %dma_wait3A_619 = arith.constant 0 : i32
        %dma_wait3A_620 = arith.constant 0 : i32
        %dma_wait3A_621 = tpu.memref_slice %arg10[%dma_wait3A_619, %dma_wait3A_620] : memref<10240x128xf32, #tpu.memory_space<vmem_shared>> -> memref<10240x128xf32, #tpu.memory_space<vmem_shared>>
        tpu.wait_indirect_dma semaphore(%run_scoped3A_609 : memref<!tpu.dma_semaphore, #tpu.memory_space<semaphore_mem>>) src(%arg8 : memref<128x128xf32, #tpu.memory_space<vmem>>) dst(%dma_wait3A_621 : memref<10240x128xf32, #tpu.memory_space<vmem_shared>>)
        tpu.yield
      }) : () -> ()
      %dma_start3A_121 = arith.constant 8 : i32
      %dma_start3A_122 = arith.constant 0 : i32
      %dma_start3A_123 = tpu.memref_slice %arg6[%dma_start3A_121, %dma_start3A_122] : memref<40x128xi32, #tpu.memory_space<vmem>> -> memref<1x128xi32, #tpu.memory_space<vmem>>
      %dma_start3A_124 = tpu.memref_squeeze %dma_start3A_123 : memref<1x128xi32, #tpu.memory_space<vmem>> -> memref<128xi32, #tpu.memory_space<vmem>>
      %dma_start3A_125 = arith.constant 0 : i32
      %dma_start3A_126 = arith.constant 0 : i32
      %dma_start3A_127 = tpu.memref_slice %arg2[%dma_start3A_125, %dma_start3A_126] : memref<10240x128xf32, #tpu.memory_space<hbm>> -> memref<10240x128xf32, #tpu.memory_space<hbm>>
      tpu.enqueue_indirect_dma source(%dma_start3A_127 : memref<10240x128xf32, #tpu.memory_space<hbm>>) target(%arg8 : memref<128x128xf32, #tpu.memory_space<vmem>>) offsets(%dma_start3A_124 : memref<128xi32, #tpu.memory_space<vmem>>) semaphore(%arg11 : memref<!tpu.dma_semaphore, #tpu.memory_space<semaphore_mem>>)
      %dma_wait3A_128 = arith.constant 7 : i32
      %dma_wait3A_129 = arith.constant 0 : i32
      %dma_wait3A_130 = tpu.memref_slice %arg6[%dma_wait3A_128, %dma_wait3A_129] : memref<40x128xi32, #tpu.memory_space<vmem>> -> memref<1x128xi32, #tpu.memory_space<vmem>>
      %dma_wait3A_131 = tpu.memref_squeeze %dma_wait3A_130 : memref<1x128xi32, #tpu.memory_space<vmem>> -> memref<128xi32, #tpu.memory_space<vmem>>
      %dma_wait3A_132 = arith.constant 0 : i32
      %dma_wait3A_133 = arith.constant 0 : i32
      %dma_wait3A_134 = tpu.memref_slice %arg2[%dma_wait3A_132, %dma_wait3A_133] : memref<10240x128xf32, #tpu.memory_space<hbm>> -> memref<10240x128xf32, #tpu.memory_space<hbm>>
      tpu.wait_indirect_dma semaphore(%arg12 : memref<!tpu.dma_semaphore, #tpu.memory_space<semaphore_mem>>) src(%dma_wait3A_134 : memref<10240x128xf32, #tpu.memory_space<hbm>>) dst(%arg9 : memref<128x128xf32, #tpu.memory_space<vmem>>)
      %run_scoped3A_135 = arith.constant 7 : i32
      "tpu.region"() ({
        %run_scoped3A_609 = tpu.sem_alloc : memref<!tpu.dma_semaphore, #tpu.memory_space<semaphore_mem>>
        %dma_start3A_610 = arith.constant 0 : i32
        %dma_start3A_611 = tpu.memref_slice %arg7[%run_scoped3A_135, %dma_start3A_610] : memref<40x128xi32, #tpu.memory_space<vmem>> -> memref<1x128xi32, #tpu.memory_space<vmem>>
        %dma_start3A_612 = tpu.memref_squeeze %dma_start3A_611 : memref<1x128xi32, #tpu.memory_space<vmem>> -> memref<128xi32, #tpu.memory_space<vmem>>
        %dma_start3A_613 = arith.constant 0 : i32
        %dma_start3A_614 = arith.constant 0 : i32
        %dma_start3A_615 = tpu.memref_slice %arg10[%dma_start3A_613, %dma_start3A_614] : memref<10240x128xf32, #tpu.memory_space<vmem_shared>> -> memref<10240x128xf32, #tpu.memory_space<vmem_shared>>
        tpu.enqueue_indirect_dma source(%arg9 : memref<128x128xf32, #tpu.memory_space<vmem>>) target(%dma_start3A_615 : memref<10240x128xf32, #tpu.memory_space<vmem_shared>>) offsets(%dma_start3A_612 : memref<128xi32, #tpu.memory_space<vmem>>) semaphore(%run_scoped3A_609 : memref<!tpu.dma_semaphore, #tpu.memory_space<semaphore_mem>>) {add = true}
        %dma_wait3A_616 = arith.constant 0 : i32
        %dma_wait3A_617 = tpu.memref_slice %arg7[%run_scoped3A_135, %dma_wait3A_616] : memref<40x128xi32, #tpu.memory_space<vmem>> -> memref<1x128xi32, #tpu.memory_space<vmem>>
        %dma_wait3A_618 = tpu.memref_squeeze %dma_wait3A_617 : memref<1x128xi32, #tpu.memory_space<vmem>> -> memref<128xi32, #tpu.memory_space<vmem>>
        %dma_wait3A_619 = arith.constant 0 : i32
        %dma_wait3A_620 = arith.constant 0 : i32
        %dma_wait3A_621 = tpu.memref_slice %arg10[%dma_wait3A_619, %dma_wait3A_620] : memref<10240x128xf32, #tpu.memory_space<vmem_shared>> -> memref<10240x128xf32, #tpu.memory_space<vmem_shared>>
        tpu.wait_indirect_dma semaphore(%run_scoped3A_609 : memref<!tpu.dma_semaphore, #tpu.memory_space<semaphore_mem>>) src(%arg9 : memref<128x128xf32, #tpu.memory_space<vmem>>) dst(%dma_wait3A_621 : memref<10240x128xf32, #tpu.memory_space<vmem_shared>>)
        tpu.yield
      }) : () -> ()
      %dma_start3A_136 = arith.constant 9 : i32
      %dma_start3A_137 = arith.constant 0 : i32
      %dma_start3A_138 = tpu.memref_slice %arg6[%dma_start3A_136, %dma_start3A_137] : memref<40x128xi32, #tpu.memory_space<vmem>> -> memref<1x128xi32, #tpu.memory_space<vmem>>
      %dma_start3A_139 = tpu.memref_squeeze %dma_start3A_138 : memref<1x128xi32, #tpu.memory_space<vmem>> -> memref<128xi32, #tpu.memory_space<vmem>>
      %dma_start3A_140 = arith.constant 0 : i32
      %dma_start3A_141 = arith.constant 0 : i32
      %dma_start3A_142 = tpu.memref_slice %arg2[%dma_start3A_140, %dma_start3A_141] : memref<10240x128xf32, #tpu.memory_space<hbm>> -> memref<10240x128xf32, #tpu.memory_space<hbm>>
      tpu.enqueue_indirect_dma source(%dma_start3A_142 : memref<10240x128xf32, #tpu.memory_space<hbm>>) target(%arg9 : memref<128x128xf32, #tpu.memory_space<vmem>>) offsets(%dma_start3A_139 : memref<128xi32, #tpu.memory_space<vmem>>) semaphore(%arg12 : memref<!tpu.dma_semaphore, #tpu.memory_space<semaphore_mem>>)
      %dma_wait3A_143 = arith.constant 8 : i32
      %dma_wait3A_144 = arith.constant 0 : i32
      %dma_wait3A_145 = tpu.memref_slice %arg6[%dma_wait3A_143, %dma_wait3A_144] : memref<40x128xi32, #tpu.memory_space<vmem>> -> memref<1x128xi32, #tpu.memory_space<vmem>>
      %dma_wait3A_146 = tpu.memref_squeeze %dma_wait3A_145 : memref<1x128xi32, #tpu.memory_space<vmem>> -> memref<128xi32, #tpu.memory_space<vmem>>
      %dma_wait3A_147 = arith.constant 0 : i32
      %dma_wait3A_148 = arith.constant 0 : i32
      %dma_wait3A_149 = tpu.memref_slice %arg2[%dma_wait3A_147, %dma_wait3A_148] : memref<10240x128xf32, #tpu.memory_space<hbm>> -> memref<10240x128xf32, #tpu.memory_space<hbm>>
      tpu.wait_indirect_dma semaphore(%arg11 : memref<!tpu.dma_semaphore, #tpu.memory_space<semaphore_mem>>) src(%dma_wait3A_149 : memref<10240x128xf32, #tpu.memory_space<hbm>>) dst(%arg8 : memref<128x128xf32, #tpu.memory_space<vmem>>)
      %run_scoped3A_150 = arith.constant 8 : i32
      "tpu.region"() ({
        %run_scoped3A_609 = tpu.sem_alloc : memref<!tpu.dma_semaphore, #tpu.memory_space<semaphore_mem>>
        %dma_start3A_610 = arith.constant 0 : i32
        %dma_start3A_611 = tpu.memref_slice %arg7[%run_scoped3A_150, %dma_start3A_610] : memref<40x128xi32, #tpu.memory_space<vmem>> -> memref<1x128xi32, #tpu.memory_space<vmem>>
        %dma_start3A_612 = tpu.memref_squeeze %dma_start3A_611 : memref<1x128xi32, #tpu.memory_space<vmem>> -> memref<128xi32, #tpu.memory_space<vmem>>
        %dma_start3A_613 = arith.constant 0 : i32
        %dma_start3A_614 = arith.constant 0 : i32
        %dma_start3A_615 = tpu.memref_slice %arg10[%dma_start3A_613, %dma_start3A_614] : memref<10240x128xf32, #tpu.memory_space<vmem_shared>> -> memref<10240x128xf32, #tpu.memory_space<vmem_shared>>
        tpu.enqueue_indirect_dma source(%arg8 : memref<128x128xf32, #tpu.memory_space<vmem>>) target(%dma_start3A_615 : memref<10240x128xf32, #tpu.memory_space<vmem_shared>>) offsets(%dma_start3A_612 : memref<128xi32, #tpu.memory_space<vmem>>) semaphore(%run_scoped3A_609 : memref<!tpu.dma_semaphore, #tpu.memory_space<semaphore_mem>>) {add = true}
        %dma_wait3A_616 = arith.constant 0 : i32
        %dma_wait3A_617 = tpu.memref_slice %arg7[%run_scoped3A_150, %dma_wait3A_616] : memref<40x128xi32, #tpu.memory_space<vmem>> -> memref<1x128xi32, #tpu.memory_space<vmem>>
        %dma_wait3A_618 = tpu.memref_squeeze %dma_wait3A_617 : memref<1x128xi32, #tpu.memory_space<vmem>> -> memref<128xi32, #tpu.memory_space<vmem>>
        %dma_wait3A_619 = arith.constant 0 : i32
        %dma_wait3A_620 = arith.constant 0 : i32
        %dma_wait3A_621 = tpu.memref_slice %arg10[%dma_wait3A_619, %dma_wait3A_620] : memref<10240x128xf32, #tpu.memory_space<vmem_shared>> -> memref<10240x128xf32, #tpu.memory_space<vmem_shared>>
        tpu.wait_indirect_dma semaphore(%run_scoped3A_609 : memref<!tpu.dma_semaphore, #tpu.memory_space<semaphore_mem>>) src(%arg8 : memref<128x128xf32, #tpu.memory_space<vmem>>) dst(%dma_wait3A_621 : memref<10240x128xf32, #tpu.memory_space<vmem_shared>>)
        tpu.yield
      }) : () -> ()
      %dma_start3A_151 = arith.constant 10 : i32
      %dma_start3A_152 = arith.constant 0 : i32
      %dma_start3A_153 = tpu.memref_slice %arg6[%dma_start3A_151, %dma_start3A_152] : memref<40x128xi32, #tpu.memory_space<vmem>> -> memref<1x128xi32, #tpu.memory_space<vmem>>
      %dma_start3A_154 = tpu.memref_squeeze %dma_start3A_153 : memref<1x128xi32, #tpu.memory_space<vmem>> -> memref<128xi32, #tpu.memory_space<vmem>>
      %dma_start3A_155 = arith.constant 0 : i32
      %dma_start3A_156 = arith.constant 0 : i32
      %dma_start3A_157 = tpu.memref_slice %arg2[%dma_start3A_155, %dma_start3A_156] : memref<10240x128xf32, #tpu.memory_space<hbm>> -> memref<10240x128xf32, #tpu.memory_space<hbm>>
      tpu.enqueue_indirect_dma source(%dma_start3A_157 : memref<10240x128xf32, #tpu.memory_space<hbm>>) target(%arg8 : memref<128x128xf32, #tpu.memory_space<vmem>>) offsets(%dma_start3A_154 : memref<128xi32, #tpu.memory_space<vmem>>) semaphore(%arg11 : memref<!tpu.dma_semaphore, #tpu.memory_space<semaphore_mem>>)
      %dma_wait3A_158 = arith.constant 9 : i32
      %dma_wait3A_159 = arith.constant 0 : i32
      %dma_wait3A_160 = tpu.memref_slice %arg6[%dma_wait3A_158, %dma_wait3A_159] : memref<40x128xi32, #tpu.memory_space<vmem>> -> memref<1x128xi32, #tpu.memory_space<vmem>>
      %dma_wait3A_161 = tpu.memref_squeeze %dma_wait3A_160 : memref<1x128xi32, #tpu.memory_space<vmem>> -> memref<128xi32, #tpu.memory_space<vmem>>
      %dma_wait3A_162 = arith.constant 0 : i32
      %dma_wait3A_163 = arith.constant 0 : i32
      %dma_wait3A_164 = tpu.memref_slice %arg2[%dma_wait3A_162, %dma_wait3A_163] : memref<10240x128xf32, #tpu.memory_space<hbm>> -> memref<10240x128xf32, #tpu.memory_space<hbm>>
      tpu.wait_indirect_dma semaphore(%arg12 : memref<!tpu.dma_semaphore, #tpu.memory_space<semaphore_mem>>) src(%dma_wait3A_164 : memref<10240x128xf32, #tpu.memory_space<hbm>>) dst(%arg9 : memref<128x128xf32, #tpu.memory_space<vmem>>)
      %run_scoped3A_165 = arith.constant 9 : i32
      "tpu.region"() ({
        %run_scoped3A_609 = tpu.sem_alloc : memref<!tpu.dma_semaphore, #tpu.memory_space<semaphore_mem>>
        %dma_start3A_610 = arith.constant 0 : i32
        %dma_start3A_611 = tpu.memref_slice %arg7[%run_scoped3A_165, %dma_start3A_610] : memref<40x128xi32, #tpu.memory_space<vmem>> -> memref<1x128xi32, #tpu.memory_space<vmem>>
        %dma_start3A_612 = tpu.memref_squeeze %dma_start3A_611 : memref<1x128xi32, #tpu.memory_space<vmem>> -> memref<128xi32, #tpu.memory_space<vmem>>
        %dma_start3A_613 = arith.constant 0 : i32
        %dma_start3A_614 = arith.constant 0 : i32
        %dma_start3A_615 = tpu.memref_slice %arg10[%dma_start3A_613, %dma_start3A_614] : memref<10240x128xf32, #tpu.memory_space<vmem_shared>> -> memref<10240x128xf32, #tpu.memory_space<vmem_shared>>
        tpu.enqueue_indirect_dma source(%arg9 : memref<128x128xf32, #tpu.memory_space<vmem>>) target(%dma_start3A_615 : memref<10240x128xf32, #tpu.memory_space<vmem_shared>>) offsets(%dma_start3A_612 : memref<128xi32, #tpu.memory_space<vmem>>) semaphore(%run_scoped3A_609 : memref<!tpu.dma_semaphore, #tpu.memory_space<semaphore_mem>>) {add = true}
        %dma_wait3A_616 = arith.constant 0 : i32
        %dma_wait3A_617 = tpu.memref_slice %arg7[%run_scoped3A_165, %dma_wait3A_616] : memref<40x128xi32, #tpu.memory_space<vmem>> -> memref<1x128xi32, #tpu.memory_space<vmem>>
        %dma_wait3A_618 = tpu.memref_squeeze %dma_wait3A_617 : memref<1x128xi32, #tpu.memory_space<vmem>> -> memref<128xi32, #tpu.memory_space<vmem>>
        %dma_wait3A_619 = arith.constant 0 : i32
        %dma_wait3A_620 = arith.constant 0 : i32
        %dma_wait3A_621 = tpu.memref_slice %arg10[%dma_wait3A_619, %dma_wait3A_620] : memref<10240x128xf32, #tpu.memory_space<vmem_shared>> -> memref<10240x128xf32, #tpu.memory_space<vmem_shared>>
        tpu.wait_indirect_dma semaphore(%run_scoped3A_609 : memref<!tpu.dma_semaphore, #tpu.memory_space<semaphore_mem>>) src(%arg9 : memref<128x128xf32, #tpu.memory_space<vmem>>) dst(%dma_wait3A_621 : memref<10240x128xf32, #tpu.memory_space<vmem_shared>>)
        tpu.yield
      }) : () -> ()
      %dma_start3A_166 = arith.constant 11 : i32
      %dma_start3A_167 = arith.constant 0 : i32
      %dma_start3A_168 = tpu.memref_slice %arg6[%dma_start3A_166, %dma_start3A_167] : memref<40x128xi32, #tpu.memory_space<vmem>> -> memref<1x128xi32, #tpu.memory_space<vmem>>
      %dma_start3A_169 = tpu.memref_squeeze %dma_start3A_168 : memref<1x128xi32, #tpu.memory_space<vmem>> -> memref<128xi32, #tpu.memory_space<vmem>>
      %dma_start3A_170 = arith.constant 0 : i32
      %dma_start3A_171 = arith.constant 0 : i32
      %dma_start3A_172 = tpu.memref_slice %arg2[%dma_start3A_170, %dma_start3A_171] : memref<10240x128xf32, #tpu.memory_space<hbm>> -> memref<10240x128xf32, #tpu.memory_space<hbm>>
      tpu.enqueue_indirect_dma source(%dma_start3A_172 : memref<10240x128xf32, #tpu.memory_space<hbm>>) target(%arg9 : memref<128x128xf32, #tpu.memory_space<vmem>>) offsets(%dma_start3A_169 : memref<128xi32, #tpu.memory_space<vmem>>) semaphore(%arg12 : memref<!tpu.dma_semaphore, #tpu.memory_space<semaphore_mem>>)
      %dma_wait3A_173 = arith.constant 10 : i32
      %dma_wait3A_174 = arith.constant 0 : i32
      %dma_wait3A_175 = tpu.memref_slice %arg6[%dma_wait3A_173, %dma_wait3A_174] : memref<40x128xi32, #tpu.memory_space<vmem>> -> memref<1x128xi32, #tpu.memory_space<vmem>>
      %dma_wait3A_176 = tpu.memref_squeeze %dma_wait3A_175 : memref<1x128xi32, #tpu.memory_space<vmem>> -> memref<128xi32, #tpu.memory_space<vmem>>
      %dma_wait3A_177 = arith.constant 0 : i32
      %dma_wait3A_178 = arith.constant 0 : i32
      %dma_wait3A_179 = tpu.memref_slice %arg2[%dma_wait3A_177, %dma_wait3A_178] : memref<10240x128xf32, #tpu.memory_space<hbm>> -> memref<10240x128xf32, #tpu.memory_space<hbm>>
      tpu.wait_indirect_dma semaphore(%arg11 : memref<!tpu.dma_semaphore, #tpu.memory_space<semaphore_mem>>) src(%dma_wait3A_179 : memref<10240x128xf32, #tpu.memory_space<hbm>>) dst(%arg8 : memref<128x128xf32, #tpu.memory_space<vmem>>)
      %run_scoped3A_180 = arith.constant 10 : i32
      "tpu.region"() ({
        %run_scoped3A_609 = tpu.sem_alloc : memref<!tpu.dma_semaphore, #tpu.memory_space<semaphore_mem>>
        %dma_start3A_610 = arith.constant 0 : i32
        %dma_start3A_611 = tpu.memref_slice %arg7[%run_scoped3A_180, %dma_start3A_610] : memref<40x128xi32, #tpu.memory_space<vmem>> -> memref<1x128xi32, #tpu.memory_space<vmem>>
        %dma_start3A_612 = tpu.memref_squeeze %dma_start3A_611 : memref<1x128xi32, #tpu.memory_space<vmem>> -> memref<128xi32, #tpu.memory_space<vmem>>
        %dma_start3A_613 = arith.constant 0 : i32
        %dma_start3A_614 = arith.constant 0 : i32
        %dma_start3A_615 = tpu.memref_slice %arg10[%dma_start3A_613, %dma_start3A_614] : memref<10240x128xf32, #tpu.memory_space<vmem_shared>> -> memref<10240x128xf32, #tpu.memory_space<vmem_shared>>
        tpu.enqueue_indirect_dma source(%arg8 : memref<128x128xf32, #tpu.memory_space<vmem>>) target(%dma_start3A_615 : memref<10240x128xf32, #tpu.memory_space<vmem_shared>>) offsets(%dma_start3A_612 : memref<128xi32, #tpu.memory_space<vmem>>) semaphore(%run_scoped3A_609 : memref<!tpu.dma_semaphore, #tpu.memory_space<semaphore_mem>>) {add = true}
        %dma_wait3A_616 = arith.constant 0 : i32
        %dma_wait3A_617 = tpu.memref_slice %arg7[%run_scoped3A_180, %dma_wait3A_616] : memref<40x128xi32, #tpu.memory_space<vmem>> -> memref<1x128xi32, #tpu.memory_space<vmem>>
        %dma_wait3A_618 = tpu.memref_squeeze %dma_wait3A_617 : memref<1x128xi32, #tpu.memory_space<vmem>> -> memref<128xi32, #tpu.memory_space<vmem>>
        %dma_wait3A_619 = arith.constant 0 : i32
        %dma_wait3A_620 = arith.constant 0 : i32
        %dma_wait3A_621 = tpu.memref_slice %arg10[%dma_wait3A_619, %dma_wait3A_620] : memref<10240x128xf32, #tpu.memory_space<vmem_shared>> -> memref<10240x128xf32, #tpu.memory_space<vmem_shared>>
        tpu.wait_indirect_dma semaphore(%run_scoped3A_609 : memref<!tpu.dma_semaphore, #tpu.memory_space<semaphore_mem>>) src(%arg8 : memref<128x128xf32, #tpu.memory_space<vmem>>) dst(%dma_wait3A_621 : memref<10240x128xf32, #tpu.memory_space<vmem_shared>>)
        tpu.yield
      }) : () -> ()
      %dma_start3A_181 = arith.constant 12 : i32
      %dma_start3A_182 = arith.constant 0 : i32
      %dma_start3A_183 = tpu.memref_slice %arg6[%dma_start3A_181, %dma_start3A_182] : memref<40x128xi32, #tpu.memory_space<vmem>> -> memref<1x128xi32, #tpu.memory_space<vmem>>
      %dma_start3A_184 = tpu.memref_squeeze %dma_start3A_183 : memref<1x128xi32, #tpu.memory_space<vmem>> -> memref<128xi32, #tpu.memory_space<vmem>>
      %dma_start3A_185 = arith.constant 0 : i32
      %dma_start3A_186 = arith.constant 0 : i32
      %dma_start3A_187 = tpu.memref_slice %arg2[%dma_start3A_185, %dma_start3A_186] : memref<10240x128xf32, #tpu.memory_space<hbm>> -> memref<10240x128xf32, #tpu.memory_space<hbm>>
      tpu.enqueue_indirect_dma source(%dma_start3A_187 : memref<10240x128xf32, #tpu.memory_space<hbm>>) target(%arg8 : memref<128x128xf32, #tpu.memory_space<vmem>>) offsets(%dma_start3A_184 : memref<128xi32, #tpu.memory_space<vmem>>) semaphore(%arg11 : memref<!tpu.dma_semaphore, #tpu.memory_space<semaphore_mem>>)
      %dma_wait3A_188 = arith.constant 11 : i32
      %dma_wait3A_189 = arith.constant 0 : i32
      %dma_wait3A_190 = tpu.memref_slice %arg6[%dma_wait3A_188, %dma_wait3A_189] : memref<40x128xi32, #tpu.memory_space<vmem>> -> memref<1x128xi32, #tpu.memory_space<vmem>>
      %dma_wait3A_191 = tpu.memref_squeeze %dma_wait3A_190 : memref<1x128xi32, #tpu.memory_space<vmem>> -> memref<128xi32, #tpu.memory_space<vmem>>
      %dma_wait3A_192 = arith.constant 0 : i32
      %dma_wait3A_193 = arith.constant 0 : i32
      %dma_wait3A_194 = tpu.memref_slice %arg2[%dma_wait3A_192, %dma_wait3A_193] : memref<10240x128xf32, #tpu.memory_space<hbm>> -> memref<10240x128xf32, #tpu.memory_space<hbm>>
      tpu.wait_indirect_dma semaphore(%arg12 : memref<!tpu.dma_semaphore, #tpu.memory_space<semaphore_mem>>) src(%dma_wait3A_194 : memref<10240x128xf32, #tpu.memory_space<hbm>>) dst(%arg9 : memref<128x128xf32, #tpu.memory_space<vmem>>)
      %run_scoped3A_195 = arith.constant 11 : i32
      "tpu.region"() ({
        %run_scoped3A_609 = tpu.sem_alloc : memref<!tpu.dma_semaphore, #tpu.memory_space<semaphore_mem>>
        %dma_start3A_610 = arith.constant 0 : i32
        %dma_start3A_611 = tpu.memref_slice %arg7[%run_scoped3A_195, %dma_start3A_610] : memref<40x128xi32, #tpu.memory_space<vmem>> -> memref<1x128xi32, #tpu.memory_space<vmem>>
        %dma_start3A_612 = tpu.memref_squeeze %dma_start3A_611 : memref<1x128xi32, #tpu.memory_space<vmem>> -> memref<128xi32, #tpu.memory_space<vmem>>
        %dma_start3A_613 = arith.constant 0 : i32
        %dma_start3A_614 = arith.constant 0 : i32
        %dma_start3A_615 = tpu.memref_slice %arg10[%dma_start3A_613, %dma_start3A_614] : memref<10240x128xf32, #tpu.memory_space<vmem_shared>> -> memref<10240x128xf32, #tpu.memory_space<vmem_shared>>
        tpu.enqueue_indirect_dma source(%arg9 : memref<128x128xf32, #tpu.memory_space<vmem>>) target(%dma_start3A_615 : memref<10240x128xf32, #tpu.memory_space<vmem_shared>>) offsets(%dma_start3A_612 : memref<128xi32, #tpu.memory_space<vmem>>) semaphore(%run_scoped3A_609 : memref<!tpu.dma_semaphore, #tpu.memory_space<semaphore_mem>>) {add = true}
        %dma_wait3A_616 = arith.constant 0 : i32
        %dma_wait3A_617 = tpu.memref_slice %arg7[%run_scoped3A_195, %dma_wait3A_616] : memref<40x128xi32, #tpu.memory_space<vmem>> -> memref<1x128xi32, #tpu.memory_space<vmem>>
        %dma_wait3A_618 = tpu.memref_squeeze %dma_wait3A_617 : memref<1x128xi32, #tpu.memory_space<vmem>> -> memref<128xi32, #tpu.memory_space<vmem>>
        %dma_wait3A_619 = arith.constant 0 : i32
        %dma_wait3A_620 = arith.constant 0 : i32
        %dma_wait3A_621 = tpu.memref_slice %arg10[%dma_wait3A_619, %dma_wait3A_620] : memref<10240x128xf32, #tpu.memory_space<vmem_shared>> -> memref<10240x128xf32, #tpu.memory_space<vmem_shared>>
        tpu.wait_indirect_dma semaphore(%run_scoped3A_609 : memref<!tpu.dma_semaphore, #tpu.memory_space<semaphore_mem>>) src(%arg9 : memref<128x128xf32, #tpu.memory_space<vmem>>) dst(%dma_wait3A_621 : memref<10240x128xf32, #tpu.memory_space<vmem_shared>>)
        tpu.yield
      }) : () -> ()
      %dma_start3A_196 = arith.constant 13 : i32
      %dma_start3A_197 = arith.constant 0 : i32
      %dma_start3A_198 = tpu.memref_slice %arg6[%dma_start3A_196, %dma_start3A_197] : memref<40x128xi32, #tpu.memory_space<vmem>> -> memref<1x128xi32, #tpu.memory_space<vmem>>
      %dma_start3A_199 = tpu.memref_squeeze %dma_start3A_198 : memref<1x128xi32, #tpu.memory_space<vmem>> -> memref<128xi32, #tpu.memory_space<vmem>>
      %dma_start3A_200 = arith.constant 0 : i32
      %dma_start3A_201 = arith.constant 0 : i32
      %dma_start3A_202 = tpu.memref_slice %arg2[%dma_start3A_200, %dma_start3A_201] : memref<10240x128xf32, #tpu.memory_space<hbm>> -> memref<10240x128xf32, #tpu.memory_space<hbm>>
      tpu.enqueue_indirect_dma source(%dma_start3A_202 : memref<10240x128xf32, #tpu.memory_space<hbm>>) target(%arg9 : memref<128x128xf32, #tpu.memory_space<vmem>>) offsets(%dma_start3A_199 : memref<128xi32, #tpu.memory_space<vmem>>) semaphore(%arg12 : memref<!tpu.dma_semaphore, #tpu.memory_space<semaphore_mem>>)
      %dma_wait3A_203 = arith.constant 12 : i32
      %dma_wait3A_204 = arith.constant 0 : i32
      %dma_wait3A_205 = tpu.memref_slice %arg6[%dma_wait3A_203, %dma_wait3A_204] : memref<40x128xi32, #tpu.memory_space<vmem>> -> memref<1x128xi32, #tpu.memory_space<vmem>>
      %dma_wait3A_206 = tpu.memref_squeeze %dma_wait3A_205 : memref<1x128xi32, #tpu.memory_space<vmem>> -> memref<128xi32, #tpu.memory_space<vmem>>
      %dma_wait3A_207 = arith.constant 0 : i32
      %dma_wait3A_208 = arith.constant 0 : i32
      %dma_wait3A_209 = tpu.memref_slice %arg2[%dma_wait3A_207, %dma_wait3A_208] : memref<10240x128xf32, #tpu.memory_space<hbm>> -> memref<10240x128xf32, #tpu.memory_space<hbm>>
      tpu.wait_indirect_dma semaphore(%arg11 : memref<!tpu.dma_semaphore, #tpu.memory_space<semaphore_mem>>) src(%dma_wait3A_209 : memref<10240x128xf32, #tpu.memory_space<hbm>>) dst(%arg8 : memref<128x128xf32, #tpu.memory_space<vmem>>)
      %run_scoped3A_210 = arith.constant 12 : i32
      "tpu.region"() ({
        %run_scoped3A_609 = tpu.sem_alloc : memref<!tpu.dma_semaphore, #tpu.memory_space<semaphore_mem>>
        %dma_start3A_610 = arith.constant 0 : i32
        %dma_start3A_611 = tpu.memref_slice %arg7[%run_scoped3A_210, %dma_start3A_610] : memref<40x128xi32, #tpu.memory_space<vmem>> -> memref<1x128xi32, #tpu.memory_space<vmem>>
        %dma_start3A_612 = tpu.memref_squeeze %dma_start3A_611 : memref<1x128xi32, #tpu.memory_space<vmem>> -> memref<128xi32, #tpu.memory_space<vmem>>
        %dma_start3A_613 = arith.constant 0 : i32
        %dma_start3A_614 = arith.constant 0 : i32
        %dma_start3A_615 = tpu.memref_slice %arg10[%dma_start3A_613, %dma_start3A_614] : memref<10240x128xf32, #tpu.memory_space<vmem_shared>> -> memref<10240x128xf32, #tpu.memory_space<vmem_shared>>
        tpu.enqueue_indirect_dma source(%arg8 : memref<128x128xf32, #tpu.memory_space<vmem>>) target(%dma_start3A_615 : memref<10240x128xf32, #tpu.memory_space<vmem_shared>>) offsets(%dma_start3A_612 : memref<128xi32, #tpu.memory_space<vmem>>) semaphore(%run_scoped3A_609 : memref<!tpu.dma_semaphore, #tpu.memory_space<semaphore_mem>>) {add = true}
        %dma_wait3A_616 = arith.constant 0 : i32
        %dma_wait3A_617 = tpu.memref_slice %arg7[%run_scoped3A_210, %dma_wait3A_616] : memref<40x128xi32, #tpu.memory_space<vmem>> -> memref<1x128xi32, #tpu.memory_space<vmem>>
        %dma_wait3A_618 = tpu.memref_squeeze %dma_wait3A_617 : memref<1x128xi32, #tpu.memory_space<vmem>> -> memref<128xi32, #tpu.memory_space<vmem>>
        %dma_wait3A_619 = arith.constant 0 : i32
        %dma_wait3A_620 = arith.constant 0 : i32
        %dma_wait3A_621 = tpu.memref_slice %arg10[%dma_wait3A_619, %dma_wait3A_620] : memref<10240x128xf32, #tpu.memory_space<vmem_shared>> -> memref<10240x128xf32, #tpu.memory_space<vmem_shared>>
        tpu.wait_indirect_dma semaphore(%run_scoped3A_609 : memref<!tpu.dma_semaphore, #tpu.memory_space<semaphore_mem>>) src(%arg8 : memref<128x128xf32, #tpu.memory_space<vmem>>) dst(%dma_wait3A_621 : memref<10240x128xf32, #tpu.memory_space<vmem_shared>>)
        tpu.yield
      }) : () -> ()
      %dma_start3A_211 = arith.constant 14 : i32
      %dma_start3A_212 = arith.constant 0 : i32
      %dma_start3A_213 = tpu.memref_slice %arg6[%dma_start3A_211, %dma_start3A_212] : memref<40x128xi32, #tpu.memory_space<vmem>> -> memref<1x128xi32, #tpu.memory_space<vmem>>
      %dma_start3A_214 = tpu.memref_squeeze %dma_start3A_213 : memref<1x128xi32, #tpu.memory_space<vmem>> -> memref<128xi32, #tpu.memory_space<vmem>>
      %dma_start3A_215 = arith.constant 0 : i32
      %dma_start3A_216 = arith.constant 0 : i32
      %dma_start3A_217 = tpu.memref_slice %arg2[%dma_start3A_215, %dma_start3A_216] : memref<10240x128xf32, #tpu.memory_space<hbm>> -> memref<10240x128xf32, #tpu.memory_space<hbm>>
      tpu.enqueue_indirect_dma source(%dma_start3A_217 : memref<10240x128xf32, #tpu.memory_space<hbm>>) target(%arg8 : memref<128x128xf32, #tpu.memory_space<vmem>>) offsets(%dma_start3A_214 : memref<128xi32, #tpu.memory_space<vmem>>) semaphore(%arg11 : memref<!tpu.dma_semaphore, #tpu.memory_space<semaphore_mem>>)
      %dma_wait3A_218 = arith.constant 13 : i32
      %dma_wait3A_219 = arith.constant 0 : i32
      %dma_wait3A_220 = tpu.memref_slice %arg6[%dma_wait3A_218, %dma_wait3A_219] : memref<40x128xi32, #tpu.memory_space<vmem>> -> memref<1x128xi32, #tpu.memory_space<vmem>>
      %dma_wait3A_221 = tpu.memref_squeeze %dma_wait3A_220 : memref<1x128xi32, #tpu.memory_space<vmem>> -> memref<128xi32, #tpu.memory_space<vmem>>
      %dma_wait3A_222 = arith.constant 0 : i32
      %dma_wait3A_223 = arith.constant 0 : i32
      %dma_wait3A_224 = tpu.memref_slice %arg2[%dma_wait3A_222, %dma_wait3A_223] : memref<10240x128xf32, #tpu.memory_space<hbm>> -> memref<10240x128xf32, #tpu.memory_space<hbm>>
      tpu.wait_indirect_dma semaphore(%arg12 : memref<!tpu.dma_semaphore, #tpu.memory_space<semaphore_mem>>) src(%dma_wait3A_224 : memref<10240x128xf32, #tpu.memory_space<hbm>>) dst(%arg9 : memref<128x128xf32, #tpu.memory_space<vmem>>)
      %run_scoped3A_225 = arith.constant 13 : i32
      "tpu.region"() ({
        %run_scoped3A_609 = tpu.sem_alloc : memref<!tpu.dma_semaphore, #tpu.memory_space<semaphore_mem>>
        %dma_start3A_610 = arith.constant 0 : i32
        %dma_start3A_611 = tpu.memref_slice %arg7[%run_scoped3A_225, %dma_start3A_610] : memref<40x128xi32, #tpu.memory_space<vmem>> -> memref<1x128xi32, #tpu.memory_space<vmem>>
        %dma_start3A_612 = tpu.memref_squeeze %dma_start3A_611 : memref<1x128xi32, #tpu.memory_space<vmem>> -> memref<128xi32, #tpu.memory_space<vmem>>
        %dma_start3A_613 = arith.constant 0 : i32
        %dma_start3A_614 = arith.constant 0 : i32
        %dma_start3A_615 = tpu.memref_slice %arg10[%dma_start3A_613, %dma_start3A_614] : memref<10240x128xf32, #tpu.memory_space<vmem_shared>> -> memref<10240x128xf32, #tpu.memory_space<vmem_shared>>
        tpu.enqueue_indirect_dma source(%arg9 : memref<128x128xf32, #tpu.memory_space<vmem>>) target(%dma_start3A_615 : memref<10240x128xf32, #tpu.memory_space<vmem_shared>>) offsets(%dma_start3A_612 : memref<128xi32, #tpu.memory_space<vmem>>) semaphore(%run_scoped3A_609 : memref<!tpu.dma_semaphore, #tpu.memory_space<semaphore_mem>>) {add = true}
        %dma_wait3A_616 = arith.constant 0 : i32
        %dma_wait3A_617 = tpu.memref_slice %arg7[%run_scoped3A_225, %dma_wait3A_616] : memref<40x128xi32, #tpu.memory_space<vmem>> -> memref<1x128xi32, #tpu.memory_space<vmem>>
        %dma_wait3A_618 = tpu.memref_squeeze %dma_wait3A_617 : memref<1x128xi32, #tpu.memory_space<vmem>> -> memref<128xi32, #tpu.memory_space<vmem>>
        %dma_wait3A_619 = arith.constant 0 : i32
        %dma_wait3A_620 = arith.constant 0 : i32
        %dma_wait3A_621 = tpu.memref_slice %arg10[%dma_wait3A_619, %dma_wait3A_620] : memref<10240x128xf32, #tpu.memory_space<vmem_shared>> -> memref<10240x128xf32, #tpu.memory_space<vmem_shared>>
        tpu.wait_indirect_dma semaphore(%run_scoped3A_609 : memref<!tpu.dma_semaphore, #tpu.memory_space<semaphore_mem>>) src(%arg9 : memref<128x128xf32, #tpu.memory_space<vmem>>) dst(%dma_wait3A_621 : memref<10240x128xf32, #tpu.memory_space<vmem_shared>>)
        tpu.yield
      }) : () -> ()
      %dma_start3A_226 = arith.constant 15 : i32
      %dma_start3A_227 = arith.constant 0 : i32
      %dma_start3A_228 = tpu.memref_slice %arg6[%dma_start3A_226, %dma_start3A_227] : memref<40x128xi32, #tpu.memory_space<vmem>> -> memref<1x128xi32, #tpu.memory_space<vmem>>
      %dma_start3A_229 = tpu.memref_squeeze %dma_start3A_228 : memref<1x128xi32, #tpu.memory_space<vmem>> -> memref<128xi32, #tpu.memory_space<vmem>>
      %dma_start3A_230 = arith.constant 0 : i32
      %dma_start3A_231 = arith.constant 0 : i32
      %dma_start3A_232 = tpu.memref_slice %arg2[%dma_start3A_230, %dma_start3A_231] : memref<10240x128xf32, #tpu.memory_space<hbm>> -> memref<10240x128xf32, #tpu.memory_space<hbm>>
      tpu.enqueue_indirect_dma source(%dma_start3A_232 : memref<10240x128xf32, #tpu.memory_space<hbm>>) target(%arg9 : memref<128x128xf32, #tpu.memory_space<vmem>>) offsets(%dma_start3A_229 : memref<128xi32, #tpu.memory_space<vmem>>) semaphore(%arg12 : memref<!tpu.dma_semaphore, #tpu.memory_space<semaphore_mem>>)
      %dma_wait3A_233 = arith.constant 14 : i32
      %dma_wait3A_234 = arith.constant 0 : i32
      %dma_wait3A_235 = tpu.memref_slice %arg6[%dma_wait3A_233, %dma_wait3A_234] : memref<40x128xi32, #tpu.memory_space<vmem>> -> memref<1x128xi32, #tpu.memory_space<vmem>>
      %dma_wait3A_236 = tpu.memref_squeeze %dma_wait3A_235 : memref<1x128xi32, #tpu.memory_space<vmem>> -> memref<128xi32, #tpu.memory_space<vmem>>
      %dma_wait3A_237 = arith.constant 0 : i32
      %dma_wait3A_238 = arith.constant 0 : i32
      %dma_wait3A_239 = tpu.memref_slice %arg2[%dma_wait3A_237, %dma_wait3A_238] : memref<10240x128xf32, #tpu.memory_space<hbm>> -> memref<10240x128xf32, #tpu.memory_space<hbm>>
      tpu.wait_indirect_dma semaphore(%arg11 : memref<!tpu.dma_semaphore, #tpu.memory_space<semaphore_mem>>) src(%dma_wait3A_239 : memref<10240x128xf32, #tpu.memory_space<hbm>>) dst(%arg8 : memref<128x128xf32, #tpu.memory_space<vmem>>)
      %run_scoped3A_240 = arith.constant 14 : i32
      "tpu.region"() ({
        %run_scoped3A_609 = tpu.sem_alloc : memref<!tpu.dma_semaphore, #tpu.memory_space<semaphore_mem>>
        %dma_start3A_610 = arith.constant 0 : i32
        %dma_start3A_611 = tpu.memref_slice %arg7[%run_scoped3A_240, %dma_start3A_610] : memref<40x128xi32, #tpu.memory_space<vmem>> -> memref<1x128xi32, #tpu.memory_space<vmem>>
        %dma_start3A_612 = tpu.memref_squeeze %dma_start3A_611 : memref<1x128xi32, #tpu.memory_space<vmem>> -> memref<128xi32, #tpu.memory_space<vmem>>
        %dma_start3A_613 = arith.constant 0 : i32
        %dma_start3A_614 = arith.constant 0 : i32
        %dma_start3A_615 = tpu.memref_slice %arg10[%dma_start3A_613, %dma_start3A_614] : memref<10240x128xf32, #tpu.memory_space<vmem_shared>> -> memref<10240x128xf32, #tpu.memory_space<vmem_shared>>
        tpu.enqueue_indirect_dma source(%arg8 : memref<128x128xf32, #tpu.memory_space<vmem>>) target(%dma_start3A_615 : memref<10240x128xf32, #tpu.memory_space<vmem_shared>>) offsets(%dma_start3A_612 : memref<128xi32, #tpu.memory_space<vmem>>) semaphore(%run_scoped3A_609 : memref<!tpu.dma_semaphore, #tpu.memory_space<semaphore_mem>>) {add = true}
        %dma_wait3A_616 = arith.constant 0 : i32
        %dma_wait3A_617 = tpu.memref_slice %arg7[%run_scoped3A_240, %dma_wait3A_616] : memref<40x128xi32, #tpu.memory_space<vmem>> -> memref<1x128xi32, #tpu.memory_space<vmem>>
        %dma_wait3A_618 = tpu.memref_squeeze %dma_wait3A_617 : memref<1x128xi32, #tpu.memory_space<vmem>> -> memref<128xi32, #tpu.memory_space<vmem>>
        %dma_wait3A_619 = arith.constant 0 : i32
        %dma_wait3A_620 = arith.constant 0 : i32
        %dma_wait3A_621 = tpu.memref_slice %arg10[%dma_wait3A_619, %dma_wait3A_620] : memref<10240x128xf32, #tpu.memory_space<vmem_shared>> -> memref<10240x128xf32, #tpu.memory_space<vmem_shared>>
        tpu.wait_indirect_dma semaphore(%run_scoped3A_609 : memref<!tpu.dma_semaphore, #tpu.memory_space<semaphore_mem>>) src(%arg8 : memref<128x128xf32, #tpu.memory_space<vmem>>) dst(%dma_wait3A_621 : memref<10240x128xf32, #tpu.memory_space<vmem_shared>>)
        tpu.yield
      }) : () -> ()
      %dma_start3A_241 = arith.constant 16 : i32
      %dma_start3A_242 = arith.constant 0 : i32
      %dma_start3A_243 = tpu.memref_slice %arg6[%dma_start3A_241, %dma_start3A_242] : memref<40x128xi32, #tpu.memory_space<vmem>> -> memref<1x128xi32, #tpu.memory_space<vmem>>
      %dma_start3A_244 = tpu.memref_squeeze %dma_start3A_243 : memref<1x128xi32, #tpu.memory_space<vmem>> -> memref<128xi32, #tpu.memory_space<vmem>>
      %dma_start3A_245 = arith.constant 0 : i32
      %dma_start3A_246 = arith.constant 0 : i32
      %dma_start3A_247 = tpu.memref_slice %arg2[%dma_start3A_245, %dma_start3A_246] : memref<10240x128xf32, #tpu.memory_space<hbm>> -> memref<10240x128xf32, #tpu.memory_space<hbm>>
      tpu.enqueue_indirect_dma source(%dma_start3A_247 : memref<10240x128xf32, #tpu.memory_space<hbm>>) target(%arg8 : memref<128x128xf32, #tpu.memory_space<vmem>>) offsets(%dma_start3A_244 : memref<128xi32, #tpu.memory_space<vmem>>) semaphore(%arg11 : memref<!tpu.dma_semaphore, #tpu.memory_space<semaphore_mem>>)
      %dma_wait3A_248 = arith.constant 15 : i32
      %dma_wait3A_249 = arith.constant 0 : i32
      %dma_wait3A_250 = tpu.memref_slice %arg6[%dma_wait3A_248, %dma_wait3A_249] : memref<40x128xi32, #tpu.memory_space<vmem>> -> memref<1x128xi32, #tpu.memory_space<vmem>>
      %dma_wait3A_251 = tpu.memref_squeeze %dma_wait3A_250 : memref<1x128xi32, #tpu.memory_space<vmem>> -> memref<128xi32, #tpu.memory_space<vmem>>
      %dma_wait3A_252 = arith.constant 0 : i32
      %dma_wait3A_253 = arith.constant 0 : i32
      %dma_wait3A_254 = tpu.memref_slice %arg2[%dma_wait3A_252, %dma_wait3A_253] : memref<10240x128xf32, #tpu.memory_space<hbm>> -> memref<10240x128xf32, #tpu.memory_space<hbm>>
      tpu.wait_indirect_dma semaphore(%arg12 : memref<!tpu.dma_semaphore, #tpu.memory_space<semaphore_mem>>) src(%dma_wait3A_254 : memref<10240x128xf32, #tpu.memory_space<hbm>>) dst(%arg9 : memref<128x128xf32, #tpu.memory_space<vmem>>)
      %run_scoped3A_255 = arith.constant 15 : i32
      "tpu.region"() ({
        %run_scoped3A_609 = tpu.sem_alloc : memref<!tpu.dma_semaphore, #tpu.memory_space<semaphore_mem>>
        %dma_start3A_610 = arith.constant 0 : i32
        %dma_start3A_611 = tpu.memref_slice %arg7[%run_scoped3A_255, %dma_start3A_610] : memref<40x128xi32, #tpu.memory_space<vmem>> -> memref<1x128xi32, #tpu.memory_space<vmem>>
        %dma_start3A_612 = tpu.memref_squeeze %dma_start3A_611 : memref<1x128xi32, #tpu.memory_space<vmem>> -> memref<128xi32, #tpu.memory_space<vmem>>
        %dma_start3A_613 = arith.constant 0 : i32
        %dma_start3A_614 = arith.constant 0 : i32
        %dma_start3A_615 = tpu.memref_slice %arg10[%dma_start3A_613, %dma_start3A_614] : memref<10240x128xf32, #tpu.memory_space<vmem_shared>> -> memref<10240x128xf32, #tpu.memory_space<vmem_shared>>
        tpu.enqueue_indirect_dma source(%arg9 : memref<128x128xf32, #tpu.memory_space<vmem>>) target(%dma_start3A_615 : memref<10240x128xf32, #tpu.memory_space<vmem_shared>>) offsets(%dma_start3A_612 : memref<128xi32, #tpu.memory_space<vmem>>) semaphore(%run_scoped3A_609 : memref<!tpu.dma_semaphore, #tpu.memory_space<semaphore_mem>>) {add = true}
        %dma_wait3A_616 = arith.constant 0 : i32
        %dma_wait3A_617 = tpu.memref_slice %arg7[%run_scoped3A_255, %dma_wait3A_616] : memref<40x128xi32, #tpu.memory_space<vmem>> -> memref<1x128xi32, #tpu.memory_space<vmem>>
        %dma_wait3A_618 = tpu.memref_squeeze %dma_wait3A_617 : memref<1x128xi32, #tpu.memory_space<vmem>> -> memref<128xi32, #tpu.memory_space<vmem>>
        %dma_wait3A_619 = arith.constant 0 : i32
        %dma_wait3A_620 = arith.constant 0 : i32
        %dma_wait3A_621 = tpu.memref_slice %arg10[%dma_wait3A_619, %dma_wait3A_620] : memref<10240x128xf32, #tpu.memory_space<vmem_shared>> -> memref<10240x128xf32, #tpu.memory_space<vmem_shared>>
        tpu.wait_indirect_dma semaphore(%run_scoped3A_609 : memref<!tpu.dma_semaphore, #tpu.memory_space<semaphore_mem>>) src(%arg9 : memref<128x128xf32, #tpu.memory_space<vmem>>) dst(%dma_wait3A_621 : memref<10240x128xf32, #tpu.memory_space<vmem_shared>>)
        tpu.yield
      }) : () -> ()
      %dma_start3A_256 = arith.constant 17 : i32
      %dma_start3A_257 = arith.constant 0 : i32
      %dma_start3A_258 = tpu.memref_slice %arg6[%dma_start3A_256, %dma_start3A_257] : memref<40x128xi32, #tpu.memory_space<vmem>> -> memref<1x128xi32, #tpu.memory_space<vmem>>
      %dma_start3A_259 = tpu.memref_squeeze %dma_start3A_258 : memref<1x128xi32, #tpu.memory_space<vmem>> -> memref<128xi32, #tpu.memory_space<vmem>>
      %dma_start3A_260 = arith.constant 0 : i32
      %dma_start3A_261 = arith.constant 0 : i32
      %dma_start3A_262 = tpu.memref_slice %arg2[%dma_start3A_260, %dma_start3A_261] : memref<10240x128xf32, #tpu.memory_space<hbm>> -> memref<10240x128xf32, #tpu.memory_space<hbm>>
      tpu.enqueue_indirect_dma source(%dma_start3A_262 : memref<10240x128xf32, #tpu.memory_space<hbm>>) target(%arg9 : memref<128x128xf32, #tpu.memory_space<vmem>>) offsets(%dma_start3A_259 : memref<128xi32, #tpu.memory_space<vmem>>) semaphore(%arg12 : memref<!tpu.dma_semaphore, #tpu.memory_space<semaphore_mem>>)
      %dma_wait3A_263 = arith.constant 16 : i32
      %dma_wait3A_264 = arith.constant 0 : i32
      %dma_wait3A_265 = tpu.memref_slice %arg6[%dma_wait3A_263, %dma_wait3A_264] : memref<40x128xi32, #tpu.memory_space<vmem>> -> memref<1x128xi32, #tpu.memory_space<vmem>>
      %dma_wait3A_266 = tpu.memref_squeeze %dma_wait3A_265 : memref<1x128xi32, #tpu.memory_space<vmem>> -> memref<128xi32, #tpu.memory_space<vmem>>
      %dma_wait3A_267 = arith.constant 0 : i32
      %dma_wait3A_268 = arith.constant 0 : i32
      %dma_wait3A_269 = tpu.memref_slice %arg2[%dma_wait3A_267, %dma_wait3A_268] : memref<10240x128xf32, #tpu.memory_space<hbm>> -> memref<10240x128xf32, #tpu.memory_space<hbm>>
      tpu.wait_indirect_dma semaphore(%arg11 : memref<!tpu.dma_semaphore, #tpu.memory_space<semaphore_mem>>) src(%dma_wait3A_269 : memref<10240x128xf32, #tpu.memory_space<hbm>>) dst(%arg8 : memref<128x128xf32, #tpu.memory_space<vmem>>)
      %run_scoped3A_270 = arith.constant 16 : i32
      "tpu.region"() ({
        %run_scoped3A_609 = tpu.sem_alloc : memref<!tpu.dma_semaphore, #tpu.memory_space<semaphore_mem>>
        %dma_start3A_610 = arith.constant 0 : i32
        %dma_start3A_611 = tpu.memref_slice %arg7[%run_scoped3A_270, %dma_start3A_610] : memref<40x128xi32, #tpu.memory_space<vmem>> -> memref<1x128xi32, #tpu.memory_space<vmem>>
        %dma_start3A_612 = tpu.memref_squeeze %dma_start3A_611 : memref<1x128xi32, #tpu.memory_space<vmem>> -> memref<128xi32, #tpu.memory_space<vmem>>
        %dma_start3A_613 = arith.constant 0 : i32
        %dma_start3A_614 = arith.constant 0 : i32
        %dma_start3A_615 = tpu.memref_slice %arg10[%dma_start3A_613, %dma_start3A_614] : memref<10240x128xf32, #tpu.memory_space<vmem_shared>> -> memref<10240x128xf32, #tpu.memory_space<vmem_shared>>
        tpu.enqueue_indirect_dma source(%arg8 : memref<128x128xf32, #tpu.memory_space<vmem>>) target(%dma_start3A_615 : memref<10240x128xf32, #tpu.memory_space<vmem_shared>>) offsets(%dma_start3A_612 : memref<128xi32, #tpu.memory_space<vmem>>) semaphore(%run_scoped3A_609 : memref<!tpu.dma_semaphore, #tpu.memory_space<semaphore_mem>>) {add = true}
        %dma_wait3A_616 = arith.constant 0 : i32
        %dma_wait3A_617 = tpu.memref_slice %arg7[%run_scoped3A_270, %dma_wait3A_616] : memref<40x128xi32, #tpu.memory_space<vmem>> -> memref<1x128xi32, #tpu.memory_space<vmem>>
        %dma_wait3A_618 = tpu.memref_squeeze %dma_wait3A_617 : memref<1x128xi32, #tpu.memory_space<vmem>> -> memref<128xi32, #tpu.memory_space<vmem>>
        %dma_wait3A_619 = arith.constant 0 : i32
        %dma_wait3A_620 = arith.constant 0 : i32
        %dma_wait3A_621 = tpu.memref_slice %arg10[%dma_wait3A_619, %dma_wait3A_620] : memref<10240x128xf32, #tpu.memory_space<vmem_shared>> -> memref<10240x128xf32, #tpu.memory_space<vmem_shared>>
        tpu.wait_indirect_dma semaphore(%run_scoped3A_609 : memref<!tpu.dma_semaphore, #tpu.memory_space<semaphore_mem>>) src(%arg8 : memref<128x128xf32, #tpu.memory_space<vmem>>) dst(%dma_wait3A_621 : memref<10240x128xf32, #tpu.memory_space<vmem_shared>>)
        tpu.yield
      }) : () -> ()
      %dma_start3A_271 = arith.constant 18 : i32
      %dma_start3A_272 = arith.constant 0 : i32
      %dma_start3A_273 = tpu.memref_slice %arg6[%dma_start3A_271, %dma_start3A_272] : memref<40x128xi32, #tpu.memory_space<vmem>> -> memref<1x128xi32, #tpu.memory_space<vmem>>
      %dma_start3A_274 = tpu.memref_squeeze %dma_start3A_273 : memref<1x128xi32, #tpu.memory_space<vmem>> -> memref<128xi32, #tpu.memory_space<vmem>>
      %dma_start3A_275 = arith.constant 0 : i32
      %dma_start3A_276 = arith.constant 0 : i32
      %dma_start3A_277 = tpu.memref_slice %arg2[%dma_start3A_275, %dma_start3A_276] : memref<10240x128xf32, #tpu.memory_space<hbm>> -> memref<10240x128xf32, #tpu.memory_space<hbm>>
      tpu.enqueue_indirect_dma source(%dma_start3A_277 : memref<10240x128xf32, #tpu.memory_space<hbm>>) target(%arg8 : memref<128x128xf32, #tpu.memory_space<vmem>>) offsets(%dma_start3A_274 : memref<128xi32, #tpu.memory_space<vmem>>) semaphore(%arg11 : memref<!tpu.dma_semaphore, #tpu.memory_space<semaphore_mem>>)
      %dma_wait3A_278 = arith.constant 17 : i32
      %dma_wait3A_279 = arith.constant 0 : i32
      %dma_wait3A_280 = tpu.memref_slice %arg6[%dma_wait3A_278, %dma_wait3A_279] : memref<40x128xi32, #tpu.memory_space<vmem>> -> memref<1x128xi32, #tpu.memory_space<vmem>>
      %dma_wait3A_281 = tpu.memref_squeeze %dma_wait3A_280 : memref<1x128xi32, #tpu.memory_space<vmem>> -> memref<128xi32, #tpu.memory_space<vmem>>
      %dma_wait3A_282 = arith.constant 0 : i32
      %dma_wait3A_283 = arith.constant 0 : i32
      %dma_wait3A_284 = tpu.memref_slice %arg2[%dma_wait3A_282, %dma_wait3A_283] : memref<10240x128xf32, #tpu.memory_space<hbm>> -> memref<10240x128xf32, #tpu.memory_space<hbm>>
      tpu.wait_indirect_dma semaphore(%arg12 : memref<!tpu.dma_semaphore, #tpu.memory_space<semaphore_mem>>) src(%dma_wait3A_284 : memref<10240x128xf32, #tpu.memory_space<hbm>>) dst(%arg9 : memref<128x128xf32, #tpu.memory_space<vmem>>)
      %run_scoped3A_285 = arith.constant 17 : i32
      "tpu.region"() ({
        %run_scoped3A_609 = tpu.sem_alloc : memref<!tpu.dma_semaphore, #tpu.memory_space<semaphore_mem>>
        %dma_start3A_610 = arith.constant 0 : i32
        %dma_start3A_611 = tpu.memref_slice %arg7[%run_scoped3A_285, %dma_start3A_610] : memref<40x128xi32, #tpu.memory_space<vmem>> -> memref<1x128xi32, #tpu.memory_space<vmem>>
        %dma_start3A_612 = tpu.memref_squeeze %dma_start3A_611 : memref<1x128xi32, #tpu.memory_space<vmem>> -> memref<128xi32, #tpu.memory_space<vmem>>
        %dma_start3A_613 = arith.constant 0 : i32
        %dma_start3A_614 = arith.constant 0 : i32
        %dma_start3A_615 = tpu.memref_slice %arg10[%dma_start3A_613, %dma_start3A_614] : memref<10240x128xf32, #tpu.memory_space<vmem_shared>> -> memref<10240x128xf32, #tpu.memory_space<vmem_shared>>
        tpu.enqueue_indirect_dma source(%arg9 : memref<128x128xf32, #tpu.memory_space<vmem>>) target(%dma_start3A_615 : memref<10240x128xf32, #tpu.memory_space<vmem_shared>>) offsets(%dma_start3A_612 : memref<128xi32, #tpu.memory_space<vmem>>) semaphore(%run_scoped3A_609 : memref<!tpu.dma_semaphore, #tpu.memory_space<semaphore_mem>>) {add = true}
        %dma_wait3A_616 = arith.constant 0 : i32
        %dma_wait3A_617 = tpu.memref_slice %arg7[%run_scoped3A_285, %dma_wait3A_616] : memref<40x128xi32, #tpu.memory_space<vmem>> -> memref<1x128xi32, #tpu.memory_space<vmem>>
        %dma_wait3A_618 = tpu.memref_squeeze %dma_wait3A_617 : memref<1x128xi32, #tpu.memory_space<vmem>> -> memref<128xi32, #tpu.memory_space<vmem>>
        %dma_wait3A_619 = arith.constant 0 : i32
        %dma_wait3A_620 = arith.constant 0 : i32
        %dma_wait3A_621 = tpu.memref_slice %arg10[%dma_wait3A_619, %dma_wait3A_620] : memref<10240x128xf32, #tpu.memory_space<vmem_shared>> -> memref<10240x128xf32, #tpu.memory_space<vmem_shared>>
        tpu.wait_indirect_dma semaphore(%run_scoped3A_609 : memref<!tpu.dma_semaphore, #tpu.memory_space<semaphore_mem>>) src(%arg9 : memref<128x128xf32, #tpu.memory_space<vmem>>) dst(%dma_wait3A_621 : memref<10240x128xf32, #tpu.memory_space<vmem_shared>>)
        tpu.yield
      }) : () -> ()
      %dma_start3A_286 = arith.constant 19 : i32
      %dma_start3A_287 = arith.constant 0 : i32
      %dma_start3A_288 = tpu.memref_slice %arg6[%dma_start3A_286, %dma_start3A_287] : memref<40x128xi32, #tpu.memory_space<vmem>> -> memref<1x128xi32, #tpu.memory_space<vmem>>
      %dma_start3A_289 = tpu.memref_squeeze %dma_start3A_288 : memref<1x128xi32, #tpu.memory_space<vmem>> -> memref<128xi32, #tpu.memory_space<vmem>>
      %dma_start3A_290 = arith.constant 0 : i32
      %dma_start3A_291 = arith.constant 0 : i32
      %dma_start3A_292 = tpu.memref_slice %arg2[%dma_start3A_290, %dma_start3A_291] : memref<10240x128xf32, #tpu.memory_space<hbm>> -> memref<10240x128xf32, #tpu.memory_space<hbm>>
      tpu.enqueue_indirect_dma source(%dma_start3A_292 : memref<10240x128xf32, #tpu.memory_space<hbm>>) target(%arg9 : memref<128x128xf32, #tpu.memory_space<vmem>>) offsets(%dma_start3A_289 : memref<128xi32, #tpu.memory_space<vmem>>) semaphore(%arg12 : memref<!tpu.dma_semaphore, #tpu.memory_space<semaphore_mem>>)
      %dma_wait3A_293 = arith.constant 18 : i32
      %dma_wait3A_294 = arith.constant 0 : i32
      %dma_wait3A_295 = tpu.memref_slice %arg6[%dma_wait3A_293, %dma_wait3A_294] : memref<40x128xi32, #tpu.memory_space<vmem>> -> memref<1x128xi32, #tpu.memory_space<vmem>>
      %dma_wait3A_296 = tpu.memref_squeeze %dma_wait3A_295 : memref<1x128xi32, #tpu.memory_space<vmem>> -> memref<128xi32, #tpu.memory_space<vmem>>
      %dma_wait3A_297 = arith.constant 0 : i32
      %dma_wait3A_298 = arith.constant 0 : i32
      %dma_wait3A_299 = tpu.memref_slice %arg2[%dma_wait3A_297, %dma_wait3A_298] : memref<10240x128xf32, #tpu.memory_space<hbm>> -> memref<10240x128xf32, #tpu.memory_space<hbm>>
      tpu.wait_indirect_dma semaphore(%arg11 : memref<!tpu.dma_semaphore, #tpu.memory_space<semaphore_mem>>) src(%dma_wait3A_299 : memref<10240x128xf32, #tpu.memory_space<hbm>>) dst(%arg8 : memref<128x128xf32, #tpu.memory_space<vmem>>)
      %run_scoped3A_300 = arith.constant 18 : i32
      "tpu.region"() ({
        %run_scoped3A_609 = tpu.sem_alloc : memref<!tpu.dma_semaphore, #tpu.memory_space<semaphore_mem>>
        %dma_start3A_610 = arith.constant 0 : i32
        %dma_start3A_611 = tpu.memref_slice %arg7[%run_scoped3A_300, %dma_start3A_610] : memref<40x128xi32, #tpu.memory_space<vmem>> -> memref<1x128xi32, #tpu.memory_space<vmem>>
        %dma_start3A_612 = tpu.memref_squeeze %dma_start3A_611 : memref<1x128xi32, #tpu.memory_space<vmem>> -> memref<128xi32, #tpu.memory_space<vmem>>
        %dma_start3A_613 = arith.constant 0 : i32
        %dma_start3A_614 = arith.constant 0 : i32
        %dma_start3A_615 = tpu.memref_slice %arg10[%dma_start3A_613, %dma_start3A_614] : memref<10240x128xf32, #tpu.memory_space<vmem_shared>> -> memref<10240x128xf32, #tpu.memory_space<vmem_shared>>
        tpu.enqueue_indirect_dma source(%arg8 : memref<128x128xf32, #tpu.memory_space<vmem>>) target(%dma_start3A_615 : memref<10240x128xf32, #tpu.memory_space<vmem_shared>>) offsets(%dma_start3A_612 : memref<128xi32, #tpu.memory_space<vmem>>) semaphore(%run_scoped3A_609 : memref<!tpu.dma_semaphore, #tpu.memory_space<semaphore_mem>>) {add = true}
        %dma_wait3A_616 = arith.constant 0 : i32
        %dma_wait3A_617 = tpu.memref_slice %arg7[%run_scoped3A_300, %dma_wait3A_616] : memref<40x128xi32, #tpu.memory_space<vmem>> -> memref<1x128xi32, #tpu.memory_space<vmem>>
        %dma_wait3A_618 = tpu.memref_squeeze %dma_wait3A_617 : memref<1x128xi32, #tpu.memory_space<vmem>> -> memref<128xi32, #tpu.memory_space<vmem>>
        %dma_wait3A_619 = arith.constant 0 : i32
        %dma_wait3A_620 = arith.constant 0 : i32
        %dma_wait3A_621 = tpu.memref_slice %arg10[%dma_wait3A_619, %dma_wait3A_620] : memref<10240x128xf32, #tpu.memory_space<vmem_shared>> -> memref<10240x128xf32, #tpu.memory_space<vmem_shared>>
        tpu.wait_indirect_dma semaphore(%run_scoped3A_609 : memref<!tpu.dma_semaphore, #tpu.memory_space<semaphore_mem>>) src(%arg8 : memref<128x128xf32, #tpu.memory_space<vmem>>) dst(%dma_wait3A_621 : memref<10240x128xf32, #tpu.memory_space<vmem_shared>>)
        tpu.yield
      }) : () -> ()
      %dma_start3A_301 = arith.constant 20 : i32
      %dma_start3A_302 = arith.constant 0 : i32
      %dma_start3A_303 = tpu.memref_slice %arg6[%dma_start3A_301, %dma_start3A_302] : memref<40x128xi32, #tpu.memory_space<vmem>> -> memref<1x128xi32, #tpu.memory_space<vmem>>
      %dma_start3A_304 = tpu.memref_squeeze %dma_start3A_303 : memref<1x128xi32, #tpu.memory_space<vmem>> -> memref<128xi32, #tpu.memory_space<vmem>>
      %dma_start3A_305 = arith.constant 0 : i32
      %dma_start3A_306 = arith.constant 0 : i32
      %dma_start3A_307 = tpu.memref_slice %arg2[%dma_start3A_305, %dma_start3A_306] : memref<10240x128xf32, #tpu.memory_space<hbm>> -> memref<10240x128xf32, #tpu.memory_space<hbm>>
      tpu.enqueue_indirect_dma source(%dma_start3A_307 : memref<10240x128xf32, #tpu.memory_space<hbm>>) target(%arg8 : memref<128x128xf32, #tpu.memory_space<vmem>>) offsets(%dma_start3A_304 : memref<128xi32, #tpu.memory_space<vmem>>) semaphore(%arg11 : memref<!tpu.dma_semaphore, #tpu.memory_space<semaphore_mem>>)
      %dma_wait3A_308 = arith.constant 19 : i32
      %dma_wait3A_309 = arith.constant 0 : i32
      %dma_wait3A_310 = tpu.memref_slice %arg6[%dma_wait3A_308, %dma_wait3A_309] : memref<40x128xi32, #tpu.memory_space<vmem>> -> memref<1x128xi32, #tpu.memory_space<vmem>>
      %dma_wait3A_311 = tpu.memref_squeeze %dma_wait3A_310 : memref<1x128xi32, #tpu.memory_space<vmem>> -> memref<128xi32, #tpu.memory_space<vmem>>
      %dma_wait3A_312 = arith.constant 0 : i32
      %dma_wait3A_313 = arith.constant 0 : i32
      %dma_wait3A_314 = tpu.memref_slice %arg2[%dma_wait3A_312, %dma_wait3A_313] : memref<10240x128xf32, #tpu.memory_space<hbm>> -> memref<10240x128xf32, #tpu.memory_space<hbm>>
      tpu.wait_indirect_dma semaphore(%arg12 : memref<!tpu.dma_semaphore, #tpu.memory_space<semaphore_mem>>) src(%dma_wait3A_314 : memref<10240x128xf32, #tpu.memory_space<hbm>>) dst(%arg9 : memref<128x128xf32, #tpu.memory_space<vmem>>)
      %run_scoped3A_315 = arith.constant 19 : i32
      "tpu.region"() ({
        %run_scoped3A_609 = tpu.sem_alloc : memref<!tpu.dma_semaphore, #tpu.memory_space<semaphore_mem>>
        %dma_start3A_610 = arith.constant 0 : i32
        %dma_start3A_611 = tpu.memref_slice %arg7[%run_scoped3A_315, %dma_start3A_610] : memref<40x128xi32, #tpu.memory_space<vmem>> -> memref<1x128xi32, #tpu.memory_space<vmem>>
        %dma_start3A_612 = tpu.memref_squeeze %dma_start3A_611 : memref<1x128xi32, #tpu.memory_space<vmem>> -> memref<128xi32, #tpu.memory_space<vmem>>
        %dma_start3A_613 = arith.constant 0 : i32
        %dma_start3A_614 = arith.constant 0 : i32
        %dma_start3A_615 = tpu.memref_slice %arg10[%dma_start3A_613, %dma_start3A_614] : memref<10240x128xf32, #tpu.memory_space<vmem_shared>> -> memref<10240x128xf32, #tpu.memory_space<vmem_shared>>
        tpu.enqueue_indirect_dma source(%arg9 : memref<128x128xf32, #tpu.memory_space<vmem>>) target(%dma_start3A_615 : memref<10240x128xf32, #tpu.memory_space<vmem_shared>>) offsets(%dma_start3A_612 : memref<128xi32, #tpu.memory_space<vmem>>) semaphore(%run_scoped3A_609 : memref<!tpu.dma_semaphore, #tpu.memory_space<semaphore_mem>>) {add = true}
        %dma_wait3A_616 = arith.constant 0 : i32
        %dma_wait3A_617 = tpu.memref_slice %arg7[%run_scoped3A_315, %dma_wait3A_616] : memref<40x128xi32, #tpu.memory_space<vmem>> -> memref<1x128xi32, #tpu.memory_space<vmem>>
        %dma_wait3A_618 = tpu.memref_squeeze %dma_wait3A_617 : memref<1x128xi32, #tpu.memory_space<vmem>> -> memref<128xi32, #tpu.memory_space<vmem>>
        %dma_wait3A_619 = arith.constant 0 : i32
        %dma_wait3A_620 = arith.constant 0 : i32
        %dma_wait3A_621 = tpu.memref_slice %arg10[%dma_wait3A_619, %dma_wait3A_620] : memref<10240x128xf32, #tpu.memory_space<vmem_shared>> -> memref<10240x128xf32, #tpu.memory_space<vmem_shared>>
        tpu.wait_indirect_dma semaphore(%run_scoped3A_609 : memref<!tpu.dma_semaphore, #tpu.memory_space<semaphore_mem>>) src(%arg9 : memref<128x128xf32, #tpu.memory_space<vmem>>) dst(%dma_wait3A_621 : memref<10240x128xf32, #tpu.memory_space<vmem_shared>>)
        tpu.yield
      }) : () -> ()
      %dma_start3A_316 = arith.constant 21 : i32
      %dma_start3A_317 = arith.constant 0 : i32
      %dma_start3A_318 = tpu.memref_slice %arg6[%dma_start3A_316, %dma_start3A_317] : memref<40x128xi32, #tpu.memory_space<vmem>> -> memref<1x128xi32, #tpu.memory_space<vmem>>
      %dma_start3A_319 = tpu.memref_squeeze %dma_start3A_318 : memref<1x128xi32, #tpu.memory_space<vmem>> -> memref<128xi32, #tpu.memory_space<vmem>>
      %dma_start3A_320 = arith.constant 0 : i32
      %dma_start3A_321 = arith.constant 0 : i32
      %dma_start3A_322 = tpu.memref_slice %arg2[%dma_start3A_320, %dma_start3A_321] : memref<10240x128xf32, #tpu.memory_space<hbm>> -> memref<10240x128xf32, #tpu.memory_space<hbm>>
      tpu.enqueue_indirect_dma source(%dma_start3A_322 : memref<10240x128xf32, #tpu.memory_space<hbm>>) target(%arg9 : memref<128x128xf32, #tpu.memory_space<vmem>>) offsets(%dma_start3A_319 : memref<128xi32, #tpu.memory_space<vmem>>) semaphore(%arg12 : memref<!tpu.dma_semaphore, #tpu.memory_space<semaphore_mem>>)
      %dma_wait3A_323 = arith.constant 20 : i32
      %dma_wait3A_324 = arith.constant 0 : i32
      %dma_wait3A_325 = tpu.memref_slice %arg6[%dma_wait3A_323, %dma_wait3A_324] : memref<40x128xi32, #tpu.memory_space<vmem>> -> memref<1x128xi32, #tpu.memory_space<vmem>>
      %dma_wait3A_326 = tpu.memref_squeeze %dma_wait3A_325 : memref<1x128xi32, #tpu.memory_space<vmem>> -> memref<128xi32, #tpu.memory_space<vmem>>
      %dma_wait3A_327 = arith.constant 0 : i32
      %dma_wait3A_328 = arith.constant 0 : i32
      %dma_wait3A_329 = tpu.memref_slice %arg2[%dma_wait3A_327, %dma_wait3A_328] : memref<10240x128xf32, #tpu.memory_space<hbm>> -> memref<10240x128xf32, #tpu.memory_space<hbm>>
      tpu.wait_indirect_dma semaphore(%arg11 : memref<!tpu.dma_semaphore, #tpu.memory_space<semaphore_mem>>) src(%dma_wait3A_329 : memref<10240x128xf32, #tpu.memory_space<hbm>>) dst(%arg8 : memref<128x128xf32, #tpu.memory_space<vmem>>)
      %run_scoped3A_330 = arith.constant 20 : i32
      "tpu.region"() ({
        %run_scoped3A_609 = tpu.sem_alloc : memref<!tpu.dma_semaphore, #tpu.memory_space<semaphore_mem>>
        %dma_start3A_610 = arith.constant 0 : i32
        %dma_start3A_611 = tpu.memref_slice %arg7[%run_scoped3A_330, %dma_start3A_610] : memref<40x128xi32, #tpu.memory_space<vmem>> -> memref<1x128xi32, #tpu.memory_space<vmem>>
        %dma_start3A_612 = tpu.memref_squeeze %dma_start3A_611 : memref<1x128xi32, #tpu.memory_space<vmem>> -> memref<128xi32, #tpu.memory_space<vmem>>
        %dma_start3A_613 = arith.constant 0 : i32
        %dma_start3A_614 = arith.constant 0 : i32
        %dma_start3A_615 = tpu.memref_slice %arg10[%dma_start3A_613, %dma_start3A_614] : memref<10240x128xf32, #tpu.memory_space<vmem_shared>> -> memref<10240x128xf32, #tpu.memory_space<vmem_shared>>
        tpu.enqueue_indirect_dma source(%arg8 : memref<128x128xf32, #tpu.memory_space<vmem>>) target(%dma_start3A_615 : memref<10240x128xf32, #tpu.memory_space<vmem_shared>>) offsets(%dma_start3A_612 : memref<128xi32, #tpu.memory_space<vmem>>) semaphore(%run_scoped3A_609 : memref<!tpu.dma_semaphore, #tpu.memory_space<semaphore_mem>>) {add = true}
        %dma_wait3A_616 = arith.constant 0 : i32
        %dma_wait3A_617 = tpu.memref_slice %arg7[%run_scoped3A_330, %dma_wait3A_616] : memref<40x128xi32, #tpu.memory_space<vmem>> -> memref<1x128xi32, #tpu.memory_space<vmem>>
        %dma_wait3A_618 = tpu.memref_squeeze %dma_wait3A_617 : memref<1x128xi32, #tpu.memory_space<vmem>> -> memref<128xi32, #tpu.memory_space<vmem>>
        %dma_wait3A_619 = arith.constant 0 : i32
        %dma_wait3A_620 = arith.constant 0 : i32
        %dma_wait3A_621 = tpu.memref_slice %arg10[%dma_wait3A_619, %dma_wait3A_620] : memref<10240x128xf32, #tpu.memory_space<vmem_shared>> -> memref<10240x128xf32, #tpu.memory_space<vmem_shared>>
        tpu.wait_indirect_dma semaphore(%run_scoped3A_609 : memref<!tpu.dma_semaphore, #tpu.memory_space<semaphore_mem>>) src(%arg8 : memref<128x128xf32, #tpu.memory_space<vmem>>) dst(%dma_wait3A_621 : memref<10240x128xf32, #tpu.memory_space<vmem_shared>>)
        tpu.yield
      }) : () -> ()
      %dma_start3A_331 = arith.constant 22 : i32
      %dma_start3A_332 = arith.constant 0 : i32
      %dma_start3A_333 = tpu.memref_slice %arg6[%dma_start3A_331, %dma_start3A_332] : memref<40x128xi32, #tpu.memory_space<vmem>> -> memref<1x128xi32, #tpu.memory_space<vmem>>
      %dma_start3A_334 = tpu.memref_squeeze %dma_start3A_333 : memref<1x128xi32, #tpu.memory_space<vmem>> -> memref<128xi32, #tpu.memory_space<vmem>>
      %dma_start3A_335 = arith.constant 0 : i32
      %dma_start3A_336 = arith.constant 0 : i32
      %dma_start3A_337 = tpu.memref_slice %arg2[%dma_start3A_335, %dma_start3A_336] : memref<10240x128xf32, #tpu.memory_space<hbm>> -> memref<10240x128xf32, #tpu.memory_space<hbm>>
      tpu.enqueue_indirect_dma source(%dma_start3A_337 : memref<10240x128xf32, #tpu.memory_space<hbm>>) target(%arg8 : memref<128x128xf32, #tpu.memory_space<vmem>>) offsets(%dma_start3A_334 : memref<128xi32, #tpu.memory_space<vmem>>) semaphore(%arg11 : memref<!tpu.dma_semaphore, #tpu.memory_space<semaphore_mem>>)
      %dma_wait3A_338 = arith.constant 21 : i32
      %dma_wait3A_339 = arith.constant 0 : i32
      %dma_wait3A_340 = tpu.memref_slice %arg6[%dma_wait3A_338, %dma_wait3A_339] : memref<40x128xi32, #tpu.memory_space<vmem>> -> memref<1x128xi32, #tpu.memory_space<vmem>>
      %dma_wait3A_341 = tpu.memref_squeeze %dma_wait3A_340 : memref<1x128xi32, #tpu.memory_space<vmem>> -> memref<128xi32, #tpu.memory_space<vmem>>
      %dma_wait3A_342 = arith.constant 0 : i32
      %dma_wait3A_343 = arith.constant 0 : i32
      %dma_wait3A_344 = tpu.memref_slice %arg2[%dma_wait3A_342, %dma_wait3A_343] : memref<10240x128xf32, #tpu.memory_space<hbm>> -> memref<10240x128xf32, #tpu.memory_space<hbm>>
      tpu.wait_indirect_dma semaphore(%arg12 : memref<!tpu.dma_semaphore, #tpu.memory_space<semaphore_mem>>) src(%dma_wait3A_344 : memref<10240x128xf32, #tpu.memory_space<hbm>>) dst(%arg9 : memref<128x128xf32, #tpu.memory_space<vmem>>)
      %run_scoped3A_345 = arith.constant 21 : i32
      "tpu.region"() ({
        %run_scoped3A_609 = tpu.sem_alloc : memref<!tpu.dma_semaphore, #tpu.memory_space<semaphore_mem>>
        %dma_start3A_610 = arith.constant 0 : i32
        %dma_start3A_611 = tpu.memref_slice %arg7[%run_scoped3A_345, %dma_start3A_610] : memref<40x128xi32, #tpu.memory_space<vmem>> -> memref<1x128xi32, #tpu.memory_space<vmem>>
        %dma_start3A_612 = tpu.memref_squeeze %dma_start3A_611 : memref<1x128xi32, #tpu.memory_space<vmem>> -> memref<128xi32, #tpu.memory_space<vmem>>
        %dma_start3A_613 = arith.constant 0 : i32
        %dma_start3A_614 = arith.constant 0 : i32
        %dma_start3A_615 = tpu.memref_slice %arg10[%dma_start3A_613, %dma_start3A_614] : memref<10240x128xf32, #tpu.memory_space<vmem_shared>> -> memref<10240x128xf32, #tpu.memory_space<vmem_shared>>
        tpu.enqueue_indirect_dma source(%arg9 : memref<128x128xf32, #tpu.memory_space<vmem>>) target(%dma_start3A_615 : memref<10240x128xf32, #tpu.memory_space<vmem_shared>>) offsets(%dma_start3A_612 : memref<128xi32, #tpu.memory_space<vmem>>) semaphore(%run_scoped3A_609 : memref<!tpu.dma_semaphore, #tpu.memory_space<semaphore_mem>>) {add = true}
        %dma_wait3A_616 = arith.constant 0 : i32
        %dma_wait3A_617 = tpu.memref_slice %arg7[%run_scoped3A_345, %dma_wait3A_616] : memref<40x128xi32, #tpu.memory_space<vmem>> -> memref<1x128xi32, #tpu.memory_space<vmem>>
        %dma_wait3A_618 = tpu.memref_squeeze %dma_wait3A_617 : memref<1x128xi32, #tpu.memory_space<vmem>> -> memref<128xi32, #tpu.memory_space<vmem>>
        %dma_wait3A_619 = arith.constant 0 : i32
        %dma_wait3A_620 = arith.constant 0 : i32
        %dma_wait3A_621 = tpu.memref_slice %arg10[%dma_wait3A_619, %dma_wait3A_620] : memref<10240x128xf32, #tpu.memory_space<vmem_shared>> -> memref<10240x128xf32, #tpu.memory_space<vmem_shared>>
        tpu.wait_indirect_dma semaphore(%run_scoped3A_609 : memref<!tpu.dma_semaphore, #tpu.memory_space<semaphore_mem>>) src(%arg9 : memref<128x128xf32, #tpu.memory_space<vmem>>) dst(%dma_wait3A_621 : memref<10240x128xf32, #tpu.memory_space<vmem_shared>>)
        tpu.yield
      }) : () -> ()
      %dma_start3A_346 = arith.constant 23 : i32
      %dma_start3A_347 = arith.constant 0 : i32
      %dma_start3A_348 = tpu.memref_slice %arg6[%dma_start3A_346, %dma_start3A_347] : memref<40x128xi32, #tpu.memory_space<vmem>> -> memref<1x128xi32, #tpu.memory_space<vmem>>
      %dma_start3A_349 = tpu.memref_squeeze %dma_start3A_348 : memref<1x128xi32, #tpu.memory_space<vmem>> -> memref<128xi32, #tpu.memory_space<vmem>>
      %dma_start3A_350 = arith.constant 0 : i32
      %dma_start3A_351 = arith.constant 0 : i32
      %dma_start3A_352 = tpu.memref_slice %arg2[%dma_start3A_350, %dma_start3A_351] : memref<10240x128xf32, #tpu.memory_space<hbm>> -> memref<10240x128xf32, #tpu.memory_space<hbm>>
      tpu.enqueue_indirect_dma source(%dma_start3A_352 : memref<10240x128xf32, #tpu.memory_space<hbm>>) target(%arg9 : memref<128x128xf32, #tpu.memory_space<vmem>>) offsets(%dma_start3A_349 : memref<128xi32, #tpu.memory_space<vmem>>) semaphore(%arg12 : memref<!tpu.dma_semaphore, #tpu.memory_space<semaphore_mem>>)
      %dma_wait3A_353 = arith.constant 22 : i32
      %dma_wait3A_354 = arith.constant 0 : i32
      %dma_wait3A_355 = tpu.memref_slice %arg6[%dma_wait3A_353, %dma_wait3A_354] : memref<40x128xi32, #tpu.memory_space<vmem>> -> memref<1x128xi32, #tpu.memory_space<vmem>>
      %dma_wait3A_356 = tpu.memref_squeeze %dma_wait3A_355 : memref<1x128xi32, #tpu.memory_space<vmem>> -> memref<128xi32, #tpu.memory_space<vmem>>
      %dma_wait3A_357 = arith.constant 0 : i32
      %dma_wait3A_358 = arith.constant 0 : i32
      %dma_wait3A_359 = tpu.memref_slice %arg2[%dma_wait3A_357, %dma_wait3A_358] : memref<10240x128xf32, #tpu.memory_space<hbm>> -> memref<10240x128xf32, #tpu.memory_space<hbm>>
      tpu.wait_indirect_dma semaphore(%arg11 : memref<!tpu.dma_semaphore, #tpu.memory_space<semaphore_mem>>) src(%dma_wait3A_359 : memref<10240x128xf32, #tpu.memory_space<hbm>>) dst(%arg8 : memref<128x128xf32, #tpu.memory_space<vmem>>)
      %run_scoped3A_360 = arith.constant 22 : i32
      "tpu.region"() ({
        %run_scoped3A_609 = tpu.sem_alloc : memref<!tpu.dma_semaphore, #tpu.memory_space<semaphore_mem>>
        %dma_start3A_610 = arith.constant 0 : i32
        %dma_start3A_611 = tpu.memref_slice %arg7[%run_scoped3A_360, %dma_start3A_610] : memref<40x128xi32, #tpu.memory_space<vmem>> -> memref<1x128xi32, #tpu.memory_space<vmem>>
        %dma_start3A_612 = tpu.memref_squeeze %dma_start3A_611 : memref<1x128xi32, #tpu.memory_space<vmem>> -> memref<128xi32, #tpu.memory_space<vmem>>
        %dma_start3A_613 = arith.constant 0 : i32
        %dma_start3A_614 = arith.constant 0 : i32
        %dma_start3A_615 = tpu.memref_slice %arg10[%dma_start3A_613, %dma_start3A_614] : memref<10240x128xf32, #tpu.memory_space<vmem_shared>> -> memref<10240x128xf32, #tpu.memory_space<vmem_shared>>
        tpu.enqueue_indirect_dma source(%arg8 : memref<128x128xf32, #tpu.memory_space<vmem>>) target(%dma_start3A_615 : memref<10240x128xf32, #tpu.memory_space<vmem_shared>>) offsets(%dma_start3A_612 : memref<128xi32, #tpu.memory_space<vmem>>) semaphore(%run_scoped3A_609 : memref<!tpu.dma_semaphore, #tpu.memory_space<semaphore_mem>>) {add = true}
        %dma_wait3A_616 = arith.constant 0 : i32
        %dma_wait3A_617 = tpu.memref_slice %arg7[%run_scoped3A_360, %dma_wait3A_616] : memref<40x128xi32, #tpu.memory_space<vmem>> -> memref<1x128xi32, #tpu.memory_space<vmem>>
        %dma_wait3A_618 = tpu.memref_squeeze %dma_wait3A_617 : memref<1x128xi32, #tpu.memory_space<vmem>> -> memref<128xi32, #tpu.memory_space<vmem>>
        %dma_wait3A_619 = arith.constant 0 : i32
        %dma_wait3A_620 = arith.constant 0 : i32
        %dma_wait3A_621 = tpu.memref_slice %arg10[%dma_wait3A_619, %dma_wait3A_620] : memref<10240x128xf32, #tpu.memory_space<vmem_shared>> -> memref<10240x128xf32, #tpu.memory_space<vmem_shared>>
        tpu.wait_indirect_dma semaphore(%run_scoped3A_609 : memref<!tpu.dma_semaphore, #tpu.memory_space<semaphore_mem>>) src(%arg8 : memref<128x128xf32, #tpu.memory_space<vmem>>) dst(%dma_wait3A_621 : memref<10240x128xf32, #tpu.memory_space<vmem_shared>>)
        tpu.yield
      }) : () -> ()
      %dma_start3A_361 = arith.constant 24 : i32
      %dma_start3A_362 = arith.constant 0 : i32
      %dma_start3A_363 = tpu.memref_slice %arg6[%dma_start3A_361, %dma_start3A_362] : memref<40x128xi32, #tpu.memory_space<vmem>> -> memref<1x128xi32, #tpu.memory_space<vmem>>
      %dma_start3A_364 = tpu.memref_squeeze %dma_start3A_363 : memref<1x128xi32, #tpu.memory_space<vmem>> -> memref<128xi32, #tpu.memory_space<vmem>>
      %dma_start3A_365 = arith.constant 0 : i32
      %dma_start3A_366 = arith.constant 0 : i32
      %dma_start3A_367 = tpu.memref_slice %arg2[%dma_start3A_365, %dma_start3A_366] : memref<10240x128xf32, #tpu.memory_space<hbm>> -> memref<10240x128xf32, #tpu.memory_space<hbm>>
      tpu.enqueue_indirect_dma source(%dma_start3A_367 : memref<10240x128xf32, #tpu.memory_space<hbm>>) target(%arg8 : memref<128x128xf32, #tpu.memory_space<vmem>>) offsets(%dma_start3A_364 : memref<128xi32, #tpu.memory_space<vmem>>) semaphore(%arg11 : memref<!tpu.dma_semaphore, #tpu.memory_space<semaphore_mem>>)
      %dma_wait3A_368 = arith.constant 23 : i32
      %dma_wait3A_369 = arith.constant 0 : i32
      %dma_wait3A_370 = tpu.memref_slice %arg6[%dma_wait3A_368, %dma_wait3A_369] : memref<40x128xi32, #tpu.memory_space<vmem>> -> memref<1x128xi32, #tpu.memory_space<vmem>>
      %dma_wait3A_371 = tpu.memref_squeeze %dma_wait3A_370 : memref<1x128xi32, #tpu.memory_space<vmem>> -> memref<128xi32, #tpu.memory_space<vmem>>
      %dma_wait3A_372 = arith.constant 0 : i32
      %dma_wait3A_373 = arith.constant 0 : i32
      %dma_wait3A_374 = tpu.memref_slice %arg2[%dma_wait3A_372, %dma_wait3A_373] : memref<10240x128xf32, #tpu.memory_space<hbm>> -> memref<10240x128xf32, #tpu.memory_space<hbm>>
      tpu.wait_indirect_dma semaphore(%arg12 : memref<!tpu.dma_semaphore, #tpu.memory_space<semaphore_mem>>) src(%dma_wait3A_374 : memref<10240x128xf32, #tpu.memory_space<hbm>>) dst(%arg9 : memref<128x128xf32, #tpu.memory_space<vmem>>)
      %run_scoped3A_375 = arith.constant 23 : i32
      "tpu.region"() ({
        %run_scoped3A_609 = tpu.sem_alloc : memref<!tpu.dma_semaphore, #tpu.memory_space<semaphore_mem>>
        %dma_start3A_610 = arith.constant 0 : i32
        %dma_start3A_611 = tpu.memref_slice %arg7[%run_scoped3A_375, %dma_start3A_610] : memref<40x128xi32, #tpu.memory_space<vmem>> -> memref<1x128xi32, #tpu.memory_space<vmem>>
        %dma_start3A_612 = tpu.memref_squeeze %dma_start3A_611 : memref<1x128xi32, #tpu.memory_space<vmem>> -> memref<128xi32, #tpu.memory_space<vmem>>
        %dma_start3A_613 = arith.constant 0 : i32
        %dma_start3A_614 = arith.constant 0 : i32
        %dma_start3A_615 = tpu.memref_slice %arg10[%dma_start3A_613, %dma_start3A_614] : memref<10240x128xf32, #tpu.memory_space<vmem_shared>> -> memref<10240x128xf32, #tpu.memory_space<vmem_shared>>
        tpu.enqueue_indirect_dma source(%arg9 : memref<128x128xf32, #tpu.memory_space<vmem>>) target(%dma_start3A_615 : memref<10240x128xf32, #tpu.memory_space<vmem_shared>>) offsets(%dma_start3A_612 : memref<128xi32, #tpu.memory_space<vmem>>) semaphore(%run_scoped3A_609 : memref<!tpu.dma_semaphore, #tpu.memory_space<semaphore_mem>>) {add = true}
        %dma_wait3A_616 = arith.constant 0 : i32
        %dma_wait3A_617 = tpu.memref_slice %arg7[%run_scoped3A_375, %dma_wait3A_616] : memref<40x128xi32, #tpu.memory_space<vmem>> -> memref<1x128xi32, #tpu.memory_space<vmem>>
        %dma_wait3A_618 = tpu.memref_squeeze %dma_wait3A_617 : memref<1x128xi32, #tpu.memory_space<vmem>> -> memref<128xi32, #tpu.memory_space<vmem>>
        %dma_wait3A_619 = arith.constant 0 : i32
        %dma_wait3A_620 = arith.constant 0 : i32
        %dma_wait3A_621 = tpu.memref_slice %arg10[%dma_wait3A_619, %dma_wait3A_620] : memref<10240x128xf32, #tpu.memory_space<vmem_shared>> -> memref<10240x128xf32, #tpu.memory_space<vmem_shared>>
        tpu.wait_indirect_dma semaphore(%run_scoped3A_609 : memref<!tpu.dma_semaphore, #tpu.memory_space<semaphore_mem>>) src(%arg9 : memref<128x128xf32, #tpu.memory_space<vmem>>) dst(%dma_wait3A_621 : memref<10240x128xf32, #tpu.memory_space<vmem_shared>>)
        tpu.yield
      }) : () -> ()
      %dma_start3A_376 = arith.constant 25 : i32
      %dma_start3A_377 = arith.constant 0 : i32
      %dma_start3A_378 = tpu.memref_slice %arg6[%dma_start3A_376, %dma_start3A_377] : memref<40x128xi32, #tpu.memory_space<vmem>> -> memref<1x128xi32, #tpu.memory_space<vmem>>
      %dma_start3A_379 = tpu.memref_squeeze %dma_start3A_378 : memref<1x128xi32, #tpu.memory_space<vmem>> -> memref<128xi32, #tpu.memory_space<vmem>>
      %dma_start3A_380 = arith.constant 0 : i32
      %dma_start3A_381 = arith.constant 0 : i32
      %dma_start3A_382 = tpu.memref_slice %arg2[%dma_start3A_380, %dma_start3A_381] : memref<10240x128xf32, #tpu.memory_space<hbm>> -> memref<10240x128xf32, #tpu.memory_space<hbm>>
      tpu.enqueue_indirect_dma source(%dma_start3A_382 : memref<10240x128xf32, #tpu.memory_space<hbm>>) target(%arg9 : memref<128x128xf32, #tpu.memory_space<vmem>>) offsets(%dma_start3A_379 : memref<128xi32, #tpu.memory_space<vmem>>) semaphore(%arg12 : memref<!tpu.dma_semaphore, #tpu.memory_space<semaphore_mem>>)
      %dma_wait3A_383 = arith.constant 24 : i32
      %dma_wait3A_384 = arith.constant 0 : i32
      %dma_wait3A_385 = tpu.memref_slice %arg6[%dma_wait3A_383, %dma_wait3A_384] : memref<40x128xi32, #tpu.memory_space<vmem>> -> memref<1x128xi32, #tpu.memory_space<vmem>>
      %dma_wait3A_386 = tpu.memref_squeeze %dma_wait3A_385 : memref<1x128xi32, #tpu.memory_space<vmem>> -> memref<128xi32, #tpu.memory_space<vmem>>
      %dma_wait3A_387 = arith.constant 0 : i32
      %dma_wait3A_388 = arith.constant 0 : i32
      %dma_wait3A_389 = tpu.memref_slice %arg2[%dma_wait3A_387, %dma_wait3A_388] : memref<10240x128xf32, #tpu.memory_space<hbm>> -> memref<10240x128xf32, #tpu.memory_space<hbm>>
      tpu.wait_indirect_dma semaphore(%arg11 : memref<!tpu.dma_semaphore, #tpu.memory_space<semaphore_mem>>) src(%dma_wait3A_389 : memref<10240x128xf32, #tpu.memory_space<hbm>>) dst(%arg8 : memref<128x128xf32, #tpu.memory_space<vmem>>)
      %run_scoped3A_390 = arith.constant 24 : i32
      "tpu.region"() ({
        %run_scoped3A_609 = tpu.sem_alloc : memref<!tpu.dma_semaphore, #tpu.memory_space<semaphore_mem>>
        %dma_start3A_610 = arith.constant 0 : i32
        %dma_start3A_611 = tpu.memref_slice %arg7[%run_scoped3A_390, %dma_start3A_610] : memref<40x128xi32, #tpu.memory_space<vmem>> -> memref<1x128xi32, #tpu.memory_space<vmem>>
        %dma_start3A_612 = tpu.memref_squeeze %dma_start3A_611 : memref<1x128xi32, #tpu.memory_space<vmem>> -> memref<128xi32, #tpu.memory_space<vmem>>
        %dma_start3A_613 = arith.constant 0 : i32
        %dma_start3A_614 = arith.constant 0 : i32
        %dma_start3A_615 = tpu.memref_slice %arg10[%dma_start3A_613, %dma_start3A_614] : memref<10240x128xf32, #tpu.memory_space<vmem_shared>> -> memref<10240x128xf32, #tpu.memory_space<vmem_shared>>
        tpu.enqueue_indirect_dma source(%arg8 : memref<128x128xf32, #tpu.memory_space<vmem>>) target(%dma_start3A_615 : memref<10240x128xf32, #tpu.memory_space<vmem_shared>>) offsets(%dma_start3A_612 : memref<128xi32, #tpu.memory_space<vmem>>) semaphore(%run_scoped3A_609 : memref<!tpu.dma_semaphore, #tpu.memory_space<semaphore_mem>>) {add = true}
        %dma_wait3A_616 = arith.constant 0 : i32
        %dma_wait3A_617 = tpu.memref_slice %arg7[%run_scoped3A_390, %dma_wait3A_616] : memref<40x128xi32, #tpu.memory_space<vmem>> -> memref<1x128xi32, #tpu.memory_space<vmem>>
        %dma_wait3A_618 = tpu.memref_squeeze %dma_wait3A_617 : memref<1x128xi32, #tpu.memory_space<vmem>> -> memref<128xi32, #tpu.memory_space<vmem>>
        %dma_wait3A_619 = arith.constant 0 : i32
        %dma_wait3A_620 = arith.constant 0 : i32
        %dma_wait3A_621 = tpu.memref_slice %arg10[%dma_wait3A_619, %dma_wait3A_620] : memref<10240x128xf32, #tpu.memory_space<vmem_shared>> -> memref<10240x128xf32, #tpu.memory_space<vmem_shared>>
        tpu.wait_indirect_dma semaphore(%run_scoped3A_609 : memref<!tpu.dma_semaphore, #tpu.memory_space<semaphore_mem>>) src(%arg8 : memref<128x128xf32, #tpu.memory_space<vmem>>) dst(%dma_wait3A_621 : memref<10240x128xf32, #tpu.memory_space<vmem_shared>>)
        tpu.yield
      }) : () -> ()
      %dma_start3A_391 = arith.constant 26 : i32
      %dma_start3A_392 = arith.constant 0 : i32
      %dma_start3A_393 = tpu.memref_slice %arg6[%dma_start3A_391, %dma_start3A_392] : memref<40x128xi32, #tpu.memory_space<vmem>> -> memref<1x128xi32, #tpu.memory_space<vmem>>
      %dma_start3A_394 = tpu.memref_squeeze %dma_start3A_393 : memref<1x128xi32, #tpu.memory_space<vmem>> -> memref<128xi32, #tpu.memory_space<vmem>>
      %dma_start3A_395 = arith.constant 0 : i32
      %dma_start3A_396 = arith.constant 0 : i32
      %dma_start3A_397 = tpu.memref_slice %arg2[%dma_start3A_395, %dma_start3A_396] : memref<10240x128xf32, #tpu.memory_space<hbm>> -> memref<10240x128xf32, #tpu.memory_space<hbm>>
      tpu.enqueue_indirect_dma source(%dma_start3A_397 : memref<10240x128xf32, #tpu.memory_space<hbm>>) target(%arg8 : memref<128x128xf32, #tpu.memory_space<vmem>>) offsets(%dma_start3A_394 : memref<128xi32, #tpu.memory_space<vmem>>) semaphore(%arg11 : memref<!tpu.dma_semaphore, #tpu.memory_space<semaphore_mem>>)
      %dma_wait3A_398 = arith.constant 25 : i32
      %dma_wait3A_399 = arith.constant 0 : i32
      %dma_wait3A_400 = tpu.memref_slice %arg6[%dma_wait3A_398, %dma_wait3A_399] : memref<40x128xi32, #tpu.memory_space<vmem>> -> memref<1x128xi32, #tpu.memory_space<vmem>>
      %dma_wait3A_401 = tpu.memref_squeeze %dma_wait3A_400 : memref<1x128xi32, #tpu.memory_space<vmem>> -> memref<128xi32, #tpu.memory_space<vmem>>
      %dma_wait3A_402 = arith.constant 0 : i32
      %dma_wait3A_403 = arith.constant 0 : i32
      %dma_wait3A_404 = tpu.memref_slice %arg2[%dma_wait3A_402, %dma_wait3A_403] : memref<10240x128xf32, #tpu.memory_space<hbm>> -> memref<10240x128xf32, #tpu.memory_space<hbm>>
      tpu.wait_indirect_dma semaphore(%arg12 : memref<!tpu.dma_semaphore, #tpu.memory_space<semaphore_mem>>) src(%dma_wait3A_404 : memref<10240x128xf32, #tpu.memory_space<hbm>>) dst(%arg9 : memref<128x128xf32, #tpu.memory_space<vmem>>)
      %run_scoped3A_405 = arith.constant 25 : i32
      "tpu.region"() ({
        %run_scoped3A_609 = tpu.sem_alloc : memref<!tpu.dma_semaphore, #tpu.memory_space<semaphore_mem>>
        %dma_start3A_610 = arith.constant 0 : i32
        %dma_start3A_611 = tpu.memref_slice %arg7[%run_scoped3A_405, %dma_start3A_610] : memref<40x128xi32, #tpu.memory_space<vmem>> -> memref<1x128xi32, #tpu.memory_space<vmem>>
        %dma_start3A_612 = tpu.memref_squeeze %dma_start3A_611 : memref<1x128xi32, #tpu.memory_space<vmem>> -> memref<128xi32, #tpu.memory_space<vmem>>
        %dma_start3A_613 = arith.constant 0 : i32
        %dma_start3A_614 = arith.constant 0 : i32
        %dma_start3A_615 = tpu.memref_slice %arg10[%dma_start3A_613, %dma_start3A_614] : memref<10240x128xf32, #tpu.memory_space<vmem_shared>> -> memref<10240x128xf32, #tpu.memory_space<vmem_shared>>
        tpu.enqueue_indirect_dma source(%arg9 : memref<128x128xf32, #tpu.memory_space<vmem>>) target(%dma_start3A_615 : memref<10240x128xf32, #tpu.memory_space<vmem_shared>>) offsets(%dma_start3A_612 : memref<128xi32, #tpu.memory_space<vmem>>) semaphore(%run_scoped3A_609 : memref<!tpu.dma_semaphore, #tpu.memory_space<semaphore_mem>>) {add = true}
        %dma_wait3A_616 = arith.constant 0 : i32
        %dma_wait3A_617 = tpu.memref_slice %arg7[%run_scoped3A_405, %dma_wait3A_616] : memref<40x128xi32, #tpu.memory_space<vmem>> -> memref<1x128xi32, #tpu.memory_space<vmem>>
        %dma_wait3A_618 = tpu.memref_squeeze %dma_wait3A_617 : memref<1x128xi32, #tpu.memory_space<vmem>> -> memref<128xi32, #tpu.memory_space<vmem>>
        %dma_wait3A_619 = arith.constant 0 : i32
        %dma_wait3A_620 = arith.constant 0 : i32
        %dma_wait3A_621 = tpu.memref_slice %arg10[%dma_wait3A_619, %dma_wait3A_620] : memref<10240x128xf32, #tpu.memory_space<vmem_shared>> -> memref<10240x128xf32, #tpu.memory_space<vmem_shared>>
        tpu.wait_indirect_dma semaphore(%run_scoped3A_609 : memref<!tpu.dma_semaphore, #tpu.memory_space<semaphore_mem>>) src(%arg9 : memref<128x128xf32, #tpu.memory_space<vmem>>) dst(%dma_wait3A_621 : memref<10240x128xf32, #tpu.memory_space<vmem_shared>>)
        tpu.yield
      }) : () -> ()
      %dma_start3A_406 = arith.constant 27 : i32
      %dma_start3A_407 = arith.constant 0 : i32
      %dma_start3A_408 = tpu.memref_slice %arg6[%dma_start3A_406, %dma_start3A_407] : memref<40x128xi32, #tpu.memory_space<vmem>> -> memref<1x128xi32, #tpu.memory_space<vmem>>
      %dma_start3A_409 = tpu.memref_squeeze %dma_start3A_408 : memref<1x128xi32, #tpu.memory_space<vmem>> -> memref<128xi32, #tpu.memory_space<vmem>>
      %dma_start3A_410 = arith.constant 0 : i32
      %dma_start3A_411 = arith.constant 0 : i32
      %dma_start3A_412 = tpu.memref_slice %arg2[%dma_start3A_410, %dma_start3A_411] : memref<10240x128xf32, #tpu.memory_space<hbm>> -> memref<10240x128xf32, #tpu.memory_space<hbm>>
      tpu.enqueue_indirect_dma source(%dma_start3A_412 : memref<10240x128xf32, #tpu.memory_space<hbm>>) target(%arg9 : memref<128x128xf32, #tpu.memory_space<vmem>>) offsets(%dma_start3A_409 : memref<128xi32, #tpu.memory_space<vmem>>) semaphore(%arg12 : memref<!tpu.dma_semaphore, #tpu.memory_space<semaphore_mem>>)
      %dma_wait3A_413 = arith.constant 26 : i32
      %dma_wait3A_414 = arith.constant 0 : i32
      %dma_wait3A_415 = tpu.memref_slice %arg6[%dma_wait3A_413, %dma_wait3A_414] : memref<40x128xi32, #tpu.memory_space<vmem>> -> memref<1x128xi32, #tpu.memory_space<vmem>>
      %dma_wait3A_416 = tpu.memref_squeeze %dma_wait3A_415 : memref<1x128xi32, #tpu.memory_space<vmem>> -> memref<128xi32, #tpu.memory_space<vmem>>
      %dma_wait3A_417 = arith.constant 0 : i32
      %dma_wait3A_418 = arith.constant 0 : i32
      %dma_wait3A_419 = tpu.memref_slice %arg2[%dma_wait3A_417, %dma_wait3A_418] : memref<10240x128xf32, #tpu.memory_space<hbm>> -> memref<10240x128xf32, #tpu.memory_space<hbm>>
      tpu.wait_indirect_dma semaphore(%arg11 : memref<!tpu.dma_semaphore, #tpu.memory_space<semaphore_mem>>) src(%dma_wait3A_419 : memref<10240x128xf32, #tpu.memory_space<hbm>>) dst(%arg8 : memref<128x128xf32, #tpu.memory_space<vmem>>)
      %run_scoped3A_420 = arith.constant 26 : i32
      "tpu.region"() ({
        %run_scoped3A_609 = tpu.sem_alloc : memref<!tpu.dma_semaphore, #tpu.memory_space<semaphore_mem>>
        %dma_start3A_610 = arith.constant 0 : i32
        %dma_start3A_611 = tpu.memref_slice %arg7[%run_scoped3A_420, %dma_start3A_610] : memref<40x128xi32, #tpu.memory_space<vmem>> -> memref<1x128xi32, #tpu.memory_space<vmem>>
        %dma_start3A_612 = tpu.memref_squeeze %dma_start3A_611 : memref<1x128xi32, #tpu.memory_space<vmem>> -> memref<128xi32, #tpu.memory_space<vmem>>
        %dma_start3A_613 = arith.constant 0 : i32
        %dma_start3A_614 = arith.constant 0 : i32
        %dma_start3A_615 = tpu.memref_slice %arg10[%dma_start3A_613, %dma_start3A_614] : memref<10240x128xf32, #tpu.memory_space<vmem_shared>> -> memref<10240x128xf32, #tpu.memory_space<vmem_shared>>
        tpu.enqueue_indirect_dma source(%arg8 : memref<128x128xf32, #tpu.memory_space<vmem>>) target(%dma_start3A_615 : memref<10240x128xf32, #tpu.memory_space<vmem_shared>>) offsets(%dma_start3A_612 : memref<128xi32, #tpu.memory_space<vmem>>) semaphore(%run_scoped3A_609 : memref<!tpu.dma_semaphore, #tpu.memory_space<semaphore_mem>>) {add = true}
        %dma_wait3A_616 = arith.constant 0 : i32
        %dma_wait3A_617 = tpu.memref_slice %arg7[%run_scoped3A_420, %dma_wait3A_616] : memref<40x128xi32, #tpu.memory_space<vmem>> -> memref<1x128xi32, #tpu.memory_space<vmem>>
        %dma_wait3A_618 = tpu.memref_squeeze %dma_wait3A_617 : memref<1x128xi32, #tpu.memory_space<vmem>> -> memref<128xi32, #tpu.memory_space<vmem>>
        %dma_wait3A_619 = arith.constant 0 : i32
        %dma_wait3A_620 = arith.constant 0 : i32
        %dma_wait3A_621 = tpu.memref_slice %arg10[%dma_wait3A_619, %dma_wait3A_620] : memref<10240x128xf32, #tpu.memory_space<vmem_shared>> -> memref<10240x128xf32, #tpu.memory_space<vmem_shared>>
        tpu.wait_indirect_dma semaphore(%run_scoped3A_609 : memref<!tpu.dma_semaphore, #tpu.memory_space<semaphore_mem>>) src(%arg8 : memref<128x128xf32, #tpu.memory_space<vmem>>) dst(%dma_wait3A_621 : memref<10240x128xf32, #tpu.memory_space<vmem_shared>>)
        tpu.yield
      }) : () -> ()
      %dma_start3A_421 = arith.constant 28 : i32
      %dma_start3A_422 = arith.constant 0 : i32
      %dma_start3A_423 = tpu.memref_slice %arg6[%dma_start3A_421, %dma_start3A_422] : memref<40x128xi32, #tpu.memory_space<vmem>> -> memref<1x128xi32, #tpu.memory_space<vmem>>
      %dma_start3A_424 = tpu.memref_squeeze %dma_start3A_423 : memref<1x128xi32, #tpu.memory_space<vmem>> -> memref<128xi32, #tpu.memory_space<vmem>>
      %dma_start3A_425 = arith.constant 0 : i32
      %dma_start3A_426 = arith.constant 0 : i32
      %dma_start3A_427 = tpu.memref_slice %arg2[%dma_start3A_425, %dma_start3A_426] : memref<10240x128xf32, #tpu.memory_space<hbm>> -> memref<10240x128xf32, #tpu.memory_space<hbm>>
      tpu.enqueue_indirect_dma source(%dma_start3A_427 : memref<10240x128xf32, #tpu.memory_space<hbm>>) target(%arg8 : memref<128x128xf32, #tpu.memory_space<vmem>>) offsets(%dma_start3A_424 : memref<128xi32, #tpu.memory_space<vmem>>) semaphore(%arg11 : memref<!tpu.dma_semaphore, #tpu.memory_space<semaphore_mem>>)
      %dma_wait3A_428 = arith.constant 27 : i32
      %dma_wait3A_429 = arith.constant 0 : i32
      %dma_wait3A_430 = tpu.memref_slice %arg6[%dma_wait3A_428, %dma_wait3A_429] : memref<40x128xi32, #tpu.memory_space<vmem>> -> memref<1x128xi32, #tpu.memory_space<vmem>>
      %dma_wait3A_431 = tpu.memref_squeeze %dma_wait3A_430 : memref<1x128xi32, #tpu.memory_space<vmem>> -> memref<128xi32, #tpu.memory_space<vmem>>
      %dma_wait3A_432 = arith.constant 0 : i32
      %dma_wait3A_433 = arith.constant 0 : i32
      %dma_wait3A_434 = tpu.memref_slice %arg2[%dma_wait3A_432, %dma_wait3A_433] : memref<10240x128xf32, #tpu.memory_space<hbm>> -> memref<10240x128xf32, #tpu.memory_space<hbm>>
      tpu.wait_indirect_dma semaphore(%arg12 : memref<!tpu.dma_semaphore, #tpu.memory_space<semaphore_mem>>) src(%dma_wait3A_434 : memref<10240x128xf32, #tpu.memory_space<hbm>>) dst(%arg9 : memref<128x128xf32, #tpu.memory_space<vmem>>)
      %run_scoped3A_435 = arith.constant 27 : i32
      "tpu.region"() ({
        %run_scoped3A_609 = tpu.sem_alloc : memref<!tpu.dma_semaphore, #tpu.memory_space<semaphore_mem>>
        %dma_start3A_610 = arith.constant 0 : i32
        %dma_start3A_611 = tpu.memref_slice %arg7[%run_scoped3A_435, %dma_start3A_610] : memref<40x128xi32, #tpu.memory_space<vmem>> -> memref<1x128xi32, #tpu.memory_space<vmem>>
        %dma_start3A_612 = tpu.memref_squeeze %dma_start3A_611 : memref<1x128xi32, #tpu.memory_space<vmem>> -> memref<128xi32, #tpu.memory_space<vmem>>
        %dma_start3A_613 = arith.constant 0 : i32
        %dma_start3A_614 = arith.constant 0 : i32
        %dma_start3A_615 = tpu.memref_slice %arg10[%dma_start3A_613, %dma_start3A_614] : memref<10240x128xf32, #tpu.memory_space<vmem_shared>> -> memref<10240x128xf32, #tpu.memory_space<vmem_shared>>
        tpu.enqueue_indirect_dma source(%arg9 : memref<128x128xf32, #tpu.memory_space<vmem>>) target(%dma_start3A_615 : memref<10240x128xf32, #tpu.memory_space<vmem_shared>>) offsets(%dma_start3A_612 : memref<128xi32, #tpu.memory_space<vmem>>) semaphore(%run_scoped3A_609 : memref<!tpu.dma_semaphore, #tpu.memory_space<semaphore_mem>>) {add = true}
        %dma_wait3A_616 = arith.constant 0 : i32
        %dma_wait3A_617 = tpu.memref_slice %arg7[%run_scoped3A_435, %dma_wait3A_616] : memref<40x128xi32, #tpu.memory_space<vmem>> -> memref<1x128xi32, #tpu.memory_space<vmem>>
        %dma_wait3A_618 = tpu.memref_squeeze %dma_wait3A_617 : memref<1x128xi32, #tpu.memory_space<vmem>> -> memref<128xi32, #tpu.memory_space<vmem>>
        %dma_wait3A_619 = arith.constant 0 : i32
        %dma_wait3A_620 = arith.constant 0 : i32
        %dma_wait3A_621 = tpu.memref_slice %arg10[%dma_wait3A_619, %dma_wait3A_620] : memref<10240x128xf32, #tpu.memory_space<vmem_shared>> -> memref<10240x128xf32, #tpu.memory_space<vmem_shared>>
        tpu.wait_indirect_dma semaphore(%run_scoped3A_609 : memref<!tpu.dma_semaphore, #tpu.memory_space<semaphore_mem>>) src(%arg9 : memref<128x128xf32, #tpu.memory_space<vmem>>) dst(%dma_wait3A_621 : memref<10240x128xf32, #tpu.memory_space<vmem_shared>>)
        tpu.yield
      }) : () -> ()
      %dma_start3A_436 = arith.constant 29 : i32
      %dma_start3A_437 = arith.constant 0 : i32
      %dma_start3A_438 = tpu.memref_slice %arg6[%dma_start3A_436, %dma_start3A_437] : memref<40x128xi32, #tpu.memory_space<vmem>> -> memref<1x128xi32, #tpu.memory_space<vmem>>
      %dma_start3A_439 = tpu.memref_squeeze %dma_start3A_438 : memref<1x128xi32, #tpu.memory_space<vmem>> -> memref<128xi32, #tpu.memory_space<vmem>>
      %dma_start3A_440 = arith.constant 0 : i32
      %dma_start3A_441 = arith.constant 0 : i32
      %dma_start3A_442 = tpu.memref_slice %arg2[%dma_start3A_440, %dma_start3A_441] : memref<10240x128xf32, #tpu.memory_space<hbm>> -> memref<10240x128xf32, #tpu.memory_space<hbm>>
      tpu.enqueue_indirect_dma source(%dma_start3A_442 : memref<10240x128xf32, #tpu.memory_space<hbm>>) target(%arg9 : memref<128x128xf32, #tpu.memory_space<vmem>>) offsets(%dma_start3A_439 : memref<128xi32, #tpu.memory_space<vmem>>) semaphore(%arg12 : memref<!tpu.dma_semaphore, #tpu.memory_space<semaphore_mem>>)
      %dma_wait3A_443 = arith.constant 28 : i32
      %dma_wait3A_444 = arith.constant 0 : i32
      %dma_wait3A_445 = tpu.memref_slice %arg6[%dma_wait3A_443, %dma_wait3A_444] : memref<40x128xi32, #tpu.memory_space<vmem>> -> memref<1x128xi32, #tpu.memory_space<vmem>>
      %dma_wait3A_446 = tpu.memref_squeeze %dma_wait3A_445 : memref<1x128xi32, #tpu.memory_space<vmem>> -> memref<128xi32, #tpu.memory_space<vmem>>
      %dma_wait3A_447 = arith.constant 0 : i32
      %dma_wait3A_448 = arith.constant 0 : i32
      %dma_wait3A_449 = tpu.memref_slice %arg2[%dma_wait3A_447, %dma_wait3A_448] : memref<10240x128xf32, #tpu.memory_space<hbm>> -> memref<10240x128xf32, #tpu.memory_space<hbm>>
      tpu.wait_indirect_dma semaphore(%arg11 : memref<!tpu.dma_semaphore, #tpu.memory_space<semaphore_mem>>) src(%dma_wait3A_449 : memref<10240x128xf32, #tpu.memory_space<hbm>>) dst(%arg8 : memref<128x128xf32, #tpu.memory_space<vmem>>)
      %run_scoped3A_450 = arith.constant 28 : i32
      "tpu.region"() ({
        %run_scoped3A_609 = tpu.sem_alloc : memref<!tpu.dma_semaphore, #tpu.memory_space<semaphore_mem>>
        %dma_start3A_610 = arith.constant 0 : i32
        %dma_start3A_611 = tpu.memref_slice %arg7[%run_scoped3A_450, %dma_start3A_610] : memref<40x128xi32, #tpu.memory_space<vmem>> -> memref<1x128xi32, #tpu.memory_space<vmem>>
        %dma_start3A_612 = tpu.memref_squeeze %dma_start3A_611 : memref<1x128xi32, #tpu.memory_space<vmem>> -> memref<128xi32, #tpu.memory_space<vmem>>
        %dma_start3A_613 = arith.constant 0 : i32
        %dma_start3A_614 = arith.constant 0 : i32
        %dma_start3A_615 = tpu.memref_slice %arg10[%dma_start3A_613, %dma_start3A_614] : memref<10240x128xf32, #tpu.memory_space<vmem_shared>> -> memref<10240x128xf32, #tpu.memory_space<vmem_shared>>
        tpu.enqueue_indirect_dma source(%arg8 : memref<128x128xf32, #tpu.memory_space<vmem>>) target(%dma_start3A_615 : memref<10240x128xf32, #tpu.memory_space<vmem_shared>>) offsets(%dma_start3A_612 : memref<128xi32, #tpu.memory_space<vmem>>) semaphore(%run_scoped3A_609 : memref<!tpu.dma_semaphore, #tpu.memory_space<semaphore_mem>>) {add = true}
        %dma_wait3A_616 = arith.constant 0 : i32
        %dma_wait3A_617 = tpu.memref_slice %arg7[%run_scoped3A_450, %dma_wait3A_616] : memref<40x128xi32, #tpu.memory_space<vmem>> -> memref<1x128xi32, #tpu.memory_space<vmem>>
        %dma_wait3A_618 = tpu.memref_squeeze %dma_wait3A_617 : memref<1x128xi32, #tpu.memory_space<vmem>> -> memref<128xi32, #tpu.memory_space<vmem>>
        %dma_wait3A_619 = arith.constant 0 : i32
        %dma_wait3A_620 = arith.constant 0 : i32
        %dma_wait3A_621 = tpu.memref_slice %arg10[%dma_wait3A_619, %dma_wait3A_620] : memref<10240x128xf32, #tpu.memory_space<vmem_shared>> -> memref<10240x128xf32, #tpu.memory_space<vmem_shared>>
        tpu.wait_indirect_dma semaphore(%run_scoped3A_609 : memref<!tpu.dma_semaphore, #tpu.memory_space<semaphore_mem>>) src(%arg8 : memref<128x128xf32, #tpu.memory_space<vmem>>) dst(%dma_wait3A_621 : memref<10240x128xf32, #tpu.memory_space<vmem_shared>>)
        tpu.yield
      }) : () -> ()
      %dma_start3A_451 = arith.constant 30 : i32
      %dma_start3A_452 = arith.constant 0 : i32
      %dma_start3A_453 = tpu.memref_slice %arg6[%dma_start3A_451, %dma_start3A_452] : memref<40x128xi32, #tpu.memory_space<vmem>> -> memref<1x128xi32, #tpu.memory_space<vmem>>
      %dma_start3A_454 = tpu.memref_squeeze %dma_start3A_453 : memref<1x128xi32, #tpu.memory_space<vmem>> -> memref<128xi32, #tpu.memory_space<vmem>>
      %dma_start3A_455 = arith.constant 0 : i32
      %dma_start3A_456 = arith.constant 0 : i32
      %dma_start3A_457 = tpu.memref_slice %arg2[%dma_start3A_455, %dma_start3A_456] : memref<10240x128xf32, #tpu.memory_space<hbm>> -> memref<10240x128xf32, #tpu.memory_space<hbm>>
      tpu.enqueue_indirect_dma source(%dma_start3A_457 : memref<10240x128xf32, #tpu.memory_space<hbm>>) target(%arg8 : memref<128x128xf32, #tpu.memory_space<vmem>>) offsets(%dma_start3A_454 : memref<128xi32, #tpu.memory_space<vmem>>) semaphore(%arg11 : memref<!tpu.dma_semaphore, #tpu.memory_space<semaphore_mem>>)
      %dma_wait3A_458 = arith.constant 29 : i32
      %dma_wait3A_459 = arith.constant 0 : i32
      %dma_wait3A_460 = tpu.memref_slice %arg6[%dma_wait3A_458, %dma_wait3A_459] : memref<40x128xi32, #tpu.memory_space<vmem>> -> memref<1x128xi32, #tpu.memory_space<vmem>>
      %dma_wait3A_461 = tpu.memref_squeeze %dma_wait3A_460 : memref<1x128xi32, #tpu.memory_space<vmem>> -> memref<128xi32, #tpu.memory_space<vmem>>
      %dma_wait3A_462 = arith.constant 0 : i32
      %dma_wait3A_463 = arith.constant 0 : i32
      %dma_wait3A_464 = tpu.memref_slice %arg2[%dma_wait3A_462, %dma_wait3A_463] : memref<10240x128xf32, #tpu.memory_space<hbm>> -> memref<10240x128xf32, #tpu.memory_space<hbm>>
      tpu.wait_indirect_dma semaphore(%arg12 : memref<!tpu.dma_semaphore, #tpu.memory_space<semaphore_mem>>) src(%dma_wait3A_464 : memref<10240x128xf32, #tpu.memory_space<hbm>>) dst(%arg9 : memref<128x128xf32, #tpu.memory_space<vmem>>)
      %run_scoped3A_465 = arith.constant 29 : i32
      "tpu.region"() ({
        %run_scoped3A_609 = tpu.sem_alloc : memref<!tpu.dma_semaphore, #tpu.memory_space<semaphore_mem>>
        %dma_start3A_610 = arith.constant 0 : i32
        %dma_start3A_611 = tpu.memref_slice %arg7[%run_scoped3A_465, %dma_start3A_610] : memref<40x128xi32, #tpu.memory_space<vmem>> -> memref<1x128xi32, #tpu.memory_space<vmem>>
        %dma_start3A_612 = tpu.memref_squeeze %dma_start3A_611 : memref<1x128xi32, #tpu.memory_space<vmem>> -> memref<128xi32, #tpu.memory_space<vmem>>
        %dma_start3A_613 = arith.constant 0 : i32
        %dma_start3A_614 = arith.constant 0 : i32
        %dma_start3A_615 = tpu.memref_slice %arg10[%dma_start3A_613, %dma_start3A_614] : memref<10240x128xf32, #tpu.memory_space<vmem_shared>> -> memref<10240x128xf32, #tpu.memory_space<vmem_shared>>
        tpu.enqueue_indirect_dma source(%arg9 : memref<128x128xf32, #tpu.memory_space<vmem>>) target(%dma_start3A_615 : memref<10240x128xf32, #tpu.memory_space<vmem_shared>>) offsets(%dma_start3A_612 : memref<128xi32, #tpu.memory_space<vmem>>) semaphore(%run_scoped3A_609 : memref<!tpu.dma_semaphore, #tpu.memory_space<semaphore_mem>>) {add = true}
        %dma_wait3A_616 = arith.constant 0 : i32
        %dma_wait3A_617 = tpu.memref_slice %arg7[%run_scoped3A_465, %dma_wait3A_616] : memref<40x128xi32, #tpu.memory_space<vmem>> -> memref<1x128xi32, #tpu.memory_space<vmem>>
        %dma_wait3A_618 = tpu.memref_squeeze %dma_wait3A_617 : memref<1x128xi32, #tpu.memory_space<vmem>> -> memref<128xi32, #tpu.memory_space<vmem>>
        %dma_wait3A_619 = arith.constant 0 : i32
        %dma_wait3A_620 = arith.constant 0 : i32
        %dma_wait3A_621 = tpu.memref_slice %arg10[%dma_wait3A_619, %dma_wait3A_620] : memref<10240x128xf32, #tpu.memory_space<vmem_shared>> -> memref<10240x128xf32, #tpu.memory_space<vmem_shared>>
        tpu.wait_indirect_dma semaphore(%run_scoped3A_609 : memref<!tpu.dma_semaphore, #tpu.memory_space<semaphore_mem>>) src(%arg9 : memref<128x128xf32, #tpu.memory_space<vmem>>) dst(%dma_wait3A_621 : memref<10240x128xf32, #tpu.memory_space<vmem_shared>>)
        tpu.yield
      }) : () -> ()
      %dma_start3A_466 = arith.constant 31 : i32
      %dma_start3A_467 = arith.constant 0 : i32
      %dma_start3A_468 = tpu.memref_slice %arg6[%dma_start3A_466, %dma_start3A_467] : memref<40x128xi32, #tpu.memory_space<vmem>> -> memref<1x128xi32, #tpu.memory_space<vmem>>
      %dma_start3A_469 = tpu.memref_squeeze %dma_start3A_468 : memref<1x128xi32, #tpu.memory_space<vmem>> -> memref<128xi32, #tpu.memory_space<vmem>>
      %dma_start3A_470 = arith.constant 0 : i32
      %dma_start3A_471 = arith.constant 0 : i32
      %dma_start3A_472 = tpu.memref_slice %arg2[%dma_start3A_470, %dma_start3A_471] : memref<10240x128xf32, #tpu.memory_space<hbm>> -> memref<10240x128xf32, #tpu.memory_space<hbm>>
      tpu.enqueue_indirect_dma source(%dma_start3A_472 : memref<10240x128xf32, #tpu.memory_space<hbm>>) target(%arg9 : memref<128x128xf32, #tpu.memory_space<vmem>>) offsets(%dma_start3A_469 : memref<128xi32, #tpu.memory_space<vmem>>) semaphore(%arg12 : memref<!tpu.dma_semaphore, #tpu.memory_space<semaphore_mem>>)
      %dma_wait3A_473 = arith.constant 30 : i32
      %dma_wait3A_474 = arith.constant 0 : i32
      %dma_wait3A_475 = tpu.memref_slice %arg6[%dma_wait3A_473, %dma_wait3A_474] : memref<40x128xi32, #tpu.memory_space<vmem>> -> memref<1x128xi32, #tpu.memory_space<vmem>>
      %dma_wait3A_476 = tpu.memref_squeeze %dma_wait3A_475 : memref<1x128xi32, #tpu.memory_space<vmem>> -> memref<128xi32, #tpu.memory_space<vmem>>
      %dma_wait3A_477 = arith.constant 0 : i32
      %dma_wait3A_478 = arith.constant 0 : i32
      %dma_wait3A_479 = tpu.memref_slice %arg2[%dma_wait3A_477, %dma_wait3A_478] : memref<10240x128xf32, #tpu.memory_space<hbm>> -> memref<10240x128xf32, #tpu.memory_space<hbm>>
      tpu.wait_indirect_dma semaphore(%arg11 : memref<!tpu.dma_semaphore, #tpu.memory_space<semaphore_mem>>) src(%dma_wait3A_479 : memref<10240x128xf32, #tpu.memory_space<hbm>>) dst(%arg8 : memref<128x128xf32, #tpu.memory_space<vmem>>)
      %run_scoped3A_480 = arith.constant 30 : i32
      "tpu.region"() ({
        %run_scoped3A_609 = tpu.sem_alloc : memref<!tpu.dma_semaphore, #tpu.memory_space<semaphore_mem>>
        %dma_start3A_610 = arith.constant 0 : i32
        %dma_start3A_611 = tpu.memref_slice %arg7[%run_scoped3A_480, %dma_start3A_610] : memref<40x128xi32, #tpu.memory_space<vmem>> -> memref<1x128xi32, #tpu.memory_space<vmem>>
        %dma_start3A_612 = tpu.memref_squeeze %dma_start3A_611 : memref<1x128xi32, #tpu.memory_space<vmem>> -> memref<128xi32, #tpu.memory_space<vmem>>
        %dma_start3A_613 = arith.constant 0 : i32
        %dma_start3A_614 = arith.constant 0 : i32
        %dma_start3A_615 = tpu.memref_slice %arg10[%dma_start3A_613, %dma_start3A_614] : memref<10240x128xf32, #tpu.memory_space<vmem_shared>> -> memref<10240x128xf32, #tpu.memory_space<vmem_shared>>
        tpu.enqueue_indirect_dma source(%arg8 : memref<128x128xf32, #tpu.memory_space<vmem>>) target(%dma_start3A_615 : memref<10240x128xf32, #tpu.memory_space<vmem_shared>>) offsets(%dma_start3A_612 : memref<128xi32, #tpu.memory_space<vmem>>) semaphore(%run_scoped3A_609 : memref<!tpu.dma_semaphore, #tpu.memory_space<semaphore_mem>>) {add = true}
        %dma_wait3A_616 = arith.constant 0 : i32
        %dma_wait3A_617 = tpu.memref_slice %arg7[%run_scoped3A_480, %dma_wait3A_616] : memref<40x128xi32, #tpu.memory_space<vmem>> -> memref<1x128xi32, #tpu.memory_space<vmem>>
        %dma_wait3A_618 = tpu.memref_squeeze %dma_wait3A_617 : memref<1x128xi32, #tpu.memory_space<vmem>> -> memref<128xi32, #tpu.memory_space<vmem>>
        %dma_wait3A_619 = arith.constant 0 : i32
        %dma_wait3A_620 = arith.constant 0 : i32
        %dma_wait3A_621 = tpu.memref_slice %arg10[%dma_wait3A_619, %dma_wait3A_620] : memref<10240x128xf32, #tpu.memory_space<vmem_shared>> -> memref<10240x128xf32, #tpu.memory_space<vmem_shared>>
        tpu.wait_indirect_dma semaphore(%run_scoped3A_609 : memref<!tpu.dma_semaphore, #tpu.memory_space<semaphore_mem>>) src(%arg8 : memref<128x128xf32, #tpu.memory_space<vmem>>) dst(%dma_wait3A_621 : memref<10240x128xf32, #tpu.memory_space<vmem_shared>>)
        tpu.yield
      }) : () -> ()
      %dma_start3A_481 = arith.constant 32 : i32
      %dma_start3A_482 = arith.constant 0 : i32
      %dma_start3A_483 = tpu.memref_slice %arg6[%dma_start3A_481, %dma_start3A_482] : memref<40x128xi32, #tpu.memory_space<vmem>> -> memref<1x128xi32, #tpu.memory_space<vmem>>
      %dma_start3A_484 = tpu.memref_squeeze %dma_start3A_483 : memref<1x128xi32, #tpu.memory_space<vmem>> -> memref<128xi32, #tpu.memory_space<vmem>>
      %dma_start3A_485 = arith.constant 0 : i32
      %dma_start3A_486 = arith.constant 0 : i32
      %dma_start3A_487 = tpu.memref_slice %arg2[%dma_start3A_485, %dma_start3A_486] : memref<10240x128xf32, #tpu.memory_space<hbm>> -> memref<10240x128xf32, #tpu.memory_space<hbm>>
      tpu.enqueue_indirect_dma source(%dma_start3A_487 : memref<10240x128xf32, #tpu.memory_space<hbm>>) target(%arg8 : memref<128x128xf32, #tpu.memory_space<vmem>>) offsets(%dma_start3A_484 : memref<128xi32, #tpu.memory_space<vmem>>) semaphore(%arg11 : memref<!tpu.dma_semaphore, #tpu.memory_space<semaphore_mem>>)
      %dma_wait3A_488 = arith.constant 31 : i32
      %dma_wait3A_489 = arith.constant 0 : i32
      %dma_wait3A_490 = tpu.memref_slice %arg6[%dma_wait3A_488, %dma_wait3A_489] : memref<40x128xi32, #tpu.memory_space<vmem>> -> memref<1x128xi32, #tpu.memory_space<vmem>>
      %dma_wait3A_491 = tpu.memref_squeeze %dma_wait3A_490 : memref<1x128xi32, #tpu.memory_space<vmem>> -> memref<128xi32, #tpu.memory_space<vmem>>
      %dma_wait3A_492 = arith.constant 0 : i32
      %dma_wait3A_493 = arith.constant 0 : i32
      %dma_wait3A_494 = tpu.memref_slice %arg2[%dma_wait3A_492, %dma_wait3A_493] : memref<10240x128xf32, #tpu.memory_space<hbm>> -> memref<10240x128xf32, #tpu.memory_space<hbm>>
      tpu.wait_indirect_dma semaphore(%arg12 : memref<!tpu.dma_semaphore, #tpu.memory_space<semaphore_mem>>) src(%dma_wait3A_494 : memref<10240x128xf32, #tpu.memory_space<hbm>>) dst(%arg9 : memref<128x128xf32, #tpu.memory_space<vmem>>)
      %run_scoped3A_495 = arith.constant 31 : i32
      "tpu.region"() ({
        %run_scoped3A_609 = tpu.sem_alloc : memref<!tpu.dma_semaphore, #tpu.memory_space<semaphore_mem>>
        %dma_start3A_610 = arith.constant 0 : i32
        %dma_start3A_611 = tpu.memref_slice %arg7[%run_scoped3A_495, %dma_start3A_610] : memref<40x128xi32, #tpu.memory_space<vmem>> -> memref<1x128xi32, #tpu.memory_space<vmem>>
        %dma_start3A_612 = tpu.memref_squeeze %dma_start3A_611 : memref<1x128xi32, #tpu.memory_space<vmem>> -> memref<128xi32, #tpu.memory_space<vmem>>
        %dma_start3A_613 = arith.constant 0 : i32
        %dma_start3A_614 = arith.constant 0 : i32
        %dma_start3A_615 = tpu.memref_slice %arg10[%dma_start3A_613, %dma_start3A_614] : memref<10240x128xf32, #tpu.memory_space<vmem_shared>> -> memref<10240x128xf32, #tpu.memory_space<vmem_shared>>
        tpu.enqueue_indirect_dma source(%arg9 : memref<128x128xf32, #tpu.memory_space<vmem>>) target(%dma_start3A_615 : memref<10240x128xf32, #tpu.memory_space<vmem_shared>>) offsets(%dma_start3A_612 : memref<128xi32, #tpu.memory_space<vmem>>) semaphore(%run_scoped3A_609 : memref<!tpu.dma_semaphore, #tpu.memory_space<semaphore_mem>>) {add = true}
        %dma_wait3A_616 = arith.constant 0 : i32
        %dma_wait3A_617 = tpu.memref_slice %arg7[%run_scoped3A_495, %dma_wait3A_616] : memref<40x128xi32, #tpu.memory_space<vmem>> -> memref<1x128xi32, #tpu.memory_space<vmem>>
        %dma_wait3A_618 = tpu.memref_squeeze %dma_wait3A_617 : memref<1x128xi32, #tpu.memory_space<vmem>> -> memref<128xi32, #tpu.memory_space<vmem>>
        %dma_wait3A_619 = arith.constant 0 : i32
        %dma_wait3A_620 = arith.constant 0 : i32
        %dma_wait3A_621 = tpu.memref_slice %arg10[%dma_wait3A_619, %dma_wait3A_620] : memref<10240x128xf32, #tpu.memory_space<vmem_shared>> -> memref<10240x128xf32, #tpu.memory_space<vmem_shared>>
        tpu.wait_indirect_dma semaphore(%run_scoped3A_609 : memref<!tpu.dma_semaphore, #tpu.memory_space<semaphore_mem>>) src(%arg9 : memref<128x128xf32, #tpu.memory_space<vmem>>) dst(%dma_wait3A_621 : memref<10240x128xf32, #tpu.memory_space<vmem_shared>>)
        tpu.yield
      }) : () -> ()
      %dma_start3A_496 = arith.constant 33 : i32
      %dma_start3A_497 = arith.constant 0 : i32
      %dma_start3A_498 = tpu.memref_slice %arg6[%dma_start3A_496, %dma_start3A_497] : memref<40x128xi32, #tpu.memory_space<vmem>> -> memref<1x128xi32, #tpu.memory_space<vmem>>
      %dma_start3A_499 = tpu.memref_squeeze %dma_start3A_498 : memref<1x128xi32, #tpu.memory_space<vmem>> -> memref<128xi32, #tpu.memory_space<vmem>>
      %dma_start3A_500 = arith.constant 0 : i32
      %dma_start3A_501 = arith.constant 0 : i32
      %dma_start3A_502 = tpu.memref_slice %arg2[%dma_start3A_500, %dma_start3A_501] : memref<10240x128xf32, #tpu.memory_space<hbm>> -> memref<10240x128xf32, #tpu.memory_space<hbm>>
      tpu.enqueue_indirect_dma source(%dma_start3A_502 : memref<10240x128xf32, #tpu.memory_space<hbm>>) target(%arg9 : memref<128x128xf32, #tpu.memory_space<vmem>>) offsets(%dma_start3A_499 : memref<128xi32, #tpu.memory_space<vmem>>) semaphore(%arg12 : memref<!tpu.dma_semaphore, #tpu.memory_space<semaphore_mem>>)
      %dma_wait3A_503 = arith.constant 32 : i32
      %dma_wait3A_504 = arith.constant 0 : i32
      %dma_wait3A_505 = tpu.memref_slice %arg6[%dma_wait3A_503, %dma_wait3A_504] : memref<40x128xi32, #tpu.memory_space<vmem>> -> memref<1x128xi32, #tpu.memory_space<vmem>>
      %dma_wait3A_506 = tpu.memref_squeeze %dma_wait3A_505 : memref<1x128xi32, #tpu.memory_space<vmem>> -> memref<128xi32, #tpu.memory_space<vmem>>
      %dma_wait3A_507 = arith.constant 0 : i32
      %dma_wait3A_508 = arith.constant 0 : i32
      %dma_wait3A_509 = tpu.memref_slice %arg2[%dma_wait3A_507, %dma_wait3A_508] : memref<10240x128xf32, #tpu.memory_space<hbm>> -> memref<10240x128xf32, #tpu.memory_space<hbm>>
      tpu.wait_indirect_dma semaphore(%arg11 : memref<!tpu.dma_semaphore, #tpu.memory_space<semaphore_mem>>) src(%dma_wait3A_509 : memref<10240x128xf32, #tpu.memory_space<hbm>>) dst(%arg8 : memref<128x128xf32, #tpu.memory_space<vmem>>)
      %run_scoped3A_510 = arith.constant 32 : i32
      "tpu.region"() ({
        %run_scoped3A_609 = tpu.sem_alloc : memref<!tpu.dma_semaphore, #tpu.memory_space<semaphore_mem>>
        %dma_start3A_610 = arith.constant 0 : i32
        %dma_start3A_611 = tpu.memref_slice %arg7[%run_scoped3A_510, %dma_start3A_610] : memref<40x128xi32, #tpu.memory_space<vmem>> -> memref<1x128xi32, #tpu.memory_space<vmem>>
        %dma_start3A_612 = tpu.memref_squeeze %dma_start3A_611 : memref<1x128xi32, #tpu.memory_space<vmem>> -> memref<128xi32, #tpu.memory_space<vmem>>
        %dma_start3A_613 = arith.constant 0 : i32
        %dma_start3A_614 = arith.constant 0 : i32
        %dma_start3A_615 = tpu.memref_slice %arg10[%dma_start3A_613, %dma_start3A_614] : memref<10240x128xf32, #tpu.memory_space<vmem_shared>> -> memref<10240x128xf32, #tpu.memory_space<vmem_shared>>
        tpu.enqueue_indirect_dma source(%arg8 : memref<128x128xf32, #tpu.memory_space<vmem>>) target(%dma_start3A_615 : memref<10240x128xf32, #tpu.memory_space<vmem_shared>>) offsets(%dma_start3A_612 : memref<128xi32, #tpu.memory_space<vmem>>) semaphore(%run_scoped3A_609 : memref<!tpu.dma_semaphore, #tpu.memory_space<semaphore_mem>>) {add = true}
        %dma_wait3A_616 = arith.constant 0 : i32
        %dma_wait3A_617 = tpu.memref_slice %arg7[%run_scoped3A_510, %dma_wait3A_616] : memref<40x128xi32, #tpu.memory_space<vmem>> -> memref<1x128xi32, #tpu.memory_space<vmem>>
        %dma_wait3A_618 = tpu.memref_squeeze %dma_wait3A_617 : memref<1x128xi32, #tpu.memory_space<vmem>> -> memref<128xi32, #tpu.memory_space<vmem>>
        %dma_wait3A_619 = arith.constant 0 : i32
        %dma_wait3A_620 = arith.constant 0 : i32
        %dma_wait3A_621 = tpu.memref_slice %arg10[%dma_wait3A_619, %dma_wait3A_620] : memref<10240x128xf32, #tpu.memory_space<vmem_shared>> -> memref<10240x128xf32, #tpu.memory_space<vmem_shared>>
        tpu.wait_indirect_dma semaphore(%run_scoped3A_609 : memref<!tpu.dma_semaphore, #tpu.memory_space<semaphore_mem>>) src(%arg8 : memref<128x128xf32, #tpu.memory_space<vmem>>) dst(%dma_wait3A_621 : memref<10240x128xf32, #tpu.memory_space<vmem_shared>>)
        tpu.yield
      }) : () -> ()
      %dma_start3A_511 = arith.constant 34 : i32
      %dma_start3A_512 = arith.constant 0 : i32
      %dma_start3A_513 = tpu.memref_slice %arg6[%dma_start3A_511, %dma_start3A_512] : memref<40x128xi32, #tpu.memory_space<vmem>> -> memref<1x128xi32, #tpu.memory_space<vmem>>
      %dma_start3A_514 = tpu.memref_squeeze %dma_start3A_513 : memref<1x128xi32, #tpu.memory_space<vmem>> -> memref<128xi32, #tpu.memory_space<vmem>>
      %dma_start3A_515 = arith.constant 0 : i32
      %dma_start3A_516 = arith.constant 0 : i32
      %dma_start3A_517 = tpu.memref_slice %arg2[%dma_start3A_515, %dma_start3A_516] : memref<10240x128xf32, #tpu.memory_space<hbm>> -> memref<10240x128xf32, #tpu.memory_space<hbm>>
      tpu.enqueue_indirect_dma source(%dma_start3A_517 : memref<10240x128xf32, #tpu.memory_space<hbm>>) target(%arg8 : memref<128x128xf32, #tpu.memory_space<vmem>>) offsets(%dma_start3A_514 : memref<128xi32, #tpu.memory_space<vmem>>) semaphore(%arg11 : memref<!tpu.dma_semaphore, #tpu.memory_space<semaphore_mem>>)
      %dma_wait3A_518 = arith.constant 33 : i32
      %dma_wait3A_519 = arith.constant 0 : i32
      %dma_wait3A_520 = tpu.memref_slice %arg6[%dma_wait3A_518, %dma_wait3A_519] : memref<40x128xi32, #tpu.memory_space<vmem>> -> memref<1x128xi32, #tpu.memory_space<vmem>>
      %dma_wait3A_521 = tpu.memref_squeeze %dma_wait3A_520 : memref<1x128xi32, #tpu.memory_space<vmem>> -> memref<128xi32, #tpu.memory_space<vmem>>
      %dma_wait3A_522 = arith.constant 0 : i32
      %dma_wait3A_523 = arith.constant 0 : i32
      %dma_wait3A_524 = tpu.memref_slice %arg2[%dma_wait3A_522, %dma_wait3A_523] : memref<10240x128xf32, #tpu.memory_space<hbm>> -> memref<10240x128xf32, #tpu.memory_space<hbm>>
      tpu.wait_indirect_dma semaphore(%arg12 : memref<!tpu.dma_semaphore, #tpu.memory_space<semaphore_mem>>) src(%dma_wait3A_524 : memref<10240x128xf32, #tpu.memory_space<hbm>>) dst(%arg9 : memref<128x128xf32, #tpu.memory_space<vmem>>)
      %run_scoped3A_525 = arith.constant 33 : i32
      "tpu.region"() ({
        %run_scoped3A_609 = tpu.sem_alloc : memref<!tpu.dma_semaphore, #tpu.memory_space<semaphore_mem>>
        %dma_start3A_610 = arith.constant 0 : i32
        %dma_start3A_611 = tpu.memref_slice %arg7[%run_scoped3A_525, %dma_start3A_610] : memref<40x128xi32, #tpu.memory_space<vmem>> -> memref<1x128xi32, #tpu.memory_space<vmem>>
        %dma_start3A_612 = tpu.memref_squeeze %dma_start3A_611 : memref<1x128xi32, #tpu.memory_space<vmem>> -> memref<128xi32, #tpu.memory_space<vmem>>
        %dma_start3A_613 = arith.constant 0 : i32
        %dma_start3A_614 = arith.constant 0 : i32
        %dma_start3A_615 = tpu.memref_slice %arg10[%dma_start3A_613, %dma_start3A_614] : memref<10240x128xf32, #tpu.memory_space<vmem_shared>> -> memref<10240x128xf32, #tpu.memory_space<vmem_shared>>
        tpu.enqueue_indirect_dma source(%arg9 : memref<128x128xf32, #tpu.memory_space<vmem>>) target(%dma_start3A_615 : memref<10240x128xf32, #tpu.memory_space<vmem_shared>>) offsets(%dma_start3A_612 : memref<128xi32, #tpu.memory_space<vmem>>) semaphore(%run_scoped3A_609 : memref<!tpu.dma_semaphore, #tpu.memory_space<semaphore_mem>>) {add = true}
        %dma_wait3A_616 = arith.constant 0 : i32
        %dma_wait3A_617 = tpu.memref_slice %arg7[%run_scoped3A_525, %dma_wait3A_616] : memref<40x128xi32, #tpu.memory_space<vmem>> -> memref<1x128xi32, #tpu.memory_space<vmem>>
        %dma_wait3A_618 = tpu.memref_squeeze %dma_wait3A_617 : memref<1x128xi32, #tpu.memory_space<vmem>> -> memref<128xi32, #tpu.memory_space<vmem>>
        %dma_wait3A_619 = arith.constant 0 : i32
        %dma_wait3A_620 = arith.constant 0 : i32
        %dma_wait3A_621 = tpu.memref_slice %arg10[%dma_wait3A_619, %dma_wait3A_620] : memref<10240x128xf32, #tpu.memory_space<vmem_shared>> -> memref<10240x128xf32, #tpu.memory_space<vmem_shared>>
        tpu.wait_indirect_dma semaphore(%run_scoped3A_609 : memref<!tpu.dma_semaphore, #tpu.memory_space<semaphore_mem>>) src(%arg9 : memref<128x128xf32, #tpu.memory_space<vmem>>) dst(%dma_wait3A_621 : memref<10240x128xf32, #tpu.memory_space<vmem_shared>>)
        tpu.yield
      }) : () -> ()
      %dma_start3A_526 = arith.constant 35 : i32
      %dma_start3A_527 = arith.constant 0 : i32
      %dma_start3A_528 = tpu.memref_slice %arg6[%dma_start3A_526, %dma_start3A_527] : memref<40x128xi32, #tpu.memory_space<vmem>> -> memref<1x128xi32, #tpu.memory_space<vmem>>
      %dma_start3A_529 = tpu.memref_squeeze %dma_start3A_528 : memref<1x128xi32, #tpu.memory_space<vmem>> -> memref<128xi32, #tpu.memory_space<vmem>>
      %dma_start3A_530 = arith.constant 0 : i32
      %dma_start3A_531 = arith.constant 0 : i32
      %dma_start3A_532 = tpu.memref_slice %arg2[%dma_start3A_530, %dma_start3A_531] : memref<10240x128xf32, #tpu.memory_space<hbm>> -> memref<10240x128xf32, #tpu.memory_space<hbm>>
      tpu.enqueue_indirect_dma source(%dma_start3A_532 : memref<10240x128xf32, #tpu.memory_space<hbm>>) target(%arg9 : memref<128x128xf32, #tpu.memory_space<vmem>>) offsets(%dma_start3A_529 : memref<128xi32, #tpu.memory_space<vmem>>) semaphore(%arg12 : memref<!tpu.dma_semaphore, #tpu.memory_space<semaphore_mem>>)
      %dma_wait3A_533 = arith.constant 34 : i32
      %dma_wait3A_534 = arith.constant 0 : i32
      %dma_wait3A_535 = tpu.memref_slice %arg6[%dma_wait3A_533, %dma_wait3A_534] : memref<40x128xi32, #tpu.memory_space<vmem>> -> memref<1x128xi32, #tpu.memory_space<vmem>>
      %dma_wait3A_536 = tpu.memref_squeeze %dma_wait3A_535 : memref<1x128xi32, #tpu.memory_space<vmem>> -> memref<128xi32, #tpu.memory_space<vmem>>
      %dma_wait3A_537 = arith.constant 0 : i32
      %dma_wait3A_538 = arith.constant 0 : i32
      %dma_wait3A_539 = tpu.memref_slice %arg2[%dma_wait3A_537, %dma_wait3A_538] : memref<10240x128xf32, #tpu.memory_space<hbm>> -> memref<10240x128xf32, #tpu.memory_space<hbm>>
      tpu.wait_indirect_dma semaphore(%arg11 : memref<!tpu.dma_semaphore, #tpu.memory_space<semaphore_mem>>) src(%dma_wait3A_539 : memref<10240x128xf32, #tpu.memory_space<hbm>>) dst(%arg8 : memref<128x128xf32, #tpu.memory_space<vmem>>)
      %run_scoped3A_540 = arith.constant 34 : i32
      "tpu.region"() ({
        %run_scoped3A_609 = tpu.sem_alloc : memref<!tpu.dma_semaphore, #tpu.memory_space<semaphore_mem>>
        %dma_start3A_610 = arith.constant 0 : i32
        %dma_start3A_611 = tpu.memref_slice %arg7[%run_scoped3A_540, %dma_start3A_610] : memref<40x128xi32, #tpu.memory_space<vmem>> -> memref<1x128xi32, #tpu.memory_space<vmem>>
        %dma_start3A_612 = tpu.memref_squeeze %dma_start3A_611 : memref<1x128xi32, #tpu.memory_space<vmem>> -> memref<128xi32, #tpu.memory_space<vmem>>
        %dma_start3A_613 = arith.constant 0 : i32
        %dma_start3A_614 = arith.constant 0 : i32
        %dma_start3A_615 = tpu.memref_slice %arg10[%dma_start3A_613, %dma_start3A_614] : memref<10240x128xf32, #tpu.memory_space<vmem_shared>> -> memref<10240x128xf32, #tpu.memory_space<vmem_shared>>
        tpu.enqueue_indirect_dma source(%arg8 : memref<128x128xf32, #tpu.memory_space<vmem>>) target(%dma_start3A_615 : memref<10240x128xf32, #tpu.memory_space<vmem_shared>>) offsets(%dma_start3A_612 : memref<128xi32, #tpu.memory_space<vmem>>) semaphore(%run_scoped3A_609 : memref<!tpu.dma_semaphore, #tpu.memory_space<semaphore_mem>>) {add = true}
        %dma_wait3A_616 = arith.constant 0 : i32
        %dma_wait3A_617 = tpu.memref_slice %arg7[%run_scoped3A_540, %dma_wait3A_616] : memref<40x128xi32, #tpu.memory_space<vmem>> -> memref<1x128xi32, #tpu.memory_space<vmem>>
        %dma_wait3A_618 = tpu.memref_squeeze %dma_wait3A_617 : memref<1x128xi32, #tpu.memory_space<vmem>> -> memref<128xi32, #tpu.memory_space<vmem>>
        %dma_wait3A_619 = arith.constant 0 : i32
        %dma_wait3A_620 = arith.constant 0 : i32
        %dma_wait3A_621 = tpu.memref_slice %arg10[%dma_wait3A_619, %dma_wait3A_620] : memref<10240x128xf32, #tpu.memory_space<vmem_shared>> -> memref<10240x128xf32, #tpu.memory_space<vmem_shared>>
        tpu.wait_indirect_dma semaphore(%run_scoped3A_609 : memref<!tpu.dma_semaphore, #tpu.memory_space<semaphore_mem>>) src(%arg8 : memref<128x128xf32, #tpu.memory_space<vmem>>) dst(%dma_wait3A_621 : memref<10240x128xf32, #tpu.memory_space<vmem_shared>>)
        tpu.yield
      }) : () -> ()
      %dma_start3A_541 = arith.constant 36 : i32
      %dma_start3A_542 = arith.constant 0 : i32
      %dma_start3A_543 = tpu.memref_slice %arg6[%dma_start3A_541, %dma_start3A_542] : memref<40x128xi32, #tpu.memory_space<vmem>> -> memref<1x128xi32, #tpu.memory_space<vmem>>
      %dma_start3A_544 = tpu.memref_squeeze %dma_start3A_543 : memref<1x128xi32, #tpu.memory_space<vmem>> -> memref<128xi32, #tpu.memory_space<vmem>>
      %dma_start3A_545 = arith.constant 0 : i32
      %dma_start3A_546 = arith.constant 0 : i32
      %dma_start3A_547 = tpu.memref_slice %arg2[%dma_start3A_545, %dma_start3A_546] : memref<10240x128xf32, #tpu.memory_space<hbm>> -> memref<10240x128xf32, #tpu.memory_space<hbm>>
      tpu.enqueue_indirect_dma source(%dma_start3A_547 : memref<10240x128xf32, #tpu.memory_space<hbm>>) target(%arg8 : memref<128x128xf32, #tpu.memory_space<vmem>>) offsets(%dma_start3A_544 : memref<128xi32, #tpu.memory_space<vmem>>) semaphore(%arg11 : memref<!tpu.dma_semaphore, #tpu.memory_space<semaphore_mem>>)
      %dma_wait3A_548 = arith.constant 35 : i32
      %dma_wait3A_549 = arith.constant 0 : i32
      %dma_wait3A_550 = tpu.memref_slice %arg6[%dma_wait3A_548, %dma_wait3A_549] : memref<40x128xi32, #tpu.memory_space<vmem>> -> memref<1x128xi32, #tpu.memory_space<vmem>>
      %dma_wait3A_551 = tpu.memref_squeeze %dma_wait3A_550 : memref<1x128xi32, #tpu.memory_space<vmem>> -> memref<128xi32, #tpu.memory_space<vmem>>
      %dma_wait3A_552 = arith.constant 0 : i32
      %dma_wait3A_553 = arith.constant 0 : i32
      %dma_wait3A_554 = tpu.memref_slice %arg2[%dma_wait3A_552, %dma_wait3A_553] : memref<10240x128xf32, #tpu.memory_space<hbm>> -> memref<10240x128xf32, #tpu.memory_space<hbm>>
      tpu.wait_indirect_dma semaphore(%arg12 : memref<!tpu.dma_semaphore, #tpu.memory_space<semaphore_mem>>) src(%dma_wait3A_554 : memref<10240x128xf32, #tpu.memory_space<hbm>>) dst(%arg9 : memref<128x128xf32, #tpu.memory_space<vmem>>)
      %run_scoped3A_555 = arith.constant 35 : i32
      "tpu.region"() ({
        %run_scoped3A_609 = tpu.sem_alloc : memref<!tpu.dma_semaphore, #tpu.memory_space<semaphore_mem>>
        %dma_start3A_610 = arith.constant 0 : i32
        %dma_start3A_611 = tpu.memref_slice %arg7[%run_scoped3A_555, %dma_start3A_610] : memref<40x128xi32, #tpu.memory_space<vmem>> -> memref<1x128xi32, #tpu.memory_space<vmem>>
        %dma_start3A_612 = tpu.memref_squeeze %dma_start3A_611 : memref<1x128xi32, #tpu.memory_space<vmem>> -> memref<128xi32, #tpu.memory_space<vmem>>
        %dma_start3A_613 = arith.constant 0 : i32
        %dma_start3A_614 = arith.constant 0 : i32
        %dma_start3A_615 = tpu.memref_slice %arg10[%dma_start3A_613, %dma_start3A_614] : memref<10240x128xf32, #tpu.memory_space<vmem_shared>> -> memref<10240x128xf32, #tpu.memory_space<vmem_shared>>
        tpu.enqueue_indirect_dma source(%arg9 : memref<128x128xf32, #tpu.memory_space<vmem>>) target(%dma_start3A_615 : memref<10240x128xf32, #tpu.memory_space<vmem_shared>>) offsets(%dma_start3A_612 : memref<128xi32, #tpu.memory_space<vmem>>) semaphore(%run_scoped3A_609 : memref<!tpu.dma_semaphore, #tpu.memory_space<semaphore_mem>>) {add = true}
        %dma_wait3A_616 = arith.constant 0 : i32
        %dma_wait3A_617 = tpu.memref_slice %arg7[%run_scoped3A_555, %dma_wait3A_616] : memref<40x128xi32, #tpu.memory_space<vmem>> -> memref<1x128xi32, #tpu.memory_space<vmem>>
        %dma_wait3A_618 = tpu.memref_squeeze %dma_wait3A_617 : memref<1x128xi32, #tpu.memory_space<vmem>> -> memref<128xi32, #tpu.memory_space<vmem>>
        %dma_wait3A_619 = arith.constant 0 : i32
        %dma_wait3A_620 = arith.constant 0 : i32
        %dma_wait3A_621 = tpu.memref_slice %arg10[%dma_wait3A_619, %dma_wait3A_620] : memref<10240x128xf32, #tpu.memory_space<vmem_shared>> -> memref<10240x128xf32, #tpu.memory_space<vmem_shared>>
        tpu.wait_indirect_dma semaphore(%run_scoped3A_609 : memref<!tpu.dma_semaphore, #tpu.memory_space<semaphore_mem>>) src(%arg9 : memref<128x128xf32, #tpu.memory_space<vmem>>) dst(%dma_wait3A_621 : memref<10240x128xf32, #tpu.memory_space<vmem_shared>>)
        tpu.yield
      }) : () -> ()
      %dma_start3A_556 = arith.constant 37 : i32
      %dma_start3A_557 = arith.constant 0 : i32
      %dma_start3A_558 = tpu.memref_slice %arg6[%dma_start3A_556, %dma_start3A_557] : memref<40x128xi32, #tpu.memory_space<vmem>> -> memref<1x128xi32, #tpu.memory_space<vmem>>
      %dma_start3A_559 = tpu.memref_squeeze %dma_start3A_558 : memref<1x128xi32, #tpu.memory_space<vmem>> -> memref<128xi32, #tpu.memory_space<vmem>>
      %dma_start3A_560 = arith.constant 0 : i32
      %dma_start3A_561 = arith.constant 0 : i32
      %dma_start3A_562 = tpu.memref_slice %arg2[%dma_start3A_560, %dma_start3A_561] : memref<10240x128xf32, #tpu.memory_space<hbm>> -> memref<10240x128xf32, #tpu.memory_space<hbm>>
      tpu.enqueue_indirect_dma source(%dma_start3A_562 : memref<10240x128xf32, #tpu.memory_space<hbm>>) target(%arg9 : memref<128x128xf32, #tpu.memory_space<vmem>>) offsets(%dma_start3A_559 : memref<128xi32, #tpu.memory_space<vmem>>) semaphore(%arg12 : memref<!tpu.dma_semaphore, #tpu.memory_space<semaphore_mem>>)
      %dma_wait3A_563 = arith.constant 36 : i32
      %dma_wait3A_564 = arith.constant 0 : i32
      %dma_wait3A_565 = tpu.memref_slice %arg6[%dma_wait3A_563, %dma_wait3A_564] : memref<40x128xi32, #tpu.memory_space<vmem>> -> memref<1x128xi32, #tpu.memory_space<vmem>>
      %dma_wait3A_566 = tpu.memref_squeeze %dma_wait3A_565 : memref<1x128xi32, #tpu.memory_space<vmem>> -> memref<128xi32, #tpu.memory_space<vmem>>
      %dma_wait3A_567 = arith.constant 0 : i32
      %dma_wait3A_568 = arith.constant 0 : i32
      %dma_wait3A_569 = tpu.memref_slice %arg2[%dma_wait3A_567, %dma_wait3A_568] : memref<10240x128xf32, #tpu.memory_space<hbm>> -> memref<10240x128xf32, #tpu.memory_space<hbm>>
      tpu.wait_indirect_dma semaphore(%arg11 : memref<!tpu.dma_semaphore, #tpu.memory_space<semaphore_mem>>) src(%dma_wait3A_569 : memref<10240x128xf32, #tpu.memory_space<hbm>>) dst(%arg8 : memref<128x128xf32, #tpu.memory_space<vmem>>)
      %run_scoped3A_570 = arith.constant 36 : i32
      "tpu.region"() ({
        %run_scoped3A_609 = tpu.sem_alloc : memref<!tpu.dma_semaphore, #tpu.memory_space<semaphore_mem>>
        %dma_start3A_610 = arith.constant 0 : i32
        %dma_start3A_611 = tpu.memref_slice %arg7[%run_scoped3A_570, %dma_start3A_610] : memref<40x128xi32, #tpu.memory_space<vmem>> -> memref<1x128xi32, #tpu.memory_space<vmem>>
        %dma_start3A_612 = tpu.memref_squeeze %dma_start3A_611 : memref<1x128xi32, #tpu.memory_space<vmem>> -> memref<128xi32, #tpu.memory_space<vmem>>
        %dma_start3A_613 = arith.constant 0 : i32
        %dma_start3A_614 = arith.constant 0 : i32
        %dma_start3A_615 = tpu.memref_slice %arg10[%dma_start3A_613, %dma_start3A_614] : memref<10240x128xf32, #tpu.memory_space<vmem_shared>> -> memref<10240x128xf32, #tpu.memory_space<vmem_shared>>
        tpu.enqueue_indirect_dma source(%arg8 : memref<128x128xf32, #tpu.memory_space<vmem>>) target(%dma_start3A_615 : memref<10240x128xf32, #tpu.memory_space<vmem_shared>>) offsets(%dma_start3A_612 : memref<128xi32, #tpu.memory_space<vmem>>) semaphore(%run_scoped3A_609 : memref<!tpu.dma_semaphore, #tpu.memory_space<semaphore_mem>>) {add = true}
        %dma_wait3A_616 = arith.constant 0 : i32
        %dma_wait3A_617 = tpu.memref_slice %arg7[%run_scoped3A_570, %dma_wait3A_616] : memref<40x128xi32, #tpu.memory_space<vmem>> -> memref<1x128xi32, #tpu.memory_space<vmem>>
        %dma_wait3A_618 = tpu.memref_squeeze %dma_wait3A_617 : memref<1x128xi32, #tpu.memory_space<vmem>> -> memref<128xi32, #tpu.memory_space<vmem>>
        %dma_wait3A_619 = arith.constant 0 : i32
        %dma_wait3A_620 = arith.constant 0 : i32
        %dma_wait3A_621 = tpu.memref_slice %arg10[%dma_wait3A_619, %dma_wait3A_620] : memref<10240x128xf32, #tpu.memory_space<vmem_shared>> -> memref<10240x128xf32, #tpu.memory_space<vmem_shared>>
        tpu.wait_indirect_dma semaphore(%run_scoped3A_609 : memref<!tpu.dma_semaphore, #tpu.memory_space<semaphore_mem>>) src(%arg8 : memref<128x128xf32, #tpu.memory_space<vmem>>) dst(%dma_wait3A_621 : memref<10240x128xf32, #tpu.memory_space<vmem_shared>>)
        tpu.yield
      }) : () -> ()
      %dma_start3A_571 = arith.constant 38 : i32
      %dma_start3A_572 = arith.constant 0 : i32
      %dma_start3A_573 = tpu.memref_slice %arg6[%dma_start3A_571, %dma_start3A_572] : memref<40x128xi32, #tpu.memory_space<vmem>> -> memref<1x128xi32, #tpu.memory_space<vmem>>
      %dma_start3A_574 = tpu.memref_squeeze %dma_start3A_573 : memref<1x128xi32, #tpu.memory_space<vmem>> -> memref<128xi32, #tpu.memory_space<vmem>>
      %dma_start3A_575 = arith.constant 0 : i32
      %dma_start3A_576 = arith.constant 0 : i32
      %dma_start3A_577 = tpu.memref_slice %arg2[%dma_start3A_575, %dma_start3A_576] : memref<10240x128xf32, #tpu.memory_space<hbm>> -> memref<10240x128xf32, #tpu.memory_space<hbm>>
      tpu.enqueue_indirect_dma source(%dma_start3A_577 : memref<10240x128xf32, #tpu.memory_space<hbm>>) target(%arg8 : memref<128x128xf32, #tpu.memory_space<vmem>>) offsets(%dma_start3A_574 : memref<128xi32, #tpu.memory_space<vmem>>) semaphore(%arg11 : memref<!tpu.dma_semaphore, #tpu.memory_space<semaphore_mem>>)
      %dma_wait3A_578 = arith.constant 37 : i32
      %dma_wait3A_579 = arith.constant 0 : i32
      %dma_wait3A_580 = tpu.memref_slice %arg6[%dma_wait3A_578, %dma_wait3A_579] : memref<40x128xi32, #tpu.memory_space<vmem>> -> memref<1x128xi32, #tpu.memory_space<vmem>>
      %dma_wait3A_581 = tpu.memref_squeeze %dma_wait3A_580 : memref<1x128xi32, #tpu.memory_space<vmem>> -> memref<128xi32, #tpu.memory_space<vmem>>
      %dma_wait3A_582 = arith.constant 0 : i32
      %dma_wait3A_583 = arith.constant 0 : i32
      %dma_wait3A_584 = tpu.memref_slice %arg2[%dma_wait3A_582, %dma_wait3A_583] : memref<10240x128xf32, #tpu.memory_space<hbm>> -> memref<10240x128xf32, #tpu.memory_space<hbm>>
      tpu.wait_indirect_dma semaphore(%arg12 : memref<!tpu.dma_semaphore, #tpu.memory_space<semaphore_mem>>) src(%dma_wait3A_584 : memref<10240x128xf32, #tpu.memory_space<hbm>>) dst(%arg9 : memref<128x128xf32, #tpu.memory_space<vmem>>)
      %run_scoped3A_585 = arith.constant 37 : i32
      "tpu.region"() ({
        %run_scoped3A_609 = tpu.sem_alloc : memref<!tpu.dma_semaphore, #tpu.memory_space<semaphore_mem>>
        %dma_start3A_610 = arith.constant 0 : i32
        %dma_start3A_611 = tpu.memref_slice %arg7[%run_scoped3A_585, %dma_start3A_610] : memref<40x128xi32, #tpu.memory_space<vmem>> -> memref<1x128xi32, #tpu.memory_space<vmem>>
        %dma_start3A_612 = tpu.memref_squeeze %dma_start3A_611 : memref<1x128xi32, #tpu.memory_space<vmem>> -> memref<128xi32, #tpu.memory_space<vmem>>
        %dma_start3A_613 = arith.constant 0 : i32
        %dma_start3A_614 = arith.constant 0 : i32
        %dma_start3A_615 = tpu.memref_slice %arg10[%dma_start3A_613, %dma_start3A_614] : memref<10240x128xf32, #tpu.memory_space<vmem_shared>> -> memref<10240x128xf32, #tpu.memory_space<vmem_shared>>
        tpu.enqueue_indirect_dma source(%arg9 : memref<128x128xf32, #tpu.memory_space<vmem>>) target(%dma_start3A_615 : memref<10240x128xf32, #tpu.memory_space<vmem_shared>>) offsets(%dma_start3A_612 : memref<128xi32, #tpu.memory_space<vmem>>) semaphore(%run_scoped3A_609 : memref<!tpu.dma_semaphore, #tpu.memory_space<semaphore_mem>>) {add = true}
        %dma_wait3A_616 = arith.constant 0 : i32
        %dma_wait3A_617 = tpu.memref_slice %arg7[%run_scoped3A_585, %dma_wait3A_616] : memref<40x128xi32, #tpu.memory_space<vmem>> -> memref<1x128xi32, #tpu.memory_space<vmem>>
        %dma_wait3A_618 = tpu.memref_squeeze %dma_wait3A_617 : memref<1x128xi32, #tpu.memory_space<vmem>> -> memref<128xi32, #tpu.memory_space<vmem>>
        %dma_wait3A_619 = arith.constant 0 : i32
        %dma_wait3A_620 = arith.constant 0 : i32
        %dma_wait3A_621 = tpu.memref_slice %arg10[%dma_wait3A_619, %dma_wait3A_620] : memref<10240x128xf32, #tpu.memory_space<vmem_shared>> -> memref<10240x128xf32, #tpu.memory_space<vmem_shared>>
        tpu.wait_indirect_dma semaphore(%run_scoped3A_609 : memref<!tpu.dma_semaphore, #tpu.memory_space<semaphore_mem>>) src(%arg9 : memref<128x128xf32, #tpu.memory_space<vmem>>) dst(%dma_wait3A_621 : memref<10240x128xf32, #tpu.memory_space<vmem_shared>>)
        tpu.yield
      }) : () -> ()
      %dma_start3A_586 = arith.constant 39 : i32
      %dma_start3A_587 = arith.constant 0 : i32
      %dma_start3A_588 = tpu.memref_slice %arg6[%dma_start3A_586, %dma_start3A_587] : memref<40x128xi32, #tpu.memory_space<vmem>> -> memref<1x128xi32, #tpu.memory_space<vmem>>
      %dma_start3A_589 = tpu.memref_squeeze %dma_start3A_588 : memref<1x128xi32, #tpu.memory_space<vmem>> -> memref<128xi32, #tpu.memory_space<vmem>>
      %dma_start3A_590 = arith.constant 0 : i32
      %dma_start3A_591 = arith.constant 0 : i32
      %dma_start3A_592 = tpu.memref_slice %arg2[%dma_start3A_590, %dma_start3A_591] : memref<10240x128xf32, #tpu.memory_space<hbm>> -> memref<10240x128xf32, #tpu.memory_space<hbm>>
      tpu.enqueue_indirect_dma source(%dma_start3A_592 : memref<10240x128xf32, #tpu.memory_space<hbm>>) target(%arg9 : memref<128x128xf32, #tpu.memory_space<vmem>>) offsets(%dma_start3A_589 : memref<128xi32, #tpu.memory_space<vmem>>) semaphore(%arg12 : memref<!tpu.dma_semaphore, #tpu.memory_space<semaphore_mem>>)
      %dma_wait3A_593 = arith.constant 38 : i32
      %dma_wait3A_594 = arith.constant 0 : i32
      %dma_wait3A_595 = tpu.memref_slice %arg6[%dma_wait3A_593, %dma_wait3A_594] : memref<40x128xi32, #tpu.memory_space<vmem>> -> memref<1x128xi32, #tpu.memory_space<vmem>>
      %dma_wait3A_596 = tpu.memref_squeeze %dma_wait3A_595 : memref<1x128xi32, #tpu.memory_space<vmem>> -> memref<128xi32, #tpu.memory_space<vmem>>
      %dma_wait3A_597 = arith.constant 0 : i32
      %dma_wait3A_598 = arith.constant 0 : i32
      %dma_wait3A_599 = tpu.memref_slice %arg2[%dma_wait3A_597, %dma_wait3A_598] : memref<10240x128xf32, #tpu.memory_space<hbm>> -> memref<10240x128xf32, #tpu.memory_space<hbm>>
      tpu.wait_indirect_dma semaphore(%arg11 : memref<!tpu.dma_semaphore, #tpu.memory_space<semaphore_mem>>) src(%dma_wait3A_599 : memref<10240x128xf32, #tpu.memory_space<hbm>>) dst(%arg8 : memref<128x128xf32, #tpu.memory_space<vmem>>)
      %run_scoped3A_600 = arith.constant 38 : i32
      "tpu.region"() ({
        %run_scoped3A_609 = tpu.sem_alloc : memref<!tpu.dma_semaphore, #tpu.memory_space<semaphore_mem>>
        %dma_start3A_610 = arith.constant 0 : i32
        %dma_start3A_611 = tpu.memref_slice %arg7[%run_scoped3A_600, %dma_start3A_610] : memref<40x128xi32, #tpu.memory_space<vmem>> -> memref<1x128xi32, #tpu.memory_space<vmem>>
        %dma_start3A_612 = tpu.memref_squeeze %dma_start3A_611 : memref<1x128xi32, #tpu.memory_space<vmem>> -> memref<128xi32, #tpu.memory_space<vmem>>
        %dma_start3A_613 = arith.constant 0 : i32
        %dma_start3A_614 = arith.constant 0 : i32
        %dma_start3A_615 = tpu.memref_slice %arg10[%dma_start3A_613, %dma_start3A_614] : memref<10240x128xf32, #tpu.memory_space<vmem_shared>> -> memref<10240x128xf32, #tpu.memory_space<vmem_shared>>
        tpu.enqueue_indirect_dma source(%arg8 : memref<128x128xf32, #tpu.memory_space<vmem>>) target(%dma_start3A_615 : memref<10240x128xf32, #tpu.memory_space<vmem_shared>>) offsets(%dma_start3A_612 : memref<128xi32, #tpu.memory_space<vmem>>) semaphore(%run_scoped3A_609 : memref<!tpu.dma_semaphore, #tpu.memory_space<semaphore_mem>>) {add = true}
        %dma_wait3A_616 = arith.constant 0 : i32
        %dma_wait3A_617 = tpu.memref_slice %arg7[%run_scoped3A_600, %dma_wait3A_616] : memref<40x128xi32, #tpu.memory_space<vmem>> -> memref<1x128xi32, #tpu.memory_space<vmem>>
        %dma_wait3A_618 = tpu.memref_squeeze %dma_wait3A_617 : memref<1x128xi32, #tpu.memory_space<vmem>> -> memref<128xi32, #tpu.memory_space<vmem>>
        %dma_wait3A_619 = arith.constant 0 : i32
        %dma_wait3A_620 = arith.constant 0 : i32
        %dma_wait3A_621 = tpu.memref_slice %arg10[%dma_wait3A_619, %dma_wait3A_620] : memref<10240x128xf32, #tpu.memory_space<vmem_shared>> -> memref<10240x128xf32, #tpu.memory_space<vmem_shared>>
        tpu.wait_indirect_dma semaphore(%run_scoped3A_609 : memref<!tpu.dma_semaphore, #tpu.memory_space<semaphore_mem>>) src(%arg8 : memref<128x128xf32, #tpu.memory_space<vmem>>) dst(%dma_wait3A_621 : memref<10240x128xf32, #tpu.memory_space<vmem_shared>>)
        tpu.yield
      }) : () -> ()
      %dma_wait3A_601 = arith.constant 39 : i32
      %dma_wait3A_602 = arith.constant 0 : i32
      %dma_wait3A_603 = tpu.memref_slice %arg6[%dma_wait3A_601, %dma_wait3A_602] : memref<40x128xi32, #tpu.memory_space<vmem>> -> memref<1x128xi32, #tpu.memory_space<vmem>>
      %dma_wait3A_604 = tpu.memref_squeeze %dma_wait3A_603 : memref<1x128xi32, #tpu.memory_space<vmem>> -> memref<128xi32, #tpu.memory_space<vmem>>
      %dma_wait3A_605 = arith.constant 0 : i32
      %dma_wait3A_606 = arith.constant 0 : i32
      %dma_wait3A_607 = tpu.memref_slice %arg2[%dma_wait3A_605, %dma_wait3A_606] : memref<10240x128xf32, #tpu.memory_space<hbm>> -> memref<10240x128xf32, #tpu.memory_space<hbm>>
      tpu.wait_indirect_dma semaphore(%arg12 : memref<!tpu.dma_semaphore, #tpu.memory_space<semaphore_mem>>) src(%dma_wait3A_607 : memref<10240x128xf32, #tpu.memory_space<hbm>>) dst(%arg9 : memref<128x128xf32, #tpu.memory_space<vmem>>)
      %run_scoped3A_608 = arith.constant 39 : i32
      "tpu.region"() ({
        %run_scoped3A_609 = tpu.sem_alloc : memref<!tpu.dma_semaphore, #tpu.memory_space<semaphore_mem>>
        %dma_start3A_610 = arith.constant 0 : i32
        %dma_start3A_611 = tpu.memref_slice %arg7[%run_scoped3A_608, %dma_start3A_610] : memref<40x128xi32, #tpu.memory_space<vmem>> -> memref<1x128xi32, #tpu.memory_space<vmem>>
        %dma_start3A_612 = tpu.memref_squeeze %dma_start3A_611 : memref<1x128xi32, #tpu.memory_space<vmem>> -> memref<128xi32, #tpu.memory_space<vmem>>
        %dma_start3A_613 = arith.constant 0 : i32
        %dma_start3A_614 = arith.constant 0 : i32
        %dma_start3A_615 = tpu.memref_slice %arg10[%dma_start3A_613, %dma_start3A_614] : memref<10240x128xf32, #tpu.memory_space<vmem_shared>> -> memref<10240x128xf32, #tpu.memory_space<vmem_shared>>
        tpu.enqueue_indirect_dma source(%arg9 : memref<128x128xf32, #tpu.memory_space<vmem>>) target(%dma_start3A_615 : memref<10240x128xf32, #tpu.memory_space<vmem_shared>>) offsets(%dma_start3A_612 : memref<128xi32, #tpu.memory_space<vmem>>) semaphore(%run_scoped3A_609 : memref<!tpu.dma_semaphore, #tpu.memory_space<semaphore_mem>>) {add = true}
        %dma_wait3A_616 = arith.constant 0 : i32
        %dma_wait3A_617 = tpu.memref_slice %arg7[%run_scoped3A_608, %dma_wait3A_616] : memref<40x128xi32, #tpu.memory_space<vmem>> -> memref<1x128xi32, #tpu.memory_space<vmem>>
        %dma_wait3A_618 = tpu.memref_squeeze %dma_wait3A_617 : memref<1x128xi32, #tpu.memory_space<vmem>> -> memref<128xi32, #tpu.memory_space<vmem>>
        %dma_wait3A_619 = arith.constant 0 : i32
        %dma_wait3A_620 = arith.constant 0 : i32
        %dma_wait3A_621 = tpu.memref_slice %arg10[%dma_wait3A_619, %dma_wait3A_620] : memref<10240x128xf32, #tpu.memory_space<vmem_shared>> -> memref<10240x128xf32, #tpu.memory_space<vmem_shared>>
        tpu.wait_indirect_dma semaphore(%run_scoped3A_609 : memref<!tpu.dma_semaphore, #tpu.memory_space<semaphore_mem>>) src(%arg9 : memref<128x128xf32, #tpu.memory_space<vmem>>) dst(%dma_wait3A_621 : memref<10240x128xf32, #tpu.memory_space<vmem_shared>>)
        tpu.yield
      }) : () -> ()
    }
    %scan3A_5 = arith.constant 2 : i32
    %barrier3A_6 = arith.constant 0 : index
    tpu.barrier barrier_id(%barrier3A_6)
    "tpu.region"() ({
      %run_scoped3A = tpu.sem_alloc : memref<!tpu.dma_semaphore, #tpu.memory_space<semaphore_mem>>
      %dma_start3A = arith.constant 0 : i32
      %dma_start3A_7 = arith.constant 0 : i32
      %dma_start3A_8 = tpu.memref_slice %arg5[%arg0, %dma_start3A, %dma_start3A_7] : memref<2x10240x128xf32, #tpu.memory_space<hbm>> -> memref<1x10240x128xf32, #tpu.memory_space<hbm>>
      %dma_start3A_9 = tpu.memref_squeeze %dma_start3A_8 : memref<1x10240x128xf32, #tpu.memory_space<hbm>> -> memref<10240x128xf32, #tpu.memory_space<hbm>>
      %dma_start3A_10 = arith.constant 0 : i32
      %dma_start3A_11 = tpu.memref_slice %dma_start3A_9[%mul3A_0, %dma_start3A_10] : memref<10240x128xf32, #tpu.memory_space<hbm>> -> memref<640x128xf32, #tpu.memory_space<hbm>>
      %dma_start3A_12 = arith.constant 0 : i32
      %dma_start3A_13 = tpu.memref_slice %arg10[%mul3A_0, %dma_start3A_12] : memref<10240x128xf32, #tpu.memory_space<vmem_shared>> -> memref<640x128xf32, #tpu.memory_space<vmem_shared>>
      tpu.enqueue_dma source(%dma_start3A_13 : memref<640x128xf32, #tpu.memory_space<vmem_shared>>) target(%dma_start3A_11 : memref<640x128xf32, #tpu.memory_space<hbm>>) target_semaphore(%run_scoped3A : memref<!tpu.dma_semaphore, #tpu.memory_space<semaphore_mem>>)
      %dma_wait3A = arith.constant 0 : i32
      %dma_wait3A_14 = arith.constant 0 : i32
      %dma_wait3A_15 = tpu.memref_slice %arg5[%arg0, %dma_wait3A, %dma_wait3A_14] : memref<2x10240x128xf32, #tpu.memory_space<hbm>> -> memref<1x10240x128xf32, #tpu.memory_space<hbm>>
      %dma_wait3A_16 = tpu.memref_squeeze %dma_wait3A_15 : memref<1x10240x128xf32, #tpu.memory_space<hbm>> -> memref<10240x128xf32, #tpu.memory_space<hbm>>
      %dma_wait3A_17 = arith.constant 0 : i32
      %dma_wait3A_18 = tpu.memref_slice %dma_wait3A_16[%mul3A_0, %dma_wait3A_17] : memref<10240x128xf32, #tpu.memory_space<hbm>> -> memref<640x128xf32, #tpu.memory_space<hbm>>
      %dma_wait3A_19 = arith.constant 0 : i32
      %dma_wait3A_20 = tpu.memref_slice %arg10[%mul3A_0, %dma_wait3A_19] : memref<10240x128xf32, #tpu.memory_space<vmem_shared>> -> memref<640x128xf32, #tpu.memory_space<vmem_shared>>
      tpu.wait_dma2 semaphore(%run_scoped3A : memref<!tpu.dma_semaphore, #tpu.memory_space<semaphore_mem>>) src(%dma_wait3A_20 : memref<640x128xf32, #tpu.memory_space<vmem_shared>>) dst(%dma_wait3A_18 : memref<640x128xf32, #tpu.memory_space<hbm>>)
      tpu.yield
    }) : () -> ()
    return
  }
}

#map = affine_map<(d0, d1) -> (0, 0, 0, 0)>
#map1 = affine_map<(d0, d1) -> (0, 0)>
module attributes {stable_mosaic.version = 14 : i64} {
  func.func @_deg_body(%arg0: i32, %arg1: i32, %arg2: memref<2x16x80x128xi32, #tpu.memory_space<hbm>>, %arg3: memref<2x10240xf32, #tpu.memory_space<hbm>>, %arg4: memref<80x128xi32, #tpu.memory_space<vmem>>, %arg5: memref<128xf32, #tpu.memory_space<vmem>>, %arg6: memref<640xf32, #tpu.memory_space<vmem>>, %arg7: memref<10240xf32, #tpu.memory_space<vmem_shared>>) attributes {dimension_semantics = [#tpu.dimension_semantics<core_parallel>, #tpu.dimension_semantics<subcore_parallel>], iteration_bounds = array<i64: 2, 16>, scalar_prefetch = 0 : i64, scratch_operands = 4 : i64, tpu.core_type = #tpu.core_type<sc_vector_subcore>, window_params = [{transform_indices = #map}, {transform_indices = #map1}]} {
    %mul3A = arith.constant 640 : i32
    %mul3A_0 = arith.muli %arg1, %mul3A : i32
    "tpu.region"() ({
      %run_scoped3A = tpu.sem_alloc : memref<!tpu.dma_semaphore, #tpu.memory_space<semaphore_mem>>
      %dma_start3A = arith.constant 0 : i32
      %dma_start3A_59 = arith.constant 0 : i32
      %dma_start3A_60 = arith.constant 0 : i32
      %dma_start3A_61 = tpu.memref_slice %arg2[%arg0, %dma_start3A, %dma_start3A_59, %dma_start3A_60] : memref<2x16x80x128xi32, #tpu.memory_space<hbm>> -> memref<1x16x80x128xi32, #tpu.memory_space<hbm>>
      %dma_start3A_62 = tpu.memref_squeeze %dma_start3A_61 : memref<1x16x80x128xi32, #tpu.memory_space<hbm>> -> memref<16x80x128xi32, #tpu.memory_space<hbm>>
      %dma_start3A_63 = arith.constant 0 : i32
      %dma_start3A_64 = arith.constant 0 : i32
      %dma_start3A_65 = tpu.memref_slice %dma_start3A_62[%arg1, %dma_start3A_63, %dma_start3A_64] : memref<16x80x128xi32, #tpu.memory_space<hbm>> -> memref<1x80x128xi32, #tpu.memory_space<hbm>>
      %dma_start3A_66 = tpu.memref_squeeze %dma_start3A_65 : memref<1x80x128xi32, #tpu.memory_space<hbm>> -> memref<80x128xi32, #tpu.memory_space<hbm>>
      %dma_start3A_67 = arith.constant 0 : i32
      %dma_start3A_68 = arith.constant 0 : i32
      %dma_start3A_69 = arith.constant 0 : i32
      %dma_start3A_70 = tpu.memref_slice %arg2[%arg0, %dma_start3A_67, %dma_start3A_68, %dma_start3A_69] : memref<2x16x80x128xi32, #tpu.memory_space<hbm>> -> memref<1x16x80x128xi32, #tpu.memory_space<hbm>>
      %dma_start3A_71 = tpu.memref_squeeze %dma_start3A_70 : memref<1x16x80x128xi32, #tpu.memory_space<hbm>> -> memref<16x80x128xi32, #tpu.memory_space<hbm>>
      %dma_start3A_72 = arith.constant 0 : i32
      %dma_start3A_73 = arith.constant 0 : i32
      %dma_start3A_74 = tpu.memref_slice %dma_start3A_71[%arg1, %dma_start3A_72, %dma_start3A_73] : memref<16x80x128xi32, #tpu.memory_space<hbm>> -> memref<1x80x128xi32, #tpu.memory_space<hbm>>
      %dma_start3A_75 = tpu.memref_squeeze %dma_start3A_74 : memref<1x80x128xi32, #tpu.memory_space<hbm>> -> memref<80x128xi32, #tpu.memory_space<hbm>>
      tpu.enqueue_dma source(%dma_start3A_75 : memref<80x128xi32, #tpu.memory_space<hbm>>) target(%arg4 : memref<80x128xi32, #tpu.memory_space<vmem>>) target_semaphore(%run_scoped3A : memref<!tpu.dma_semaphore, #tpu.memory_space<semaphore_mem>>)
      %dma_wait3A = arith.constant 0 : i32
      %dma_wait3A_76 = arith.constant 0 : i32
      %dma_wait3A_77 = arith.constant 0 : i32
      %dma_wait3A_78 = tpu.memref_slice %arg2[%arg0, %dma_wait3A, %dma_wait3A_76, %dma_wait3A_77] : memref<2x16x80x128xi32, #tpu.memory_space<hbm>> -> memref<1x16x80x128xi32, #tpu.memory_space<hbm>>
      %dma_wait3A_79 = tpu.memref_squeeze %dma_wait3A_78 : memref<1x16x80x128xi32, #tpu.memory_space<hbm>> -> memref<16x80x128xi32, #tpu.memory_space<hbm>>
      %dma_wait3A_80 = arith.constant 0 : i32
      %dma_wait3A_81 = arith.constant 0 : i32
      %dma_wait3A_82 = tpu.memref_slice %dma_wait3A_79[%arg1, %dma_wait3A_80, %dma_wait3A_81] : memref<16x80x128xi32, #tpu.memory_space<hbm>> -> memref<1x80x128xi32, #tpu.memory_space<hbm>>
      %dma_wait3A_83 = tpu.memref_squeeze %dma_wait3A_82 : memref<1x80x128xi32, #tpu.memory_space<hbm>> -> memref<80x128xi32, #tpu.memory_space<hbm>>
      %dma_wait3A_84 = arith.constant 0 : i32
      %dma_wait3A_85 = arith.constant 0 : i32
      %dma_wait3A_86 = arith.constant 0 : i32
      %dma_wait3A_87 = tpu.memref_slice %arg2[%arg0, %dma_wait3A_84, %dma_wait3A_85, %dma_wait3A_86] : memref<2x16x80x128xi32, #tpu.memory_space<hbm>> -> memref<1x16x80x128xi32, #tpu.memory_space<hbm>>
      %dma_wait3A_88 = tpu.memref_squeeze %dma_wait3A_87 : memref<1x16x80x128xi32, #tpu.memory_space<hbm>> -> memref<16x80x128xi32, #tpu.memory_space<hbm>>
      %dma_wait3A_89 = arith.constant 0 : i32
      %dma_wait3A_90 = arith.constant 0 : i32
      %dma_wait3A_91 = tpu.memref_slice %dma_wait3A_88[%arg1, %dma_wait3A_89, %dma_wait3A_90] : memref<16x80x128xi32, #tpu.memory_space<hbm>> -> memref<1x80x128xi32, #tpu.memory_space<hbm>>
      %dma_wait3A_92 = tpu.memref_squeeze %dma_wait3A_91 : memref<1x80x128xi32, #tpu.memory_space<hbm>> -> memref<80x128xi32, #tpu.memory_space<hbm>>
      tpu.wait_dma2 semaphore(%run_scoped3A : memref<!tpu.dma_semaphore, #tpu.memory_space<semaphore_mem>>) src(%dma_wait3A_92 : memref<80x128xi32, #tpu.memory_space<hbm>>) dst(%arg4 : memref<80x128xi32, #tpu.memory_space<vmem>>)
      tpu.yield
    }) : () -> ()
    %scan3A = arith.constant 0 : i32
    %scan3A_1 = arith.constant 0 : i32
    %scan3A_2 = arith.constant 40 : i32
    %scan3A_3 = arith.addi %scan3A_1, %scan3A_2 : i32
    %scan3A_4 = arith.constant 1 : i32
    scf.for %scan3A_59 = %scan3A_1 to %scan3A_3 step %scan3A_4  : i32 {
      %broadcast_in_dim3A_60 = arith.constant 0.000000e+00 : f32
      %broadcast_in_dim3A_61 = vector.broadcast %broadcast_in_dim3A_60 : f32 to vector<16xf32>
      %mul3A_62 = arith.constant 16 : i32
      %mul3A_63 = arith.muli %scan3A_59, %mul3A_62 : i32
      %swap3A_64 = arith.index_cast %mul3A_63 : i32 to index
      %swap3A_65 = tpu.vector_load %arg6[%swap3A_64] {strides = array<i32>} : memref<640xf32, #tpu.memory_space<vmem>>, vector<16xf32>,
      %swap3A_66 = vector.shape_cast %swap3A_65 : vector<16xf32> to vector<16xf32>
      %swap3A_67 = vector.shape_cast %broadcast_in_dim3A_61 : vector<16xf32> to vector<16xf32>
      tpu.vector_store %arg6[%swap3A_64], %swap3A_67 {strides = array<i32>} : memref<640xf32, #tpu.memory_space<vmem>>, vector<16xf32>,
    }
    %scan3A_5 = arith.constant 40 : i32
    %broadcast_in_dim3A = arith.constant 1.000000e+00 : f32
    %broadcast_in_dim3A_6 = vector.broadcast %broadcast_in_dim3A : f32 to vector<16xf32>
    %swap3A = arith.constant 0 : index
    %swap3A_7 = tpu.vector_load %arg5[%swap3A] {strides = array<i32>} : memref<128xf32, #tpu.memory_space<vmem>>, vector<16xf32>,
    %swap3A_8 = vector.shape_cast %swap3A_7 : vector<16xf32> to vector<16xf32>
    %swap3A_9 = vector.shape_cast %broadcast_in_dim3A_6 : vector<16xf32> to vector<16xf32>
    tpu.vector_store %arg5[%swap3A], %swap3A_9 {strides = array<i32>} : memref<128xf32, #tpu.memory_space<vmem>>, vector<16xf32>,
    %broadcast_in_dim3A_10 = arith.constant 1.000000e+00 : f32
    %broadcast_in_dim3A_11 = vector.broadcast %broadcast_in_dim3A_10 : f32 to vector<16xf32>
    %swap3A_12 = arith.constant 16 : index
    %swap3A_13 = tpu.vector_load %arg5[%swap3A_12] {strides = array<i32>} : memref<128xf32, #tpu.memory_space<vmem>>, vector<16xf32>,
    %swap3A_14 = vector.shape_cast %swap3A_13 : vector<16xf32> to vector<16xf32>
    %swap3A_15 = vector.shape_cast %broadcast_in_dim3A_11 : vector<16xf32> to vector<16xf32>
    tpu.vector_store %arg5[%swap3A_12], %swap3A_15 {strides = array<i32>} : memref<128xf32, #tpu.memory_space<vmem>>, vector<16xf32>,
    %broadcast_in_dim3A_16 = arith.constant 1.000000e+00 : f32
    %broadcast_in_dim3A_17 = vector.broadcast %broadcast_in_dim3A_16 : f32 to vector<16xf32>
    %swap3A_18 = arith.constant 32 : index
    %swap3A_19 = tpu.vector_load %arg5[%swap3A_18] {strides = array<i32>} : memref<128xf32, #tpu.memory_space<vmem>>, vector<16xf32>,
    %swap3A_20 = vector.shape_cast %swap3A_19 : vector<16xf32> to vector<16xf32>
    %swap3A_21 = vector.shape_cast %broadcast_in_dim3A_17 : vector<16xf32> to vector<16xf32>
    tpu.vector_store %arg5[%swap3A_18], %swap3A_21 {strides = array<i32>} : memref<128xf32, #tpu.memory_space<vmem>>, vector<16xf32>,
    %broadcast_in_dim3A_22 = arith.constant 1.000000e+00 : f32
    %broadcast_in_dim3A_23 = vector.broadcast %broadcast_in_dim3A_22 : f32 to vector<16xf32>
    %swap3A_24 = arith.constant 48 : index
    %swap3A_25 = tpu.vector_load %arg5[%swap3A_24] {strides = array<i32>} : memref<128xf32, #tpu.memory_space<vmem>>, vector<16xf32>,
    %swap3A_26 = vector.shape_cast %swap3A_25 : vector<16xf32> to vector<16xf32>
    %swap3A_27 = vector.shape_cast %broadcast_in_dim3A_23 : vector<16xf32> to vector<16xf32>
    tpu.vector_store %arg5[%swap3A_24], %swap3A_27 {strides = array<i32>} : memref<128xf32, #tpu.memory_space<vmem>>, vector<16xf32>,
    %broadcast_in_dim3A_28 = arith.constant 1.000000e+00 : f32
    %broadcast_in_dim3A_29 = vector.broadcast %broadcast_in_dim3A_28 : f32 to vector<16xf32>
    %swap3A_30 = arith.constant 64 : index
    %swap3A_31 = tpu.vector_load %arg5[%swap3A_30] {strides = array<i32>} : memref<128xf32, #tpu.memory_space<vmem>>, vector<16xf32>,
    %swap3A_32 = vector.shape_cast %swap3A_31 : vector<16xf32> to vector<16xf32>
    %swap3A_33 = vector.shape_cast %broadcast_in_dim3A_29 : vector<16xf32> to vector<16xf32>
    tpu.vector_store %arg5[%swap3A_30], %swap3A_33 {strides = array<i32>} : memref<128xf32, #tpu.memory_space<vmem>>, vector<16xf32>,
    %broadcast_in_dim3A_34 = arith.constant 1.000000e+00 : f32
    %broadcast_in_dim3A_35 = vector.broadcast %broadcast_in_dim3A_34 : f32 to vector<16xf32>
    %swap3A_36 = arith.constant 80 : index
    %swap3A_37 = tpu.vector_load %arg5[%swap3A_36] {strides = array<i32>} : memref<128xf32, #tpu.memory_space<vmem>>, vector<16xf32>,
    %swap3A_38 = vector.shape_cast %swap3A_37 : vector<16xf32> to vector<16xf32>
    %swap3A_39 = vector.shape_cast %broadcast_in_dim3A_35 : vector<16xf32> to vector<16xf32>
    tpu.vector_store %arg5[%swap3A_36], %swap3A_39 {strides = array<i32>} : memref<128xf32, #tpu.memory_space<vmem>>, vector<16xf32>,
    %broadcast_in_dim3A_40 = arith.constant 1.000000e+00 : f32
    %broadcast_in_dim3A_41 = vector.broadcast %broadcast_in_dim3A_40 : f32 to vector<16xf32>
    %swap3A_42 = arith.constant 96 : index
    %swap3A_43 = tpu.vector_load %arg5[%swap3A_42] {strides = array<i32>} : memref<128xf32, #tpu.memory_space<vmem>>, vector<16xf32>,
    %swap3A_44 = vector.shape_cast %swap3A_43 : vector<16xf32> to vector<16xf32>
    %swap3A_45 = vector.shape_cast %broadcast_in_dim3A_41 : vector<16xf32> to vector<16xf32>
    tpu.vector_store %arg5[%swap3A_42], %swap3A_45 {strides = array<i32>} : memref<128xf32, #tpu.memory_space<vmem>>, vector<16xf32>,
    %broadcast_in_dim3A_46 = arith.constant 1.000000e+00 : f32
    %broadcast_in_dim3A_47 = vector.broadcast %broadcast_in_dim3A_46 : f32 to vector<16xf32>
    %swap3A_48 = arith.constant 112 : index
    %swap3A_49 = tpu.vector_load %arg5[%swap3A_48] {strides = array<i32>} : memref<128xf32, #tpu.memory_space<vmem>>, vector<16xf32>,
    %swap3A_50 = vector.shape_cast %swap3A_49 : vector<16xf32> to vector<16xf32>
    %swap3A_51 = vector.shape_cast %broadcast_in_dim3A_47 : vector<16xf32> to vector<16xf32>
    tpu.vector_store %arg5[%swap3A_48], %swap3A_51 {strides = array<i32>} : memref<128xf32, #tpu.memory_space<vmem>>, vector<16xf32>,
    "tpu.region"() ({
      %run_scoped3A = tpu.sem_alloc : memref<!tpu.dma_semaphore, #tpu.memory_space<semaphore_mem>>
      %dma_start3A = tpu.memref_slice %arg7[%mul3A_0] : memref<10240xf32, #tpu.memory_space<vmem_shared>> -> memref<640xf32, #tpu.memory_space<vmem_shared>>
      %dma_start3A_59 = tpu.memref_slice %arg7[%mul3A_0] : memref<10240xf32, #tpu.memory_space<vmem_shared>> -> memref<640xf32, #tpu.memory_space<vmem_shared>>
      tpu.enqueue_dma source(%arg6 : memref<640xf32, #tpu.memory_space<vmem>>) target(%dma_start3A_59 : memref<640xf32, #tpu.memory_space<vmem_shared>>) target_semaphore(%run_scoped3A : memref<!tpu.dma_semaphore, #tpu.memory_space<semaphore_mem>>)
      %dma_wait3A = tpu.memref_slice %arg7[%mul3A_0] : memref<10240xf32, #tpu.memory_space<vmem_shared>> -> memref<640xf32, #tpu.memory_space<vmem_shared>>
      %dma_wait3A_60 = tpu.memref_slice %arg7[%mul3A_0] : memref<10240xf32, #tpu.memory_space<vmem_shared>> -> memref<640xf32, #tpu.memory_space<vmem_shared>>
      tpu.wait_dma2 semaphore(%run_scoped3A : memref<!tpu.dma_semaphore, #tpu.memory_space<semaphore_mem>>) src(%arg6 : memref<640xf32, #tpu.memory_space<vmem>>) dst(%dma_wait3A_60 : memref<640xf32, #tpu.memory_space<vmem_shared>>)
      tpu.yield
    }) : () -> ()
    %barrier3A = arith.constant 0 : index
    tpu.barrier barrier_id(%barrier3A)
    %scan3A_52 = arith.constant 0 : i32
    %scan3A_53 = arith.constant 0 : i32
    %scan3A_54 = arith.constant 80 : i32
    %scan3A_55 = arith.addi %scan3A_53, %scan3A_54 : i32
    %scan3A_56 = arith.constant 1 : i32
    scf.for %scan3A_59 = %scan3A_53 to %scan3A_55 step %scan3A_56  : i32 {
      "tpu.region"() ({
        %run_scoped3A = tpu.sem_alloc : memref<!tpu.dma_semaphore, #tpu.memory_space<semaphore_mem>>
        %dma_start3A = arith.constant 0 : i32
        %dma_start3A_60 = tpu.memref_slice %arg4[%scan3A_59, %dma_start3A] : memref<80x128xi32, #tpu.memory_space<vmem>> -> memref<1x128xi32, #tpu.memory_space<vmem>>
        %dma_start3A_61 = tpu.memref_squeeze %dma_start3A_60 : memref<1x128xi32, #tpu.memory_space<vmem>> -> memref<128xi32, #tpu.memory_space<vmem>>
        %dma_start3A_62 = arith.constant 0 : i32
        %dma_start3A_63 = tpu.memref_slice %arg7[%dma_start3A_62] : memref<10240xf32, #tpu.memory_space<vmem_shared>> -> memref<10240xf32, #tpu.memory_space<vmem_shared>>
        tpu.enqueue_indirect_dma source(%arg5 : memref<128xf32, #tpu.memory_space<vmem>>) target(%dma_start3A_63 : memref<10240xf32, #tpu.memory_space<vmem_shared>>) offsets(%dma_start3A_61 : memref<128xi32, #tpu.memory_space<vmem>>) semaphore(%run_scoped3A : memref<!tpu.dma_semaphore, #tpu.memory_space<semaphore_mem>>) {add = true}
        %dma_wait3A = arith.constant 0 : i32
        %dma_wait3A_64 = tpu.memref_slice %arg4[%scan3A_59, %dma_wait3A] : memref<80x128xi32, #tpu.memory_space<vmem>> -> memref<1x128xi32, #tpu.memory_space<vmem>>
        %dma_wait3A_65 = tpu.memref_squeeze %dma_wait3A_64 : memref<1x128xi32, #tpu.memory_space<vmem>> -> memref<128xi32, #tpu.memory_space<vmem>>
        %dma_wait3A_66 = arith.constant 0 : i32
        %dma_wait3A_67 = tpu.memref_slice %arg7[%dma_wait3A_66] : memref<10240xf32, #tpu.memory_space<vmem_shared>> -> memref<10240xf32, #tpu.memory_space<vmem_shared>>
        tpu.wait_indirect_dma semaphore(%run_scoped3A : memref<!tpu.dma_semaphore, #tpu.memory_space<semaphore_mem>>) src(%arg5 : memref<128xf32, #tpu.memory_space<vmem>>) dst(%dma_wait3A_67 : memref<10240xf32, #tpu.memory_space<vmem_shared>>)
        tpu.yield
      }) : () -> ()
    }
    %scan3A_57 = arith.constant 80 : i32
    %barrier3A_58 = arith.constant 0 : index
    tpu.barrier barrier_id(%barrier3A_58)
    "tpu.region"() ({
      %run_scoped3A = tpu.sem_alloc : memref<!tpu.dma_semaphore, #tpu.memory_space<semaphore_mem>>
      %dma_start3A = arith.constant 0 : i32
      %dma_start3A_59 = tpu.memref_slice %arg3[%arg0, %dma_start3A] : memref<2x10240xf32, #tpu.memory_space<hbm>> -> memref<1x10240xf32, #tpu.memory_space<hbm>>
      %dma_start3A_60 = tpu.memref_squeeze %dma_start3A_59 : memref<1x10240xf32, #tpu.memory_space<hbm>> -> memref<10240xf32, #tpu.memory_space<hbm>>
      %dma_start3A_61 = tpu.memref_slice %dma_start3A_60[%mul3A_0] : memref<10240xf32, #tpu.memory_space<hbm>> -> memref<640xf32, #tpu.memory_space<hbm>>
      %dma_start3A_62 = tpu.memref_slice %arg7[%mul3A_0] : memref<10240xf32, #tpu.memory_space<vmem_shared>> -> memref<640xf32, #tpu.memory_space<vmem_shared>>
      tpu.enqueue_dma source(%dma_start3A_62 : memref<640xf32, #tpu.memory_space<vmem_shared>>) target(%dma_start3A_61 : memref<640xf32, #tpu.memory_space<hbm>>) target_semaphore(%run_scoped3A : memref<!tpu.dma_semaphore, #tpu.memory_space<semaphore_mem>>)
      %dma_wait3A = arith.constant 0 : i32
      %dma_wait3A_63 = tpu.memref_slice %arg3[%arg0, %dma_wait3A] : memref<2x10240xf32, #tpu.memory_space<hbm>> -> memref<1x10240xf32, #tpu.memory_space<hbm>>
      %dma_wait3A_64 = tpu.memref_squeeze %dma_wait3A_63 : memref<1x10240xf32, #tpu.memory_space<hbm>> -> memref<10240xf32, #tpu.memory_space<hbm>>
      %dma_wait3A_65 = tpu.memref_slice %dma_wait3A_64[%mul3A_0] : memref<10240xf32, #tpu.memory_space<hbm>> -> memref<640xf32, #tpu.memory_space<hbm>>
      %dma_wait3A_66 = tpu.memref_slice %arg7[%mul3A_0] : memref<10240xf32, #tpu.memory_space<vmem_shared>> -> memref<640xf32, #tpu.memory_space<vmem_shared>>
      tpu.wait_dma2 semaphore(%run_scoped3A : memref<!tpu.dma_semaphore, #tpu.memory_space<semaphore_mem>>) src(%dma_wait3A_66 : memref<640xf32, #tpu.memory_space<vmem_shared>>) dst(%dma_wait3A_65 : memref<640xf32, #tpu.memory_space<hbm>>)
      tpu.yield
    }) : () -> ()
    return
  }
}

#map = affine_map<(d0, d1) -> (0, 0)>
#map1 = affine_map<(d0, d1) -> (0, 0, 0, 0)>
#map2 = affine_map<(d0, d1) -> (0, 0, 0)>
module attributes {stable_mosaic.version = 14 : i64} {
  func.func @_hop_body(%arg0: i32, %arg1: i32, %arg2: memref<10240x128xf32, #tpu.memory_space<hbm>>, %arg3: memref<2x16x80x128xi32, #tpu.memory_space<hbm>>, %arg4: memref<2x16x80x128xi32, #tpu.memory_space<hbm>>, %arg5: memref<2x10240x128xf32, #tpu.memory_space<hbm>>, %arg6: memref<40x128xi32, #tpu.memory_space<vmem>>, %arg7: memref<40x128xi32, #tpu.memory_space<vmem>>, %arg8: memref<128x128xf32, #tpu.memory_space<vmem>>, %arg9: memref<128x128xf32, #tpu.memory_space<vmem>>, %arg10: memref<10240x128xf32, #tpu.memory_space<vmem_shared>>, %arg11: memref<!tpu.dma_semaphore, #tpu.memory_space<semaphore_mem>>, %arg12: memref<!tpu.dma_semaphore, #tpu.memory_space<semaphore_mem>>) attributes {dimension_semantics = [#tpu.dimension_semantics<core_parallel>, #tpu.dimension_semantics<subcore_parallel>], iteration_bounds = array<i64: 2, 16>, scalar_prefetch = 0 : i64, scratch_operands = 7 : i64, tpu.core_type = #tpu.core_type<sc_vector_subcore>, window_params = [{transform_indices = #map}, {transform_indices = #map1}, {transform_indices = #map1}, {transform_indices = #map2}]} {
    %mul3A = arith.constant 640 : i32
    %mul3A_0 = arith.muli %arg1, %mul3A : i32
    "tpu.region"() ({
      %run_scoped3A = tpu.sem_alloc : memref<!tpu.dma_semaphore, #tpu.memory_space<semaphore_mem>>
      %dma_start3A = arith.constant 0 : i32
      %dma_start3A_7 = tpu.memref_slice %arg10[%mul3A_0, %dma_start3A] : memref<10240x128xf32, #tpu.memory_space<vmem_shared>> -> memref<640x128xf32, #tpu.memory_space<vmem_shared>>
      %dma_start3A_8 = arith.constant 0 : i32
      %dma_start3A_9 = tpu.memref_slice %arg2[%mul3A_0, %dma_start3A_8] : memref<10240x128xf32, #tpu.memory_space<hbm>> -> memref<640x128xf32, #tpu.memory_space<hbm>>
      tpu.enqueue_dma source(%dma_start3A_9 : memref<640x128xf32, #tpu.memory_space<hbm>>) target(%dma_start3A_7 : memref<640x128xf32, #tpu.memory_space<vmem_shared>>) target_semaphore(%run_scoped3A : memref<!tpu.dma_semaphore, #tpu.memory_space<semaphore_mem>>)
      %dma_wait3A = arith.constant 0 : i32
      %dma_wait3A_10 = tpu.memref_slice %arg10[%mul3A_0, %dma_wait3A] : memref<10240x128xf32, #tpu.memory_space<vmem_shared>> -> memref<640x128xf32, #tpu.memory_space<vmem_shared>>
      %dma_wait3A_11 = arith.constant 0 : i32
      %dma_wait3A_12 = tpu.memref_slice %arg2[%mul3A_0, %dma_wait3A_11] : memref<10240x128xf32, #tpu.memory_space<hbm>> -> memref<640x128xf32, #tpu.memory_space<hbm>>
      tpu.wait_dma2 semaphore(%run_scoped3A : memref<!tpu.dma_semaphore, #tpu.memory_space<semaphore_mem>>) src(%dma_wait3A_12 : memref<640x128xf32, #tpu.memory_space<hbm>>) dst(%dma_wait3A_10 : memref<640x128xf32, #tpu.memory_space<vmem_shared>>)
      tpu.yield
    }) : () -> ()
    %barrier3A = arith.constant 0 : index
    tpu.barrier barrier_id(%barrier3A)
    %scan3A = arith.constant 0 : i32
    %scan3A_1 = arith.constant 0 : i32
    %scan3A_2 = arith.constant 2 : i32
    %scan3A_3 = arith.addi %scan3A_1, %scan3A_2 : i32
    %scan3A_4 = arith.constant 1 : i32
    scf.for %scan3A_7 = %scan3A_1 to %scan3A_3 step %scan3A_4  : i32 {
      %mul3A_8 = arith.constant 40 : i32
      %mul3A_9 = arith.muli %scan3A_7, %mul3A_8 : i32
      "tpu.region"() ({
        %run_scoped3A_609 = tpu.sem_alloc : memref<!tpu.dma_semaphore, #tpu.memory_space<semaphore_mem>>
        %dma_start3A_610 = arith.constant 0 : i32
        %dma_start3A_611 = arith.constant 0 : i32
        %dma_start3A_612 = arith.constant 0 : i32
        %dma_start3A_613 = tpu.memref_slice %arg3[%arg0, %dma_start3A_610, %dma_start3A_611, %dma_start3A_612] : memref<2x16x80x128xi32, #tpu.memory_space<hbm>> -> memref<1x16x80x128xi32, #tpu.memory_space<hbm>>
        %dma_start3A_614 = tpu.memref_squeeze %dma_start3A_613 : memref<1x16x80x128xi32, #tpu.memory_space<hbm>> -> memref<16x80x128xi32, #tpu.memory_space<hbm>>
        %dma_start3A_615 = arith.constant 0 : i32
        %dma_start3A_616 = arith.constant 0 : i32
        %dma_start3A_617 = tpu.memref_slice %dma_start3A_614[%arg1, %dma_start3A_615, %dma_start3A_616] : memref<16x80x128xi32, #tpu.memory_space<hbm>> -> memref<1x80x128xi32, #tpu.memory_space<hbm>>
        %dma_start3A_618 = tpu.memref_squeeze %dma_start3A_617 : memref<1x80x128xi32, #tpu.memory_space<hbm>> -> memref<80x128xi32, #tpu.memory_space<hbm>>
        %dma_start3A_619 = arith.constant 0 : i32
        %dma_start3A_620 = tpu.memref_slice %dma_start3A_618[%mul3A_9, %dma_start3A_619] : memref<80x128xi32, #tpu.memory_space<hbm>> -> memref<40x128xi32, #tpu.memory_space<hbm>>
        %dma_start3A_621 = arith.constant 0 : i32
        %dma_start3A_622 = arith.constant 0 : i32
        %dma_start3A_623 = arith.constant 0 : i32
        %dma_start3A_624 = tpu.memref_slice %arg3[%arg0, %dma_start3A_621, %dma_start3A_622, %dma_start3A_623] : memref<2x16x80x128xi32, #tpu.memory_space<hbm>> -> memref<1x16x80x128xi32, #tpu.memory_space<hbm>>
        %dma_start3A_625 = tpu.memref_squeeze %dma_start3A_624 : memref<1x16x80x128xi32, #tpu.memory_space<hbm>> -> memref<16x80x128xi32, #tpu.memory_space<hbm>>
        %dma_start3A_626 = arith.constant 0 : i32
        %dma_start3A_627 = arith.constant 0 : i32
        %dma_start3A_628 = tpu.memref_slice %dma_start3A_625[%arg1, %dma_start3A_626, %dma_start3A_627] : memref<16x80x128xi32, #tpu.memory_space<hbm>> -> memref<1x80x128xi32, #tpu.memory_space<hbm>>
        %dma_start3A_629 = tpu.memref_squeeze %dma_start3A_628 : memref<1x80x128xi32, #tpu.memory_space<hbm>> -> memref<80x128xi32, #tpu.memory_space<hbm>>
        %dma_start3A_630 = arith.constant 0 : i32
        %dma_start3A_631 = tpu.memref_slice %dma_start3A_629[%mul3A_9, %dma_start3A_630] : memref<80x128xi32, #tpu.memory_space<hbm>> -> memref<40x128xi32, #tpu.memory_space<hbm>>
        tpu.enqueue_dma source(%dma_start3A_631 : memref<40x128xi32, #tpu.memory_space<hbm>>) target(%arg6 : memref<40x128xi32, #tpu.memory_space<vmem>>) target_semaphore(%run_scoped3A_609 : memref<!tpu.dma_semaphore, #tpu.memory_space<semaphore_mem>>)
        %dma_wait3A_632 = arith.constant 0 : i32
        %dma_wait3A_633 = arith.constant 0 : i32
        %dma_wait3A_634 = arith.constant 0 : i32
        %dma_wait3A_635 = tpu.memref_slice %arg3[%arg0, %dma_wait3A_632, %dma_wait3A_633, %dma_wait3A_634] : memref<2x16x80x128xi32, #tpu.memory_space<hbm>> -> memref<1x16x80x128xi32, #tpu.memory_space<hbm>>
        %dma_wait3A_636 = tpu.memref_squeeze %dma_wait3A_635 : memref<1x16x80x128xi32, #tpu.memory_space<hbm>> -> memref<16x80x128xi32, #tpu.memory_space<hbm>>
        %dma_wait3A_637 = arith.constant 0 : i32
        %dma_wait3A_638 = arith.constant 0 : i32
        %dma_wait3A_639 = tpu.memref_slice %dma_wait3A_636[%arg1, %dma_wait3A_637, %dma_wait3A_638] : memref<16x80x128xi32, #tpu.memory_space<hbm>> -> memref<1x80x128xi32, #tpu.memory_space<hbm>>
        %dma_wait3A_640 = tpu.memref_squeeze %dma_wait3A_639 : memref<1x80x128xi32, #tpu.memory_space<hbm>> -> memref<80x128xi32, #tpu.memory_space<hbm>>
        %dma_wait3A_641 = arith.constant 0 : i32
        %dma_wait3A_642 = tpu.memref_slice %dma_wait3A_640[%mul3A_9, %dma_wait3A_641] : memref<80x128xi32, #tpu.memory_space<hbm>> -> memref<40x128xi32, #tpu.memory_space<hbm>>
        %dma_wait3A_643 = arith.constant 0 : i32
        %dma_wait3A_644 = arith.constant 0 : i32
        %dma_wait3A_645 = arith.constant 0 : i32
        %dma_wait3A_646 = tpu.memref_slice %arg3[%arg0, %dma_wait3A_643, %dma_wait3A_644, %dma_wait3A_645] : memref<2x16x80x128xi32, #tpu.memory_space<hbm>> -> memref<1x16x80x128xi32, #tpu.memory_space<hbm>>
        %dma_wait3A_647 = tpu.memref_squeeze %dma_wait3A_646 : memref<1x16x80x128xi32, #tpu.memory_space<hbm>> -> memref<16x80x128xi32, #tpu.memory_space<hbm>>
        %dma_wait3A_648 = arith.constant 0 : i32
        %dma_wait3A_649 = arith.constant 0 : i32
        %dma_wait3A_650 = tpu.memref_slice %dma_wait3A_647[%arg1, %dma_wait3A_648, %dma_wait3A_649] : memref<16x80x128xi32, #tpu.memory_space<hbm>> -> memref<1x80x128xi32, #tpu.memory_space<hbm>>
        %dma_wait3A_651 = tpu.memref_squeeze %dma_wait3A_650 : memref<1x80x128xi32, #tpu.memory_space<hbm>> -> memref<80x128xi32, #tpu.memory_space<hbm>>
        %dma_wait3A_652 = arith.constant 0 : i32
        %dma_wait3A_653 = tpu.memref_slice %dma_wait3A_651[%mul3A_9, %dma_wait3A_652] : memref<80x128xi32, #tpu.memory_space<hbm>> -> memref<40x128xi32, #tpu.memory_space<hbm>>
        tpu.wait_dma2 semaphore(%run_scoped3A_609 : memref<!tpu.dma_semaphore, #tpu.memory_space<semaphore_mem>>) src(%dma_wait3A_653 : memref<40x128xi32, #tpu.memory_space<hbm>>) dst(%arg6 : memref<40x128xi32, #tpu.memory_space<vmem>>)
        tpu.yield
      }) : () -> ()
      %mul3A_10 = arith.constant 40 : i32
      %mul3A_11 = arith.muli %scan3A_7, %mul3A_10 : i32
      "tpu.region"() ({
        %run_scoped3A_609 = tpu.sem_alloc : memref<!tpu.dma_semaphore, #tpu.memory_space<semaphore_mem>>
        %dma_start3A_610 = arith.constant 0 : i32
        %dma_start3A_611 = arith.constant 0 : i32
        %dma_start3A_612 = arith.constant 0 : i32
        %dma_start3A_613 = tpu.memref_slice %arg4[%arg0, %dma_start3A_610, %dma_start3A_611, %dma_start3A_612] : memref<2x16x80x128xi32, #tpu.memory_space<hbm>> -> memref<1x16x80x128xi32, #tpu.memory_space<hbm>>
        %dma_start3A_614 = tpu.memref_squeeze %dma_start3A_613 : memref<1x16x80x128xi32, #tpu.memory_space<hbm>> -> memref<16x80x128xi32, #tpu.memory_space<hbm>>
        %dma_start3A_615 = arith.constant 0 : i32
        %dma_start3A_616 = arith.constant 0 : i32
        %dma_start3A_617 = tpu.memref_slice %dma_start3A_614[%arg1, %dma_start3A_615, %dma_start3A_616] : memref<16x80x128xi32, #tpu.memory_space<hbm>> -> memref<1x80x128xi32, #tpu.memory_space<hbm>>
        %dma_start3A_618 = tpu.memref_squeeze %dma_start3A_617 : memref<1x80x128xi32, #tpu.memory_space<hbm>> -> memref<80x128xi32, #tpu.memory_space<hbm>>
        %dma_start3A_619 = arith.constant 0 : i32
        %dma_start3A_620 = tpu.memref_slice %dma_start3A_618[%mul3A_11, %dma_start3A_619] : memref<80x128xi32, #tpu.memory_space<hbm>> -> memref<40x128xi32, #tpu.memory_space<hbm>>
        %dma_start3A_621 = arith.constant 0 : i32
        %dma_start3A_622 = arith.constant 0 : i32
        %dma_start3A_623 = arith.constant 0 : i32
        %dma_start3A_624 = tpu.memref_slice %arg4[%arg0, %dma_start3A_621, %dma_start3A_622, %dma_start3A_623] : memref<2x16x80x128xi32, #tpu.memory_space<hbm>> -> memref<1x16x80x128xi32, #tpu.memory_space<hbm>>
        %dma_start3A_625 = tpu.memref_squeeze %dma_start3A_624 : memref<1x16x80x128xi32, #tpu.memory_space<hbm>> -> memref<16x80x128xi32, #tpu.memory_space<hbm>>
        %dma_start3A_626 = arith.constant 0 : i32
        %dma_start3A_627 = arith.constant 0 : i32
        %dma_start3A_628 = tpu.memref_slice %dma_start3A_625[%arg1, %dma_start3A_626, %dma_start3A_627] : memref<16x80x128xi32, #tpu.memory_space<hbm>> -> memref<1x80x128xi32, #tpu.memory_space<hbm>>
        %dma_start3A_629 = tpu.memref_squeeze %dma_start3A_628 : memref<1x80x128xi32, #tpu.memory_space<hbm>> -> memref<80x128xi32, #tpu.memory_space<hbm>>
        %dma_start3A_630 = arith.constant 0 : i32
        %dma_start3A_631 = tpu.memref_slice %dma_start3A_629[%mul3A_11, %dma_start3A_630] : memref<80x128xi32, #tpu.memory_space<hbm>> -> memref<40x128xi32, #tpu.memory_space<hbm>>
        tpu.enqueue_dma source(%dma_start3A_631 : memref<40x128xi32, #tpu.memory_space<hbm>>) target(%arg7 : memref<40x128xi32, #tpu.memory_space<vmem>>) target_semaphore(%run_scoped3A_609 : memref<!tpu.dma_semaphore, #tpu.memory_space<semaphore_mem>>)
        %dma_wait3A_632 = arith.constant 0 : i32
        %dma_wait3A_633 = arith.constant 0 : i32
        %dma_wait3A_634 = arith.constant 0 : i32
        %dma_wait3A_635 = tpu.memref_slice %arg4[%arg0, %dma_wait3A_632, %dma_wait3A_633, %dma_wait3A_634] : memref<2x16x80x128xi32, #tpu.memory_space<hbm>> -> memref<1x16x80x128xi32, #tpu.memory_space<hbm>>
        %dma_wait3A_636 = tpu.memref_squeeze %dma_wait3A_635 : memref<1x16x80x128xi32, #tpu.memory_space<hbm>> -> memref<16x80x128xi32, #tpu.memory_space<hbm>>
        %dma_wait3A_637 = arith.constant 0 : i32
        %dma_wait3A_638 = arith.constant 0 : i32
        %dma_wait3A_639 = tpu.memref_slice %dma_wait3A_636[%arg1, %dma_wait3A_637, %dma_wait3A_638] : memref<16x80x128xi32, #tpu.memory_space<hbm>> -> memref<1x80x128xi32, #tpu.memory_space<hbm>>
        %dma_wait3A_640 = tpu.memref_squeeze %dma_wait3A_639 : memref<1x80x128xi32, #tpu.memory_space<hbm>> -> memref<80x128xi32, #tpu.memory_space<hbm>>
        %dma_wait3A_641 = arith.constant 0 : i32
        %dma_wait3A_642 = tpu.memref_slice %dma_wait3A_640[%mul3A_11, %dma_wait3A_641] : memref<80x128xi32, #tpu.memory_space<hbm>> -> memref<40x128xi32, #tpu.memory_space<hbm>>
        %dma_wait3A_643 = arith.constant 0 : i32
        %dma_wait3A_644 = arith.constant 0 : i32
        %dma_wait3A_645 = arith.constant 0 : i32
        %dma_wait3A_646 = tpu.memref_slice %arg4[%arg0, %dma_wait3A_643, %dma_wait3A_644, %dma_wait3A_645] : memref<2x16x80x128xi32, #tpu.memory_space<hbm>> -> memref<1x16x80x128xi32, #tpu.memory_space<hbm>>
        %dma_wait3A_647 = tpu.memref_squeeze %dma_wait3A_646 : memref<1x16x80x128xi32, #tpu.memory_space<hbm>> -> memref<16x80x128xi32, #tpu.memory_space<hbm>>
        %dma_wait3A_648 = arith.constant 0 : i32
        %dma_wait3A_649 = arith.constant 0 : i32
        %dma_wait3A_650 = tpu.memref_slice %dma_wait3A_647[%arg1, %dma_wait3A_648, %dma_wait3A_649] : memref<16x80x128xi32, #tpu.memory_space<hbm>> -> memref<1x80x128xi32, #tpu.memory_space<hbm>>
        %dma_wait3A_651 = tpu.memref_squeeze %dma_wait3A_650 : memref<1x80x128xi32, #tpu.memory_space<hbm>> -> memref<80x128xi32, #tpu.memory_space<hbm>>
        %dma_wait3A_652 = arith.constant 0 : i32
        %dma_wait3A_653 = tpu.memref_slice %dma_wait3A_651[%mul3A_11, %dma_wait3A_652] : memref<80x128xi32, #tpu.memory_space<hbm>> -> memref<40x128xi32, #tpu.memory_space<hbm>>
        tpu.wait_dma2 semaphore(%run_scoped3A_609 : memref<!tpu.dma_semaphore, #tpu.memory_space<semaphore_mem>>) src(%dma_wait3A_653 : memref<40x128xi32, #tpu.memory_space<hbm>>) dst(%arg7 : memref<40x128xi32, #tpu.memory_space<vmem>>)
        tpu.yield
      }) : () -> ()
      %dma_start3A = arith.constant 0 : i32
      %dma_start3A_12 = arith.constant 0 : i32
      %dma_start3A_13 = tpu.memref_slice %arg6[%dma_start3A, %dma_start3A_12] : memref<40x128xi32, #tpu.memory_space<vmem>> -> memref<1x128xi32, #tpu.memory_space<vmem>>
      %dma_start3A_14 = tpu.memref_squeeze %dma_start3A_13 : memref<1x128xi32, #tpu.memory_space<vmem>> -> memref<128xi32, #tpu.memory_space<vmem>>
      %dma_start3A_15 = arith.constant 0 : i32
      %dma_start3A_16 = arith.constant 0 : i32
      %dma_start3A_17 = tpu.memref_slice %arg2[%dma_start3A_15, %dma_start3A_16] : memref<10240x128xf32, #tpu.memory_space<hbm>> -> memref<10240x128xf32, #tpu.memory_space<hbm>>
      tpu.enqueue_indirect_dma source(%dma_start3A_17 : memref<10240x128xf32, #tpu.memory_space<hbm>>) target(%arg8 : memref<128x128xf32, #tpu.memory_space<vmem>>) offsets(%dma_start3A_14 : memref<128xi32, #tpu.memory_space<vmem>>) semaphore(%arg11 : memref<!tpu.dma_semaphore, #tpu.memory_space<semaphore_mem>>)
      %dma_start3A_18 = arith.constant 1 : i32
      %dma_start3A_19 = arith.constant 0 : i32
      %dma_start3A_20 = tpu.memref_slice %arg6[%dma_start3A_18, %dma_start3A_19] : memref<40x128xi32, #tpu.memory_space<vmem>> -> memref<1x128xi32, #tpu.memory_space<vmem>>
      %dma_start3A_21 = tpu.memref_squeeze %dma_start3A_20 : memref<1x128xi32, #tpu.memory_space<vmem>> -> memref<128xi32, #tpu.memory_space<vmem>>
      %dma_start3A_22 = arith.constant 0 : i32
      %dma_start3A_23 = arith.constant 0 : i32
      %dma_start3A_24 = tpu.memref_slice %arg2[%dma_start3A_22, %dma_start3A_23] : memref<10240x128xf32, #tpu.memory_space<hbm>> -> memref<10240x128xf32, #tpu.memory_space<hbm>>
      tpu.enqueue_indirect_dma source(%dma_start3A_24 : memref<10240x128xf32, #tpu.memory_space<hbm>>) target(%arg9 : memref<128x128xf32, #tpu.memory_space<vmem>>) offsets(%dma_start3A_21 : memref<128xi32, #tpu.memory_space<vmem>>) semaphore(%arg12 : memref<!tpu.dma_semaphore, #tpu.memory_space<semaphore_mem>>)
      %dma_wait3A = arith.constant 0 : i32
      %dma_wait3A_25 = arith.constant 0 : i32
      %dma_wait3A_26 = tpu.memref_slice %arg6[%dma_wait3A, %dma_wait3A_25] : memref<40x128xi32, #tpu.memory_space<vmem>> -> memref<1x128xi32, #tpu.memory_space<vmem>>
      %dma_wait3A_27 = tpu.memref_squeeze %dma_wait3A_26 : memref<1x128xi32, #tpu.memory_space<vmem>> -> memref<128xi32, #tpu.memory_space<vmem>>
      %dma_wait3A_28 = arith.constant 0 : i32
      %dma_wait3A_29 = arith.constant 0 : i32
      %dma_wait3A_30 = tpu.memref_slice %arg2[%dma_wait3A_28, %dma_wait3A_29] : memref<10240x128xf32, #tpu.memory_space<hbm>> -> memref<10240x128xf32, #tpu.memory_space<hbm>>
      tpu.wait_indirect_dma semaphore(%arg11 : memref<!tpu.dma_semaphore, #tpu.memory_space<semaphore_mem>>) src(%dma_wait3A_30 : memref<10240x128xf32, #tpu.memory_space<hbm>>) dst(%arg8 : memref<128x128xf32, #tpu.memory_space<vmem>>)
      %run_scoped3A = arith.constant 0 : i32
      "tpu.region"() ({
        %run_scoped3A_609 = tpu.sem_alloc : memref<!tpu.dma_semaphore, #tpu.memory_space<semaphore_mem>>
        %dma_start3A_610 = arith.constant 0 : i32
        %dma_start3A_611 = tpu.memref_slice %arg7[%run_scoped3A, %dma_start3A_610] : memref<40x128xi32, #tpu.memory_space<vmem>> -> memref<1x128xi32, #tpu.memory_space<vmem>>
        %dma_start3A_612 = tpu.memref_squeeze %dma_start3A_611 : memref<1x128xi32, #tpu.memory_space<vmem>> -> memref<128xi32, #tpu.memory_space<vmem>>
        %dma_start3A_613 = arith.constant 0 : i32
        %dma_start3A_614 = arith.constant 0 : i32
        %dma_start3A_615 = tpu.memref_slice %arg10[%dma_start3A_613, %dma_start3A_614] : memref<10240x128xf32, #tpu.memory_space<vmem_shared>> -> memref<10240x128xf32, #tpu.memory_space<vmem_shared>>
        tpu.enqueue_indirect_dma source(%arg8 : memref<128x128xf32, #tpu.memory_space<vmem>>) target(%dma_start3A_615 : memref<10240x128xf32, #tpu.memory_space<vmem_shared>>) offsets(%dma_start3A_612 : memref<128xi32, #tpu.memory_space<vmem>>) semaphore(%run_scoped3A_609 : memref<!tpu.dma_semaphore, #tpu.memory_space<semaphore_mem>>) {add = true}
        %dma_wait3A_616 = arith.constant 0 : i32
        %dma_wait3A_617 = tpu.memref_slice %arg7[%run_scoped3A, %dma_wait3A_616] : memref<40x128xi32, #tpu.memory_space<vmem>> -> memref<1x128xi32, #tpu.memory_space<vmem>>
        %dma_wait3A_618 = tpu.memref_squeeze %dma_wait3A_617 : memref<1x128xi32, #tpu.memory_space<vmem>> -> memref<128xi32, #tpu.memory_space<vmem>>
        %dma_wait3A_619 = arith.constant 0 : i32
        %dma_wait3A_620 = arith.constant 0 : i32
        %dma_wait3A_621 = tpu.memref_slice %arg10[%dma_wait3A_619, %dma_wait3A_620] : memref<10240x128xf32, #tpu.memory_space<vmem_shared>> -> memref<10240x128xf32, #tpu.memory_space<vmem_shared>>
        tpu.wait_indirect_dma semaphore(%run_scoped3A_609 : memref<!tpu.dma_semaphore, #tpu.memory_space<semaphore_mem>>) src(%arg8 : memref<128x128xf32, #tpu.memory_space<vmem>>) dst(%dma_wait3A_621 : memref<10240x128xf32, #tpu.memory_space<vmem_shared>>)
        tpu.yield
      }) : () -> ()
      %dma_start3A_31 = arith.constant 2 : i32
      %dma_start3A_32 = arith.constant 0 : i32
      %dma_start3A_33 = tpu.memref_slice %arg6[%dma_start3A_31, %dma_start3A_32] : memref<40x128xi32, #tpu.memory_space<vmem>> -> memref<1x128xi32, #tpu.memory_space<vmem>>
      %dma_start3A_34 = tpu.memref_squeeze %dma_start3A_33 : memref<1x128xi32, #tpu.memory_space<vmem>> -> memref<128xi32, #tpu.memory_space<vmem>>
      %dma_start3A_35 = arith.constant 0 : i32
      %dma_start3A_36 = arith.constant 0 : i32
      %dma_start3A_37 = tpu.memref_slice %arg2[%dma_start3A_35, %dma_start3A_36] : memref<10240x128xf32, #tpu.memory_space<hbm>> -> memref<10240x128xf32, #tpu.memory_space<hbm>>
      tpu.enqueue_indirect_dma source(%dma_start3A_37 : memref<10240x128xf32, #tpu.memory_space<hbm>>) target(%arg8 : memref<128x128xf32, #tpu.memory_space<vmem>>) offsets(%dma_start3A_34 : memref<128xi32, #tpu.memory_space<vmem>>) semaphore(%arg11 : memref<!tpu.dma_semaphore, #tpu.memory_space<semaphore_mem>>)
      %dma_wait3A_38 = arith.constant 1 : i32
      %dma_wait3A_39 = arith.constant 0 : i32
      %dma_wait3A_40 = tpu.memref_slice %arg6[%dma_wait3A_38, %dma_wait3A_39] : memref<40x128xi32, #tpu.memory_space<vmem>> -> memref<1x128xi32, #tpu.memory_space<vmem>>
      %dma_wait3A_41 = tpu.memref_squeeze %dma_wait3A_40 : memref<1x128xi32, #tpu.memory_space<vmem>> -> memref<128xi32, #tpu.memory_space<vmem>>
      %dma_wait3A_42 = arith.constant 0 : i32
      %dma_wait3A_43 = arith.constant 0 : i32
      %dma_wait3A_44 = tpu.memref_slice %arg2[%dma_wait3A_42, %dma_wait3A_43] : memref<10240x128xf32, #tpu.memory_space<hbm>> -> memref<10240x128xf32, #tpu.memory_space<hbm>>
      tpu.wait_indirect_dma semaphore(%arg12 : memref<!tpu.dma_semaphore, #tpu.memory_space<semaphore_mem>>) src(%dma_wait3A_44 : memref<10240x128xf32, #tpu.memory_space<hbm>>) dst(%arg9 : memref<128x128xf32, #tpu.memory_space<vmem>>)
      %run_scoped3A_45 = arith.constant 1 : i32
      "tpu.region"() ({
        %run_scoped3A_609 = tpu.sem_alloc : memref<!tpu.dma_semaphore, #tpu.memory_space<semaphore_mem>>
        %dma_start3A_610 = arith.constant 0 : i32
        %dma_start3A_611 = tpu.memref_slice %arg7[%run_scoped3A_45, %dma_start3A_610] : memref<40x128xi32, #tpu.memory_space<vmem>> -> memref<1x128xi32, #tpu.memory_space<vmem>>
        %dma_start3A_612 = tpu.memref_squeeze %dma_start3A_611 : memref<1x128xi32, #tpu.memory_space<vmem>> -> memref<128xi32, #tpu.memory_space<vmem>>
        %dma_start3A_613 = arith.constant 0 : i32
        %dma_start3A_614 = arith.constant 0 : i32
        %dma_start3A_615 = tpu.memref_slice %arg10[%dma_start3A_613, %dma_start3A_614] : memref<10240x128xf32, #tpu.memory_space<vmem_shared>> -> memref<10240x128xf32, #tpu.memory_space<vmem_shared>>
        tpu.enqueue_indirect_dma source(%arg9 : memref<128x128xf32, #tpu.memory_space<vmem>>) target(%dma_start3A_615 : memref<10240x128xf32, #tpu.memory_space<vmem_shared>>) offsets(%dma_start3A_612 : memref<128xi32, #tpu.memory_space<vmem>>) semaphore(%run_scoped3A_609 : memref<!tpu.dma_semaphore, #tpu.memory_space<semaphore_mem>>) {add = true}
        %dma_wait3A_616 = arith.constant 0 : i32
        %dma_wait3A_617 = tpu.memref_slice %arg7[%run_scoped3A_45, %dma_wait3A_616] : memref<40x128xi32, #tpu.memory_space<vmem>> -> memref<1x128xi32, #tpu.memory_space<vmem>>
        %dma_wait3A_618 = tpu.memref_squeeze %dma_wait3A_617 : memref<1x128xi32, #tpu.memory_space<vmem>> -> memref<128xi32, #tpu.memory_space<vmem>>
        %dma_wait3A_619 = arith.constant 0 : i32
        %dma_wait3A_620 = arith.constant 0 : i32
        %dma_wait3A_621 = tpu.memref_slice %arg10[%dma_wait3A_619, %dma_wait3A_620] : memref<10240x128xf32, #tpu.memory_space<vmem_shared>> -> memref<10240x128xf32, #tpu.memory_space<vmem_shared>>
        tpu.wait_indirect_dma semaphore(%run_scoped3A_609 : memref<!tpu.dma_semaphore, #tpu.memory_space<semaphore_mem>>) src(%arg9 : memref<128x128xf32, #tpu.memory_space<vmem>>) dst(%dma_wait3A_621 : memref<10240x128xf32, #tpu.memory_space<vmem_shared>>)
        tpu.yield
      }) : () -> ()
      %dma_start3A_46 = arith.constant 3 : i32
      %dma_start3A_47 = arith.constant 0 : i32
      %dma_start3A_48 = tpu.memref_slice %arg6[%dma_start3A_46, %dma_start3A_47] : memref<40x128xi32, #tpu.memory_space<vmem>> -> memref<1x128xi32, #tpu.memory_space<vmem>>
      %dma_start3A_49 = tpu.memref_squeeze %dma_start3A_48 : memref<1x128xi32, #tpu.memory_space<vmem>> -> memref<128xi32, #tpu.memory_space<vmem>>
      %dma_start3A_50 = arith.constant 0 : i32
      %dma_start3A_51 = arith.constant 0 : i32
      %dma_start3A_52 = tpu.memref_slice %arg2[%dma_start3A_50, %dma_start3A_51] : memref<10240x128xf32, #tpu.memory_space<hbm>> -> memref<10240x128xf32, #tpu.memory_space<hbm>>
      tpu.enqueue_indirect_dma source(%dma_start3A_52 : memref<10240x128xf32, #tpu.memory_space<hbm>>) target(%arg9 : memref<128x128xf32, #tpu.memory_space<vmem>>) offsets(%dma_start3A_49 : memref<128xi32, #tpu.memory_space<vmem>>) semaphore(%arg12 : memref<!tpu.dma_semaphore, #tpu.memory_space<semaphore_mem>>)
      %dma_wait3A_53 = arith.constant 2 : i32
      %dma_wait3A_54 = arith.constant 0 : i32
      %dma_wait3A_55 = tpu.memref_slice %arg6[%dma_wait3A_53, %dma_wait3A_54] : memref<40x128xi32, #tpu.memory_space<vmem>> -> memref<1x128xi32, #tpu.memory_space<vmem>>
      %dma_wait3A_56 = tpu.memref_squeeze %dma_wait3A_55 : memref<1x128xi32, #tpu.memory_space<vmem>> -> memref<128xi32, #tpu.memory_space<vmem>>
      %dma_wait3A_57 = arith.constant 0 : i32
      %dma_wait3A_58 = arith.constant 0 : i32
      %dma_wait3A_59 = tpu.memref_slice %arg2[%dma_wait3A_57, %dma_wait3A_58] : memref<10240x128xf32, #tpu.memory_space<hbm>> -> memref<10240x128xf32, #tpu.memory_space<hbm>>
      tpu.wait_indirect_dma semaphore(%arg11 : memref<!tpu.dma_semaphore, #tpu.memory_space<semaphore_mem>>) src(%dma_wait3A_59 : memref<10240x128xf32, #tpu.memory_space<hbm>>) dst(%arg8 : memref<128x128xf32, #tpu.memory_space<vmem>>)
      %run_scoped3A_60 = arith.constant 2 : i32
      "tpu.region"() ({
        %run_scoped3A_609 = tpu.sem_alloc : memref<!tpu.dma_semaphore, #tpu.memory_space<semaphore_mem>>
        %dma_start3A_610 = arith.constant 0 : i32
        %dma_start3A_611 = tpu.memref_slice %arg7[%run_scoped3A_60, %dma_start3A_610] : memref<40x128xi32, #tpu.memory_space<vmem>> -> memref<1x128xi32, #tpu.memory_space<vmem>>
        %dma_start3A_612 = tpu.memref_squeeze %dma_start3A_611 : memref<1x128xi32, #tpu.memory_space<vmem>> -> memref<128xi32, #tpu.memory_space<vmem>>
        %dma_start3A_613 = arith.constant 0 : i32
        %dma_start3A_614 = arith.constant 0 : i32
        %dma_start3A_615 = tpu.memref_slice %arg10[%dma_start3A_613, %dma_start3A_614] : memref<10240x128xf32, #tpu.memory_space<vmem_shared>> -> memref<10240x128xf32, #tpu.memory_space<vmem_shared>>
        tpu.enqueue_indirect_dma source(%arg8 : memref<128x128xf32, #tpu.memory_space<vmem>>) target(%dma_start3A_615 : memref<10240x128xf32, #tpu.memory_space<vmem_shared>>) offsets(%dma_start3A_612 : memref<128xi32, #tpu.memory_space<vmem>>) semaphore(%run_scoped3A_609 : memref<!tpu.dma_semaphore, #tpu.memory_space<semaphore_mem>>) {add = true}
        %dma_wait3A_616 = arith.constant 0 : i32
        %dma_wait3A_617 = tpu.memref_slice %arg7[%run_scoped3A_60, %dma_wait3A_616] : memref<40x128xi32, #tpu.memory_space<vmem>> -> memref<1x128xi32, #tpu.memory_space<vmem>>
        %dma_wait3A_618 = tpu.memref_squeeze %dma_wait3A_617 : memref<1x128xi32, #tpu.memory_space<vmem>> -> memref<128xi32, #tpu.memory_space<vmem>>
        %dma_wait3A_619 = arith.constant 0 : i32
        %dma_wait3A_620 = arith.constant 0 : i32
        %dma_wait3A_621 = tpu.memref_slice %arg10[%dma_wait3A_619, %dma_wait3A_620] : memref<10240x128xf32, #tpu.memory_space<vmem_shared>> -> memref<10240x128xf32, #tpu.memory_space<vmem_shared>>
        tpu.wait_indirect_dma semaphore(%run_scoped3A_609 : memref<!tpu.dma_semaphore, #tpu.memory_space<semaphore_mem>>) src(%arg8 : memref<128x128xf32, #tpu.memory_space<vmem>>) dst(%dma_wait3A_621 : memref<10240x128xf32, #tpu.memory_space<vmem_shared>>)
        tpu.yield
      }) : () -> ()
      %dma_start3A_61 = arith.constant 4 : i32
      %dma_start3A_62 = arith.constant 0 : i32
      %dma_start3A_63 = tpu.memref_slice %arg6[%dma_start3A_61, %dma_start3A_62] : memref<40x128xi32, #tpu.memory_space<vmem>> -> memref<1x128xi32, #tpu.memory_space<vmem>>
      %dma_start3A_64 = tpu.memref_squeeze %dma_start3A_63 : memref<1x128xi32, #tpu.memory_space<vmem>> -> memref<128xi32, #tpu.memory_space<vmem>>
      %dma_start3A_65 = arith.constant 0 : i32
      %dma_start3A_66 = arith.constant 0 : i32
      %dma_start3A_67 = tpu.memref_slice %arg2[%dma_start3A_65, %dma_start3A_66] : memref<10240x128xf32, #tpu.memory_space<hbm>> -> memref<10240x128xf32, #tpu.memory_space<hbm>>
      tpu.enqueue_indirect_dma source(%dma_start3A_67 : memref<10240x128xf32, #tpu.memory_space<hbm>>) target(%arg8 : memref<128x128xf32, #tpu.memory_space<vmem>>) offsets(%dma_start3A_64 : memref<128xi32, #tpu.memory_space<vmem>>) semaphore(%arg11 : memref<!tpu.dma_semaphore, #tpu.memory_space<semaphore_mem>>)
      %dma_wait3A_68 = arith.constant 3 : i32
      %dma_wait3A_69 = arith.constant 0 : i32
      %dma_wait3A_70 = tpu.memref_slice %arg6[%dma_wait3A_68, %dma_wait3A_69] : memref<40x128xi32, #tpu.memory_space<vmem>> -> memref<1x128xi32, #tpu.memory_space<vmem>>
      %dma_wait3A_71 = tpu.memref_squeeze %dma_wait3A_70 : memref<1x128xi32, #tpu.memory_space<vmem>> -> memref<128xi32, #tpu.memory_space<vmem>>
      %dma_wait3A_72 = arith.constant 0 : i32
      %dma_wait3A_73 = arith.constant 0 : i32
      %dma_wait3A_74 = tpu.memref_slice %arg2[%dma_wait3A_72, %dma_wait3A_73] : memref<10240x128xf32, #tpu.memory_space<hbm>> -> memref<10240x128xf32, #tpu.memory_space<hbm>>
      tpu.wait_indirect_dma semaphore(%arg12 : memref<!tpu.dma_semaphore, #tpu.memory_space<semaphore_mem>>) src(%dma_wait3A_74 : memref<10240x128xf32, #tpu.memory_space<hbm>>) dst(%arg9 : memref<128x128xf32, #tpu.memory_space<vmem>>)
      %run_scoped3A_75 = arith.constant 3 : i32
      "tpu.region"() ({
        %run_scoped3A_609 = tpu.sem_alloc : memref<!tpu.dma_semaphore, #tpu.memory_space<semaphore_mem>>
        %dma_start3A_610 = arith.constant 0 : i32
        %dma_start3A_611 = tpu.memref_slice %arg7[%run_scoped3A_75, %dma_start3A_610] : memref<40x128xi32, #tpu.memory_space<vmem>> -> memref<1x128xi32, #tpu.memory_space<vmem>>
        %dma_start3A_612 = tpu.memref_squeeze %dma_start3A_611 : memref<1x128xi32, #tpu.memory_space<vmem>> -> memref<128xi32, #tpu.memory_space<vmem>>
        %dma_start3A_613 = arith.constant 0 : i32
        %dma_start3A_614 = arith.constant 0 : i32
        %dma_start3A_615 = tpu.memref_slice %arg10[%dma_start3A_613, %dma_start3A_614] : memref<10240x128xf32, #tpu.memory_space<vmem_shared>> -> memref<10240x128xf32, #tpu.memory_space<vmem_shared>>
        tpu.enqueue_indirect_dma source(%arg9 : memref<128x128xf32, #tpu.memory_space<vmem>>) target(%dma_start3A_615 : memref<10240x128xf32, #tpu.memory_space<vmem_shared>>) offsets(%dma_start3A_612 : memref<128xi32, #tpu.memory_space<vmem>>) semaphore(%run_scoped3A_609 : memref<!tpu.dma_semaphore, #tpu.memory_space<semaphore_mem>>) {add = true}
        %dma_wait3A_616 = arith.constant 0 : i32
        %dma_wait3A_617 = tpu.memref_slice %arg7[%run_scoped3A_75, %dma_wait3A_616] : memref<40x128xi32, #tpu.memory_space<vmem>> -> memref<1x128xi32, #tpu.memory_space<vmem>>
        %dma_wait3A_618 = tpu.memref_squeeze %dma_wait3A_617 : memref<1x128xi32, #tpu.memory_space<vmem>> -> memref<128xi32, #tpu.memory_space<vmem>>
        %dma_wait3A_619 = arith.constant 0 : i32
        %dma_wait3A_620 = arith.constant 0 : i32
        %dma_wait3A_621 = tpu.memref_slice %arg10[%dma_wait3A_619, %dma_wait3A_620] : memref<10240x128xf32, #tpu.memory_space<vmem_shared>> -> memref<10240x128xf32, #tpu.memory_space<vmem_shared>>
        tpu.wait_indirect_dma semaphore(%run_scoped3A_609 : memref<!tpu.dma_semaphore, #tpu.memory_space<semaphore_mem>>) src(%arg9 : memref<128x128xf32, #tpu.memory_space<vmem>>) dst(%dma_wait3A_621 : memref<10240x128xf32, #tpu.memory_space<vmem_shared>>)
        tpu.yield
      }) : () -> ()
      %dma_start3A_76 = arith.constant 5 : i32
      %dma_start3A_77 = arith.constant 0 : i32
      %dma_start3A_78 = tpu.memref_slice %arg6[%dma_start3A_76, %dma_start3A_77] : memref<40x128xi32, #tpu.memory_space<vmem>> -> memref<1x128xi32, #tpu.memory_space<vmem>>
      %dma_start3A_79 = tpu.memref_squeeze %dma_start3A_78 : memref<1x128xi32, #tpu.memory_space<vmem>> -> memref<128xi32, #tpu.memory_space<vmem>>
      %dma_start3A_80 = arith.constant 0 : i32
      %dma_start3A_81 = arith.constant 0 : i32
      %dma_start3A_82 = tpu.memref_slice %arg2[%dma_start3A_80, %dma_start3A_81] : memref<10240x128xf32, #tpu.memory_space<hbm>> -> memref<10240x128xf32, #tpu.memory_space<hbm>>
      tpu.enqueue_indirect_dma source(%dma_start3A_82 : memref<10240x128xf32, #tpu.memory_space<hbm>>) target(%arg9 : memref<128x128xf32, #tpu.memory_space<vmem>>) offsets(%dma_start3A_79 : memref<128xi32, #tpu.memory_space<vmem>>) semaphore(%arg12 : memref<!tpu.dma_semaphore, #tpu.memory_space<semaphore_mem>>)
      %dma_wait3A_83 = arith.constant 4 : i32
      %dma_wait3A_84 = arith.constant 0 : i32
      %dma_wait3A_85 = tpu.memref_slice %arg6[%dma_wait3A_83, %dma_wait3A_84] : memref<40x128xi32, #tpu.memory_space<vmem>> -> memref<1x128xi32, #tpu.memory_space<vmem>>
      %dma_wait3A_86 = tpu.memref_squeeze %dma_wait3A_85 : memref<1x128xi32, #tpu.memory_space<vmem>> -> memref<128xi32, #tpu.memory_space<vmem>>
      %dma_wait3A_87 = arith.constant 0 : i32
      %dma_wait3A_88 = arith.constant 0 : i32
      %dma_wait3A_89 = tpu.memref_slice %arg2[%dma_wait3A_87, %dma_wait3A_88] : memref<10240x128xf32, #tpu.memory_space<hbm>> -> memref<10240x128xf32, #tpu.memory_space<hbm>>
      tpu.wait_indirect_dma semaphore(%arg11 : memref<!tpu.dma_semaphore, #tpu.memory_space<semaphore_mem>>) src(%dma_wait3A_89 : memref<10240x128xf32, #tpu.memory_space<hbm>>) dst(%arg8 : memref<128x128xf32, #tpu.memory_space<vmem>>)
      %run_scoped3A_90 = arith.constant 4 : i32
      "tpu.region"() ({
        %run_scoped3A_609 = tpu.sem_alloc : memref<!tpu.dma_semaphore, #tpu.memory_space<semaphore_mem>>
        %dma_start3A_610 = arith.constant 0 : i32
        %dma_start3A_611 = tpu.memref_slice %arg7[%run_scoped3A_90, %dma_start3A_610] : memref<40x128xi32, #tpu.memory_space<vmem>> -> memref<1x128xi32, #tpu.memory_space<vmem>>
        %dma_start3A_612 = tpu.memref_squeeze %dma_start3A_611 : memref<1x128xi32, #tpu.memory_space<vmem>> -> memref<128xi32, #tpu.memory_space<vmem>>
        %dma_start3A_613 = arith.constant 0 : i32
        %dma_start3A_614 = arith.constant 0 : i32
        %dma_start3A_615 = tpu.memref_slice %arg10[%dma_start3A_613, %dma_start3A_614] : memref<10240x128xf32, #tpu.memory_space<vmem_shared>> -> memref<10240x128xf32, #tpu.memory_space<vmem_shared>>
        tpu.enqueue_indirect_dma source(%arg8 : memref<128x128xf32, #tpu.memory_space<vmem>>) target(%dma_start3A_615 : memref<10240x128xf32, #tpu.memory_space<vmem_shared>>) offsets(%dma_start3A_612 : memref<128xi32, #tpu.memory_space<vmem>>) semaphore(%run_scoped3A_609 : memref<!tpu.dma_semaphore, #tpu.memory_space<semaphore_mem>>) {add = true}
        %dma_wait3A_616 = arith.constant 0 : i32
        %dma_wait3A_617 = tpu.memref_slice %arg7[%run_scoped3A_90, %dma_wait3A_616] : memref<40x128xi32, #tpu.memory_space<vmem>> -> memref<1x128xi32, #tpu.memory_space<vmem>>
        %dma_wait3A_618 = tpu.memref_squeeze %dma_wait3A_617 : memref<1x128xi32, #tpu.memory_space<vmem>> -> memref<128xi32, #tpu.memory_space<vmem>>
        %dma_wait3A_619 = arith.constant 0 : i32
        %dma_wait3A_620 = arith.constant 0 : i32
        %dma_wait3A_621 = tpu.memref_slice %arg10[%dma_wait3A_619, %dma_wait3A_620] : memref<10240x128xf32, #tpu.memory_space<vmem_shared>> -> memref<10240x128xf32, #tpu.memory_space<vmem_shared>>
        tpu.wait_indirect_dma semaphore(%run_scoped3A_609 : memref<!tpu.dma_semaphore, #tpu.memory_space<semaphore_mem>>) src(%arg8 : memref<128x128xf32, #tpu.memory_space<vmem>>) dst(%dma_wait3A_621 : memref<10240x128xf32, #tpu.memory_space<vmem_shared>>)
        tpu.yield
      }) : () -> ()
      %dma_start3A_91 = arith.constant 6 : i32
      %dma_start3A_92 = arith.constant 0 : i32
      %dma_start3A_93 = tpu.memref_slice %arg6[%dma_start3A_91, %dma_start3A_92] : memref<40x128xi32, #tpu.memory_space<vmem>> -> memref<1x128xi32, #tpu.memory_space<vmem>>
      %dma_start3A_94 = tpu.memref_squeeze %dma_start3A_93 : memref<1x128xi32, #tpu.memory_space<vmem>> -> memref<128xi32, #tpu.memory_space<vmem>>
      %dma_start3A_95 = arith.constant 0 : i32
      %dma_start3A_96 = arith.constant 0 : i32
      %dma_start3A_97 = tpu.memref_slice %arg2[%dma_start3A_95, %dma_start3A_96] : memref<10240x128xf32, #tpu.memory_space<hbm>> -> memref<10240x128xf32, #tpu.memory_space<hbm>>
      tpu.enqueue_indirect_dma source(%dma_start3A_97 : memref<10240x128xf32, #tpu.memory_space<hbm>>) target(%arg8 : memref<128x128xf32, #tpu.memory_space<vmem>>) offsets(%dma_start3A_94 : memref<128xi32, #tpu.memory_space<vmem>>) semaphore(%arg11 : memref<!tpu.dma_semaphore, #tpu.memory_space<semaphore_mem>>)
      %dma_wait3A_98 = arith.constant 5 : i32
      %dma_wait3A_99 = arith.constant 0 : i32
      %dma_wait3A_100 = tpu.memref_slice %arg6[%dma_wait3A_98, %dma_wait3A_99] : memref<40x128xi32, #tpu.memory_space<vmem>> -> memref<1x128xi32, #tpu.memory_space<vmem>>
      %dma_wait3A_101 = tpu.memref_squeeze %dma_wait3A_100 : memref<1x128xi32, #tpu.memory_space<vmem>> -> memref<128xi32, #tpu.memory_space<vmem>>
      %dma_wait3A_102 = arith.constant 0 : i32
      %dma_wait3A_103 = arith.constant 0 : i32
      %dma_wait3A_104 = tpu.memref_slice %arg2[%dma_wait3A_102, %dma_wait3A_103] : memref<10240x128xf32, #tpu.memory_space<hbm>> -> memref<10240x128xf32, #tpu.memory_space<hbm>>
      tpu.wait_indirect_dma semaphore(%arg12 : memref<!tpu.dma_semaphore, #tpu.memory_space<semaphore_mem>>) src(%dma_wait3A_104 : memref<10240x128xf32, #tpu.memory_space<hbm>>) dst(%arg9 : memref<128x128xf32, #tpu.memory_space<vmem>>)
      %run_scoped3A_105 = arith.constant 5 : i32
      "tpu.region"() ({
        %run_scoped3A_609 = tpu.sem_alloc : memref<!tpu.dma_semaphore, #tpu.memory_space<semaphore_mem>>
        %dma_start3A_610 = arith.constant 0 : i32
        %dma_start3A_611 = tpu.memref_slice %arg7[%run_scoped3A_105, %dma_start3A_610] : memref<40x128xi32, #tpu.memory_space<vmem>> -> memref<1x128xi32, #tpu.memory_space<vmem>>
        %dma_start3A_612 = tpu.memref_squeeze %dma_start3A_611 : memref<1x128xi32, #tpu.memory_space<vmem>> -> memref<128xi32, #tpu.memory_space<vmem>>
        %dma_start3A_613 = arith.constant 0 : i32
        %dma_start3A_614 = arith.constant 0 : i32
        %dma_start3A_615 = tpu.memref_slice %arg10[%dma_start3A_613, %dma_start3A_614] : memref<10240x128xf32, #tpu.memory_space<vmem_shared>> -> memref<10240x128xf32, #tpu.memory_space<vmem_shared>>
        tpu.enqueue_indirect_dma source(%arg9 : memref<128x128xf32, #tpu.memory_space<vmem>>) target(%dma_start3A_615 : memref<10240x128xf32, #tpu.memory_space<vmem_shared>>) offsets(%dma_start3A_612 : memref<128xi32, #tpu.memory_space<vmem>>) semaphore(%run_scoped3A_609 : memref<!tpu.dma_semaphore, #tpu.memory_space<semaphore_mem>>) {add = true}
        %dma_wait3A_616 = arith.constant 0 : i32
        %dma_wait3A_617 = tpu.memref_slice %arg7[%run_scoped3A_105, %dma_wait3A_616] : memref<40x128xi32, #tpu.memory_space<vmem>> -> memref<1x128xi32, #tpu.memory_space<vmem>>
        %dma_wait3A_618 = tpu.memref_squeeze %dma_wait3A_617 : memref<1x128xi32, #tpu.memory_space<vmem>> -> memref<128xi32, #tpu.memory_space<vmem>>
        %dma_wait3A_619 = arith.constant 0 : i32
        %dma_wait3A_620 = arith.constant 0 : i32
        %dma_wait3A_621 = tpu.memref_slice %arg10[%dma_wait3A_619, %dma_wait3A_620] : memref<10240x128xf32, #tpu.memory_space<vmem_shared>> -> memref<10240x128xf32, #tpu.memory_space<vmem_shared>>
        tpu.wait_indirect_dma semaphore(%run_scoped3A_609 : memref<!tpu.dma_semaphore, #tpu.memory_space<semaphore_mem>>) src(%arg9 : memref<128x128xf32, #tpu.memory_space<vmem>>) dst(%dma_wait3A_621 : memref<10240x128xf32, #tpu.memory_space<vmem_shared>>)
        tpu.yield
      }) : () -> ()
      %dma_start3A_106 = arith.constant 7 : i32
      %dma_start3A_107 = arith.constant 0 : i32
      %dma_start3A_108 = tpu.memref_slice %arg6[%dma_start3A_106, %dma_start3A_107] : memref<40x128xi32, #tpu.memory_space<vmem>> -> memref<1x128xi32, #tpu.memory_space<vmem>>
      %dma_start3A_109 = tpu.memref_squeeze %dma_start3A_108 : memref<1x128xi32, #tpu.memory_space<vmem>> -> memref<128xi32, #tpu.memory_space<vmem>>
      %dma_start3A_110 = arith.constant 0 : i32
      %dma_start3A_111 = arith.constant 0 : i32
      %dma_start3A_112 = tpu.memref_slice %arg2[%dma_start3A_110, %dma_start3A_111] : memref<10240x128xf32, #tpu.memory_space<hbm>> -> memref<10240x128xf32, #tpu.memory_space<hbm>>
      tpu.enqueue_indirect_dma source(%dma_start3A_112 : memref<10240x128xf32, #tpu.memory_space<hbm>>) target(%arg9 : memref<128x128xf32, #tpu.memory_space<vmem>>) offsets(%dma_start3A_109 : memref<128xi32, #tpu.memory_space<vmem>>) semaphore(%arg12 : memref<!tpu.dma_semaphore, #tpu.memory_space<semaphore_mem>>)
      %dma_wait3A_113 = arith.constant 6 : i32
      %dma_wait3A_114 = arith.constant 0 : i32
      %dma_wait3A_115 = tpu.memref_slice %arg6[%dma_wait3A_113, %dma_wait3A_114] : memref<40x128xi32, #tpu.memory_space<vmem>> -> memref<1x128xi32, #tpu.memory_space<vmem>>
      %dma_wait3A_116 = tpu.memref_squeeze %dma_wait3A_115 : memref<1x128xi32, #tpu.memory_space<vmem>> -> memref<128xi32, #tpu.memory_space<vmem>>
      %dma_wait3A_117 = arith.constant 0 : i32
      %dma_wait3A_118 = arith.constant 0 : i32
      %dma_wait3A_119 = tpu.memref_slice %arg2[%dma_wait3A_117, %dma_wait3A_118] : memref<10240x128xf32, #tpu.memory_space<hbm>> -> memref<10240x128xf32, #tpu.memory_space<hbm>>
      tpu.wait_indirect_dma semaphore(%arg11 : memref<!tpu.dma_semaphore, #tpu.memory_space<semaphore_mem>>) src(%dma_wait3A_119 : memref<10240x128xf32, #tpu.memory_space<hbm>>) dst(%arg8 : memref<128x128xf32, #tpu.memory_space<vmem>>)
      %run_scoped3A_120 = arith.constant 6 : i32
      "tpu.region"() ({
        %run_scoped3A_609 = tpu.sem_alloc : memref<!tpu.dma_semaphore, #tpu.memory_space<semaphore_mem>>
        %dma_start3A_610 = arith.constant 0 : i32
        %dma_start3A_611 = tpu.memref_slice %arg7[%run_scoped3A_120, %dma_start3A_610] : memref<40x128xi32, #tpu.memory_space<vmem>> -> memref<1x128xi32, #tpu.memory_space<vmem>>
        %dma_start3A_612 = tpu.memref_squeeze %dma_start3A_611 : memref<1x128xi32, #tpu.memory_space<vmem>> -> memref<128xi32, #tpu.memory_space<vmem>>
        %dma_start3A_613 = arith.constant 0 : i32
        %dma_start3A_614 = arith.constant 0 : i32
        %dma_start3A_615 = tpu.memref_slice %arg10[%dma_start3A_613, %dma_start3A_614] : memref<10240x128xf32, #tpu.memory_space<vmem_shared>> -> memref<10240x128xf32, #tpu.memory_space<vmem_shared>>
        tpu.enqueue_indirect_dma source(%arg8 : memref<128x128xf32, #tpu.memory_space<vmem>>) target(%dma_start3A_615 : memref<10240x128xf32, #tpu.memory_space<vmem_shared>>) offsets(%dma_start3A_612 : memref<128xi32, #tpu.memory_space<vmem>>) semaphore(%run_scoped3A_609 : memref<!tpu.dma_semaphore, #tpu.memory_space<semaphore_mem>>) {add = true}
        %dma_wait3A_616 = arith.constant 0 : i32
        %dma_wait3A_617 = tpu.memref_slice %arg7[%run_scoped3A_120, %dma_wait3A_616] : memref<40x128xi32, #tpu.memory_space<vmem>> -> memref<1x128xi32, #tpu.memory_space<vmem>>
        %dma_wait3A_618 = tpu.memref_squeeze %dma_wait3A_617 : memref<1x128xi32, #tpu.memory_space<vmem>> -> memref<128xi32, #tpu.memory_space<vmem>>
        %dma_wait3A_619 = arith.constant 0 : i32
        %dma_wait3A_620 = arith.constant 0 : i32
        %dma_wait3A_621 = tpu.memref_slice %arg10[%dma_wait3A_619, %dma_wait3A_620] : memref<10240x128xf32, #tpu.memory_space<vmem_shared>> -> memref<10240x128xf32, #tpu.memory_space<vmem_shared>>
        tpu.wait_indirect_dma semaphore(%run_scoped3A_609 : memref<!tpu.dma_semaphore, #tpu.memory_space<semaphore_mem>>) src(%arg8 : memref<128x128xf32, #tpu.memory_space<vmem>>) dst(%dma_wait3A_621 : memref<10240x128xf32, #tpu.memory_space<vmem_shared>>)
        tpu.yield
      }) : () -> ()
      %dma_start3A_121 = arith.constant 8 : i32
      %dma_start3A_122 = arith.constant 0 : i32
      %dma_start3A_123 = tpu.memref_slice %arg6[%dma_start3A_121, %dma_start3A_122] : memref<40x128xi32, #tpu.memory_space<vmem>> -> memref<1x128xi32, #tpu.memory_space<vmem>>
      %dma_start3A_124 = tpu.memref_squeeze %dma_start3A_123 : memref<1x128xi32, #tpu.memory_space<vmem>> -> memref<128xi32, #tpu.memory_space<vmem>>
      %dma_start3A_125 = arith.constant 0 : i32
      %dma_start3A_126 = arith.constant 0 : i32
      %dma_start3A_127 = tpu.memref_slice %arg2[%dma_start3A_125, %dma_start3A_126] : memref<10240x128xf32, #tpu.memory_space<hbm>> -> memref<10240x128xf32, #tpu.memory_space<hbm>>
      tpu.enqueue_indirect_dma source(%dma_start3A_127 : memref<10240x128xf32, #tpu.memory_space<hbm>>) target(%arg8 : memref<128x128xf32, #tpu.memory_space<vmem>>) offsets(%dma_start3A_124 : memref<128xi32, #tpu.memory_space<vmem>>) semaphore(%arg11 : memref<!tpu.dma_semaphore, #tpu.memory_space<semaphore_mem>>)
      %dma_wait3A_128 = arith.constant 7 : i32
      %dma_wait3A_129 = arith.constant 0 : i32
      %dma_wait3A_130 = tpu.memref_slice %arg6[%dma_wait3A_128, %dma_wait3A_129] : memref<40x128xi32, #tpu.memory_space<vmem>> -> memref<1x128xi32, #tpu.memory_space<vmem>>
      %dma_wait3A_131 = tpu.memref_squeeze %dma_wait3A_130 : memref<1x128xi32, #tpu.memory_space<vmem>> -> memref<128xi32, #tpu.memory_space<vmem>>
      %dma_wait3A_132 = arith.constant 0 : i32
      %dma_wait3A_133 = arith.constant 0 : i32
      %dma_wait3A_134 = tpu.memref_slice %arg2[%dma_wait3A_132, %dma_wait3A_133] : memref<10240x128xf32, #tpu.memory_space<hbm>> -> memref<10240x128xf32, #tpu.memory_space<hbm>>
      tpu.wait_indirect_dma semaphore(%arg12 : memref<!tpu.dma_semaphore, #tpu.memory_space<semaphore_mem>>) src(%dma_wait3A_134 : memref<10240x128xf32, #tpu.memory_space<hbm>>) dst(%arg9 : memref<128x128xf32, #tpu.memory_space<vmem>>)
      %run_scoped3A_135 = arith.constant 7 : i32
      "tpu.region"() ({
        %run_scoped3A_609 = tpu.sem_alloc : memref<!tpu.dma_semaphore, #tpu.memory_space<semaphore_mem>>
        %dma_start3A_610 = arith.constant 0 : i32
        %dma_start3A_611 = tpu.memref_slice %arg7[%run_scoped3A_135, %dma_start3A_610] : memref<40x128xi32, #tpu.memory_space<vmem>> -> memref<1x128xi32, #tpu.memory_space<vmem>>
        %dma_start3A_612 = tpu.memref_squeeze %dma_start3A_611 : memref<1x128xi32, #tpu.memory_space<vmem>> -> memref<128xi32, #tpu.memory_space<vmem>>
        %dma_start3A_613 = arith.constant 0 : i32
        %dma_start3A_614 = arith.constant 0 : i32
        %dma_start3A_615 = tpu.memref_slice %arg10[%dma_start3A_613, %dma_start3A_614] : memref<10240x128xf32, #tpu.memory_space<vmem_shared>> -> memref<10240x128xf32, #tpu.memory_space<vmem_shared>>
        tpu.enqueue_indirect_dma source(%arg9 : memref<128x128xf32, #tpu.memory_space<vmem>>) target(%dma_start3A_615 : memref<10240x128xf32, #tpu.memory_space<vmem_shared>>) offsets(%dma_start3A_612 : memref<128xi32, #tpu.memory_space<vmem>>) semaphore(%run_scoped3A_609 : memref<!tpu.dma_semaphore, #tpu.memory_space<semaphore_mem>>) {add = true}
        %dma_wait3A_616 = arith.constant 0 : i32
        %dma_wait3A_617 = tpu.memref_slice %arg7[%run_scoped3A_135, %dma_wait3A_616] : memref<40x128xi32, #tpu.memory_space<vmem>> -> memref<1x128xi32, #tpu.memory_space<vmem>>
        %dma_wait3A_618 = tpu.memref_squeeze %dma_wait3A_617 : memref<1x128xi32, #tpu.memory_space<vmem>> -> memref<128xi32, #tpu.memory_space<vmem>>
        %dma_wait3A_619 = arith.constant 0 : i32
        %dma_wait3A_620 = arith.constant 0 : i32
        %dma_wait3A_621 = tpu.memref_slice %arg10[%dma_wait3A_619, %dma_wait3A_620] : memref<10240x128xf32, #tpu.memory_space<vmem_shared>> -> memref<10240x128xf32, #tpu.memory_space<vmem_shared>>
        tpu.wait_indirect_dma semaphore(%run_scoped3A_609 : memref<!tpu.dma_semaphore, #tpu.memory_space<semaphore_mem>>) src(%arg9 : memref<128x128xf32, #tpu.memory_space<vmem>>) dst(%dma_wait3A_621 : memref<10240x128xf32, #tpu.memory_space<vmem_shared>>)
        tpu.yield
      }) : () -> ()
      %dma_start3A_136 = arith.constant 9 : i32
      %dma_start3A_137 = arith.constant 0 : i32
      %dma_start3A_138 = tpu.memref_slice %arg6[%dma_start3A_136, %dma_start3A_137] : memref<40x128xi32, #tpu.memory_space<vmem>> -> memref<1x128xi32, #tpu.memory_space<vmem>>
      %dma_start3A_139 = tpu.memref_squeeze %dma_start3A_138 : memref<1x128xi32, #tpu.memory_space<vmem>> -> memref<128xi32, #tpu.memory_space<vmem>>
      %dma_start3A_140 = arith.constant 0 : i32
      %dma_start3A_141 = arith.constant 0 : i32
      %dma_start3A_142 = tpu.memref_slice %arg2[%dma_start3A_140, %dma_start3A_141] : memref<10240x128xf32, #tpu.memory_space<hbm>> -> memref<10240x128xf32, #tpu.memory_space<hbm>>
      tpu.enqueue_indirect_dma source(%dma_start3A_142 : memref<10240x128xf32, #tpu.memory_space<hbm>>) target(%arg9 : memref<128x128xf32, #tpu.memory_space<vmem>>) offsets(%dma_start3A_139 : memref<128xi32, #tpu.memory_space<vmem>>) semaphore(%arg12 : memref<!tpu.dma_semaphore, #tpu.memory_space<semaphore_mem>>)
      %dma_wait3A_143 = arith.constant 8 : i32
      %dma_wait3A_144 = arith.constant 0 : i32
      %dma_wait3A_145 = tpu.memref_slice %arg6[%dma_wait3A_143, %dma_wait3A_144] : memref<40x128xi32, #tpu.memory_space<vmem>> -> memref<1x128xi32, #tpu.memory_space<vmem>>
      %dma_wait3A_146 = tpu.memref_squeeze %dma_wait3A_145 : memref<1x128xi32, #tpu.memory_space<vmem>> -> memref<128xi32, #tpu.memory_space<vmem>>
      %dma_wait3A_147 = arith.constant 0 : i32
      %dma_wait3A_148 = arith.constant 0 : i32
      %dma_wait3A_149 = tpu.memref_slice %arg2[%dma_wait3A_147, %dma_wait3A_148] : memref<10240x128xf32, #tpu.memory_space<hbm>> -> memref<10240x128xf32, #tpu.memory_space<hbm>>
      tpu.wait_indirect_dma semaphore(%arg11 : memref<!tpu.dma_semaphore, #tpu.memory_space<semaphore_mem>>) src(%dma_wait3A_149 : memref<10240x128xf32, #tpu.memory_space<hbm>>) dst(%arg8 : memref<128x128xf32, #tpu.memory_space<vmem>>)
      %run_scoped3A_150 = arith.constant 8 : i32
      "tpu.region"() ({
        %run_scoped3A_609 = tpu.sem_alloc : memref<!tpu.dma_semaphore, #tpu.memory_space<semaphore_mem>>
        %dma_start3A_610 = arith.constant 0 : i32
        %dma_start3A_611 = tpu.memref_slice %arg7[%run_scoped3A_150, %dma_start3A_610] : memref<40x128xi32, #tpu.memory_space<vmem>> -> memref<1x128xi32, #tpu.memory_space<vmem>>
        %dma_start3A_612 = tpu.memref_squeeze %dma_start3A_611 : memref<1x128xi32, #tpu.memory_space<vmem>> -> memref<128xi32, #tpu.memory_space<vmem>>
        %dma_start3A_613 = arith.constant 0 : i32
        %dma_start3A_614 = arith.constant 0 : i32
        %dma_start3A_615 = tpu.memref_slice %arg10[%dma_start3A_613, %dma_start3A_614] : memref<10240x128xf32, #tpu.memory_space<vmem_shared>> -> memref<10240x128xf32, #tpu.memory_space<vmem_shared>>
        tpu.enqueue_indirect_dma source(%arg8 : memref<128x128xf32, #tpu.memory_space<vmem>>) target(%dma_start3A_615 : memref<10240x128xf32, #tpu.memory_space<vmem_shared>>) offsets(%dma_start3A_612 : memref<128xi32, #tpu.memory_space<vmem>>) semaphore(%run_scoped3A_609 : memref<!tpu.dma_semaphore, #tpu.memory_space<semaphore_mem>>) {add = true}
        %dma_wait3A_616 = arith.constant 0 : i32
        %dma_wait3A_617 = tpu.memref_slice %arg7[%run_scoped3A_150, %dma_wait3A_616] : memref<40x128xi32, #tpu.memory_space<vmem>> -> memref<1x128xi32, #tpu.memory_space<vmem>>
        %dma_wait3A_618 = tpu.memref_squeeze %dma_wait3A_617 : memref<1x128xi32, #tpu.memory_space<vmem>> -> memref<128xi32, #tpu.memory_space<vmem>>
        %dma_wait3A_619 = arith.constant 0 : i32
        %dma_wait3A_620 = arith.constant 0 : i32
        %dma_wait3A_621 = tpu.memref_slice %arg10[%dma_wait3A_619, %dma_wait3A_620] : memref<10240x128xf32, #tpu.memory_space<vmem_shared>> -> memref<10240x128xf32, #tpu.memory_space<vmem_shared>>
        tpu.wait_indirect_dma semaphore(%run_scoped3A_609 : memref<!tpu.dma_semaphore, #tpu.memory_space<semaphore_mem>>) src(%arg8 : memref<128x128xf32, #tpu.memory_space<vmem>>) dst(%dma_wait3A_621 : memref<10240x128xf32, #tpu.memory_space<vmem_shared>>)
        tpu.yield
      }) : () -> ()
      %dma_start3A_151 = arith.constant 10 : i32
      %dma_start3A_152 = arith.constant 0 : i32
      %dma_start3A_153 = tpu.memref_slice %arg6[%dma_start3A_151, %dma_start3A_152] : memref<40x128xi32, #tpu.memory_space<vmem>> -> memref<1x128xi32, #tpu.memory_space<vmem>>
      %dma_start3A_154 = tpu.memref_squeeze %dma_start3A_153 : memref<1x128xi32, #tpu.memory_space<vmem>> -> memref<128xi32, #tpu.memory_space<vmem>>
      %dma_start3A_155 = arith.constant 0 : i32
      %dma_start3A_156 = arith.constant 0 : i32
      %dma_start3A_157 = tpu.memref_slice %arg2[%dma_start3A_155, %dma_start3A_156] : memref<10240x128xf32, #tpu.memory_space<hbm>> -> memref<10240x128xf32, #tpu.memory_space<hbm>>
      tpu.enqueue_indirect_dma source(%dma_start3A_157 : memref<10240x128xf32, #tpu.memory_space<hbm>>) target(%arg8 : memref<128x128xf32, #tpu.memory_space<vmem>>) offsets(%dma_start3A_154 : memref<128xi32, #tpu.memory_space<vmem>>) semaphore(%arg11 : memref<!tpu.dma_semaphore, #tpu.memory_space<semaphore_mem>>)
      %dma_wait3A_158 = arith.constant 9 : i32
      %dma_wait3A_159 = arith.constant 0 : i32
      %dma_wait3A_160 = tpu.memref_slice %arg6[%dma_wait3A_158, %dma_wait3A_159] : memref<40x128xi32, #tpu.memory_space<vmem>> -> memref<1x128xi32, #tpu.memory_space<vmem>>
      %dma_wait3A_161 = tpu.memref_squeeze %dma_wait3A_160 : memref<1x128xi32, #tpu.memory_space<vmem>> -> memref<128xi32, #tpu.memory_space<vmem>>
      %dma_wait3A_162 = arith.constant 0 : i32
      %dma_wait3A_163 = arith.constant 0 : i32
      %dma_wait3A_164 = tpu.memref_slice %arg2[%dma_wait3A_162, %dma_wait3A_163] : memref<10240x128xf32, #tpu.memory_space<hbm>> -> memref<10240x128xf32, #tpu.memory_space<hbm>>
      tpu.wait_indirect_dma semaphore(%arg12 : memref<!tpu.dma_semaphore, #tpu.memory_space<semaphore_mem>>) src(%dma_wait3A_164 : memref<10240x128xf32, #tpu.memory_space<hbm>>) dst(%arg9 : memref<128x128xf32, #tpu.memory_space<vmem>>)
      %run_scoped3A_165 = arith.constant 9 : i32
      "tpu.region"() ({
        %run_scoped3A_609 = tpu.sem_alloc : memref<!tpu.dma_semaphore, #tpu.memory_space<semaphore_mem>>
        %dma_start3A_610 = arith.constant 0 : i32
        %dma_start3A_611 = tpu.memref_slice %arg7[%run_scoped3A_165, %dma_start3A_610] : memref<40x128xi32, #tpu.memory_space<vmem>> -> memref<1x128xi32, #tpu.memory_space<vmem>>
        %dma_start3A_612 = tpu.memref_squeeze %dma_start3A_611 : memref<1x128xi32, #tpu.memory_space<vmem>> -> memref<128xi32, #tpu.memory_space<vmem>>
        %dma_start3A_613 = arith.constant 0 : i32
        %dma_start3A_614 = arith.constant 0 : i32
        %dma_start3A_615 = tpu.memref_slice %arg10[%dma_start3A_613, %dma_start3A_614] : memref<10240x128xf32, #tpu.memory_space<vmem_shared>> -> memref<10240x128xf32, #tpu.memory_space<vmem_shared>>
        tpu.enqueue_indirect_dma source(%arg9 : memref<128x128xf32, #tpu.memory_space<vmem>>) target(%dma_start3A_615 : memref<10240x128xf32, #tpu.memory_space<vmem_shared>>) offsets(%dma_start3A_612 : memref<128xi32, #tpu.memory_space<vmem>>) semaphore(%run_scoped3A_609 : memref<!tpu.dma_semaphore, #tpu.memory_space<semaphore_mem>>) {add = true}
        %dma_wait3A_616 = arith.constant 0 : i32
        %dma_wait3A_617 = tpu.memref_slice %arg7[%run_scoped3A_165, %dma_wait3A_616] : memref<40x128xi32, #tpu.memory_space<vmem>> -> memref<1x128xi32, #tpu.memory_space<vmem>>
        %dma_wait3A_618 = tpu.memref_squeeze %dma_wait3A_617 : memref<1x128xi32, #tpu.memory_space<vmem>> -> memref<128xi32, #tpu.memory_space<vmem>>
        %dma_wait3A_619 = arith.constant 0 : i32
        %dma_wait3A_620 = arith.constant 0 : i32
        %dma_wait3A_621 = tpu.memref_slice %arg10[%dma_wait3A_619, %dma_wait3A_620] : memref<10240x128xf32, #tpu.memory_space<vmem_shared>> -> memref<10240x128xf32, #tpu.memory_space<vmem_shared>>
        tpu.wait_indirect_dma semaphore(%run_scoped3A_609 : memref<!tpu.dma_semaphore, #tpu.memory_space<semaphore_mem>>) src(%arg9 : memref<128x128xf32, #tpu.memory_space<vmem>>) dst(%dma_wait3A_621 : memref<10240x128xf32, #tpu.memory_space<vmem_shared>>)
        tpu.yield
      }) : () -> ()
      %dma_start3A_166 = arith.constant 11 : i32
      %dma_start3A_167 = arith.constant 0 : i32
      %dma_start3A_168 = tpu.memref_slice %arg6[%dma_start3A_166, %dma_start3A_167] : memref<40x128xi32, #tpu.memory_space<vmem>> -> memref<1x128xi32, #tpu.memory_space<vmem>>
      %dma_start3A_169 = tpu.memref_squeeze %dma_start3A_168 : memref<1x128xi32, #tpu.memory_space<vmem>> -> memref<128xi32, #tpu.memory_space<vmem>>
      %dma_start3A_170 = arith.constant 0 : i32
      %dma_start3A_171 = arith.constant 0 : i32
      %dma_start3A_172 = tpu.memref_slice %arg2[%dma_start3A_170, %dma_start3A_171] : memref<10240x128xf32, #tpu.memory_space<hbm>> -> memref<10240x128xf32, #tpu.memory_space<hbm>>
      tpu.enqueue_indirect_dma source(%dma_start3A_172 : memref<10240x128xf32, #tpu.memory_space<hbm>>) target(%arg9 : memref<128x128xf32, #tpu.memory_space<vmem>>) offsets(%dma_start3A_169 : memref<128xi32, #tpu.memory_space<vmem>>) semaphore(%arg12 : memref<!tpu.dma_semaphore, #tpu.memory_space<semaphore_mem>>)
      %dma_wait3A_173 = arith.constant 10 : i32
      %dma_wait3A_174 = arith.constant 0 : i32
      %dma_wait3A_175 = tpu.memref_slice %arg6[%dma_wait3A_173, %dma_wait3A_174] : memref<40x128xi32, #tpu.memory_space<vmem>> -> memref<1x128xi32, #tpu.memory_space<vmem>>
      %dma_wait3A_176 = tpu.memref_squeeze %dma_wait3A_175 : memref<1x128xi32, #tpu.memory_space<vmem>> -> memref<128xi32, #tpu.memory_space<vmem>>
      %dma_wait3A_177 = arith.constant 0 : i32
      %dma_wait3A_178 = arith.constant 0 : i32
      %dma_wait3A_179 = tpu.memref_slice %arg2[%dma_wait3A_177, %dma_wait3A_178] : memref<10240x128xf32, #tpu.memory_space<hbm>> -> memref<10240x128xf32, #tpu.memory_space<hbm>>
      tpu.wait_indirect_dma semaphore(%arg11 : memref<!tpu.dma_semaphore, #tpu.memory_space<semaphore_mem>>) src(%dma_wait3A_179 : memref<10240x128xf32, #tpu.memory_space<hbm>>) dst(%arg8 : memref<128x128xf32, #tpu.memory_space<vmem>>)
      %run_scoped3A_180 = arith.constant 10 : i32
      "tpu.region"() ({
        %run_scoped3A_609 = tpu.sem_alloc : memref<!tpu.dma_semaphore, #tpu.memory_space<semaphore_mem>>
        %dma_start3A_610 = arith.constant 0 : i32
        %dma_start3A_611 = tpu.memref_slice %arg7[%run_scoped3A_180, %dma_start3A_610] : memref<40x128xi32, #tpu.memory_space<vmem>> -> memref<1x128xi32, #tpu.memory_space<vmem>>
        %dma_start3A_612 = tpu.memref_squeeze %dma_start3A_611 : memref<1x128xi32, #tpu.memory_space<vmem>> -> memref<128xi32, #tpu.memory_space<vmem>>
        %dma_start3A_613 = arith.constant 0 : i32
        %dma_start3A_614 = arith.constant 0 : i32
        %dma_start3A_615 = tpu.memref_slice %arg10[%dma_start3A_613, %dma_start3A_614] : memref<10240x128xf32, #tpu.memory_space<vmem_shared>> -> memref<10240x128xf32, #tpu.memory_space<vmem_shared>>
        tpu.enqueue_indirect_dma source(%arg8 : memref<128x128xf32, #tpu.memory_space<vmem>>) target(%dma_start3A_615 : memref<10240x128xf32, #tpu.memory_space<vmem_shared>>) offsets(%dma_start3A_612 : memref<128xi32, #tpu.memory_space<vmem>>) semaphore(%run_scoped3A_609 : memref<!tpu.dma_semaphore, #tpu.memory_space<semaphore_mem>>) {add = true}
        %dma_wait3A_616 = arith.constant 0 : i32
        %dma_wait3A_617 = tpu.memref_slice %arg7[%run_scoped3A_180, %dma_wait3A_616] : memref<40x128xi32, #tpu.memory_space<vmem>> -> memref<1x128xi32, #tpu.memory_space<vmem>>
        %dma_wait3A_618 = tpu.memref_squeeze %dma_wait3A_617 : memref<1x128xi32, #tpu.memory_space<vmem>> -> memref<128xi32, #tpu.memory_space<vmem>>
        %dma_wait3A_619 = arith.constant 0 : i32
        %dma_wait3A_620 = arith.constant 0 : i32
        %dma_wait3A_621 = tpu.memref_slice %arg10[%dma_wait3A_619, %dma_wait3A_620] : memref<10240x128xf32, #tpu.memory_space<vmem_shared>> -> memref<10240x128xf32, #tpu.memory_space<vmem_shared>>
        tpu.wait_indirect_dma semaphore(%run_scoped3A_609 : memref<!tpu.dma_semaphore, #tpu.memory_space<semaphore_mem>>) src(%arg8 : memref<128x128xf32, #tpu.memory_space<vmem>>) dst(%dma_wait3A_621 : memref<10240x128xf32, #tpu.memory_space<vmem_shared>>)
        tpu.yield
      }) : () -> ()
      %dma_start3A_181 = arith.constant 12 : i32
      %dma_start3A_182 = arith.constant 0 : i32
      %dma_start3A_183 = tpu.memref_slice %arg6[%dma_start3A_181, %dma_start3A_182] : memref<40x128xi32, #tpu.memory_space<vmem>> -> memref<1x128xi32, #tpu.memory_space<vmem>>
      %dma_start3A_184 = tpu.memref_squeeze %dma_start3A_183 : memref<1x128xi32, #tpu.memory_space<vmem>> -> memref<128xi32, #tpu.memory_space<vmem>>
      %dma_start3A_185 = arith.constant 0 : i32
      %dma_start3A_186 = arith.constant 0 : i32
      %dma_start3A_187 = tpu.memref_slice %arg2[%dma_start3A_185, %dma_start3A_186] : memref<10240x128xf32, #tpu.memory_space<hbm>> -> memref<10240x128xf32, #tpu.memory_space<hbm>>
      tpu.enqueue_indirect_dma source(%dma_start3A_187 : memref<10240x128xf32, #tpu.memory_space<hbm>>) target(%arg8 : memref<128x128xf32, #tpu.memory_space<vmem>>) offsets(%dma_start3A_184 : memref<128xi32, #tpu.memory_space<vmem>>) semaphore(%arg11 : memref<!tpu.dma_semaphore, #tpu.memory_space<semaphore_mem>>)
      %dma_wait3A_188 = arith.constant 11 : i32
      %dma_wait3A_189 = arith.constant 0 : i32
      %dma_wait3A_190 = tpu.memref_slice %arg6[%dma_wait3A_188, %dma_wait3A_189] : memref<40x128xi32, #tpu.memory_space<vmem>> -> memref<1x128xi32, #tpu.memory_space<vmem>>
      %dma_wait3A_191 = tpu.memref_squeeze %dma_wait3A_190 : memref<1x128xi32, #tpu.memory_space<vmem>> -> memref<128xi32, #tpu.memory_space<vmem>>
      %dma_wait3A_192 = arith.constant 0 : i32
      %dma_wait3A_193 = arith.constant 0 : i32
      %dma_wait3A_194 = tpu.memref_slice %arg2[%dma_wait3A_192, %dma_wait3A_193] : memref<10240x128xf32, #tpu.memory_space<hbm>> -> memref<10240x128xf32, #tpu.memory_space<hbm>>
      tpu.wait_indirect_dma semaphore(%arg12 : memref<!tpu.dma_semaphore, #tpu.memory_space<semaphore_mem>>) src(%dma_wait3A_194 : memref<10240x128xf32, #tpu.memory_space<hbm>>) dst(%arg9 : memref<128x128xf32, #tpu.memory_space<vmem>>)
      %run_scoped3A_195 = arith.constant 11 : i32
      "tpu.region"() ({
        %run_scoped3A_609 = tpu.sem_alloc : memref<!tpu.dma_semaphore, #tpu.memory_space<semaphore_mem>>
        %dma_start3A_610 = arith.constant 0 : i32
        %dma_start3A_611 = tpu.memref_slice %arg7[%run_scoped3A_195, %dma_start3A_610] : memref<40x128xi32, #tpu.memory_space<vmem>> -> memref<1x128xi32, #tpu.memory_space<vmem>>
        %dma_start3A_612 = tpu.memref_squeeze %dma_start3A_611 : memref<1x128xi32, #tpu.memory_space<vmem>> -> memref<128xi32, #tpu.memory_space<vmem>>
        %dma_start3A_613 = arith.constant 0 : i32
        %dma_start3A_614 = arith.constant 0 : i32
        %dma_start3A_615 = tpu.memref_slice %arg10[%dma_start3A_613, %dma_start3A_614] : memref<10240x128xf32, #tpu.memory_space<vmem_shared>> -> memref<10240x128xf32, #tpu.memory_space<vmem_shared>>
        tpu.enqueue_indirect_dma source(%arg9 : memref<128x128xf32, #tpu.memory_space<vmem>>) target(%dma_start3A_615 : memref<10240x128xf32, #tpu.memory_space<vmem_shared>>) offsets(%dma_start3A_612 : memref<128xi32, #tpu.memory_space<vmem>>) semaphore(%run_scoped3A_609 : memref<!tpu.dma_semaphore, #tpu.memory_space<semaphore_mem>>) {add = true}
        %dma_wait3A_616 = arith.constant 0 : i32
        %dma_wait3A_617 = tpu.memref_slice %arg7[%run_scoped3A_195, %dma_wait3A_616] : memref<40x128xi32, #tpu.memory_space<vmem>> -> memref<1x128xi32, #tpu.memory_space<vmem>>
        %dma_wait3A_618 = tpu.memref_squeeze %dma_wait3A_617 : memref<1x128xi32, #tpu.memory_space<vmem>> -> memref<128xi32, #tpu.memory_space<vmem>>
        %dma_wait3A_619 = arith.constant 0 : i32
        %dma_wait3A_620 = arith.constant 0 : i32
        %dma_wait3A_621 = tpu.memref_slice %arg10[%dma_wait3A_619, %dma_wait3A_620] : memref<10240x128xf32, #tpu.memory_space<vmem_shared>> -> memref<10240x128xf32, #tpu.memory_space<vmem_shared>>
        tpu.wait_indirect_dma semaphore(%run_scoped3A_609 : memref<!tpu.dma_semaphore, #tpu.memory_space<semaphore_mem>>) src(%arg9 : memref<128x128xf32, #tpu.memory_space<vmem>>) dst(%dma_wait3A_621 : memref<10240x128xf32, #tpu.memory_space<vmem_shared>>)
        tpu.yield
      }) : () -> ()
      %dma_start3A_196 = arith.constant 13 : i32
      %dma_start3A_197 = arith.constant 0 : i32
      %dma_start3A_198 = tpu.memref_slice %arg6[%dma_start3A_196, %dma_start3A_197] : memref<40x128xi32, #tpu.memory_space<vmem>> -> memref<1x128xi32, #tpu.memory_space<vmem>>
      %dma_start3A_199 = tpu.memref_squeeze %dma_start3A_198 : memref<1x128xi32, #tpu.memory_space<vmem>> -> memref<128xi32, #tpu.memory_space<vmem>>
      %dma_start3A_200 = arith.constant 0 : i32
      %dma_start3A_201 = arith.constant 0 : i32
      %dma_start3A_202 = tpu.memref_slice %arg2[%dma_start3A_200, %dma_start3A_201] : memref<10240x128xf32, #tpu.memory_space<hbm>> -> memref<10240x128xf32, #tpu.memory_space<hbm>>
      tpu.enqueue_indirect_dma source(%dma_start3A_202 : memref<10240x128xf32, #tpu.memory_space<hbm>>) target(%arg9 : memref<128x128xf32, #tpu.memory_space<vmem>>) offsets(%dma_start3A_199 : memref<128xi32, #tpu.memory_space<vmem>>) semaphore(%arg12 : memref<!tpu.dma_semaphore, #tpu.memory_space<semaphore_mem>>)
      %dma_wait3A_203 = arith.constant 12 : i32
      %dma_wait3A_204 = arith.constant 0 : i32
      %dma_wait3A_205 = tpu.memref_slice %arg6[%dma_wait3A_203, %dma_wait3A_204] : memref<40x128xi32, #tpu.memory_space<vmem>> -> memref<1x128xi32, #tpu.memory_space<vmem>>
      %dma_wait3A_206 = tpu.memref_squeeze %dma_wait3A_205 : memref<1x128xi32, #tpu.memory_space<vmem>> -> memref<128xi32, #tpu.memory_space<vmem>>
      %dma_wait3A_207 = arith.constant 0 : i32
      %dma_wait3A_208 = arith.constant 0 : i32
      %dma_wait3A_209 = tpu.memref_slice %arg2[%dma_wait3A_207, %dma_wait3A_208] : memref<10240x128xf32, #tpu.memory_space<hbm>> -> memref<10240x128xf32, #tpu.memory_space<hbm>>
      tpu.wait_indirect_dma semaphore(%arg11 : memref<!tpu.dma_semaphore, #tpu.memory_space<semaphore_mem>>) src(%dma_wait3A_209 : memref<10240x128xf32, #tpu.memory_space<hbm>>) dst(%arg8 : memref<128x128xf32, #tpu.memory_space<vmem>>)
      %run_scoped3A_210 = arith.constant 12 : i32
      "tpu.region"() ({
        %run_scoped3A_609 = tpu.sem_alloc : memref<!tpu.dma_semaphore, #tpu.memory_space<semaphore_mem>>
        %dma_start3A_610 = arith.constant 0 : i32
        %dma_start3A_611 = tpu.memref_slice %arg7[%run_scoped3A_210, %dma_start3A_610] : memref<40x128xi32, #tpu.memory_space<vmem>> -> memref<1x128xi32, #tpu.memory_space<vmem>>
        %dma_start3A_612 = tpu.memref_squeeze %dma_start3A_611 : memref<1x128xi32, #tpu.memory_space<vmem>> -> memref<128xi32, #tpu.memory_space<vmem>>
        %dma_start3A_613 = arith.constant 0 : i32
        %dma_start3A_614 = arith.constant 0 : i32
        %dma_start3A_615 = tpu.memref_slice %arg10[%dma_start3A_613, %dma_start3A_614] : memref<10240x128xf32, #tpu.memory_space<vmem_shared>> -> memref<10240x128xf32, #tpu.memory_space<vmem_shared>>
        tpu.enqueue_indirect_dma source(%arg8 : memref<128x128xf32, #tpu.memory_space<vmem>>) target(%dma_start3A_615 : memref<10240x128xf32, #tpu.memory_space<vmem_shared>>) offsets(%dma_start3A_612 : memref<128xi32, #tpu.memory_space<vmem>>) semaphore(%run_scoped3A_609 : memref<!tpu.dma_semaphore, #tpu.memory_space<semaphore_mem>>) {add = true}
        %dma_wait3A_616 = arith.constant 0 : i32
        %dma_wait3A_617 = tpu.memref_slice %arg7[%run_scoped3A_210, %dma_wait3A_616] : memref<40x128xi32, #tpu.memory_space<vmem>> -> memref<1x128xi32, #tpu.memory_space<vmem>>
        %dma_wait3A_618 = tpu.memref_squeeze %dma_wait3A_617 : memref<1x128xi32, #tpu.memory_space<vmem>> -> memref<128xi32, #tpu.memory_space<vmem>>
        %dma_wait3A_619 = arith.constant 0 : i32
        %dma_wait3A_620 = arith.constant 0 : i32
        %dma_wait3A_621 = tpu.memref_slice %arg10[%dma_wait3A_619, %dma_wait3A_620] : memref<10240x128xf32, #tpu.memory_space<vmem_shared>> -> memref<10240x128xf32, #tpu.memory_space<vmem_shared>>
        tpu.wait_indirect_dma semaphore(%run_scoped3A_609 : memref<!tpu.dma_semaphore, #tpu.memory_space<semaphore_mem>>) src(%arg8 : memref<128x128xf32, #tpu.memory_space<vmem>>) dst(%dma_wait3A_621 : memref<10240x128xf32, #tpu.memory_space<vmem_shared>>)
        tpu.yield
      }) : () -> ()
      %dma_start3A_211 = arith.constant 14 : i32
      %dma_start3A_212 = arith.constant 0 : i32
      %dma_start3A_213 = tpu.memref_slice %arg6[%dma_start3A_211, %dma_start3A_212] : memref<40x128xi32, #tpu.memory_space<vmem>> -> memref<1x128xi32, #tpu.memory_space<vmem>>
      %dma_start3A_214 = tpu.memref_squeeze %dma_start3A_213 : memref<1x128xi32, #tpu.memory_space<vmem>> -> memref<128xi32, #tpu.memory_space<vmem>>
      %dma_start3A_215 = arith.constant 0 : i32
      %dma_start3A_216 = arith.constant 0 : i32
      %dma_start3A_217 = tpu.memref_slice %arg2[%dma_start3A_215, %dma_start3A_216] : memref<10240x128xf32, #tpu.memory_space<hbm>> -> memref<10240x128xf32, #tpu.memory_space<hbm>>
      tpu.enqueue_indirect_dma source(%dma_start3A_217 : memref<10240x128xf32, #tpu.memory_space<hbm>>) target(%arg8 : memref<128x128xf32, #tpu.memory_space<vmem>>) offsets(%dma_start3A_214 : memref<128xi32, #tpu.memory_space<vmem>>) semaphore(%arg11 : memref<!tpu.dma_semaphore, #tpu.memory_space<semaphore_mem>>)
      %dma_wait3A_218 = arith.constant 13 : i32
      %dma_wait3A_219 = arith.constant 0 : i32
      %dma_wait3A_220 = tpu.memref_slice %arg6[%dma_wait3A_218, %dma_wait3A_219] : memref<40x128xi32, #tpu.memory_space<vmem>> -> memref<1x128xi32, #tpu.memory_space<vmem>>
      %dma_wait3A_221 = tpu.memref_squeeze %dma_wait3A_220 : memref<1x128xi32, #tpu.memory_space<vmem>> -> memref<128xi32, #tpu.memory_space<vmem>>
      %dma_wait3A_222 = arith.constant 0 : i32
      %dma_wait3A_223 = arith.constant 0 : i32
      %dma_wait3A_224 = tpu.memref_slice %arg2[%dma_wait3A_222, %dma_wait3A_223] : memref<10240x128xf32, #tpu.memory_space<hbm>> -> memref<10240x128xf32, #tpu.memory_space<hbm>>
      tpu.wait_indirect_dma semaphore(%arg12 : memref<!tpu.dma_semaphore, #tpu.memory_space<semaphore_mem>>) src(%dma_wait3A_224 : memref<10240x128xf32, #tpu.memory_space<hbm>>) dst(%arg9 : memref<128x128xf32, #tpu.memory_space<vmem>>)
      %run_scoped3A_225 = arith.constant 13 : i32
      "tpu.region"() ({
        %run_scoped3A_609 = tpu.sem_alloc : memref<!tpu.dma_semaphore, #tpu.memory_space<semaphore_mem>>
        %dma_start3A_610 = arith.constant 0 : i32
        %dma_start3A_611 = tpu.memref_slice %arg7[%run_scoped3A_225, %dma_start3A_610] : memref<40x128xi32, #tpu.memory_space<vmem>> -> memref<1x128xi32, #tpu.memory_space<vmem>>
        %dma_start3A_612 = tpu.memref_squeeze %dma_start3A_611 : memref<1x128xi32, #tpu.memory_space<vmem>> -> memref<128xi32, #tpu.memory_space<vmem>>
        %dma_start3A_613 = arith.constant 0 : i32
        %dma_start3A_614 = arith.constant 0 : i32
        %dma_start3A_615 = tpu.memref_slice %arg10[%dma_start3A_613, %dma_start3A_614] : memref<10240x128xf32, #tpu.memory_space<vmem_shared>> -> memref<10240x128xf32, #tpu.memory_space<vmem_shared>>
        tpu.enqueue_indirect_dma source(%arg9 : memref<128x128xf32, #tpu.memory_space<vmem>>) target(%dma_start3A_615 : memref<10240x128xf32, #tpu.memory_space<vmem_shared>>) offsets(%dma_start3A_612 : memref<128xi32, #tpu.memory_space<vmem>>) semaphore(%run_scoped3A_609 : memref<!tpu.dma_semaphore, #tpu.memory_space<semaphore_mem>>) {add = true}
        %dma_wait3A_616 = arith.constant 0 : i32
        %dma_wait3A_617 = tpu.memref_slice %arg7[%run_scoped3A_225, %dma_wait3A_616] : memref<40x128xi32, #tpu.memory_space<vmem>> -> memref<1x128xi32, #tpu.memory_space<vmem>>
        %dma_wait3A_618 = tpu.memref_squeeze %dma_wait3A_617 : memref<1x128xi32, #tpu.memory_space<vmem>> -> memref<128xi32, #tpu.memory_space<vmem>>
        %dma_wait3A_619 = arith.constant 0 : i32
        %dma_wait3A_620 = arith.constant 0 : i32
        %dma_wait3A_621 = tpu.memref_slice %arg10[%dma_wait3A_619, %dma_wait3A_620] : memref<10240x128xf32, #tpu.memory_space<vmem_shared>> -> memref<10240x128xf32, #tpu.memory_space<vmem_shared>>
        tpu.wait_indirect_dma semaphore(%run_scoped3A_609 : memref<!tpu.dma_semaphore, #tpu.memory_space<semaphore_mem>>) src(%arg9 : memref<128x128xf32, #tpu.memory_space<vmem>>) dst(%dma_wait3A_621 : memref<10240x128xf32, #tpu.memory_space<vmem_shared>>)
        tpu.yield
      }) : () -> ()
      %dma_start3A_226 = arith.constant 15 : i32
      %dma_start3A_227 = arith.constant 0 : i32
      %dma_start3A_228 = tpu.memref_slice %arg6[%dma_start3A_226, %dma_start3A_227] : memref<40x128xi32, #tpu.memory_space<vmem>> -> memref<1x128xi32, #tpu.memory_space<vmem>>
      %dma_start3A_229 = tpu.memref_squeeze %dma_start3A_228 : memref<1x128xi32, #tpu.memory_space<vmem>> -> memref<128xi32, #tpu.memory_space<vmem>>
      %dma_start3A_230 = arith.constant 0 : i32
      %dma_start3A_231 = arith.constant 0 : i32
      %dma_start3A_232 = tpu.memref_slice %arg2[%dma_start3A_230, %dma_start3A_231] : memref<10240x128xf32, #tpu.memory_space<hbm>> -> memref<10240x128xf32, #tpu.memory_space<hbm>>
      tpu.enqueue_indirect_dma source(%dma_start3A_232 : memref<10240x128xf32, #tpu.memory_space<hbm>>) target(%arg9 : memref<128x128xf32, #tpu.memory_space<vmem>>) offsets(%dma_start3A_229 : memref<128xi32, #tpu.memory_space<vmem>>) semaphore(%arg12 : memref<!tpu.dma_semaphore, #tpu.memory_space<semaphore_mem>>)
      %dma_wait3A_233 = arith.constant 14 : i32
      %dma_wait3A_234 = arith.constant 0 : i32
      %dma_wait3A_235 = tpu.memref_slice %arg6[%dma_wait3A_233, %dma_wait3A_234] : memref<40x128xi32, #tpu.memory_space<vmem>> -> memref<1x128xi32, #tpu.memory_space<vmem>>
      %dma_wait3A_236 = tpu.memref_squeeze %dma_wait3A_235 : memref<1x128xi32, #tpu.memory_space<vmem>> -> memref<128xi32, #tpu.memory_space<vmem>>
      %dma_wait3A_237 = arith.constant 0 : i32
      %dma_wait3A_238 = arith.constant 0 : i32
      %dma_wait3A_239 = tpu.memref_slice %arg2[%dma_wait3A_237, %dma_wait3A_238] : memref<10240x128xf32, #tpu.memory_space<hbm>> -> memref<10240x128xf32, #tpu.memory_space<hbm>>
      tpu.wait_indirect_dma semaphore(%arg11 : memref<!tpu.dma_semaphore, #tpu.memory_space<semaphore_mem>>) src(%dma_wait3A_239 : memref<10240x128xf32, #tpu.memory_space<hbm>>) dst(%arg8 : memref<128x128xf32, #tpu.memory_space<vmem>>)
      %run_scoped3A_240 = arith.constant 14 : i32
      "tpu.region"() ({
        %run_scoped3A_609 = tpu.sem_alloc : memref<!tpu.dma_semaphore, #tpu.memory_space<semaphore_mem>>
        %dma_start3A_610 = arith.constant 0 : i32
        %dma_start3A_611 = tpu.memref_slice %arg7[%run_scoped3A_240, %dma_start3A_610] : memref<40x128xi32, #tpu.memory_space<vmem>> -> memref<1x128xi32, #tpu.memory_space<vmem>>
        %dma_start3A_612 = tpu.memref_squeeze %dma_start3A_611 : memref<1x128xi32, #tpu.memory_space<vmem>> -> memref<128xi32, #tpu.memory_space<vmem>>
        %dma_start3A_613 = arith.constant 0 : i32
        %dma_start3A_614 = arith.constant 0 : i32
        %dma_start3A_615 = tpu.memref_slice %arg10[%dma_start3A_613, %dma_start3A_614] : memref<10240x128xf32, #tpu.memory_space<vmem_shared>> -> memref<10240x128xf32, #tpu.memory_space<vmem_shared>>
        tpu.enqueue_indirect_dma source(%arg8 : memref<128x128xf32, #tpu.memory_space<vmem>>) target(%dma_start3A_615 : memref<10240x128xf32, #tpu.memory_space<vmem_shared>>) offsets(%dma_start3A_612 : memref<128xi32, #tpu.memory_space<vmem>>) semaphore(%run_scoped3A_609 : memref<!tpu.dma_semaphore, #tpu.memory_space<semaphore_mem>>) {add = true}
        %dma_wait3A_616 = arith.constant 0 : i32
        %dma_wait3A_617 = tpu.memref_slice %arg7[%run_scoped3A_240, %dma_wait3A_616] : memref<40x128xi32, #tpu.memory_space<vmem>> -> memref<1x128xi32, #tpu.memory_space<vmem>>
        %dma_wait3A_618 = tpu.memref_squeeze %dma_wait3A_617 : memref<1x128xi32, #tpu.memory_space<vmem>> -> memref<128xi32, #tpu.memory_space<vmem>>
        %dma_wait3A_619 = arith.constant 0 : i32
        %dma_wait3A_620 = arith.constant 0 : i32
        %dma_wait3A_621 = tpu.memref_slice %arg10[%dma_wait3A_619, %dma_wait3A_620] : memref<10240x128xf32, #tpu.memory_space<vmem_shared>> -> memref<10240x128xf32, #tpu.memory_space<vmem_shared>>
        tpu.wait_indirect_dma semaphore(%run_scoped3A_609 : memref<!tpu.dma_semaphore, #tpu.memory_space<semaphore_mem>>) src(%arg8 : memref<128x128xf32, #tpu.memory_space<vmem>>) dst(%dma_wait3A_621 : memref<10240x128xf32, #tpu.memory_space<vmem_shared>>)
        tpu.yield
      }) : () -> ()
      %dma_start3A_241 = arith.constant 16 : i32
      %dma_start3A_242 = arith.constant 0 : i32
      %dma_start3A_243 = tpu.memref_slice %arg6[%dma_start3A_241, %dma_start3A_242] : memref<40x128xi32, #tpu.memory_space<vmem>> -> memref<1x128xi32, #tpu.memory_space<vmem>>
      %dma_start3A_244 = tpu.memref_squeeze %dma_start3A_243 : memref<1x128xi32, #tpu.memory_space<vmem>> -> memref<128xi32, #tpu.memory_space<vmem>>
      %dma_start3A_245 = arith.constant 0 : i32
      %dma_start3A_246 = arith.constant 0 : i32
      %dma_start3A_247 = tpu.memref_slice %arg2[%dma_start3A_245, %dma_start3A_246] : memref<10240x128xf32, #tpu.memory_space<hbm>> -> memref<10240x128xf32, #tpu.memory_space<hbm>>
      tpu.enqueue_indirect_dma source(%dma_start3A_247 : memref<10240x128xf32, #tpu.memory_space<hbm>>) target(%arg8 : memref<128x128xf32, #tpu.memory_space<vmem>>) offsets(%dma_start3A_244 : memref<128xi32, #tpu.memory_space<vmem>>) semaphore(%arg11 : memref<!tpu.dma_semaphore, #tpu.memory_space<semaphore_mem>>)
      %dma_wait3A_248 = arith.constant 15 : i32
      %dma_wait3A_249 = arith.constant 0 : i32
      %dma_wait3A_250 = tpu.memref_slice %arg6[%dma_wait3A_248, %dma_wait3A_249] : memref<40x128xi32, #tpu.memory_space<vmem>> -> memref<1x128xi32, #tpu.memory_space<vmem>>
      %dma_wait3A_251 = tpu.memref_squeeze %dma_wait3A_250 : memref<1x128xi32, #tpu.memory_space<vmem>> -> memref<128xi32, #tpu.memory_space<vmem>>
      %dma_wait3A_252 = arith.constant 0 : i32
      %dma_wait3A_253 = arith.constant 0 : i32
      %dma_wait3A_254 = tpu.memref_slice %arg2[%dma_wait3A_252, %dma_wait3A_253] : memref<10240x128xf32, #tpu.memory_space<hbm>> -> memref<10240x128xf32, #tpu.memory_space<hbm>>
      tpu.wait_indirect_dma semaphore(%arg12 : memref<!tpu.dma_semaphore, #tpu.memory_space<semaphore_mem>>) src(%dma_wait3A_254 : memref<10240x128xf32, #tpu.memory_space<hbm>>) dst(%arg9 : memref<128x128xf32, #tpu.memory_space<vmem>>)
      %run_scoped3A_255 = arith.constant 15 : i32
      "tpu.region"() ({
        %run_scoped3A_609 = tpu.sem_alloc : memref<!tpu.dma_semaphore, #tpu.memory_space<semaphore_mem>>
        %dma_start3A_610 = arith.constant 0 : i32
        %dma_start3A_611 = tpu.memref_slice %arg7[%run_scoped3A_255, %dma_start3A_610] : memref<40x128xi32, #tpu.memory_space<vmem>> -> memref<1x128xi32, #tpu.memory_space<vmem>>
        %dma_start3A_612 = tpu.memref_squeeze %dma_start3A_611 : memref<1x128xi32, #tpu.memory_space<vmem>> -> memref<128xi32, #tpu.memory_space<vmem>>
        %dma_start3A_613 = arith.constant 0 : i32
        %dma_start3A_614 = arith.constant 0 : i32
        %dma_start3A_615 = tpu.memref_slice %arg10[%dma_start3A_613, %dma_start3A_614] : memref<10240x128xf32, #tpu.memory_space<vmem_shared>> -> memref<10240x128xf32, #tpu.memory_space<vmem_shared>>
        tpu.enqueue_indirect_dma source(%arg9 : memref<128x128xf32, #tpu.memory_space<vmem>>) target(%dma_start3A_615 : memref<10240x128xf32, #tpu.memory_space<vmem_shared>>) offsets(%dma_start3A_612 : memref<128xi32, #tpu.memory_space<vmem>>) semaphore(%run_scoped3A_609 : memref<!tpu.dma_semaphore, #tpu.memory_space<semaphore_mem>>) {add = true}
        %dma_wait3A_616 = arith.constant 0 : i32
        %dma_wait3A_617 = tpu.memref_slice %arg7[%run_scoped3A_255, %dma_wait3A_616] : memref<40x128xi32, #tpu.memory_space<vmem>> -> memref<1x128xi32, #tpu.memory_space<vmem>>
        %dma_wait3A_618 = tpu.memref_squeeze %dma_wait3A_617 : memref<1x128xi32, #tpu.memory_space<vmem>> -> memref<128xi32, #tpu.memory_space<vmem>>
        %dma_wait3A_619 = arith.constant 0 : i32
        %dma_wait3A_620 = arith.constant 0 : i32
        %dma_wait3A_621 = tpu.memref_slice %arg10[%dma_wait3A_619, %dma_wait3A_620] : memref<10240x128xf32, #tpu.memory_space<vmem_shared>> -> memref<10240x128xf32, #tpu.memory_space<vmem_shared>>
        tpu.wait_indirect_dma semaphore(%run_scoped3A_609 : memref<!tpu.dma_semaphore, #tpu.memory_space<semaphore_mem>>) src(%arg9 : memref<128x128xf32, #tpu.memory_space<vmem>>) dst(%dma_wait3A_621 : memref<10240x128xf32, #tpu.memory_space<vmem_shared>>)
        tpu.yield
      }) : () -> ()
      %dma_start3A_256 = arith.constant 17 : i32
      %dma_start3A_257 = arith.constant 0 : i32
      %dma_start3A_258 = tpu.memref_slice %arg6[%dma_start3A_256, %dma_start3A_257] : memref<40x128xi32, #tpu.memory_space<vmem>> -> memref<1x128xi32, #tpu.memory_space<vmem>>
      %dma_start3A_259 = tpu.memref_squeeze %dma_start3A_258 : memref<1x128xi32, #tpu.memory_space<vmem>> -> memref<128xi32, #tpu.memory_space<vmem>>
      %dma_start3A_260 = arith.constant 0 : i32
      %dma_start3A_261 = arith.constant 0 : i32
      %dma_start3A_262 = tpu.memref_slice %arg2[%dma_start3A_260, %dma_start3A_261] : memref<10240x128xf32, #tpu.memory_space<hbm>> -> memref<10240x128xf32, #tpu.memory_space<hbm>>
      tpu.enqueue_indirect_dma source(%dma_start3A_262 : memref<10240x128xf32, #tpu.memory_space<hbm>>) target(%arg9 : memref<128x128xf32, #tpu.memory_space<vmem>>) offsets(%dma_start3A_259 : memref<128xi32, #tpu.memory_space<vmem>>) semaphore(%arg12 : memref<!tpu.dma_semaphore, #tpu.memory_space<semaphore_mem>>)
      %dma_wait3A_263 = arith.constant 16 : i32
      %dma_wait3A_264 = arith.constant 0 : i32
      %dma_wait3A_265 = tpu.memref_slice %arg6[%dma_wait3A_263, %dma_wait3A_264] : memref<40x128xi32, #tpu.memory_space<vmem>> -> memref<1x128xi32, #tpu.memory_space<vmem>>
      %dma_wait3A_266 = tpu.memref_squeeze %dma_wait3A_265 : memref<1x128xi32, #tpu.memory_space<vmem>> -> memref<128xi32, #tpu.memory_space<vmem>>
      %dma_wait3A_267 = arith.constant 0 : i32
      %dma_wait3A_268 = arith.constant 0 : i32
      %dma_wait3A_269 = tpu.memref_slice %arg2[%dma_wait3A_267, %dma_wait3A_268] : memref<10240x128xf32, #tpu.memory_space<hbm>> -> memref<10240x128xf32, #tpu.memory_space<hbm>>
      tpu.wait_indirect_dma semaphore(%arg11 : memref<!tpu.dma_semaphore, #tpu.memory_space<semaphore_mem>>) src(%dma_wait3A_269 : memref<10240x128xf32, #tpu.memory_space<hbm>>) dst(%arg8 : memref<128x128xf32, #tpu.memory_space<vmem>>)
      %run_scoped3A_270 = arith.constant 16 : i32
      "tpu.region"() ({
        %run_scoped3A_609 = tpu.sem_alloc : memref<!tpu.dma_semaphore, #tpu.memory_space<semaphore_mem>>
        %dma_start3A_610 = arith.constant 0 : i32
        %dma_start3A_611 = tpu.memref_slice %arg7[%run_scoped3A_270, %dma_start3A_610] : memref<40x128xi32, #tpu.memory_space<vmem>> -> memref<1x128xi32, #tpu.memory_space<vmem>>
        %dma_start3A_612 = tpu.memref_squeeze %dma_start3A_611 : memref<1x128xi32, #tpu.memory_space<vmem>> -> memref<128xi32, #tpu.memory_space<vmem>>
        %dma_start3A_613 = arith.constant 0 : i32
        %dma_start3A_614 = arith.constant 0 : i32
        %dma_start3A_615 = tpu.memref_slice %arg10[%dma_start3A_613, %dma_start3A_614] : memref<10240x128xf32, #tpu.memory_space<vmem_shared>> -> memref<10240x128xf32, #tpu.memory_space<vmem_shared>>
        tpu.enqueue_indirect_dma source(%arg8 : memref<128x128xf32, #tpu.memory_space<vmem>>) target(%dma_start3A_615 : memref<10240x128xf32, #tpu.memory_space<vmem_shared>>) offsets(%dma_start3A_612 : memref<128xi32, #tpu.memory_space<vmem>>) semaphore(%run_scoped3A_609 : memref<!tpu.dma_semaphore, #tpu.memory_space<semaphore_mem>>) {add = true}
        %dma_wait3A_616 = arith.constant 0 : i32
        %dma_wait3A_617 = tpu.memref_slice %arg7[%run_scoped3A_270, %dma_wait3A_616] : memref<40x128xi32, #tpu.memory_space<vmem>> -> memref<1x128xi32, #tpu.memory_space<vmem>>
        %dma_wait3A_618 = tpu.memref_squeeze %dma_wait3A_617 : memref<1x128xi32, #tpu.memory_space<vmem>> -> memref<128xi32, #tpu.memory_space<vmem>>
        %dma_wait3A_619 = arith.constant 0 : i32
        %dma_wait3A_620 = arith.constant 0 : i32
        %dma_wait3A_621 = tpu.memref_slice %arg10[%dma_wait3A_619, %dma_wait3A_620] : memref<10240x128xf32, #tpu.memory_space<vmem_shared>> -> memref<10240x128xf32, #tpu.memory_space<vmem_shared>>
        tpu.wait_indirect_dma semaphore(%run_scoped3A_609 : memref<!tpu.dma_semaphore, #tpu.memory_space<semaphore_mem>>) src(%arg8 : memref<128x128xf32, #tpu.memory_space<vmem>>) dst(%dma_wait3A_621 : memref<10240x128xf32, #tpu.memory_space<vmem_shared>>)
        tpu.yield
      }) : () -> ()
      %dma_start3A_271 = arith.constant 18 : i32
      %dma_start3A_272 = arith.constant 0 : i32
      %dma_start3A_273 = tpu.memref_slice %arg6[%dma_start3A_271, %dma_start3A_272] : memref<40x128xi32, #tpu.memory_space<vmem>> -> memref<1x128xi32, #tpu.memory_space<vmem>>
      %dma_start3A_274 = tpu.memref_squeeze %dma_start3A_273 : memref<1x128xi32, #tpu.memory_space<vmem>> -> memref<128xi32, #tpu.memory_space<vmem>>
      %dma_start3A_275 = arith.constant 0 : i32
      %dma_start3A_276 = arith.constant 0 : i32
      %dma_start3A_277 = tpu.memref_slice %arg2[%dma_start3A_275, %dma_start3A_276] : memref<10240x128xf32, #tpu.memory_space<hbm>> -> memref<10240x128xf32, #tpu.memory_space<hbm>>
      tpu.enqueue_indirect_dma source(%dma_start3A_277 : memref<10240x128xf32, #tpu.memory_space<hbm>>) target(%arg8 : memref<128x128xf32, #tpu.memory_space<vmem>>) offsets(%dma_start3A_274 : memref<128xi32, #tpu.memory_space<vmem>>) semaphore(%arg11 : memref<!tpu.dma_semaphore, #tpu.memory_space<semaphore_mem>>)
      %dma_wait3A_278 = arith.constant 17 : i32
      %dma_wait3A_279 = arith.constant 0 : i32
      %dma_wait3A_280 = tpu.memref_slice %arg6[%dma_wait3A_278, %dma_wait3A_279] : memref<40x128xi32, #tpu.memory_space<vmem>> -> memref<1x128xi32, #tpu.memory_space<vmem>>
      %dma_wait3A_281 = tpu.memref_squeeze %dma_wait3A_280 : memref<1x128xi32, #tpu.memory_space<vmem>> -> memref<128xi32, #tpu.memory_space<vmem>>
      %dma_wait3A_282 = arith.constant 0 : i32
      %dma_wait3A_283 = arith.constant 0 : i32
      %dma_wait3A_284 = tpu.memref_slice %arg2[%dma_wait3A_282, %dma_wait3A_283] : memref<10240x128xf32, #tpu.memory_space<hbm>> -> memref<10240x128xf32, #tpu.memory_space<hbm>>
      tpu.wait_indirect_dma semaphore(%arg12 : memref<!tpu.dma_semaphore, #tpu.memory_space<semaphore_mem>>) src(%dma_wait3A_284 : memref<10240x128xf32, #tpu.memory_space<hbm>>) dst(%arg9 : memref<128x128xf32, #tpu.memory_space<vmem>>)
      %run_scoped3A_285 = arith.constant 17 : i32
      "tpu.region"() ({
        %run_scoped3A_609 = tpu.sem_alloc : memref<!tpu.dma_semaphore, #tpu.memory_space<semaphore_mem>>
        %dma_start3A_610 = arith.constant 0 : i32
        %dma_start3A_611 = tpu.memref_slice %arg7[%run_scoped3A_285, %dma_start3A_610] : memref<40x128xi32, #tpu.memory_space<vmem>> -> memref<1x128xi32, #tpu.memory_space<vmem>>
        %dma_start3A_612 = tpu.memref_squeeze %dma_start3A_611 : memref<1x128xi32, #tpu.memory_space<vmem>> -> memref<128xi32, #tpu.memory_space<vmem>>
        %dma_start3A_613 = arith.constant 0 : i32
        %dma_start3A_614 = arith.constant 0 : i32
        %dma_start3A_615 = tpu.memref_slice %arg10[%dma_start3A_613, %dma_start3A_614] : memref<10240x128xf32, #tpu.memory_space<vmem_shared>> -> memref<10240x128xf32, #tpu.memory_space<vmem_shared>>
        tpu.enqueue_indirect_dma source(%arg9 : memref<128x128xf32, #tpu.memory_space<vmem>>) target(%dma_start3A_615 : memref<10240x128xf32, #tpu.memory_space<vmem_shared>>) offsets(%dma_start3A_612 : memref<128xi32, #tpu.memory_space<vmem>>) semaphore(%run_scoped3A_609 : memref<!tpu.dma_semaphore, #tpu.memory_space<semaphore_mem>>) {add = true}
        %dma_wait3A_616 = arith.constant 0 : i32
        %dma_wait3A_617 = tpu.memref_slice %arg7[%run_scoped3A_285, %dma_wait3A_616] : memref<40x128xi32, #tpu.memory_space<vmem>> -> memref<1x128xi32, #tpu.memory_space<vmem>>
        %dma_wait3A_618 = tpu.memref_squeeze %dma_wait3A_617 : memref<1x128xi32, #tpu.memory_space<vmem>> -> memref<128xi32, #tpu.memory_space<vmem>>
        %dma_wait3A_619 = arith.constant 0 : i32
        %dma_wait3A_620 = arith.constant 0 : i32
        %dma_wait3A_621 = tpu.memref_slice %arg10[%dma_wait3A_619, %dma_wait3A_620] : memref<10240x128xf32, #tpu.memory_space<vmem_shared>> -> memref<10240x128xf32, #tpu.memory_space<vmem_shared>>
        tpu.wait_indirect_dma semaphore(%run_scoped3A_609 : memref<!tpu.dma_semaphore, #tpu.memory_space<semaphore_mem>>) src(%arg9 : memref<128x128xf32, #tpu.memory_space<vmem>>) dst(%dma_wait3A_621 : memref<10240x128xf32, #tpu.memory_space<vmem_shared>>)
        tpu.yield
      }) : () -> ()
      %dma_start3A_286 = arith.constant 19 : i32
      %dma_start3A_287 = arith.constant 0 : i32
      %dma_start3A_288 = tpu.memref_slice %arg6[%dma_start3A_286, %dma_start3A_287] : memref<40x128xi32, #tpu.memory_space<vmem>> -> memref<1x128xi32, #tpu.memory_space<vmem>>
      %dma_start3A_289 = tpu.memref_squeeze %dma_start3A_288 : memref<1x128xi32, #tpu.memory_space<vmem>> -> memref<128xi32, #tpu.memory_space<vmem>>
      %dma_start3A_290 = arith.constant 0 : i32
      %dma_start3A_291 = arith.constant 0 : i32
      %dma_start3A_292 = tpu.memref_slice %arg2[%dma_start3A_290, %dma_start3A_291] : memref<10240x128xf32, #tpu.memory_space<hbm>> -> memref<10240x128xf32, #tpu.memory_space<hbm>>
      tpu.enqueue_indirect_dma source(%dma_start3A_292 : memref<10240x128xf32, #tpu.memory_space<hbm>>) target(%arg9 : memref<128x128xf32, #tpu.memory_space<vmem>>) offsets(%dma_start3A_289 : memref<128xi32, #tpu.memory_space<vmem>>) semaphore(%arg12 : memref<!tpu.dma_semaphore, #tpu.memory_space<semaphore_mem>>)
      %dma_wait3A_293 = arith.constant 18 : i32
      %dma_wait3A_294 = arith.constant 0 : i32
      %dma_wait3A_295 = tpu.memref_slice %arg6[%dma_wait3A_293, %dma_wait3A_294] : memref<40x128xi32, #tpu.memory_space<vmem>> -> memref<1x128xi32, #tpu.memory_space<vmem>>
      %dma_wait3A_296 = tpu.memref_squeeze %dma_wait3A_295 : memref<1x128xi32, #tpu.memory_space<vmem>> -> memref<128xi32, #tpu.memory_space<vmem>>
      %dma_wait3A_297 = arith.constant 0 : i32
      %dma_wait3A_298 = arith.constant 0 : i32
      %dma_wait3A_299 = tpu.memref_slice %arg2[%dma_wait3A_297, %dma_wait3A_298] : memref<10240x128xf32, #tpu.memory_space<hbm>> -> memref<10240x128xf32, #tpu.memory_space<hbm>>
      tpu.wait_indirect_dma semaphore(%arg11 : memref<!tpu.dma_semaphore, #tpu.memory_space<semaphore_mem>>) src(%dma_wait3A_299 : memref<10240x128xf32, #tpu.memory_space<hbm>>) dst(%arg8 : memref<128x128xf32, #tpu.memory_space<vmem>>)
      %run_scoped3A_300 = arith.constant 18 : i32
      "tpu.region"() ({
        %run_scoped3A_609 = tpu.sem_alloc : memref<!tpu.dma_semaphore, #tpu.memory_space<semaphore_mem>>
        %dma_start3A_610 = arith.constant 0 : i32
        %dma_start3A_611 = tpu.memref_slice %arg7[%run_scoped3A_300, %dma_start3A_610] : memref<40x128xi32, #tpu.memory_space<vmem>> -> memref<1x128xi32, #tpu.memory_space<vmem>>
        %dma_start3A_612 = tpu.memref_squeeze %dma_start3A_611 : memref<1x128xi32, #tpu.memory_space<vmem>> -> memref<128xi32, #tpu.memory_space<vmem>>
        %dma_start3A_613 = arith.constant 0 : i32
        %dma_start3A_614 = arith.constant 0 : i32
        %dma_start3A_615 = tpu.memref_slice %arg10[%dma_start3A_613, %dma_start3A_614] : memref<10240x128xf32, #tpu.memory_space<vmem_shared>> -> memref<10240x128xf32, #tpu.memory_space<vmem_shared>>
        tpu.enqueue_indirect_dma source(%arg8 : memref<128x128xf32, #tpu.memory_space<vmem>>) target(%dma_start3A_615 : memref<10240x128xf32, #tpu.memory_space<vmem_shared>>) offsets(%dma_start3A_612 : memref<128xi32, #tpu.memory_space<vmem>>) semaphore(%run_scoped3A_609 : memref<!tpu.dma_semaphore, #tpu.memory_space<semaphore_mem>>) {add = true}
        %dma_wait3A_616 = arith.constant 0 : i32
        %dma_wait3A_617 = tpu.memref_slice %arg7[%run_scoped3A_300, %dma_wait3A_616] : memref<40x128xi32, #tpu.memory_space<vmem>> -> memref<1x128xi32, #tpu.memory_space<vmem>>
        %dma_wait3A_618 = tpu.memref_squeeze %dma_wait3A_617 : memref<1x128xi32, #tpu.memory_space<vmem>> -> memref<128xi32, #tpu.memory_space<vmem>>
        %dma_wait3A_619 = arith.constant 0 : i32
        %dma_wait3A_620 = arith.constant 0 : i32
        %dma_wait3A_621 = tpu.memref_slice %arg10[%dma_wait3A_619, %dma_wait3A_620] : memref<10240x128xf32, #tpu.memory_space<vmem_shared>> -> memref<10240x128xf32, #tpu.memory_space<vmem_shared>>
        tpu.wait_indirect_dma semaphore(%run_scoped3A_609 : memref<!tpu.dma_semaphore, #tpu.memory_space<semaphore_mem>>) src(%arg8 : memref<128x128xf32, #tpu.memory_space<vmem>>) dst(%dma_wait3A_621 : memref<10240x128xf32, #tpu.memory_space<vmem_shared>>)
        tpu.yield
      }) : () -> ()
      %dma_start3A_301 = arith.constant 20 : i32
      %dma_start3A_302 = arith.constant 0 : i32
      %dma_start3A_303 = tpu.memref_slice %arg6[%dma_start3A_301, %dma_start3A_302] : memref<40x128xi32, #tpu.memory_space<vmem>> -> memref<1x128xi32, #tpu.memory_space<vmem>>
      %dma_start3A_304 = tpu.memref_squeeze %dma_start3A_303 : memref<1x128xi32, #tpu.memory_space<vmem>> -> memref<128xi32, #tpu.memory_space<vmem>>
      %dma_start3A_305 = arith.constant 0 : i32
      %dma_start3A_306 = arith.constant 0 : i32
      %dma_start3A_307 = tpu.memref_slice %arg2[%dma_start3A_305, %dma_start3A_306] : memref<10240x128xf32, #tpu.memory_space<hbm>> -> memref<10240x128xf32, #tpu.memory_space<hbm>>
      tpu.enqueue_indirect_dma source(%dma_start3A_307 : memref<10240x128xf32, #tpu.memory_space<hbm>>) target(%arg8 : memref<128x128xf32, #tpu.memory_space<vmem>>) offsets(%dma_start3A_304 : memref<128xi32, #tpu.memory_space<vmem>>) semaphore(%arg11 : memref<!tpu.dma_semaphore, #tpu.memory_space<semaphore_mem>>)
      %dma_wait3A_308 = arith.constant 19 : i32
      %dma_wait3A_309 = arith.constant 0 : i32
      %dma_wait3A_310 = tpu.memref_slice %arg6[%dma_wait3A_308, %dma_wait3A_309] : memref<40x128xi32, #tpu.memory_space<vmem>> -> memref<1x128xi32, #tpu.memory_space<vmem>>
      %dma_wait3A_311 = tpu.memref_squeeze %dma_wait3A_310 : memref<1x128xi32, #tpu.memory_space<vmem>> -> memref<128xi32, #tpu.memory_space<vmem>>
      %dma_wait3A_312 = arith.constant 0 : i32
      %dma_wait3A_313 = arith.constant 0 : i32
      %dma_wait3A_314 = tpu.memref_slice %arg2[%dma_wait3A_312, %dma_wait3A_313] : memref<10240x128xf32, #tpu.memory_space<hbm>> -> memref<10240x128xf32, #tpu.memory_space<hbm>>
      tpu.wait_indirect_dma semaphore(%arg12 : memref<!tpu.dma_semaphore, #tpu.memory_space<semaphore_mem>>) src(%dma_wait3A_314 : memref<10240x128xf32, #tpu.memory_space<hbm>>) dst(%arg9 : memref<128x128xf32, #tpu.memory_space<vmem>>)
      %run_scoped3A_315 = arith.constant 19 : i32
      "tpu.region"() ({
        %run_scoped3A_609 = tpu.sem_alloc : memref<!tpu.dma_semaphore, #tpu.memory_space<semaphore_mem>>
        %dma_start3A_610 = arith.constant 0 : i32
        %dma_start3A_611 = tpu.memref_slice %arg7[%run_scoped3A_315, %dma_start3A_610] : memref<40x128xi32, #tpu.memory_space<vmem>> -> memref<1x128xi32, #tpu.memory_space<vmem>>
        %dma_start3A_612 = tpu.memref_squeeze %dma_start3A_611 : memref<1x128xi32, #tpu.memory_space<vmem>> -> memref<128xi32, #tpu.memory_space<vmem>>
        %dma_start3A_613 = arith.constant 0 : i32
        %dma_start3A_614 = arith.constant 0 : i32
        %dma_start3A_615 = tpu.memref_slice %arg10[%dma_start3A_613, %dma_start3A_614] : memref<10240x128xf32, #tpu.memory_space<vmem_shared>> -> memref<10240x128xf32, #tpu.memory_space<vmem_shared>>
        tpu.enqueue_indirect_dma source(%arg9 : memref<128x128xf32, #tpu.memory_space<vmem>>) target(%dma_start3A_615 : memref<10240x128xf32, #tpu.memory_space<vmem_shared>>) offsets(%dma_start3A_612 : memref<128xi32, #tpu.memory_space<vmem>>) semaphore(%run_scoped3A_609 : memref<!tpu.dma_semaphore, #tpu.memory_space<semaphore_mem>>) {add = true}
        %dma_wait3A_616 = arith.constant 0 : i32
        %dma_wait3A_617 = tpu.memref_slice %arg7[%run_scoped3A_315, %dma_wait3A_616] : memref<40x128xi32, #tpu.memory_space<vmem>> -> memref<1x128xi32, #tpu.memory_space<vmem>>
        %dma_wait3A_618 = tpu.memref_squeeze %dma_wait3A_617 : memref<1x128xi32, #tpu.memory_space<vmem>> -> memref<128xi32, #tpu.memory_space<vmem>>
        %dma_wait3A_619 = arith.constant 0 : i32
        %dma_wait3A_620 = arith.constant 0 : i32
        %dma_wait3A_621 = tpu.memref_slice %arg10[%dma_wait3A_619, %dma_wait3A_620] : memref<10240x128xf32, #tpu.memory_space<vmem_shared>> -> memref<10240x128xf32, #tpu.memory_space<vmem_shared>>
        tpu.wait_indirect_dma semaphore(%run_scoped3A_609 : memref<!tpu.dma_semaphore, #tpu.memory_space<semaphore_mem>>) src(%arg9 : memref<128x128xf32, #tpu.memory_space<vmem>>) dst(%dma_wait3A_621 : memref<10240x128xf32, #tpu.memory_space<vmem_shared>>)
        tpu.yield
      }) : () -> ()
      %dma_start3A_316 = arith.constant 21 : i32
      %dma_start3A_317 = arith.constant 0 : i32
      %dma_start3A_318 = tpu.memref_slice %arg6[%dma_start3A_316, %dma_start3A_317] : memref<40x128xi32, #tpu.memory_space<vmem>> -> memref<1x128xi32, #tpu.memory_space<vmem>>
      %dma_start3A_319 = tpu.memref_squeeze %dma_start3A_318 : memref<1x128xi32, #tpu.memory_space<vmem>> -> memref<128xi32, #tpu.memory_space<vmem>>
      %dma_start3A_320 = arith.constant 0 : i32
      %dma_start3A_321 = arith.constant 0 : i32
      %dma_start3A_322 = tpu.memref_slice %arg2[%dma_start3A_320, %dma_start3A_321] : memref<10240x128xf32, #tpu.memory_space<hbm>> -> memref<10240x128xf32, #tpu.memory_space<hbm>>
      tpu.enqueue_indirect_dma source(%dma_start3A_322 : memref<10240x128xf32, #tpu.memory_space<hbm>>) target(%arg9 : memref<128x128xf32, #tpu.memory_space<vmem>>) offsets(%dma_start3A_319 : memref<128xi32, #tpu.memory_space<vmem>>) semaphore(%arg12 : memref<!tpu.dma_semaphore, #tpu.memory_space<semaphore_mem>>)
      %dma_wait3A_323 = arith.constant 20 : i32
      %dma_wait3A_324 = arith.constant 0 : i32
      %dma_wait3A_325 = tpu.memref_slice %arg6[%dma_wait3A_323, %dma_wait3A_324] : memref<40x128xi32, #tpu.memory_space<vmem>> -> memref<1x128xi32, #tpu.memory_space<vmem>>
      %dma_wait3A_326 = tpu.memref_squeeze %dma_wait3A_325 : memref<1x128xi32, #tpu.memory_space<vmem>> -> memref<128xi32, #tpu.memory_space<vmem>>
      %dma_wait3A_327 = arith.constant 0 : i32
      %dma_wait3A_328 = arith.constant 0 : i32
      %dma_wait3A_329 = tpu.memref_slice %arg2[%dma_wait3A_327, %dma_wait3A_328] : memref<10240x128xf32, #tpu.memory_space<hbm>> -> memref<10240x128xf32, #tpu.memory_space<hbm>>
      tpu.wait_indirect_dma semaphore(%arg11 : memref<!tpu.dma_semaphore, #tpu.memory_space<semaphore_mem>>) src(%dma_wait3A_329 : memref<10240x128xf32, #tpu.memory_space<hbm>>) dst(%arg8 : memref<128x128xf32, #tpu.memory_space<vmem>>)
      %run_scoped3A_330 = arith.constant 20 : i32
      "tpu.region"() ({
        %run_scoped3A_609 = tpu.sem_alloc : memref<!tpu.dma_semaphore, #tpu.memory_space<semaphore_mem>>
        %dma_start3A_610 = arith.constant 0 : i32
        %dma_start3A_611 = tpu.memref_slice %arg7[%run_scoped3A_330, %dma_start3A_610] : memref<40x128xi32, #tpu.memory_space<vmem>> -> memref<1x128xi32, #tpu.memory_space<vmem>>
        %dma_start3A_612 = tpu.memref_squeeze %dma_start3A_611 : memref<1x128xi32, #tpu.memory_space<vmem>> -> memref<128xi32, #tpu.memory_space<vmem>>
        %dma_start3A_613 = arith.constant 0 : i32
        %dma_start3A_614 = arith.constant 0 : i32
        %dma_start3A_615 = tpu.memref_slice %arg10[%dma_start3A_613, %dma_start3A_614] : memref<10240x128xf32, #tpu.memory_space<vmem_shared>> -> memref<10240x128xf32, #tpu.memory_space<vmem_shared>>
        tpu.enqueue_indirect_dma source(%arg8 : memref<128x128xf32, #tpu.memory_space<vmem>>) target(%dma_start3A_615 : memref<10240x128xf32, #tpu.memory_space<vmem_shared>>) offsets(%dma_start3A_612 : memref<128xi32, #tpu.memory_space<vmem>>) semaphore(%run_scoped3A_609 : memref<!tpu.dma_semaphore, #tpu.memory_space<semaphore_mem>>) {add = true}
        %dma_wait3A_616 = arith.constant 0 : i32
        %dma_wait3A_617 = tpu.memref_slice %arg7[%run_scoped3A_330, %dma_wait3A_616] : memref<40x128xi32, #tpu.memory_space<vmem>> -> memref<1x128xi32, #tpu.memory_space<vmem>>
        %dma_wait3A_618 = tpu.memref_squeeze %dma_wait3A_617 : memref<1x128xi32, #tpu.memory_space<vmem>> -> memref<128xi32, #tpu.memory_space<vmem>>
        %dma_wait3A_619 = arith.constant 0 : i32
        %dma_wait3A_620 = arith.constant 0 : i32
        %dma_wait3A_621 = tpu.memref_slice %arg10[%dma_wait3A_619, %dma_wait3A_620] : memref<10240x128xf32, #tpu.memory_space<vmem_shared>> -> memref<10240x128xf32, #tpu.memory_space<vmem_shared>>
        tpu.wait_indirect_dma semaphore(%run_scoped3A_609 : memref<!tpu.dma_semaphore, #tpu.memory_space<semaphore_mem>>) src(%arg8 : memref<128x128xf32, #tpu.memory_space<vmem>>) dst(%dma_wait3A_621 : memref<10240x128xf32, #tpu.memory_space<vmem_shared>>)
        tpu.yield
      }) : () -> ()
      %dma_start3A_331 = arith.constant 22 : i32
      %dma_start3A_332 = arith.constant 0 : i32
      %dma_start3A_333 = tpu.memref_slice %arg6[%dma_start3A_331, %dma_start3A_332] : memref<40x128xi32, #tpu.memory_space<vmem>> -> memref<1x128xi32, #tpu.memory_space<vmem>>
      %dma_start3A_334 = tpu.memref_squeeze %dma_start3A_333 : memref<1x128xi32, #tpu.memory_space<vmem>> -> memref<128xi32, #tpu.memory_space<vmem>>
      %dma_start3A_335 = arith.constant 0 : i32
      %dma_start3A_336 = arith.constant 0 : i32
      %dma_start3A_337 = tpu.memref_slice %arg2[%dma_start3A_335, %dma_start3A_336] : memref<10240x128xf32, #tpu.memory_space<hbm>> -> memref<10240x128xf32, #tpu.memory_space<hbm>>
      tpu.enqueue_indirect_dma source(%dma_start3A_337 : memref<10240x128xf32, #tpu.memory_space<hbm>>) target(%arg8 : memref<128x128xf32, #tpu.memory_space<vmem>>) offsets(%dma_start3A_334 : memref<128xi32, #tpu.memory_space<vmem>>) semaphore(%arg11 : memref<!tpu.dma_semaphore, #tpu.memory_space<semaphore_mem>>)
      %dma_wait3A_338 = arith.constant 21 : i32
      %dma_wait3A_339 = arith.constant 0 : i32
      %dma_wait3A_340 = tpu.memref_slice %arg6[%dma_wait3A_338, %dma_wait3A_339] : memref<40x128xi32, #tpu.memory_space<vmem>> -> memref<1x128xi32, #tpu.memory_space<vmem>>
      %dma_wait3A_341 = tpu.memref_squeeze %dma_wait3A_340 : memref<1x128xi32, #tpu.memory_space<vmem>> -> memref<128xi32, #tpu.memory_space<vmem>>
      %dma_wait3A_342 = arith.constant 0 : i32
      %dma_wait3A_343 = arith.constant 0 : i32
      %dma_wait3A_344 = tpu.memref_slice %arg2[%dma_wait3A_342, %dma_wait3A_343] : memref<10240x128xf32, #tpu.memory_space<hbm>> -> memref<10240x128xf32, #tpu.memory_space<hbm>>
      tpu.wait_indirect_dma semaphore(%arg12 : memref<!tpu.dma_semaphore, #tpu.memory_space<semaphore_mem>>) src(%dma_wait3A_344 : memref<10240x128xf32, #tpu.memory_space<hbm>>) dst(%arg9 : memref<128x128xf32, #tpu.memory_space<vmem>>)
      %run_scoped3A_345 = arith.constant 21 : i32
      "tpu.region"() ({
        %run_scoped3A_609 = tpu.sem_alloc : memref<!tpu.dma_semaphore, #tpu.memory_space<semaphore_mem>>
        %dma_start3A_610 = arith.constant 0 : i32
        %dma_start3A_611 = tpu.memref_slice %arg7[%run_scoped3A_345, %dma_start3A_610] : memref<40x128xi32, #tpu.memory_space<vmem>> -> memref<1x128xi32, #tpu.memory_space<vmem>>
        %dma_start3A_612 = tpu.memref_squeeze %dma_start3A_611 : memref<1x128xi32, #tpu.memory_space<vmem>> -> memref<128xi32, #tpu.memory_space<vmem>>
        %dma_start3A_613 = arith.constant 0 : i32
        %dma_start3A_614 = arith.constant 0 : i32
        %dma_start3A_615 = tpu.memref_slice %arg10[%dma_start3A_613, %dma_start3A_614] : memref<10240x128xf32, #tpu.memory_space<vmem_shared>> -> memref<10240x128xf32, #tpu.memory_space<vmem_shared>>
        tpu.enqueue_indirect_dma source(%arg9 : memref<128x128xf32, #tpu.memory_space<vmem>>) target(%dma_start3A_615 : memref<10240x128xf32, #tpu.memory_space<vmem_shared>>) offsets(%dma_start3A_612 : memref<128xi32, #tpu.memory_space<vmem>>) semaphore(%run_scoped3A_609 : memref<!tpu.dma_semaphore, #tpu.memory_space<semaphore_mem>>) {add = true}
        %dma_wait3A_616 = arith.constant 0 : i32
        %dma_wait3A_617 = tpu.memref_slice %arg7[%run_scoped3A_345, %dma_wait3A_616] : memref<40x128xi32, #tpu.memory_space<vmem>> -> memref<1x128xi32, #tpu.memory_space<vmem>>
        %dma_wait3A_618 = tpu.memref_squeeze %dma_wait3A_617 : memref<1x128xi32, #tpu.memory_space<vmem>> -> memref<128xi32, #tpu.memory_space<vmem>>
        %dma_wait3A_619 = arith.constant 0 : i32
        %dma_wait3A_620 = arith.constant 0 : i32
        %dma_wait3A_621 = tpu.memref_slice %arg10[%dma_wait3A_619, %dma_wait3A_620] : memref<10240x128xf32, #tpu.memory_space<vmem_shared>> -> memref<10240x128xf32, #tpu.memory_space<vmem_shared>>
        tpu.wait_indirect_dma semaphore(%run_scoped3A_609 : memref<!tpu.dma_semaphore, #tpu.memory_space<semaphore_mem>>) src(%arg9 : memref<128x128xf32, #tpu.memory_space<vmem>>) dst(%dma_wait3A_621 : memref<10240x128xf32, #tpu.memory_space<vmem_shared>>)
        tpu.yield
      }) : () -> ()
      %dma_start3A_346 = arith.constant 23 : i32
      %dma_start3A_347 = arith.constant 0 : i32
      %dma_start3A_348 = tpu.memref_slice %arg6[%dma_start3A_346, %dma_start3A_347] : memref<40x128xi32, #tpu.memory_space<vmem>> -> memref<1x128xi32, #tpu.memory_space<vmem>>
      %dma_start3A_349 = tpu.memref_squeeze %dma_start3A_348 : memref<1x128xi32, #tpu.memory_space<vmem>> -> memref<128xi32, #tpu.memory_space<vmem>>
      %dma_start3A_350 = arith.constant 0 : i32
      %dma_start3A_351 = arith.constant 0 : i32
      %dma_start3A_352 = tpu.memref_slice %arg2[%dma_start3A_350, %dma_start3A_351] : memref<10240x128xf32, #tpu.memory_space<hbm>> -> memref<10240x128xf32, #tpu.memory_space<hbm>>
      tpu.enqueue_indirect_dma source(%dma_start3A_352 : memref<10240x128xf32, #tpu.memory_space<hbm>>) target(%arg9 : memref<128x128xf32, #tpu.memory_space<vmem>>) offsets(%dma_start3A_349 : memref<128xi32, #tpu.memory_space<vmem>>) semaphore(%arg12 : memref<!tpu.dma_semaphore, #tpu.memory_space<semaphore_mem>>)
      %dma_wait3A_353 = arith.constant 22 : i32
      %dma_wait3A_354 = arith.constant 0 : i32
      %dma_wait3A_355 = tpu.memref_slice %arg6[%dma_wait3A_353, %dma_wait3A_354] : memref<40x128xi32, #tpu.memory_space<vmem>> -> memref<1x128xi32, #tpu.memory_space<vmem>>
      %dma_wait3A_356 = tpu.memref_squeeze %dma_wait3A_355 : memref<1x128xi32, #tpu.memory_space<vmem>> -> memref<128xi32, #tpu.memory_space<vmem>>
      %dma_wait3A_357 = arith.constant 0 : i32
      %dma_wait3A_358 = arith.constant 0 : i32
      %dma_wait3A_359 = tpu.memref_slice %arg2[%dma_wait3A_357, %dma_wait3A_358] : memref<10240x128xf32, #tpu.memory_space<hbm>> -> memref<10240x128xf32, #tpu.memory_space<hbm>>
      tpu.wait_indirect_dma semaphore(%arg11 : memref<!tpu.dma_semaphore, #tpu.memory_space<semaphore_mem>>) src(%dma_wait3A_359 : memref<10240x128xf32, #tpu.memory_space<hbm>>) dst(%arg8 : memref<128x128xf32, #tpu.memory_space<vmem>>)
      %run_scoped3A_360 = arith.constant 22 : i32
      "tpu.region"() ({
        %run_scoped3A_609 = tpu.sem_alloc : memref<!tpu.dma_semaphore, #tpu.memory_space<semaphore_mem>>
        %dma_start3A_610 = arith.constant 0 : i32
        %dma_start3A_611 = tpu.memref_slice %arg7[%run_scoped3A_360, %dma_start3A_610] : memref<40x128xi32, #tpu.memory_space<vmem>> -> memref<1x128xi32, #tpu.memory_space<vmem>>
        %dma_start3A_612 = tpu.memref_squeeze %dma_start3A_611 : memref<1x128xi32, #tpu.memory_space<vmem>> -> memref<128xi32, #tpu.memory_space<vmem>>
        %dma_start3A_613 = arith.constant 0 : i32
        %dma_start3A_614 = arith.constant 0 : i32
        %dma_start3A_615 = tpu.memref_slice %arg10[%dma_start3A_613, %dma_start3A_614] : memref<10240x128xf32, #tpu.memory_space<vmem_shared>> -> memref<10240x128xf32, #tpu.memory_space<vmem_shared>>
        tpu.enqueue_indirect_dma source(%arg8 : memref<128x128xf32, #tpu.memory_space<vmem>>) target(%dma_start3A_615 : memref<10240x128xf32, #tpu.memory_space<vmem_shared>>) offsets(%dma_start3A_612 : memref<128xi32, #tpu.memory_space<vmem>>) semaphore(%run_scoped3A_609 : memref<!tpu.dma_semaphore, #tpu.memory_space<semaphore_mem>>) {add = true}
        %dma_wait3A_616 = arith.constant 0 : i32
        %dma_wait3A_617 = tpu.memref_slice %arg7[%run_scoped3A_360, %dma_wait3A_616] : memref<40x128xi32, #tpu.memory_space<vmem>> -> memref<1x128xi32, #tpu.memory_space<vmem>>
        %dma_wait3A_618 = tpu.memref_squeeze %dma_wait3A_617 : memref<1x128xi32, #tpu.memory_space<vmem>> -> memref<128xi32, #tpu.memory_space<vmem>>
        %dma_wait3A_619 = arith.constant 0 : i32
        %dma_wait3A_620 = arith.constant 0 : i32
        %dma_wait3A_621 = tpu.memref_slice %arg10[%dma_wait3A_619, %dma_wait3A_620] : memref<10240x128xf32, #tpu.memory_space<vmem_shared>> -> memref<10240x128xf32, #tpu.memory_space<vmem_shared>>
        tpu.wait_indirect_dma semaphore(%run_scoped3A_609 : memref<!tpu.dma_semaphore, #tpu.memory_space<semaphore_mem>>) src(%arg8 : memref<128x128xf32, #tpu.memory_space<vmem>>) dst(%dma_wait3A_621 : memref<10240x128xf32, #tpu.memory_space<vmem_shared>>)
        tpu.yield
      }) : () -> ()
      %dma_start3A_361 = arith.constant 24 : i32
      %dma_start3A_362 = arith.constant 0 : i32
      %dma_start3A_363 = tpu.memref_slice %arg6[%dma_start3A_361, %dma_start3A_362] : memref<40x128xi32, #tpu.memory_space<vmem>> -> memref<1x128xi32, #tpu.memory_space<vmem>>
      %dma_start3A_364 = tpu.memref_squeeze %dma_start3A_363 : memref<1x128xi32, #tpu.memory_space<vmem>> -> memref<128xi32, #tpu.memory_space<vmem>>
      %dma_start3A_365 = arith.constant 0 : i32
      %dma_start3A_366 = arith.constant 0 : i32
      %dma_start3A_367 = tpu.memref_slice %arg2[%dma_start3A_365, %dma_start3A_366] : memref<10240x128xf32, #tpu.memory_space<hbm>> -> memref<10240x128xf32, #tpu.memory_space<hbm>>
      tpu.enqueue_indirect_dma source(%dma_start3A_367 : memref<10240x128xf32, #tpu.memory_space<hbm>>) target(%arg8 : memref<128x128xf32, #tpu.memory_space<vmem>>) offsets(%dma_start3A_364 : memref<128xi32, #tpu.memory_space<vmem>>) semaphore(%arg11 : memref<!tpu.dma_semaphore, #tpu.memory_space<semaphore_mem>>)
      %dma_wait3A_368 = arith.constant 23 : i32
      %dma_wait3A_369 = arith.constant 0 : i32
      %dma_wait3A_370 = tpu.memref_slice %arg6[%dma_wait3A_368, %dma_wait3A_369] : memref<40x128xi32, #tpu.memory_space<vmem>> -> memref<1x128xi32, #tpu.memory_space<vmem>>
      %dma_wait3A_371 = tpu.memref_squeeze %dma_wait3A_370 : memref<1x128xi32, #tpu.memory_space<vmem>> -> memref<128xi32, #tpu.memory_space<vmem>>
      %dma_wait3A_372 = arith.constant 0 : i32
      %dma_wait3A_373 = arith.constant 0 : i32
      %dma_wait3A_374 = tpu.memref_slice %arg2[%dma_wait3A_372, %dma_wait3A_373] : memref<10240x128xf32, #tpu.memory_space<hbm>> -> memref<10240x128xf32, #tpu.memory_space<hbm>>
      tpu.wait_indirect_dma semaphore(%arg12 : memref<!tpu.dma_semaphore, #tpu.memory_space<semaphore_mem>>) src(%dma_wait3A_374 : memref<10240x128xf32, #tpu.memory_space<hbm>>) dst(%arg9 : memref<128x128xf32, #tpu.memory_space<vmem>>)
      %run_scoped3A_375 = arith.constant 23 : i32
      "tpu.region"() ({
        %run_scoped3A_609 = tpu.sem_alloc : memref<!tpu.dma_semaphore, #tpu.memory_space<semaphore_mem>>
        %dma_start3A_610 = arith.constant 0 : i32
        %dma_start3A_611 = tpu.memref_slice %arg7[%run_scoped3A_375, %dma_start3A_610] : memref<40x128xi32, #tpu.memory_space<vmem>> -> memref<1x128xi32, #tpu.memory_space<vmem>>
        %dma_start3A_612 = tpu.memref_squeeze %dma_start3A_611 : memref<1x128xi32, #tpu.memory_space<vmem>> -> memref<128xi32, #tpu.memory_space<vmem>>
        %dma_start3A_613 = arith.constant 0 : i32
        %dma_start3A_614 = arith.constant 0 : i32
        %dma_start3A_615 = tpu.memref_slice %arg10[%dma_start3A_613, %dma_start3A_614] : memref<10240x128xf32, #tpu.memory_space<vmem_shared>> -> memref<10240x128xf32, #tpu.memory_space<vmem_shared>>
        tpu.enqueue_indirect_dma source(%arg9 : memref<128x128xf32, #tpu.memory_space<vmem>>) target(%dma_start3A_615 : memref<10240x128xf32, #tpu.memory_space<vmem_shared>>) offsets(%dma_start3A_612 : memref<128xi32, #tpu.memory_space<vmem>>) semaphore(%run_scoped3A_609 : memref<!tpu.dma_semaphore, #tpu.memory_space<semaphore_mem>>) {add = true}
        %dma_wait3A_616 = arith.constant 0 : i32
        %dma_wait3A_617 = tpu.memref_slice %arg7[%run_scoped3A_375, %dma_wait3A_616] : memref<40x128xi32, #tpu.memory_space<vmem>> -> memref<1x128xi32, #tpu.memory_space<vmem>>
        %dma_wait3A_618 = tpu.memref_squeeze %dma_wait3A_617 : memref<1x128xi32, #tpu.memory_space<vmem>> -> memref<128xi32, #tpu.memory_space<vmem>>
        %dma_wait3A_619 = arith.constant 0 : i32
        %dma_wait3A_620 = arith.constant 0 : i32
        %dma_wait3A_621 = tpu.memref_slice %arg10[%dma_wait3A_619, %dma_wait3A_620] : memref<10240x128xf32, #tpu.memory_space<vmem_shared>> -> memref<10240x128xf32, #tpu.memory_space<vmem_shared>>
        tpu.wait_indirect_dma semaphore(%run_scoped3A_609 : memref<!tpu.dma_semaphore, #tpu.memory_space<semaphore_mem>>) src(%arg9 : memref<128x128xf32, #tpu.memory_space<vmem>>) dst(%dma_wait3A_621 : memref<10240x128xf32, #tpu.memory_space<vmem_shared>>)
        tpu.yield
      }) : () -> ()
      %dma_start3A_376 = arith.constant 25 : i32
      %dma_start3A_377 = arith.constant 0 : i32
      %dma_start3A_378 = tpu.memref_slice %arg6[%dma_start3A_376, %dma_start3A_377] : memref<40x128xi32, #tpu.memory_space<vmem>> -> memref<1x128xi32, #tpu.memory_space<vmem>>
      %dma_start3A_379 = tpu.memref_squeeze %dma_start3A_378 : memref<1x128xi32, #tpu.memory_space<vmem>> -> memref<128xi32, #tpu.memory_space<vmem>>
      %dma_start3A_380 = arith.constant 0 : i32
      %dma_start3A_381 = arith.constant 0 : i32
      %dma_start3A_382 = tpu.memref_slice %arg2[%dma_start3A_380, %dma_start3A_381] : memref<10240x128xf32, #tpu.memory_space<hbm>> -> memref<10240x128xf32, #tpu.memory_space<hbm>>
      tpu.enqueue_indirect_dma source(%dma_start3A_382 : memref<10240x128xf32, #tpu.memory_space<hbm>>) target(%arg9 : memref<128x128xf32, #tpu.memory_space<vmem>>) offsets(%dma_start3A_379 : memref<128xi32, #tpu.memory_space<vmem>>) semaphore(%arg12 : memref<!tpu.dma_semaphore, #tpu.memory_space<semaphore_mem>>)
      %dma_wait3A_383 = arith.constant 24 : i32
      %dma_wait3A_384 = arith.constant 0 : i32
      %dma_wait3A_385 = tpu.memref_slice %arg6[%dma_wait3A_383, %dma_wait3A_384] : memref<40x128xi32, #tpu.memory_space<vmem>> -> memref<1x128xi32, #tpu.memory_space<vmem>>
      %dma_wait3A_386 = tpu.memref_squeeze %dma_wait3A_385 : memref<1x128xi32, #tpu.memory_space<vmem>> -> memref<128xi32, #tpu.memory_space<vmem>>
      %dma_wait3A_387 = arith.constant 0 : i32
      %dma_wait3A_388 = arith.constant 0 : i32
      %dma_wait3A_389 = tpu.memref_slice %arg2[%dma_wait3A_387, %dma_wait3A_388] : memref<10240x128xf32, #tpu.memory_space<hbm>> -> memref<10240x128xf32, #tpu.memory_space<hbm>>
      tpu.wait_indirect_dma semaphore(%arg11 : memref<!tpu.dma_semaphore, #tpu.memory_space<semaphore_mem>>) src(%dma_wait3A_389 : memref<10240x128xf32, #tpu.memory_space<hbm>>) dst(%arg8 : memref<128x128xf32, #tpu.memory_space<vmem>>)
      %run_scoped3A_390 = arith.constant 24 : i32
      "tpu.region"() ({
        %run_scoped3A_609 = tpu.sem_alloc : memref<!tpu.dma_semaphore, #tpu.memory_space<semaphore_mem>>
        %dma_start3A_610 = arith.constant 0 : i32
        %dma_start3A_611 = tpu.memref_slice %arg7[%run_scoped3A_390, %dma_start3A_610] : memref<40x128xi32, #tpu.memory_space<vmem>> -> memref<1x128xi32, #tpu.memory_space<vmem>>
        %dma_start3A_612 = tpu.memref_squeeze %dma_start3A_611 : memref<1x128xi32, #tpu.memory_space<vmem>> -> memref<128xi32, #tpu.memory_space<vmem>>
        %dma_start3A_613 = arith.constant 0 : i32
        %dma_start3A_614 = arith.constant 0 : i32
        %dma_start3A_615 = tpu.memref_slice %arg10[%dma_start3A_613, %dma_start3A_614] : memref<10240x128xf32, #tpu.memory_space<vmem_shared>> -> memref<10240x128xf32, #tpu.memory_space<vmem_shared>>
        tpu.enqueue_indirect_dma source(%arg8 : memref<128x128xf32, #tpu.memory_space<vmem>>) target(%dma_start3A_615 : memref<10240x128xf32, #tpu.memory_space<vmem_shared>>) offsets(%dma_start3A_612 : memref<128xi32, #tpu.memory_space<vmem>>) semaphore(%run_scoped3A_609 : memref<!tpu.dma_semaphore, #tpu.memory_space<semaphore_mem>>) {add = true}
        %dma_wait3A_616 = arith.constant 0 : i32
        %dma_wait3A_617 = tpu.memref_slice %arg7[%run_scoped3A_390, %dma_wait3A_616] : memref<40x128xi32, #tpu.memory_space<vmem>> -> memref<1x128xi32, #tpu.memory_space<vmem>>
        %dma_wait3A_618 = tpu.memref_squeeze %dma_wait3A_617 : memref<1x128xi32, #tpu.memory_space<vmem>> -> memref<128xi32, #tpu.memory_space<vmem>>
        %dma_wait3A_619 = arith.constant 0 : i32
        %dma_wait3A_620 = arith.constant 0 : i32
        %dma_wait3A_621 = tpu.memref_slice %arg10[%dma_wait3A_619, %dma_wait3A_620] : memref<10240x128xf32, #tpu.memory_space<vmem_shared>> -> memref<10240x128xf32, #tpu.memory_space<vmem_shared>>
        tpu.wait_indirect_dma semaphore(%run_scoped3A_609 : memref<!tpu.dma_semaphore, #tpu.memory_space<semaphore_mem>>) src(%arg8 : memref<128x128xf32, #tpu.memory_space<vmem>>) dst(%dma_wait3A_621 : memref<10240x128xf32, #tpu.memory_space<vmem_shared>>)
        tpu.yield
      }) : () -> ()
      %dma_start3A_391 = arith.constant 26 : i32
      %dma_start3A_392 = arith.constant 0 : i32
      %dma_start3A_393 = tpu.memref_slice %arg6[%dma_start3A_391, %dma_start3A_392] : memref<40x128xi32, #tpu.memory_space<vmem>> -> memref<1x128xi32, #tpu.memory_space<vmem>>
      %dma_start3A_394 = tpu.memref_squeeze %dma_start3A_393 : memref<1x128xi32, #tpu.memory_space<vmem>> -> memref<128xi32, #tpu.memory_space<vmem>>
      %dma_start3A_395 = arith.constant 0 : i32
      %dma_start3A_396 = arith.constant 0 : i32
      %dma_start3A_397 = tpu.memref_slice %arg2[%dma_start3A_395, %dma_start3A_396] : memref<10240x128xf32, #tpu.memory_space<hbm>> -> memref<10240x128xf32, #tpu.memory_space<hbm>>
      tpu.enqueue_indirect_dma source(%dma_start3A_397 : memref<10240x128xf32, #tpu.memory_space<hbm>>) target(%arg8 : memref<128x128xf32, #tpu.memory_space<vmem>>) offsets(%dma_start3A_394 : memref<128xi32, #tpu.memory_space<vmem>>) semaphore(%arg11 : memref<!tpu.dma_semaphore, #tpu.memory_space<semaphore_mem>>)
      %dma_wait3A_398 = arith.constant 25 : i32
      %dma_wait3A_399 = arith.constant 0 : i32
      %dma_wait3A_400 = tpu.memref_slice %arg6[%dma_wait3A_398, %dma_wait3A_399] : memref<40x128xi32, #tpu.memory_space<vmem>> -> memref<1x128xi32, #tpu.memory_space<vmem>>
      %dma_wait3A_401 = tpu.memref_squeeze %dma_wait3A_400 : memref<1x128xi32, #tpu.memory_space<vmem>> -> memref<128xi32, #tpu.memory_space<vmem>>
      %dma_wait3A_402 = arith.constant 0 : i32
      %dma_wait3A_403 = arith.constant 0 : i32
      %dma_wait3A_404 = tpu.memref_slice %arg2[%dma_wait3A_402, %dma_wait3A_403] : memref<10240x128xf32, #tpu.memory_space<hbm>> -> memref<10240x128xf32, #tpu.memory_space<hbm>>
      tpu.wait_indirect_dma semaphore(%arg12 : memref<!tpu.dma_semaphore, #tpu.memory_space<semaphore_mem>>) src(%dma_wait3A_404 : memref<10240x128xf32, #tpu.memory_space<hbm>>) dst(%arg9 : memref<128x128xf32, #tpu.memory_space<vmem>>)
      %run_scoped3A_405 = arith.constant 25 : i32
      "tpu.region"() ({
        %run_scoped3A_609 = tpu.sem_alloc : memref<!tpu.dma_semaphore, #tpu.memory_space<semaphore_mem>>
        %dma_start3A_610 = arith.constant 0 : i32
        %dma_start3A_611 = tpu.memref_slice %arg7[%run_scoped3A_405, %dma_start3A_610] : memref<40x128xi32, #tpu.memory_space<vmem>> -> memref<1x128xi32, #tpu.memory_space<vmem>>
        %dma_start3A_612 = tpu.memref_squeeze %dma_start3A_611 : memref<1x128xi32, #tpu.memory_space<vmem>> -> memref<128xi32, #tpu.memory_space<vmem>>
        %dma_start3A_613 = arith.constant 0 : i32
        %dma_start3A_614 = arith.constant 0 : i32
        %dma_start3A_615 = tpu.memref_slice %arg10[%dma_start3A_613, %dma_start3A_614] : memref<10240x128xf32, #tpu.memory_space<vmem_shared>> -> memref<10240x128xf32, #tpu.memory_space<vmem_shared>>
        tpu.enqueue_indirect_dma source(%arg9 : memref<128x128xf32, #tpu.memory_space<vmem>>) target(%dma_start3A_615 : memref<10240x128xf32, #tpu.memory_space<vmem_shared>>) offsets(%dma_start3A_612 : memref<128xi32, #tpu.memory_space<vmem>>) semaphore(%run_scoped3A_609 : memref<!tpu.dma_semaphore, #tpu.memory_space<semaphore_mem>>) {add = true}
        %dma_wait3A_616 = arith.constant 0 : i32
        %dma_wait3A_617 = tpu.memref_slice %arg7[%run_scoped3A_405, %dma_wait3A_616] : memref<40x128xi32, #tpu.memory_space<vmem>> -> memref<1x128xi32, #tpu.memory_space<vmem>>
        %dma_wait3A_618 = tpu.memref_squeeze %dma_wait3A_617 : memref<1x128xi32, #tpu.memory_space<vmem>> -> memref<128xi32, #tpu.memory_space<vmem>>
        %dma_wait3A_619 = arith.constant 0 : i32
        %dma_wait3A_620 = arith.constant 0 : i32
        %dma_wait3A_621 = tpu.memref_slice %arg10[%dma_wait3A_619, %dma_wait3A_620] : memref<10240x128xf32, #tpu.memory_space<vmem_shared>> -> memref<10240x128xf32, #tpu.memory_space<vmem_shared>>
        tpu.wait_indirect_dma semaphore(%run_scoped3A_609 : memref<!tpu.dma_semaphore, #tpu.memory_space<semaphore_mem>>) src(%arg9 : memref<128x128xf32, #tpu.memory_space<vmem>>) dst(%dma_wait3A_621 : memref<10240x128xf32, #tpu.memory_space<vmem_shared>>)
        tpu.yield
      }) : () -> ()
      %dma_start3A_406 = arith.constant 27 : i32
      %dma_start3A_407 = arith.constant 0 : i32
      %dma_start3A_408 = tpu.memref_slice %arg6[%dma_start3A_406, %dma_start3A_407] : memref<40x128xi32, #tpu.memory_space<vmem>> -> memref<1x128xi32, #tpu.memory_space<vmem>>
      %dma_start3A_409 = tpu.memref_squeeze %dma_start3A_408 : memref<1x128xi32, #tpu.memory_space<vmem>> -> memref<128xi32, #tpu.memory_space<vmem>>
      %dma_start3A_410 = arith.constant 0 : i32
      %dma_start3A_411 = arith.constant 0 : i32
      %dma_start3A_412 = tpu.memref_slice %arg2[%dma_start3A_410, %dma_start3A_411] : memref<10240x128xf32, #tpu.memory_space<hbm>> -> memref<10240x128xf32, #tpu.memory_space<hbm>>
      tpu.enqueue_indirect_dma source(%dma_start3A_412 : memref<10240x128xf32, #tpu.memory_space<hbm>>) target(%arg9 : memref<128x128xf32, #tpu.memory_space<vmem>>) offsets(%dma_start3A_409 : memref<128xi32, #tpu.memory_space<vmem>>) semaphore(%arg12 : memref<!tpu.dma_semaphore, #tpu.memory_space<semaphore_mem>>)
      %dma_wait3A_413 = arith.constant 26 : i32
      %dma_wait3A_414 = arith.constant 0 : i32
      %dma_wait3A_415 = tpu.memref_slice %arg6[%dma_wait3A_413, %dma_wait3A_414] : memref<40x128xi32, #tpu.memory_space<vmem>> -> memref<1x128xi32, #tpu.memory_space<vmem>>
      %dma_wait3A_416 = tpu.memref_squeeze %dma_wait3A_415 : memref<1x128xi32, #tpu.memory_space<vmem>> -> memref<128xi32, #tpu.memory_space<vmem>>
      %dma_wait3A_417 = arith.constant 0 : i32
      %dma_wait3A_418 = arith.constant 0 : i32
      %dma_wait3A_419 = tpu.memref_slice %arg2[%dma_wait3A_417, %dma_wait3A_418] : memref<10240x128xf32, #tpu.memory_space<hbm>> -> memref<10240x128xf32, #tpu.memory_space<hbm>>
      tpu.wait_indirect_dma semaphore(%arg11 : memref<!tpu.dma_semaphore, #tpu.memory_space<semaphore_mem>>) src(%dma_wait3A_419 : memref<10240x128xf32, #tpu.memory_space<hbm>>) dst(%arg8 : memref<128x128xf32, #tpu.memory_space<vmem>>)
      %run_scoped3A_420 = arith.constant 26 : i32
      "tpu.region"() ({
        %run_scoped3A_609 = tpu.sem_alloc : memref<!tpu.dma_semaphore, #tpu.memory_space<semaphore_mem>>
        %dma_start3A_610 = arith.constant 0 : i32
        %dma_start3A_611 = tpu.memref_slice %arg7[%run_scoped3A_420, %dma_start3A_610] : memref<40x128xi32, #tpu.memory_space<vmem>> -> memref<1x128xi32, #tpu.memory_space<vmem>>
        %dma_start3A_612 = tpu.memref_squeeze %dma_start3A_611 : memref<1x128xi32, #tpu.memory_space<vmem>> -> memref<128xi32, #tpu.memory_space<vmem>>
        %dma_start3A_613 = arith.constant 0 : i32
        %dma_start3A_614 = arith.constant 0 : i32
        %dma_start3A_615 = tpu.memref_slice %arg10[%dma_start3A_613, %dma_start3A_614] : memref<10240x128xf32, #tpu.memory_space<vmem_shared>> -> memref<10240x128xf32, #tpu.memory_space<vmem_shared>>
        tpu.enqueue_indirect_dma source(%arg8 : memref<128x128xf32, #tpu.memory_space<vmem>>) target(%dma_start3A_615 : memref<10240x128xf32, #tpu.memory_space<vmem_shared>>) offsets(%dma_start3A_612 : memref<128xi32, #tpu.memory_space<vmem>>) semaphore(%run_scoped3A_609 : memref<!tpu.dma_semaphore, #tpu.memory_space<semaphore_mem>>) {add = true}
        %dma_wait3A_616 = arith.constant 0 : i32
        %dma_wait3A_617 = tpu.memref_slice %arg7[%run_scoped3A_420, %dma_wait3A_616] : memref<40x128xi32, #tpu.memory_space<vmem>> -> memref<1x128xi32, #tpu.memory_space<vmem>>
        %dma_wait3A_618 = tpu.memref_squeeze %dma_wait3A_617 : memref<1x128xi32, #tpu.memory_space<vmem>> -> memref<128xi32, #tpu.memory_space<vmem>>
        %dma_wait3A_619 = arith.constant 0 : i32
        %dma_wait3A_620 = arith.constant 0 : i32
        %dma_wait3A_621 = tpu.memref_slice %arg10[%dma_wait3A_619, %dma_wait3A_620] : memref<10240x128xf32, #tpu.memory_space<vmem_shared>> -> memref<10240x128xf32, #tpu.memory_space<vmem_shared>>
        tpu.wait_indirect_dma semaphore(%run_scoped3A_609 : memref<!tpu.dma_semaphore, #tpu.memory_space<semaphore_mem>>) src(%arg8 : memref<128x128xf32, #tpu.memory_space<vmem>>) dst(%dma_wait3A_621 : memref<10240x128xf32, #tpu.memory_space<vmem_shared>>)
        tpu.yield
      }) : () -> ()
      %dma_start3A_421 = arith.constant 28 : i32
      %dma_start3A_422 = arith.constant 0 : i32
      %dma_start3A_423 = tpu.memref_slice %arg6[%dma_start3A_421, %dma_start3A_422] : memref<40x128xi32, #tpu.memory_space<vmem>> -> memref<1x128xi32, #tpu.memory_space<vmem>>
      %dma_start3A_424 = tpu.memref_squeeze %dma_start3A_423 : memref<1x128xi32, #tpu.memory_space<vmem>> -> memref<128xi32, #tpu.memory_space<vmem>>
      %dma_start3A_425 = arith.constant 0 : i32
      %dma_start3A_426 = arith.constant 0 : i32
      %dma_start3A_427 = tpu.memref_slice %arg2[%dma_start3A_425, %dma_start3A_426] : memref<10240x128xf32, #tpu.memory_space<hbm>> -> memref<10240x128xf32, #tpu.memory_space<hbm>>
      tpu.enqueue_indirect_dma source(%dma_start3A_427 : memref<10240x128xf32, #tpu.memory_space<hbm>>) target(%arg8 : memref<128x128xf32, #tpu.memory_space<vmem>>) offsets(%dma_start3A_424 : memref<128xi32, #tpu.memory_space<vmem>>) semaphore(%arg11 : memref<!tpu.dma_semaphore, #tpu.memory_space<semaphore_mem>>)
      %dma_wait3A_428 = arith.constant 27 : i32
      %dma_wait3A_429 = arith.constant 0 : i32
      %dma_wait3A_430 = tpu.memref_slice %arg6[%dma_wait3A_428, %dma_wait3A_429] : memref<40x128xi32, #tpu.memory_space<vmem>> -> memref<1x128xi32, #tpu.memory_space<vmem>>
      %dma_wait3A_431 = tpu.memref_squeeze %dma_wait3A_430 : memref<1x128xi32, #tpu.memory_space<vmem>> -> memref<128xi32, #tpu.memory_space<vmem>>
      %dma_wait3A_432 = arith.constant 0 : i32
      %dma_wait3A_433 = arith.constant 0 : i32
      %dma_wait3A_434 = tpu.memref_slice %arg2[%dma_wait3A_432, %dma_wait3A_433] : memref<10240x128xf32, #tpu.memory_space<hbm>> -> memref<10240x128xf32, #tpu.memory_space<hbm>>
      tpu.wait_indirect_dma semaphore(%arg12 : memref<!tpu.dma_semaphore, #tpu.memory_space<semaphore_mem>>) src(%dma_wait3A_434 : memref<10240x128xf32, #tpu.memory_space<hbm>>) dst(%arg9 : memref<128x128xf32, #tpu.memory_space<vmem>>)
      %run_scoped3A_435 = arith.constant 27 : i32
      "tpu.region"() ({
        %run_scoped3A_609 = tpu.sem_alloc : memref<!tpu.dma_semaphore, #tpu.memory_space<semaphore_mem>>
        %dma_start3A_610 = arith.constant 0 : i32
        %dma_start3A_611 = tpu.memref_slice %arg7[%run_scoped3A_435, %dma_start3A_610] : memref<40x128xi32, #tpu.memory_space<vmem>> -> memref<1x128xi32, #tpu.memory_space<vmem>>
        %dma_start3A_612 = tpu.memref_squeeze %dma_start3A_611 : memref<1x128xi32, #tpu.memory_space<vmem>> -> memref<128xi32, #tpu.memory_space<vmem>>
        %dma_start3A_613 = arith.constant 0 : i32
        %dma_start3A_614 = arith.constant 0 : i32
        %dma_start3A_615 = tpu.memref_slice %arg10[%dma_start3A_613, %dma_start3A_614] : memref<10240x128xf32, #tpu.memory_space<vmem_shared>> -> memref<10240x128xf32, #tpu.memory_space<vmem_shared>>
        tpu.enqueue_indirect_dma source(%arg9 : memref<128x128xf32, #tpu.memory_space<vmem>>) target(%dma_start3A_615 : memref<10240x128xf32, #tpu.memory_space<vmem_shared>>) offsets(%dma_start3A_612 : memref<128xi32, #tpu.memory_space<vmem>>) semaphore(%run_scoped3A_609 : memref<!tpu.dma_semaphore, #tpu.memory_space<semaphore_mem>>) {add = true}
        %dma_wait3A_616 = arith.constant 0 : i32
        %dma_wait3A_617 = tpu.memref_slice %arg7[%run_scoped3A_435, %dma_wait3A_616] : memref<40x128xi32, #tpu.memory_space<vmem>> -> memref<1x128xi32, #tpu.memory_space<vmem>>
        %dma_wait3A_618 = tpu.memref_squeeze %dma_wait3A_617 : memref<1x128xi32, #tpu.memory_space<vmem>> -> memref<128xi32, #tpu.memory_space<vmem>>
        %dma_wait3A_619 = arith.constant 0 : i32
        %dma_wait3A_620 = arith.constant 0 : i32
        %dma_wait3A_621 = tpu.memref_slice %arg10[%dma_wait3A_619, %dma_wait3A_620] : memref<10240x128xf32, #tpu.memory_space<vmem_shared>> -> memref<10240x128xf32, #tpu.memory_space<vmem_shared>>
        tpu.wait_indirect_dma semaphore(%run_scoped3A_609 : memref<!tpu.dma_semaphore, #tpu.memory_space<semaphore_mem>>) src(%arg9 : memref<128x128xf32, #tpu.memory_space<vmem>>) dst(%dma_wait3A_621 : memref<10240x128xf32, #tpu.memory_space<vmem_shared>>)
        tpu.yield
      }) : () -> ()
      %dma_start3A_436 = arith.constant 29 : i32
      %dma_start3A_437 = arith.constant 0 : i32
      %dma_start3A_438 = tpu.memref_slice %arg6[%dma_start3A_436, %dma_start3A_437] : memref<40x128xi32, #tpu.memory_space<vmem>> -> memref<1x128xi32, #tpu.memory_space<vmem>>
      %dma_start3A_439 = tpu.memref_squeeze %dma_start3A_438 : memref<1x128xi32, #tpu.memory_space<vmem>> -> memref<128xi32, #tpu.memory_space<vmem>>
      %dma_start3A_440 = arith.constant 0 : i32
      %dma_start3A_441 = arith.constant 0 : i32
      %dma_start3A_442 = tpu.memref_slice %arg2[%dma_start3A_440, %dma_start3A_441] : memref<10240x128xf32, #tpu.memory_space<hbm>> -> memref<10240x128xf32, #tpu.memory_space<hbm>>
      tpu.enqueue_indirect_dma source(%dma_start3A_442 : memref<10240x128xf32, #tpu.memory_space<hbm>>) target(%arg9 : memref<128x128xf32, #tpu.memory_space<vmem>>) offsets(%dma_start3A_439 : memref<128xi32, #tpu.memory_space<vmem>>) semaphore(%arg12 : memref<!tpu.dma_semaphore, #tpu.memory_space<semaphore_mem>>)
      %dma_wait3A_443 = arith.constant 28 : i32
      %dma_wait3A_444 = arith.constant 0 : i32
      %dma_wait3A_445 = tpu.memref_slice %arg6[%dma_wait3A_443, %dma_wait3A_444] : memref<40x128xi32, #tpu.memory_space<vmem>> -> memref<1x128xi32, #tpu.memory_space<vmem>>
      %dma_wait3A_446 = tpu.memref_squeeze %dma_wait3A_445 : memref<1x128xi32, #tpu.memory_space<vmem>> -> memref<128xi32, #tpu.memory_space<vmem>>
      %dma_wait3A_447 = arith.constant 0 : i32
      %dma_wait3A_448 = arith.constant 0 : i32
      %dma_wait3A_449 = tpu.memref_slice %arg2[%dma_wait3A_447, %dma_wait3A_448] : memref<10240x128xf32, #tpu.memory_space<hbm>> -> memref<10240x128xf32, #tpu.memory_space<hbm>>
      tpu.wait_indirect_dma semaphore(%arg11 : memref<!tpu.dma_semaphore, #tpu.memory_space<semaphore_mem>>) src(%dma_wait3A_449 : memref<10240x128xf32, #tpu.memory_space<hbm>>) dst(%arg8 : memref<128x128xf32, #tpu.memory_space<vmem>>)
      %run_scoped3A_450 = arith.constant 28 : i32
      "tpu.region"() ({
        %run_scoped3A_609 = tpu.sem_alloc : memref<!tpu.dma_semaphore, #tpu.memory_space<semaphore_mem>>
        %dma_start3A_610 = arith.constant 0 : i32
        %dma_start3A_611 = tpu.memref_slice %arg7[%run_scoped3A_450, %dma_start3A_610] : memref<40x128xi32, #tpu.memory_space<vmem>> -> memref<1x128xi32, #tpu.memory_space<vmem>>
        %dma_start3A_612 = tpu.memref_squeeze %dma_start3A_611 : memref<1x128xi32, #tpu.memory_space<vmem>> -> memref<128xi32, #tpu.memory_space<vmem>>
        %dma_start3A_613 = arith.constant 0 : i32
        %dma_start3A_614 = arith.constant 0 : i32
        %dma_start3A_615 = tpu.memref_slice %arg10[%dma_start3A_613, %dma_start3A_614] : memref<10240x128xf32, #tpu.memory_space<vmem_shared>> -> memref<10240x128xf32, #tpu.memory_space<vmem_shared>>
        tpu.enqueue_indirect_dma source(%arg8 : memref<128x128xf32, #tpu.memory_space<vmem>>) target(%dma_start3A_615 : memref<10240x128xf32, #tpu.memory_space<vmem_shared>>) offsets(%dma_start3A_612 : memref<128xi32, #tpu.memory_space<vmem>>) semaphore(%run_scoped3A_609 : memref<!tpu.dma_semaphore, #tpu.memory_space<semaphore_mem>>) {add = true}
        %dma_wait3A_616 = arith.constant 0 : i32
        %dma_wait3A_617 = tpu.memref_slice %arg7[%run_scoped3A_450, %dma_wait3A_616] : memref<40x128xi32, #tpu.memory_space<vmem>> -> memref<1x128xi32, #tpu.memory_space<vmem>>
        %dma_wait3A_618 = tpu.memref_squeeze %dma_wait3A_617 : memref<1x128xi32, #tpu.memory_space<vmem>> -> memref<128xi32, #tpu.memory_space<vmem>>
        %dma_wait3A_619 = arith.constant 0 : i32
        %dma_wait3A_620 = arith.constant 0 : i32
        %dma_wait3A_621 = tpu.memref_slice %arg10[%dma_wait3A_619, %dma_wait3A_620] : memref<10240x128xf32, #tpu.memory_space<vmem_shared>> -> memref<10240x128xf32, #tpu.memory_space<vmem_shared>>
        tpu.wait_indirect_dma semaphore(%run_scoped3A_609 : memref<!tpu.dma_semaphore, #tpu.memory_space<semaphore_mem>>) src(%arg8 : memref<128x128xf32, #tpu.memory_space<vmem>>) dst(%dma_wait3A_621 : memref<10240x128xf32, #tpu.memory_space<vmem_shared>>)
        tpu.yield
      }) : () -> ()
      %dma_start3A_451 = arith.constant 30 : i32
      %dma_start3A_452 = arith.constant 0 : i32
      %dma_start3A_453 = tpu.memref_slice %arg6[%dma_start3A_451, %dma_start3A_452] : memref<40x128xi32, #tpu.memory_space<vmem>> -> memref<1x128xi32, #tpu.memory_space<vmem>>
      %dma_start3A_454 = tpu.memref_squeeze %dma_start3A_453 : memref<1x128xi32, #tpu.memory_space<vmem>> -> memref<128xi32, #tpu.memory_space<vmem>>
      %dma_start3A_455 = arith.constant 0 : i32
      %dma_start3A_456 = arith.constant 0 : i32
      %dma_start3A_457 = tpu.memref_slice %arg2[%dma_start3A_455, %dma_start3A_456] : memref<10240x128xf32, #tpu.memory_space<hbm>> -> memref<10240x128xf32, #tpu.memory_space<hbm>>
      tpu.enqueue_indirect_dma source(%dma_start3A_457 : memref<10240x128xf32, #tpu.memory_space<hbm>>) target(%arg8 : memref<128x128xf32, #tpu.memory_space<vmem>>) offsets(%dma_start3A_454 : memref<128xi32, #tpu.memory_space<vmem>>) semaphore(%arg11 : memref<!tpu.dma_semaphore, #tpu.memory_space<semaphore_mem>>)
      %dma_wait3A_458 = arith.constant 29 : i32
      %dma_wait3A_459 = arith.constant 0 : i32
      %dma_wait3A_460 = tpu.memref_slice %arg6[%dma_wait3A_458, %dma_wait3A_459] : memref<40x128xi32, #tpu.memory_space<vmem>> -> memref<1x128xi32, #tpu.memory_space<vmem>>
      %dma_wait3A_461 = tpu.memref_squeeze %dma_wait3A_460 : memref<1x128xi32, #tpu.memory_space<vmem>> -> memref<128xi32, #tpu.memory_space<vmem>>
      %dma_wait3A_462 = arith.constant 0 : i32
      %dma_wait3A_463 = arith.constant 0 : i32
      %dma_wait3A_464 = tpu.memref_slice %arg2[%dma_wait3A_462, %dma_wait3A_463] : memref<10240x128xf32, #tpu.memory_space<hbm>> -> memref<10240x128xf32, #tpu.memory_space<hbm>>
      tpu.wait_indirect_dma semaphore(%arg12 : memref<!tpu.dma_semaphore, #tpu.memory_space<semaphore_mem>>) src(%dma_wait3A_464 : memref<10240x128xf32, #tpu.memory_space<hbm>>) dst(%arg9 : memref<128x128xf32, #tpu.memory_space<vmem>>)
      %run_scoped3A_465 = arith.constant 29 : i32
      "tpu.region"() ({
        %run_scoped3A_609 = tpu.sem_alloc : memref<!tpu.dma_semaphore, #tpu.memory_space<semaphore_mem>>
        %dma_start3A_610 = arith.constant 0 : i32
        %dma_start3A_611 = tpu.memref_slice %arg7[%run_scoped3A_465, %dma_start3A_610] : memref<40x128xi32, #tpu.memory_space<vmem>> -> memref<1x128xi32, #tpu.memory_space<vmem>>
        %dma_start3A_612 = tpu.memref_squeeze %dma_start3A_611 : memref<1x128xi32, #tpu.memory_space<vmem>> -> memref<128xi32, #tpu.memory_space<vmem>>
        %dma_start3A_613 = arith.constant 0 : i32
        %dma_start3A_614 = arith.constant 0 : i32
        %dma_start3A_615 = tpu.memref_slice %arg10[%dma_start3A_613, %dma_start3A_614] : memref<10240x128xf32, #tpu.memory_space<vmem_shared>> -> memref<10240x128xf32, #tpu.memory_space<vmem_shared>>
        tpu.enqueue_indirect_dma source(%arg9 : memref<128x128xf32, #tpu.memory_space<vmem>>) target(%dma_start3A_615 : memref<10240x128xf32, #tpu.memory_space<vmem_shared>>) offsets(%dma_start3A_612 : memref<128xi32, #tpu.memory_space<vmem>>) semaphore(%run_scoped3A_609 : memref<!tpu.dma_semaphore, #tpu.memory_space<semaphore_mem>>) {add = true}
        %dma_wait3A_616 = arith.constant 0 : i32
        %dma_wait3A_617 = tpu.memref_slice %arg7[%run_scoped3A_465, %dma_wait3A_616] : memref<40x128xi32, #tpu.memory_space<vmem>> -> memref<1x128xi32, #tpu.memory_space<vmem>>
        %dma_wait3A_618 = tpu.memref_squeeze %dma_wait3A_617 : memref<1x128xi32, #tpu.memory_space<vmem>> -> memref<128xi32, #tpu.memory_space<vmem>>
        %dma_wait3A_619 = arith.constant 0 : i32
        %dma_wait3A_620 = arith.constant 0 : i32
        %dma_wait3A_621 = tpu.memref_slice %arg10[%dma_wait3A_619, %dma_wait3A_620] : memref<10240x128xf32, #tpu.memory_space<vmem_shared>> -> memref<10240x128xf32, #tpu.memory_space<vmem_shared>>
        tpu.wait_indirect_dma semaphore(%run_scoped3A_609 : memref<!tpu.dma_semaphore, #tpu.memory_space<semaphore_mem>>) src(%arg9 : memref<128x128xf32, #tpu.memory_space<vmem>>) dst(%dma_wait3A_621 : memref<10240x128xf32, #tpu.memory_space<vmem_shared>>)
        tpu.yield
      }) : () -> ()
      %dma_start3A_466 = arith.constant 31 : i32
      %dma_start3A_467 = arith.constant 0 : i32
      %dma_start3A_468 = tpu.memref_slice %arg6[%dma_start3A_466, %dma_start3A_467] : memref<40x128xi32, #tpu.memory_space<vmem>> -> memref<1x128xi32, #tpu.memory_space<vmem>>
      %dma_start3A_469 = tpu.memref_squeeze %dma_start3A_468 : memref<1x128xi32, #tpu.memory_space<vmem>> -> memref<128xi32, #tpu.memory_space<vmem>>
      %dma_start3A_470 = arith.constant 0 : i32
      %dma_start3A_471 = arith.constant 0 : i32
      %dma_start3A_472 = tpu.memref_slice %arg2[%dma_start3A_470, %dma_start3A_471] : memref<10240x128xf32, #tpu.memory_space<hbm>> -> memref<10240x128xf32, #tpu.memory_space<hbm>>
      tpu.enqueue_indirect_dma source(%dma_start3A_472 : memref<10240x128xf32, #tpu.memory_space<hbm>>) target(%arg9 : memref<128x128xf32, #tpu.memory_space<vmem>>) offsets(%dma_start3A_469 : memref<128xi32, #tpu.memory_space<vmem>>) semaphore(%arg12 : memref<!tpu.dma_semaphore, #tpu.memory_space<semaphore_mem>>)
      %dma_wait3A_473 = arith.constant 30 : i32
      %dma_wait3A_474 = arith.constant 0 : i32
      %dma_wait3A_475 = tpu.memref_slice %arg6[%dma_wait3A_473, %dma_wait3A_474] : memref<40x128xi32, #tpu.memory_space<vmem>> -> memref<1x128xi32, #tpu.memory_space<vmem>>
      %dma_wait3A_476 = tpu.memref_squeeze %dma_wait3A_475 : memref<1x128xi32, #tpu.memory_space<vmem>> -> memref<128xi32, #tpu.memory_space<vmem>>
      %dma_wait3A_477 = arith.constant 0 : i32
      %dma_wait3A_478 = arith.constant 0 : i32
      %dma_wait3A_479 = tpu.memref_slice %arg2[%dma_wait3A_477, %dma_wait3A_478] : memref<10240x128xf32, #tpu.memory_space<hbm>> -> memref<10240x128xf32, #tpu.memory_space<hbm>>
      tpu.wait_indirect_dma semaphore(%arg11 : memref<!tpu.dma_semaphore, #tpu.memory_space<semaphore_mem>>) src(%dma_wait3A_479 : memref<10240x128xf32, #tpu.memory_space<hbm>>) dst(%arg8 : memref<128x128xf32, #tpu.memory_space<vmem>>)
      %run_scoped3A_480 = arith.constant 30 : i32
      "tpu.region"() ({
        %run_scoped3A_609 = tpu.sem_alloc : memref<!tpu.dma_semaphore, #tpu.memory_space<semaphore_mem>>
        %dma_start3A_610 = arith.constant 0 : i32
        %dma_start3A_611 = tpu.memref_slice %arg7[%run_scoped3A_480, %dma_start3A_610] : memref<40x128xi32, #tpu.memory_space<vmem>> -> memref<1x128xi32, #tpu.memory_space<vmem>>
        %dma_start3A_612 = tpu.memref_squeeze %dma_start3A_611 : memref<1x128xi32, #tpu.memory_space<vmem>> -> memref<128xi32, #tpu.memory_space<vmem>>
        %dma_start3A_613 = arith.constant 0 : i32
        %dma_start3A_614 = arith.constant 0 : i32
        %dma_start3A_615 = tpu.memref_slice %arg10[%dma_start3A_613, %dma_start3A_614] : memref<10240x128xf32, #tpu.memory_space<vmem_shared>> -> memref<10240x128xf32, #tpu.memory_space<vmem_shared>>
        tpu.enqueue_indirect_dma source(%arg8 : memref<128x128xf32, #tpu.memory_space<vmem>>) target(%dma_start3A_615 : memref<10240x128xf32, #tpu.memory_space<vmem_shared>>) offsets(%dma_start3A_612 : memref<128xi32, #tpu.memory_space<vmem>>) semaphore(%run_scoped3A_609 : memref<!tpu.dma_semaphore, #tpu.memory_space<semaphore_mem>>) {add = true}
        %dma_wait3A_616 = arith.constant 0 : i32
        %dma_wait3A_617 = tpu.memref_slice %arg7[%run_scoped3A_480, %dma_wait3A_616] : memref<40x128xi32, #tpu.memory_space<vmem>> -> memref<1x128xi32, #tpu.memory_space<vmem>>
        %dma_wait3A_618 = tpu.memref_squeeze %dma_wait3A_617 : memref<1x128xi32, #tpu.memory_space<vmem>> -> memref<128xi32, #tpu.memory_space<vmem>>
        %dma_wait3A_619 = arith.constant 0 : i32
        %dma_wait3A_620 = arith.constant 0 : i32
        %dma_wait3A_621 = tpu.memref_slice %arg10[%dma_wait3A_619, %dma_wait3A_620] : memref<10240x128xf32, #tpu.memory_space<vmem_shared>> -> memref<10240x128xf32, #tpu.memory_space<vmem_shared>>
        tpu.wait_indirect_dma semaphore(%run_scoped3A_609 : memref<!tpu.dma_semaphore, #tpu.memory_space<semaphore_mem>>) src(%arg8 : memref<128x128xf32, #tpu.memory_space<vmem>>) dst(%dma_wait3A_621 : memref<10240x128xf32, #tpu.memory_space<vmem_shared>>)
        tpu.yield
      }) : () -> ()
      %dma_start3A_481 = arith.constant 32 : i32
      %dma_start3A_482 = arith.constant 0 : i32
      %dma_start3A_483 = tpu.memref_slice %arg6[%dma_start3A_481, %dma_start3A_482] : memref<40x128xi32, #tpu.memory_space<vmem>> -> memref<1x128xi32, #tpu.memory_space<vmem>>
      %dma_start3A_484 = tpu.memref_squeeze %dma_start3A_483 : memref<1x128xi32, #tpu.memory_space<vmem>> -> memref<128xi32, #tpu.memory_space<vmem>>
      %dma_start3A_485 = arith.constant 0 : i32
      %dma_start3A_486 = arith.constant 0 : i32
      %dma_start3A_487 = tpu.memref_slice %arg2[%dma_start3A_485, %dma_start3A_486] : memref<10240x128xf32, #tpu.memory_space<hbm>> -> memref<10240x128xf32, #tpu.memory_space<hbm>>
      tpu.enqueue_indirect_dma source(%dma_start3A_487 : memref<10240x128xf32, #tpu.memory_space<hbm>>) target(%arg8 : memref<128x128xf32, #tpu.memory_space<vmem>>) offsets(%dma_start3A_484 : memref<128xi32, #tpu.memory_space<vmem>>) semaphore(%arg11 : memref<!tpu.dma_semaphore, #tpu.memory_space<semaphore_mem>>)
      %dma_wait3A_488 = arith.constant 31 : i32
      %dma_wait3A_489 = arith.constant 0 : i32
      %dma_wait3A_490 = tpu.memref_slice %arg6[%dma_wait3A_488, %dma_wait3A_489] : memref<40x128xi32, #tpu.memory_space<vmem>> -> memref<1x128xi32, #tpu.memory_space<vmem>>
      %dma_wait3A_491 = tpu.memref_squeeze %dma_wait3A_490 : memref<1x128xi32, #tpu.memory_space<vmem>> -> memref<128xi32, #tpu.memory_space<vmem>>
      %dma_wait3A_492 = arith.constant 0 : i32
      %dma_wait3A_493 = arith.constant 0 : i32
      %dma_wait3A_494 = tpu.memref_slice %arg2[%dma_wait3A_492, %dma_wait3A_493] : memref<10240x128xf32, #tpu.memory_space<hbm>> -> memref<10240x128xf32, #tpu.memory_space<hbm>>
      tpu.wait_indirect_dma semaphore(%arg12 : memref<!tpu.dma_semaphore, #tpu.memory_space<semaphore_mem>>) src(%dma_wait3A_494 : memref<10240x128xf32, #tpu.memory_space<hbm>>) dst(%arg9 : memref<128x128xf32, #tpu.memory_space<vmem>>)
      %run_scoped3A_495 = arith.constant 31 : i32
      "tpu.region"() ({
        %run_scoped3A_609 = tpu.sem_alloc : memref<!tpu.dma_semaphore, #tpu.memory_space<semaphore_mem>>
        %dma_start3A_610 = arith.constant 0 : i32
        %dma_start3A_611 = tpu.memref_slice %arg7[%run_scoped3A_495, %dma_start3A_610] : memref<40x128xi32, #tpu.memory_space<vmem>> -> memref<1x128xi32, #tpu.memory_space<vmem>>
        %dma_start3A_612 = tpu.memref_squeeze %dma_start3A_611 : memref<1x128xi32, #tpu.memory_space<vmem>> -> memref<128xi32, #tpu.memory_space<vmem>>
        %dma_start3A_613 = arith.constant 0 : i32
        %dma_start3A_614 = arith.constant 0 : i32
        %dma_start3A_615 = tpu.memref_slice %arg10[%dma_start3A_613, %dma_start3A_614] : memref<10240x128xf32, #tpu.memory_space<vmem_shared>> -> memref<10240x128xf32, #tpu.memory_space<vmem_shared>>
        tpu.enqueue_indirect_dma source(%arg9 : memref<128x128xf32, #tpu.memory_space<vmem>>) target(%dma_start3A_615 : memref<10240x128xf32, #tpu.memory_space<vmem_shared>>) offsets(%dma_start3A_612 : memref<128xi32, #tpu.memory_space<vmem>>) semaphore(%run_scoped3A_609 : memref<!tpu.dma_semaphore, #tpu.memory_space<semaphore_mem>>) {add = true}
        %dma_wait3A_616 = arith.constant 0 : i32
        %dma_wait3A_617 = tpu.memref_slice %arg7[%run_scoped3A_495, %dma_wait3A_616] : memref<40x128xi32, #tpu.memory_space<vmem>> -> memref<1x128xi32, #tpu.memory_space<vmem>>
        %dma_wait3A_618 = tpu.memref_squeeze %dma_wait3A_617 : memref<1x128xi32, #tpu.memory_space<vmem>> -> memref<128xi32, #tpu.memory_space<vmem>>
        %dma_wait3A_619 = arith.constant 0 : i32
        %dma_wait3A_620 = arith.constant 0 : i32
        %dma_wait3A_621 = tpu.memref_slice %arg10[%dma_wait3A_619, %dma_wait3A_620] : memref<10240x128xf32, #tpu.memory_space<vmem_shared>> -> memref<10240x128xf32, #tpu.memory_space<vmem_shared>>
        tpu.wait_indirect_dma semaphore(%run_scoped3A_609 : memref<!tpu.dma_semaphore, #tpu.memory_space<semaphore_mem>>) src(%arg9 : memref<128x128xf32, #tpu.memory_space<vmem>>) dst(%dma_wait3A_621 : memref<10240x128xf32, #tpu.memory_space<vmem_shared>>)
        tpu.yield
      }) : () -> ()
      %dma_start3A_496 = arith.constant 33 : i32
      %dma_start3A_497 = arith.constant 0 : i32
      %dma_start3A_498 = tpu.memref_slice %arg6[%dma_start3A_496, %dma_start3A_497] : memref<40x128xi32, #tpu.memory_space<vmem>> -> memref<1x128xi32, #tpu.memory_space<vmem>>
      %dma_start3A_499 = tpu.memref_squeeze %dma_start3A_498 : memref<1x128xi32, #tpu.memory_space<vmem>> -> memref<128xi32, #tpu.memory_space<vmem>>
      %dma_start3A_500 = arith.constant 0 : i32
      %dma_start3A_501 = arith.constant 0 : i32
      %dma_start3A_502 = tpu.memref_slice %arg2[%dma_start3A_500, %dma_start3A_501] : memref<10240x128xf32, #tpu.memory_space<hbm>> -> memref<10240x128xf32, #tpu.memory_space<hbm>>
      tpu.enqueue_indirect_dma source(%dma_start3A_502 : memref<10240x128xf32, #tpu.memory_space<hbm>>) target(%arg9 : memref<128x128xf32, #tpu.memory_space<vmem>>) offsets(%dma_start3A_499 : memref<128xi32, #tpu.memory_space<vmem>>) semaphore(%arg12 : memref<!tpu.dma_semaphore, #tpu.memory_space<semaphore_mem>>)
      %dma_wait3A_503 = arith.constant 32 : i32
      %dma_wait3A_504 = arith.constant 0 : i32
      %dma_wait3A_505 = tpu.memref_slice %arg6[%dma_wait3A_503, %dma_wait3A_504] : memref<40x128xi32, #tpu.memory_space<vmem>> -> memref<1x128xi32, #tpu.memory_space<vmem>>
      %dma_wait3A_506 = tpu.memref_squeeze %dma_wait3A_505 : memref<1x128xi32, #tpu.memory_space<vmem>> -> memref<128xi32, #tpu.memory_space<vmem>>
      %dma_wait3A_507 = arith.constant 0 : i32
      %dma_wait3A_508 = arith.constant 0 : i32
      %dma_wait3A_509 = tpu.memref_slice %arg2[%dma_wait3A_507, %dma_wait3A_508] : memref<10240x128xf32, #tpu.memory_space<hbm>> -> memref<10240x128xf32, #tpu.memory_space<hbm>>
      tpu.wait_indirect_dma semaphore(%arg11 : memref<!tpu.dma_semaphore, #tpu.memory_space<semaphore_mem>>) src(%dma_wait3A_509 : memref<10240x128xf32, #tpu.memory_space<hbm>>) dst(%arg8 : memref<128x128xf32, #tpu.memory_space<vmem>>)
      %run_scoped3A_510 = arith.constant 32 : i32
      "tpu.region"() ({
        %run_scoped3A_609 = tpu.sem_alloc : memref<!tpu.dma_semaphore, #tpu.memory_space<semaphore_mem>>
        %dma_start3A_610 = arith.constant 0 : i32
        %dma_start3A_611 = tpu.memref_slice %arg7[%run_scoped3A_510, %dma_start3A_610] : memref<40x128xi32, #tpu.memory_space<vmem>> -> memref<1x128xi32, #tpu.memory_space<vmem>>
        %dma_start3A_612 = tpu.memref_squeeze %dma_start3A_611 : memref<1x128xi32, #tpu.memory_space<vmem>> -> memref<128xi32, #tpu.memory_space<vmem>>
        %dma_start3A_613 = arith.constant 0 : i32
        %dma_start3A_614 = arith.constant 0 : i32
        %dma_start3A_615 = tpu.memref_slice %arg10[%dma_start3A_613, %dma_start3A_614] : memref<10240x128xf32, #tpu.memory_space<vmem_shared>> -> memref<10240x128xf32, #tpu.memory_space<vmem_shared>>
        tpu.enqueue_indirect_dma source(%arg8 : memref<128x128xf32, #tpu.memory_space<vmem>>) target(%dma_start3A_615 : memref<10240x128xf32, #tpu.memory_space<vmem_shared>>) offsets(%dma_start3A_612 : memref<128xi32, #tpu.memory_space<vmem>>) semaphore(%run_scoped3A_609 : memref<!tpu.dma_semaphore, #tpu.memory_space<semaphore_mem>>) {add = true}
        %dma_wait3A_616 = arith.constant 0 : i32
        %dma_wait3A_617 = tpu.memref_slice %arg7[%run_scoped3A_510, %dma_wait3A_616] : memref<40x128xi32, #tpu.memory_space<vmem>> -> memref<1x128xi32, #tpu.memory_space<vmem>>
        %dma_wait3A_618 = tpu.memref_squeeze %dma_wait3A_617 : memref<1x128xi32, #tpu.memory_space<vmem>> -> memref<128xi32, #tpu.memory_space<vmem>>
        %dma_wait3A_619 = arith.constant 0 : i32
        %dma_wait3A_620 = arith.constant 0 : i32
        %dma_wait3A_621 = tpu.memref_slice %arg10[%dma_wait3A_619, %dma_wait3A_620] : memref<10240x128xf32, #tpu.memory_space<vmem_shared>> -> memref<10240x128xf32, #tpu.memory_space<vmem_shared>>
        tpu.wait_indirect_dma semaphore(%run_scoped3A_609 : memref<!tpu.dma_semaphore, #tpu.memory_space<semaphore_mem>>) src(%arg8 : memref<128x128xf32, #tpu.memory_space<vmem>>) dst(%dma_wait3A_621 : memref<10240x128xf32, #tpu.memory_space<vmem_shared>>)
        tpu.yield
      }) : () -> ()
      %dma_start3A_511 = arith.constant 34 : i32
      %dma_start3A_512 = arith.constant 0 : i32
      %dma_start3A_513 = tpu.memref_slice %arg6[%dma_start3A_511, %dma_start3A_512] : memref<40x128xi32, #tpu.memory_space<vmem>> -> memref<1x128xi32, #tpu.memory_space<vmem>>
      %dma_start3A_514 = tpu.memref_squeeze %dma_start3A_513 : memref<1x128xi32, #tpu.memory_space<vmem>> -> memref<128xi32, #tpu.memory_space<vmem>>
      %dma_start3A_515 = arith.constant 0 : i32
      %dma_start3A_516 = arith.constant 0 : i32
      %dma_start3A_517 = tpu.memref_slice %arg2[%dma_start3A_515, %dma_start3A_516] : memref<10240x128xf32, #tpu.memory_space<hbm>> -> memref<10240x128xf32, #tpu.memory_space<hbm>>
      tpu.enqueue_indirect_dma source(%dma_start3A_517 : memref<10240x128xf32, #tpu.memory_space<hbm>>) target(%arg8 : memref<128x128xf32, #tpu.memory_space<vmem>>) offsets(%dma_start3A_514 : memref<128xi32, #tpu.memory_space<vmem>>) semaphore(%arg11 : memref<!tpu.dma_semaphore, #tpu.memory_space<semaphore_mem>>)
      %dma_wait3A_518 = arith.constant 33 : i32
      %dma_wait3A_519 = arith.constant 0 : i32
      %dma_wait3A_520 = tpu.memref_slice %arg6[%dma_wait3A_518, %dma_wait3A_519] : memref<40x128xi32, #tpu.memory_space<vmem>> -> memref<1x128xi32, #tpu.memory_space<vmem>>
      %dma_wait3A_521 = tpu.memref_squeeze %dma_wait3A_520 : memref<1x128xi32, #tpu.memory_space<vmem>> -> memref<128xi32, #tpu.memory_space<vmem>>
      %dma_wait3A_522 = arith.constant 0 : i32
      %dma_wait3A_523 = arith.constant 0 : i32
      %dma_wait3A_524 = tpu.memref_slice %arg2[%dma_wait3A_522, %dma_wait3A_523] : memref<10240x128xf32, #tpu.memory_space<hbm>> -> memref<10240x128xf32, #tpu.memory_space<hbm>>
      tpu.wait_indirect_dma semaphore(%arg12 : memref<!tpu.dma_semaphore, #tpu.memory_space<semaphore_mem>>) src(%dma_wait3A_524 : memref<10240x128xf32, #tpu.memory_space<hbm>>) dst(%arg9 : memref<128x128xf32, #tpu.memory_space<vmem>>)
      %run_scoped3A_525 = arith.constant 33 : i32
      "tpu.region"() ({
        %run_scoped3A_609 = tpu.sem_alloc : memref<!tpu.dma_semaphore, #tpu.memory_space<semaphore_mem>>
        %dma_start3A_610 = arith.constant 0 : i32
        %dma_start3A_611 = tpu.memref_slice %arg7[%run_scoped3A_525, %dma_start3A_610] : memref<40x128xi32, #tpu.memory_space<vmem>> -> memref<1x128xi32, #tpu.memory_space<vmem>>
        %dma_start3A_612 = tpu.memref_squeeze %dma_start3A_611 : memref<1x128xi32, #tpu.memory_space<vmem>> -> memref<128xi32, #tpu.memory_space<vmem>>
        %dma_start3A_613 = arith.constant 0 : i32
        %dma_start3A_614 = arith.constant 0 : i32
        %dma_start3A_615 = tpu.memref_slice %arg10[%dma_start3A_613, %dma_start3A_614] : memref<10240x128xf32, #tpu.memory_space<vmem_shared>> -> memref<10240x128xf32, #tpu.memory_space<vmem_shared>>
        tpu.enqueue_indirect_dma source(%arg9 : memref<128x128xf32, #tpu.memory_space<vmem>>) target(%dma_start3A_615 : memref<10240x128xf32, #tpu.memory_space<vmem_shared>>) offsets(%dma_start3A_612 : memref<128xi32, #tpu.memory_space<vmem>>) semaphore(%run_scoped3A_609 : memref<!tpu.dma_semaphore, #tpu.memory_space<semaphore_mem>>) {add = true}
        %dma_wait3A_616 = arith.constant 0 : i32
        %dma_wait3A_617 = tpu.memref_slice %arg7[%run_scoped3A_525, %dma_wait3A_616] : memref<40x128xi32, #tpu.memory_space<vmem>> -> memref<1x128xi32, #tpu.memory_space<vmem>>
        %dma_wait3A_618 = tpu.memref_squeeze %dma_wait3A_617 : memref<1x128xi32, #tpu.memory_space<vmem>> -> memref<128xi32, #tpu.memory_space<vmem>>
        %dma_wait3A_619 = arith.constant 0 : i32
        %dma_wait3A_620 = arith.constant 0 : i32
        %dma_wait3A_621 = tpu.memref_slice %arg10[%dma_wait3A_619, %dma_wait3A_620] : memref<10240x128xf32, #tpu.memory_space<vmem_shared>> -> memref<10240x128xf32, #tpu.memory_space<vmem_shared>>
        tpu.wait_indirect_dma semaphore(%run_scoped3A_609 : memref<!tpu.dma_semaphore, #tpu.memory_space<semaphore_mem>>) src(%arg9 : memref<128x128xf32, #tpu.memory_space<vmem>>) dst(%dma_wait3A_621 : memref<10240x128xf32, #tpu.memory_space<vmem_shared>>)
        tpu.yield
      }) : () -> ()
      %dma_start3A_526 = arith.constant 35 : i32
      %dma_start3A_527 = arith.constant 0 : i32
      %dma_start3A_528 = tpu.memref_slice %arg6[%dma_start3A_526, %dma_start3A_527] : memref<40x128xi32, #tpu.memory_space<vmem>> -> memref<1x128xi32, #tpu.memory_space<vmem>>
      %dma_start3A_529 = tpu.memref_squeeze %dma_start3A_528 : memref<1x128xi32, #tpu.memory_space<vmem>> -> memref<128xi32, #tpu.memory_space<vmem>>
      %dma_start3A_530 = arith.constant 0 : i32
      %dma_start3A_531 = arith.constant 0 : i32
      %dma_start3A_532 = tpu.memref_slice %arg2[%dma_start3A_530, %dma_start3A_531] : memref<10240x128xf32, #tpu.memory_space<hbm>> -> memref<10240x128xf32, #tpu.memory_space<hbm>>
      tpu.enqueue_indirect_dma source(%dma_start3A_532 : memref<10240x128xf32, #tpu.memory_space<hbm>>) target(%arg9 : memref<128x128xf32, #tpu.memory_space<vmem>>) offsets(%dma_start3A_529 : memref<128xi32, #tpu.memory_space<vmem>>) semaphore(%arg12 : memref<!tpu.dma_semaphore, #tpu.memory_space<semaphore_mem>>)
      %dma_wait3A_533 = arith.constant 34 : i32
      %dma_wait3A_534 = arith.constant 0 : i32
      %dma_wait3A_535 = tpu.memref_slice %arg6[%dma_wait3A_533, %dma_wait3A_534] : memref<40x128xi32, #tpu.memory_space<vmem>> -> memref<1x128xi32, #tpu.memory_space<vmem>>
      %dma_wait3A_536 = tpu.memref_squeeze %dma_wait3A_535 : memref<1x128xi32, #tpu.memory_space<vmem>> -> memref<128xi32, #tpu.memory_space<vmem>>
      %dma_wait3A_537 = arith.constant 0 : i32
      %dma_wait3A_538 = arith.constant 0 : i32
      %dma_wait3A_539 = tpu.memref_slice %arg2[%dma_wait3A_537, %dma_wait3A_538] : memref<10240x128xf32, #tpu.memory_space<hbm>> -> memref<10240x128xf32, #tpu.memory_space<hbm>>
      tpu.wait_indirect_dma semaphore(%arg11 : memref<!tpu.dma_semaphore, #tpu.memory_space<semaphore_mem>>) src(%dma_wait3A_539 : memref<10240x128xf32, #tpu.memory_space<hbm>>) dst(%arg8 : memref<128x128xf32, #tpu.memory_space<vmem>>)
      %run_scoped3A_540 = arith.constant 34 : i32
      "tpu.region"() ({
        %run_scoped3A_609 = tpu.sem_alloc : memref<!tpu.dma_semaphore, #tpu.memory_space<semaphore_mem>>
        %dma_start3A_610 = arith.constant 0 : i32
        %dma_start3A_611 = tpu.memref_slice %arg7[%run_scoped3A_540, %dma_start3A_610] : memref<40x128xi32, #tpu.memory_space<vmem>> -> memref<1x128xi32, #tpu.memory_space<vmem>>
        %dma_start3A_612 = tpu.memref_squeeze %dma_start3A_611 : memref<1x128xi32, #tpu.memory_space<vmem>> -> memref<128xi32, #tpu.memory_space<vmem>>
        %dma_start3A_613 = arith.constant 0 : i32
        %dma_start3A_614 = arith.constant 0 : i32
        %dma_start3A_615 = tpu.memref_slice %arg10[%dma_start3A_613, %dma_start3A_614] : memref<10240x128xf32, #tpu.memory_space<vmem_shared>> -> memref<10240x128xf32, #tpu.memory_space<vmem_shared>>
        tpu.enqueue_indirect_dma source(%arg8 : memref<128x128xf32, #tpu.memory_space<vmem>>) target(%dma_start3A_615 : memref<10240x128xf32, #tpu.memory_space<vmem_shared>>) offsets(%dma_start3A_612 : memref<128xi32, #tpu.memory_space<vmem>>) semaphore(%run_scoped3A_609 : memref<!tpu.dma_semaphore, #tpu.memory_space<semaphore_mem>>) {add = true}
        %dma_wait3A_616 = arith.constant 0 : i32
        %dma_wait3A_617 = tpu.memref_slice %arg7[%run_scoped3A_540, %dma_wait3A_616] : memref<40x128xi32, #tpu.memory_space<vmem>> -> memref<1x128xi32, #tpu.memory_space<vmem>>
        %dma_wait3A_618 = tpu.memref_squeeze %dma_wait3A_617 : memref<1x128xi32, #tpu.memory_space<vmem>> -> memref<128xi32, #tpu.memory_space<vmem>>
        %dma_wait3A_619 = arith.constant 0 : i32
        %dma_wait3A_620 = arith.constant 0 : i32
        %dma_wait3A_621 = tpu.memref_slice %arg10[%dma_wait3A_619, %dma_wait3A_620] : memref<10240x128xf32, #tpu.memory_space<vmem_shared>> -> memref<10240x128xf32, #tpu.memory_space<vmem_shared>>
        tpu.wait_indirect_dma semaphore(%run_scoped3A_609 : memref<!tpu.dma_semaphore, #tpu.memory_space<semaphore_mem>>) src(%arg8 : memref<128x128xf32, #tpu.memory_space<vmem>>) dst(%dma_wait3A_621 : memref<10240x128xf32, #tpu.memory_space<vmem_shared>>)
        tpu.yield
      }) : () -> ()
      %dma_start3A_541 = arith.constant 36 : i32
      %dma_start3A_542 = arith.constant 0 : i32
      %dma_start3A_543 = tpu.memref_slice %arg6[%dma_start3A_541, %dma_start3A_542] : memref<40x128xi32, #tpu.memory_space<vmem>> -> memref<1x128xi32, #tpu.memory_space<vmem>>
      %dma_start3A_544 = tpu.memref_squeeze %dma_start3A_543 : memref<1x128xi32, #tpu.memory_space<vmem>> -> memref<128xi32, #tpu.memory_space<vmem>>
      %dma_start3A_545 = arith.constant 0 : i32
      %dma_start3A_546 = arith.constant 0 : i32
      %dma_start3A_547 = tpu.memref_slice %arg2[%dma_start3A_545, %dma_start3A_546] : memref<10240x128xf32, #tpu.memory_space<hbm>> -> memref<10240x128xf32, #tpu.memory_space<hbm>>
      tpu.enqueue_indirect_dma source(%dma_start3A_547 : memref<10240x128xf32, #tpu.memory_space<hbm>>) target(%arg8 : memref<128x128xf32, #tpu.memory_space<vmem>>) offsets(%dma_start3A_544 : memref<128xi32, #tpu.memory_space<vmem>>) semaphore(%arg11 : memref<!tpu.dma_semaphore, #tpu.memory_space<semaphore_mem>>)
      %dma_wait3A_548 = arith.constant 35 : i32
      %dma_wait3A_549 = arith.constant 0 : i32
      %dma_wait3A_550 = tpu.memref_slice %arg6[%dma_wait3A_548, %dma_wait3A_549] : memref<40x128xi32, #tpu.memory_space<vmem>> -> memref<1x128xi32, #tpu.memory_space<vmem>>
      %dma_wait3A_551 = tpu.memref_squeeze %dma_wait3A_550 : memref<1x128xi32, #tpu.memory_space<vmem>> -> memref<128xi32, #tpu.memory_space<vmem>>
      %dma_wait3A_552 = arith.constant 0 : i32
      %dma_wait3A_553 = arith.constant 0 : i32
      %dma_wait3A_554 = tpu.memref_slice %arg2[%dma_wait3A_552, %dma_wait3A_553] : memref<10240x128xf32, #tpu.memory_space<hbm>> -> memref<10240x128xf32, #tpu.memory_space<hbm>>
      tpu.wait_indirect_dma semaphore(%arg12 : memref<!tpu.dma_semaphore, #tpu.memory_space<semaphore_mem>>) src(%dma_wait3A_554 : memref<10240x128xf32, #tpu.memory_space<hbm>>) dst(%arg9 : memref<128x128xf32, #tpu.memory_space<vmem>>)
      %run_scoped3A_555 = arith.constant 35 : i32
      "tpu.region"() ({
        %run_scoped3A_609 = tpu.sem_alloc : memref<!tpu.dma_semaphore, #tpu.memory_space<semaphore_mem>>
        %dma_start3A_610 = arith.constant 0 : i32
        %dma_start3A_611 = tpu.memref_slice %arg7[%run_scoped3A_555, %dma_start3A_610] : memref<40x128xi32, #tpu.memory_space<vmem>> -> memref<1x128xi32, #tpu.memory_space<vmem>>
        %dma_start3A_612 = tpu.memref_squeeze %dma_start3A_611 : memref<1x128xi32, #tpu.memory_space<vmem>> -> memref<128xi32, #tpu.memory_space<vmem>>
        %dma_start3A_613 = arith.constant 0 : i32
        %dma_start3A_614 = arith.constant 0 : i32
        %dma_start3A_615 = tpu.memref_slice %arg10[%dma_start3A_613, %dma_start3A_614] : memref<10240x128xf32, #tpu.memory_space<vmem_shared>> -> memref<10240x128xf32, #tpu.memory_space<vmem_shared>>
        tpu.enqueue_indirect_dma source(%arg9 : memref<128x128xf32, #tpu.memory_space<vmem>>) target(%dma_start3A_615 : memref<10240x128xf32, #tpu.memory_space<vmem_shared>>) offsets(%dma_start3A_612 : memref<128xi32, #tpu.memory_space<vmem>>) semaphore(%run_scoped3A_609 : memref<!tpu.dma_semaphore, #tpu.memory_space<semaphore_mem>>) {add = true}
        %dma_wait3A_616 = arith.constant 0 : i32
        %dma_wait3A_617 = tpu.memref_slice %arg7[%run_scoped3A_555, %dma_wait3A_616] : memref<40x128xi32, #tpu.memory_space<vmem>> -> memref<1x128xi32, #tpu.memory_space<vmem>>
        %dma_wait3A_618 = tpu.memref_squeeze %dma_wait3A_617 : memref<1x128xi32, #tpu.memory_space<vmem>> -> memref<128xi32, #tpu.memory_space<vmem>>
        %dma_wait3A_619 = arith.constant 0 : i32
        %dma_wait3A_620 = arith.constant 0 : i32
        %dma_wait3A_621 = tpu.memref_slice %arg10[%dma_wait3A_619, %dma_wait3A_620] : memref<10240x128xf32, #tpu.memory_space<vmem_shared>> -> memref<10240x128xf32, #tpu.memory_space<vmem_shared>>
        tpu.wait_indirect_dma semaphore(%run_scoped3A_609 : memref<!tpu.dma_semaphore, #tpu.memory_space<semaphore_mem>>) src(%arg9 : memref<128x128xf32, #tpu.memory_space<vmem>>) dst(%dma_wait3A_621 : memref<10240x128xf32, #tpu.memory_space<vmem_shared>>)
        tpu.yield
      }) : () -> ()
      %dma_start3A_556 = arith.constant 37 : i32
      %dma_start3A_557 = arith.constant 0 : i32
      %dma_start3A_558 = tpu.memref_slice %arg6[%dma_start3A_556, %dma_start3A_557] : memref<40x128xi32, #tpu.memory_space<vmem>> -> memref<1x128xi32, #tpu.memory_space<vmem>>
      %dma_start3A_559 = tpu.memref_squeeze %dma_start3A_558 : memref<1x128xi32, #tpu.memory_space<vmem>> -> memref<128xi32, #tpu.memory_space<vmem>>
      %dma_start3A_560 = arith.constant 0 : i32
      %dma_start3A_561 = arith.constant 0 : i32
      %dma_start3A_562 = tpu.memref_slice %arg2[%dma_start3A_560, %dma_start3A_561] : memref<10240x128xf32, #tpu.memory_space<hbm>> -> memref<10240x128xf32, #tpu.memory_space<hbm>>
      tpu.enqueue_indirect_dma source(%dma_start3A_562 : memref<10240x128xf32, #tpu.memory_space<hbm>>) target(%arg9 : memref<128x128xf32, #tpu.memory_space<vmem>>) offsets(%dma_start3A_559 : memref<128xi32, #tpu.memory_space<vmem>>) semaphore(%arg12 : memref<!tpu.dma_semaphore, #tpu.memory_space<semaphore_mem>>)
      %dma_wait3A_563 = arith.constant 36 : i32
      %dma_wait3A_564 = arith.constant 0 : i32
      %dma_wait3A_565 = tpu.memref_slice %arg6[%dma_wait3A_563, %dma_wait3A_564] : memref<40x128xi32, #tpu.memory_space<vmem>> -> memref<1x128xi32, #tpu.memory_space<vmem>>
      %dma_wait3A_566 = tpu.memref_squeeze %dma_wait3A_565 : memref<1x128xi32, #tpu.memory_space<vmem>> -> memref<128xi32, #tpu.memory_space<vmem>>
      %dma_wait3A_567 = arith.constant 0 : i32
      %dma_wait3A_568 = arith.constant 0 : i32
      %dma_wait3A_569 = tpu.memref_slice %arg2[%dma_wait3A_567, %dma_wait3A_568] : memref<10240x128xf32, #tpu.memory_space<hbm>> -> memref<10240x128xf32, #tpu.memory_space<hbm>>
      tpu.wait_indirect_dma semaphore(%arg11 : memref<!tpu.dma_semaphore, #tpu.memory_space<semaphore_mem>>) src(%dma_wait3A_569 : memref<10240x128xf32, #tpu.memory_space<hbm>>) dst(%arg8 : memref<128x128xf32, #tpu.memory_space<vmem>>)
      %run_scoped3A_570 = arith.constant 36 : i32
      "tpu.region"() ({
        %run_scoped3A_609 = tpu.sem_alloc : memref<!tpu.dma_semaphore, #tpu.memory_space<semaphore_mem>>
        %dma_start3A_610 = arith.constant 0 : i32
        %dma_start3A_611 = tpu.memref_slice %arg7[%run_scoped3A_570, %dma_start3A_610] : memref<40x128xi32, #tpu.memory_space<vmem>> -> memref<1x128xi32, #tpu.memory_space<vmem>>
        %dma_start3A_612 = tpu.memref_squeeze %dma_start3A_611 : memref<1x128xi32, #tpu.memory_space<vmem>> -> memref<128xi32, #tpu.memory_space<vmem>>
        %dma_start3A_613 = arith.constant 0 : i32
        %dma_start3A_614 = arith.constant 0 : i32
        %dma_start3A_615 = tpu.memref_slice %arg10[%dma_start3A_613, %dma_start3A_614] : memref<10240x128xf32, #tpu.memory_space<vmem_shared>> -> memref<10240x128xf32, #tpu.memory_space<vmem_shared>>
        tpu.enqueue_indirect_dma source(%arg8 : memref<128x128xf32, #tpu.memory_space<vmem>>) target(%dma_start3A_615 : memref<10240x128xf32, #tpu.memory_space<vmem_shared>>) offsets(%dma_start3A_612 : memref<128xi32, #tpu.memory_space<vmem>>) semaphore(%run_scoped3A_609 : memref<!tpu.dma_semaphore, #tpu.memory_space<semaphore_mem>>) {add = true}
        %dma_wait3A_616 = arith.constant 0 : i32
        %dma_wait3A_617 = tpu.memref_slice %arg7[%run_scoped3A_570, %dma_wait3A_616] : memref<40x128xi32, #tpu.memory_space<vmem>> -> memref<1x128xi32, #tpu.memory_space<vmem>>
        %dma_wait3A_618 = tpu.memref_squeeze %dma_wait3A_617 : memref<1x128xi32, #tpu.memory_space<vmem>> -> memref<128xi32, #tpu.memory_space<vmem>>
        %dma_wait3A_619 = arith.constant 0 : i32
        %dma_wait3A_620 = arith.constant 0 : i32
        %dma_wait3A_621 = tpu.memref_slice %arg10[%dma_wait3A_619, %dma_wait3A_620] : memref<10240x128xf32, #tpu.memory_space<vmem_shared>> -> memref<10240x128xf32, #tpu.memory_space<vmem_shared>>
        tpu.wait_indirect_dma semaphore(%run_scoped3A_609 : memref<!tpu.dma_semaphore, #tpu.memory_space<semaphore_mem>>) src(%arg8 : memref<128x128xf32, #tpu.memory_space<vmem>>) dst(%dma_wait3A_621 : memref<10240x128xf32, #tpu.memory_space<vmem_shared>>)
        tpu.yield
      }) : () -> ()
      %dma_start3A_571 = arith.constant 38 : i32
      %dma_start3A_572 = arith.constant 0 : i32
      %dma_start3A_573 = tpu.memref_slice %arg6[%dma_start3A_571, %dma_start3A_572] : memref<40x128xi32, #tpu.memory_space<vmem>> -> memref<1x128xi32, #tpu.memory_space<vmem>>
      %dma_start3A_574 = tpu.memref_squeeze %dma_start3A_573 : memref<1x128xi32, #tpu.memory_space<vmem>> -> memref<128xi32, #tpu.memory_space<vmem>>
      %dma_start3A_575 = arith.constant 0 : i32
      %dma_start3A_576 = arith.constant 0 : i32
      %dma_start3A_577 = tpu.memref_slice %arg2[%dma_start3A_575, %dma_start3A_576] : memref<10240x128xf32, #tpu.memory_space<hbm>> -> memref<10240x128xf32, #tpu.memory_space<hbm>>
      tpu.enqueue_indirect_dma source(%dma_start3A_577 : memref<10240x128xf32, #tpu.memory_space<hbm>>) target(%arg8 : memref<128x128xf32, #tpu.memory_space<vmem>>) offsets(%dma_start3A_574 : memref<128xi32, #tpu.memory_space<vmem>>) semaphore(%arg11 : memref<!tpu.dma_semaphore, #tpu.memory_space<semaphore_mem>>)
      %dma_wait3A_578 = arith.constant 37 : i32
      %dma_wait3A_579 = arith.constant 0 : i32
      %dma_wait3A_580 = tpu.memref_slice %arg6[%dma_wait3A_578, %dma_wait3A_579] : memref<40x128xi32, #tpu.memory_space<vmem>> -> memref<1x128xi32, #tpu.memory_space<vmem>>
      %dma_wait3A_581 = tpu.memref_squeeze %dma_wait3A_580 : memref<1x128xi32, #tpu.memory_space<vmem>> -> memref<128xi32, #tpu.memory_space<vmem>>
      %dma_wait3A_582 = arith.constant 0 : i32
      %dma_wait3A_583 = arith.constant 0 : i32
      %dma_wait3A_584 = tpu.memref_slice %arg2[%dma_wait3A_582, %dma_wait3A_583] : memref<10240x128xf32, #tpu.memory_space<hbm>> -> memref<10240x128xf32, #tpu.memory_space<hbm>>
      tpu.wait_indirect_dma semaphore(%arg12 : memref<!tpu.dma_semaphore, #tpu.memory_space<semaphore_mem>>) src(%dma_wait3A_584 : memref<10240x128xf32, #tpu.memory_space<hbm>>) dst(%arg9 : memref<128x128xf32, #tpu.memory_space<vmem>>)
      %run_scoped3A_585 = arith.constant 37 : i32
      "tpu.region"() ({
        %run_scoped3A_609 = tpu.sem_alloc : memref<!tpu.dma_semaphore, #tpu.memory_space<semaphore_mem>>
        %dma_start3A_610 = arith.constant 0 : i32
        %dma_start3A_611 = tpu.memref_slice %arg7[%run_scoped3A_585, %dma_start3A_610] : memref<40x128xi32, #tpu.memory_space<vmem>> -> memref<1x128xi32, #tpu.memory_space<vmem>>
        %dma_start3A_612 = tpu.memref_squeeze %dma_start3A_611 : memref<1x128xi32, #tpu.memory_space<vmem>> -> memref<128xi32, #tpu.memory_space<vmem>>
        %dma_start3A_613 = arith.constant 0 : i32
        %dma_start3A_614 = arith.constant 0 : i32
        %dma_start3A_615 = tpu.memref_slice %arg10[%dma_start3A_613, %dma_start3A_614] : memref<10240x128xf32, #tpu.memory_space<vmem_shared>> -> memref<10240x128xf32, #tpu.memory_space<vmem_shared>>
        tpu.enqueue_indirect_dma source(%arg9 : memref<128x128xf32, #tpu.memory_space<vmem>>) target(%dma_start3A_615 : memref<10240x128xf32, #tpu.memory_space<vmem_shared>>) offsets(%dma_start3A_612 : memref<128xi32, #tpu.memory_space<vmem>>) semaphore(%run_scoped3A_609 : memref<!tpu.dma_semaphore, #tpu.memory_space<semaphore_mem>>) {add = true}
        %dma_wait3A_616 = arith.constant 0 : i32
        %dma_wait3A_617 = tpu.memref_slice %arg7[%run_scoped3A_585, %dma_wait3A_616] : memref<40x128xi32, #tpu.memory_space<vmem>> -> memref<1x128xi32, #tpu.memory_space<vmem>>
        %dma_wait3A_618 = tpu.memref_squeeze %dma_wait3A_617 : memref<1x128xi32, #tpu.memory_space<vmem>> -> memref<128xi32, #tpu.memory_space<vmem>>
        %dma_wait3A_619 = arith.constant 0 : i32
        %dma_wait3A_620 = arith.constant 0 : i32
        %dma_wait3A_621 = tpu.memref_slice %arg10[%dma_wait3A_619, %dma_wait3A_620] : memref<10240x128xf32, #tpu.memory_space<vmem_shared>> -> memref<10240x128xf32, #tpu.memory_space<vmem_shared>>
        tpu.wait_indirect_dma semaphore(%run_scoped3A_609 : memref<!tpu.dma_semaphore, #tpu.memory_space<semaphore_mem>>) src(%arg9 : memref<128x128xf32, #tpu.memory_space<vmem>>) dst(%dma_wait3A_621 : memref<10240x128xf32, #tpu.memory_space<vmem_shared>>)
        tpu.yield
      }) : () -> ()
      %dma_start3A_586 = arith.constant 39 : i32
      %dma_start3A_587 = arith.constant 0 : i32
      %dma_start3A_588 = tpu.memref_slice %arg6[%dma_start3A_586, %dma_start3A_587] : memref<40x128xi32, #tpu.memory_space<vmem>> -> memref<1x128xi32, #tpu.memory_space<vmem>>
      %dma_start3A_589 = tpu.memref_squeeze %dma_start3A_588 : memref<1x128xi32, #tpu.memory_space<vmem>> -> memref<128xi32, #tpu.memory_space<vmem>>
      %dma_start3A_590 = arith.constant 0 : i32
      %dma_start3A_591 = arith.constant 0 : i32
      %dma_start3A_592 = tpu.memref_slice %arg2[%dma_start3A_590, %dma_start3A_591] : memref<10240x128xf32, #tpu.memory_space<hbm>> -> memref<10240x128xf32, #tpu.memory_space<hbm>>
      tpu.enqueue_indirect_dma source(%dma_start3A_592 : memref<10240x128xf32, #tpu.memory_space<hbm>>) target(%arg9 : memref<128x128xf32, #tpu.memory_space<vmem>>) offsets(%dma_start3A_589 : memref<128xi32, #tpu.memory_space<vmem>>) semaphore(%arg12 : memref<!tpu.dma_semaphore, #tpu.memory_space<semaphore_mem>>)
      %dma_wait3A_593 = arith.constant 38 : i32
      %dma_wait3A_594 = arith.constant 0 : i32
      %dma_wait3A_595 = tpu.memref_slice %arg6[%dma_wait3A_593, %dma_wait3A_594] : memref<40x128xi32, #tpu.memory_space<vmem>> -> memref<1x128xi32, #tpu.memory_space<vmem>>
      %dma_wait3A_596 = tpu.memref_squeeze %dma_wait3A_595 : memref<1x128xi32, #tpu.memory_space<vmem>> -> memref<128xi32, #tpu.memory_space<vmem>>
      %dma_wait3A_597 = arith.constant 0 : i32
      %dma_wait3A_598 = arith.constant 0 : i32
      %dma_wait3A_599 = tpu.memref_slice %arg2[%dma_wait3A_597, %dma_wait3A_598] : memref<10240x128xf32, #tpu.memory_space<hbm>> -> memref<10240x128xf32, #tpu.memory_space<hbm>>
      tpu.wait_indirect_dma semaphore(%arg11 : memref<!tpu.dma_semaphore, #tpu.memory_space<semaphore_mem>>) src(%dma_wait3A_599 : memref<10240x128xf32, #tpu.memory_space<hbm>>) dst(%arg8 : memref<128x128xf32, #tpu.memory_space<vmem>>)
      %run_scoped3A_600 = arith.constant 38 : i32
      "tpu.region"() ({
        %run_scoped3A_609 = tpu.sem_alloc : memref<!tpu.dma_semaphore, #tpu.memory_space<semaphore_mem>>
        %dma_start3A_610 = arith.constant 0 : i32
        %dma_start3A_611 = tpu.memref_slice %arg7[%run_scoped3A_600, %dma_start3A_610] : memref<40x128xi32, #tpu.memory_space<vmem>> -> memref<1x128xi32, #tpu.memory_space<vmem>>
        %dma_start3A_612 = tpu.memref_squeeze %dma_start3A_611 : memref<1x128xi32, #tpu.memory_space<vmem>> -> memref<128xi32, #tpu.memory_space<vmem>>
        %dma_start3A_613 = arith.constant 0 : i32
        %dma_start3A_614 = arith.constant 0 : i32
        %dma_start3A_615 = tpu.memref_slice %arg10[%dma_start3A_613, %dma_start3A_614] : memref<10240x128xf32, #tpu.memory_space<vmem_shared>> -> memref<10240x128xf32, #tpu.memory_space<vmem_shared>>
        tpu.enqueue_indirect_dma source(%arg8 : memref<128x128xf32, #tpu.memory_space<vmem>>) target(%dma_start3A_615 : memref<10240x128xf32, #tpu.memory_space<vmem_shared>>) offsets(%dma_start3A_612 : memref<128xi32, #tpu.memory_space<vmem>>) semaphore(%run_scoped3A_609 : memref<!tpu.dma_semaphore, #tpu.memory_space<semaphore_mem>>) {add = true}
        %dma_wait3A_616 = arith.constant 0 : i32
        %dma_wait3A_617 = tpu.memref_slice %arg7[%run_scoped3A_600, %dma_wait3A_616] : memref<40x128xi32, #tpu.memory_space<vmem>> -> memref<1x128xi32, #tpu.memory_space<vmem>>
        %dma_wait3A_618 = tpu.memref_squeeze %dma_wait3A_617 : memref<1x128xi32, #tpu.memory_space<vmem>> -> memref<128xi32, #tpu.memory_space<vmem>>
        %dma_wait3A_619 = arith.constant 0 : i32
        %dma_wait3A_620 = arith.constant 0 : i32
        %dma_wait3A_621 = tpu.memref_slice %arg10[%dma_wait3A_619, %dma_wait3A_620] : memref<10240x128xf32, #tpu.memory_space<vmem_shared>> -> memref<10240x128xf32, #tpu.memory_space<vmem_shared>>
        tpu.wait_indirect_dma semaphore(%run_scoped3A_609 : memref<!tpu.dma_semaphore, #tpu.memory_space<semaphore_mem>>) src(%arg8 : memref<128x128xf32, #tpu.memory_space<vmem>>) dst(%dma_wait3A_621 : memref<10240x128xf32, #tpu.memory_space<vmem_shared>>)
        tpu.yield
      }) : () -> ()
      %dma_wait3A_601 = arith.constant 39 : i32
      %dma_wait3A_602 = arith.constant 0 : i32
      %dma_wait3A_603 = tpu.memref_slice %arg6[%dma_wait3A_601, %dma_wait3A_602] : memref<40x128xi32, #tpu.memory_space<vmem>> -> memref<1x128xi32, #tpu.memory_space<vmem>>
      %dma_wait3A_604 = tpu.memref_squeeze %dma_wait3A_603 : memref<1x128xi32, #tpu.memory_space<vmem>> -> memref<128xi32, #tpu.memory_space<vmem>>
      %dma_wait3A_605 = arith.constant 0 : i32
      %dma_wait3A_606 = arith.constant 0 : i32
      %dma_wait3A_607 = tpu.memref_slice %arg2[%dma_wait3A_605, %dma_wait3A_606] : memref<10240x128xf32, #tpu.memory_space<hbm>> -> memref<10240x128xf32, #tpu.memory_space<hbm>>
      tpu.wait_indirect_dma semaphore(%arg12 : memref<!tpu.dma_semaphore, #tpu.memory_space<semaphore_mem>>) src(%dma_wait3A_607 : memref<10240x128xf32, #tpu.memory_space<hbm>>) dst(%arg9 : memref<128x128xf32, #tpu.memory_space<vmem>>)
      %run_scoped3A_608 = arith.constant 39 : i32
      "tpu.region"() ({
        %run_scoped3A_609 = tpu.sem_alloc : memref<!tpu.dma_semaphore, #tpu.memory_space<semaphore_mem>>
        %dma_start3A_610 = arith.constant 0 : i32
        %dma_start3A_611 = tpu.memref_slice %arg7[%run_scoped3A_608, %dma_start3A_610] : memref<40x128xi32, #tpu.memory_space<vmem>> -> memref<1x128xi32, #tpu.memory_space<vmem>>
        %dma_start3A_612 = tpu.memref_squeeze %dma_start3A_611 : memref<1x128xi32, #tpu.memory_space<vmem>> -> memref<128xi32, #tpu.memory_space<vmem>>
        %dma_start3A_613 = arith.constant 0 : i32
        %dma_start3A_614 = arith.constant 0 : i32
        %dma_start3A_615 = tpu.memref_slice %arg10[%dma_start3A_613, %dma_start3A_614] : memref<10240x128xf32, #tpu.memory_space<vmem_shared>> -> memref<10240x128xf32, #tpu.memory_space<vmem_shared>>
        tpu.enqueue_indirect_dma source(%arg9 : memref<128x128xf32, #tpu.memory_space<vmem>>) target(%dma_start3A_615 : memref<10240x128xf32, #tpu.memory_space<vmem_shared>>) offsets(%dma_start3A_612 : memref<128xi32, #tpu.memory_space<vmem>>) semaphore(%run_scoped3A_609 : memref<!tpu.dma_semaphore, #tpu.memory_space<semaphore_mem>>) {add = true}
        %dma_wait3A_616 = arith.constant 0 : i32
        %dma_wait3A_617 = tpu.memref_slice %arg7[%run_scoped3A_608, %dma_wait3A_616] : memref<40x128xi32, #tpu.memory_space<vmem>> -> memref<1x128xi32, #tpu.memory_space<vmem>>
        %dma_wait3A_618 = tpu.memref_squeeze %dma_wait3A_617 : memref<1x128xi32, #tpu.memory_space<vmem>> -> memref<128xi32, #tpu.memory_space<vmem>>
        %dma_wait3A_619 = arith.constant 0 : i32
        %dma_wait3A_620 = arith.constant 0 : i32
        %dma_wait3A_621 = tpu.memref_slice %arg10[%dma_wait3A_619, %dma_wait3A_620] : memref<10240x128xf32, #tpu.memory_space<vmem_shared>> -> memref<10240x128xf32, #tpu.memory_space<vmem_shared>>
        tpu.wait_indirect_dma semaphore(%run_scoped3A_609 : memref<!tpu.dma_semaphore, #tpu.memory_space<semaphore_mem>>) src(%arg9 : memref<128x128xf32, #tpu.memory_space<vmem>>) dst(%dma_wait3A_621 : memref<10240x128xf32, #tpu.memory_space<vmem_shared>>)
        tpu.yield
      }) : () -> ()
    }
    %scan3A_5 = arith.constant 2 : i32
    %barrier3A_6 = arith.constant 0 : index
    tpu.barrier barrier_id(%barrier3A_6)
    "tpu.region"() ({
      %run_scoped3A = tpu.sem_alloc : memref<!tpu.dma_semaphore, #tpu.memory_space<semaphore_mem>>
      %dma_start3A = arith.constant 0 : i32
      %dma_start3A_7 = arith.constant 0 : i32
      %dma_start3A_8 = tpu.memref_slice %arg5[%arg0, %dma_start3A, %dma_start3A_7] : memref<2x10240x128xf32, #tpu.memory_space<hbm>> -> memref<1x10240x128xf32, #tpu.memory_space<hbm>>
      %dma_start3A_9 = tpu.memref_squeeze %dma_start3A_8 : memref<1x10240x128xf32, #tpu.memory_space<hbm>> -> memref<10240x128xf32, #tpu.memory_space<hbm>>
      %dma_start3A_10 = arith.constant 0 : i32
      %dma_start3A_11 = tpu.memref_slice %dma_start3A_9[%mul3A_0, %dma_start3A_10] : memref<10240x128xf32, #tpu.memory_space<hbm>> -> memref<640x128xf32, #tpu.memory_space<hbm>>
      %dma_start3A_12 = arith.constant 0 : i32
      %dma_start3A_13 = tpu.memref_slice %arg10[%mul3A_0, %dma_start3A_12] : memref<10240x128xf32, #tpu.memory_space<vmem_shared>> -> memref<640x128xf32, #tpu.memory_space<vmem_shared>>
      tpu.enqueue_dma source(%dma_start3A_13 : memref<640x128xf32, #tpu.memory_space<vmem_shared>>) target(%dma_start3A_11 : memref<640x128xf32, #tpu.memory_space<hbm>>) target_semaphore(%run_scoped3A : memref<!tpu.dma_semaphore, #tpu.memory_space<semaphore_mem>>)
      %dma_wait3A = arith.constant 0 : i32
      %dma_wait3A_14 = arith.constant 0 : i32
      %dma_wait3A_15 = tpu.memref_slice %arg5[%arg0, %dma_wait3A, %dma_wait3A_14] : memref<2x10240x128xf32, #tpu.memory_space<hbm>> -> memref<1x10240x128xf32, #tpu.memory_space<hbm>>
      %dma_wait3A_16 = tpu.memref_squeeze %dma_wait3A_15 : memref<1x10240x128xf32, #tpu.memory_space<hbm>> -> memref<10240x128xf32, #tpu.memory_space<hbm>>
      %dma_wait3A_17 = arith.constant 0 : i32
      %dma_wait3A_18 = tpu.memref_slice %dma_wait3A_16[%mul3A_0, %dma_wait3A_17] : memref<10240x128xf32, #tpu.memory_space<hbm>> -> memref<640x128xf32, #tpu.memory_space<hbm>>
      %dma_wait3A_19 = arith.constant 0 : i32
      %dma_wait3A_20 = tpu.memref_slice %arg10[%mul3A_0, %dma_wait3A_19] : memref<10240x128xf32, #tpu.memory_space<vmem_shared>> -> memref<640x128xf32, #tpu.memory_space<vmem_shared>>
      tpu.wait_dma2 semaphore(%run_scoped3A : memref<!tpu.dma_semaphore, #tpu.memory_space<semaphore_mem>>) src(%dma_wait3A_20 : memref<640x128xf32, #tpu.memory_space<vmem_shared>>) dst(%dma_wait3A_18 : memref<640x128xf32, #tpu.memory_space<hbm>>)
      tpu.yield
    }) : () -> ()
    return
  }
}

module attributes {stable_mosaic.version = 14 : i64} {
  func.func @_prep_body(%arg0: memref<10240x2xf32, #tpu.memory_space<vmem>>, %arg1: memref<10000x128xf32, #tpu.memory_space<vmem>>, %arg2: memref<10240x128xf32, #tpu.memory_space<vmem>>, %arg3: memref<10240x1xf32, #tpu.memory_space<vmem>>) attributes {dimension_semantics = [], scalar_prefetch = 0 : i64, scratch_operands = 0 : i64, tpu.core_type = #tpu.core_type<tc>} {
    %get3A = arith.constant 0 : index
    %get3A_0 = arith.constant 0 : index
    %get3A_1 = vector.load %arg0[%get3A, %get3A_0] : memref<10240x2xf32, #tpu.memory_space<vmem>>, vector<10240x2xf32>
    %reduce_sum3A = arith.constant dense<0.000000e+00> : vector<10240xf32>
    %reduce_sum3A_2 = vector.multi_reduction <add>, %get3A_1, %reduce_sum3A [1] : vector<10240x2xf32> to vector<10240xf32>
    %broadcast_in_dim3A = vector.shape_cast %reduce_sum3A_2 : vector<10240xf32> to vector<10240x1xf32>
    %add3A = arith.constant 1.000000e+00 : f32
    %add3A_3 = vector.broadcast %add3A : f32 to vector<10240x1xf32>
    %add3A_4 = arith.addf %broadcast_in_dim3A, %add3A_3 : vector<10240x1xf32>
    %rsqrt3A = math.rsqrt %add3A_4 : vector<10240x1xf32>
    %swap3A = arith.constant 0 : index
    %swap3A_5 = arith.constant 0 : index
    %swap3A_6 = vector.load %arg3[%swap3A, %swap3A_5] : memref<10240x1xf32, #tpu.memory_space<vmem>>, vector<10240x1xf32>
    tpu.vector_store %arg3[%swap3A, %swap3A_5], %rsqrt3A {strides = array<i32>} : memref<10240x1xf32, #tpu.memory_space<vmem>>, vector<10240x1xf32>,
    %slice3A = vector.extract_strided_slice %rsqrt3A {offsets = [0, 0], sizes = [10000, 1], strides = [1, 1]} : vector<10240x1xf32> to vector<10000x1xf32>
    %get3A_7 = arith.constant 0 : index
    %get3A_8 = arith.constant 0 : index
    %get3A_9 = vector.load %arg1[%get3A_7, %get3A_8] : memref<10000x128xf32, #tpu.memory_space<vmem>>, vector<10000x128xf32>
    %mul3A = vector.broadcast %slice3A : vector<10000x1xf32> to vector<10000x128xf32>
    %mul3A_10 = arith.mulf %mul3A, %get3A_9 : vector<10000x128xf32>
    %swap3A_11 = arith.constant 0 : index
    %swap3A_12 = arith.constant 0 : index
    %swap3A_13 = vector.load %arg2[%swap3A_11, %swap3A_12] : memref<10240x128xf32, #tpu.memory_space<vmem>>, vector<10000x128xf32>
    tpu.vector_store %arg2[%swap3A_11, %swap3A_12], %mul3A_10 {strides = array<i32>} : memref<10240x128xf32, #tpu.memory_space<vmem>>, vector<10000x128xf32>,
    %broadcast_in_dim3A_14 = arith.constant 0.000000e+00 : f32
    %broadcast_in_dim3A_15 = vector.broadcast %broadcast_in_dim3A_14 : f32 to vector<240x128xf32>
    %swap3A_16 = arith.constant 10000 : index
    %swap3A_17 = arith.constant 0 : index
    %swap3A_18 = vector.load %arg2[%swap3A_16, %swap3A_17] : memref<10240x128xf32, #tpu.memory_space<vmem>>, vector<240x128xf32>
    tpu.vector_store %arg2[%swap3A_16, %swap3A_17], %broadcast_in_dim3A_15 {strides = array<i32>} : memref<10240x128xf32, #tpu.memory_space<vmem>>, vector<240x128xf32>,
    return
  }
}

module attributes {stable_mosaic.version = 14 : i64} {
  func.func @_mid_body(%arg0: memref<2x10240x128xf32, #tpu.memory_space<vmem>>, %arg1: memref<10240x128xf32, #tpu.memory_space<vmem>>, %arg2: memref<10240x1xf32, #tpu.memory_space<vmem>>, %arg3: memref<10240x128xf32, #tpu.memory_space<vmem>>) attributes {dimension_semantics = [], scalar_prefetch = 0 : i64, scratch_operands = 0 : i64, tpu.core_type = #tpu.core_type<tc>} {
    %get3A = arith.constant 0 : index
    %get3A_0 = arith.constant 0 : index
    %get3A_1 = arith.constant 0 : index
    %get3A_2 = vector.load %arg0[%get3A, %get3A_0, %get3A_1] : memref<2x10240x128xf32, #tpu.memory_space<vmem>>, vector<1x10240x128xf32>
    %get3A_3 = vector.shape_cast %get3A_2 : vector<1x10240x128xf32> to vector<10240x128xf32>
    %get3A_4 = arith.constant 1 : index
    %get3A_5 = arith.constant 0 : index
    %get3A_6 = arith.constant 0 : index
    %get3A_7 = vector.load %arg0[%get3A_4, %get3A_5, %get3A_6] : memref<2x10240x128xf32, #tpu.memory_space<vmem>>, vector<1x10240x128xf32>
    %get3A_8 = vector.shape_cast %get3A_7 : vector<1x10240x128xf32> to vector<10240x128xf32>
    %add3A = arith.addf %get3A_3, %get3A_8 : vector<10240x128xf32>
    %get3A_9 = arith.constant 0 : index
    %get3A_10 = arith.constant 0 : index
    %get3A_11 = vector.load %arg1[%get3A_9, %get3A_10] : memref<10240x128xf32, #tpu.memory_space<vmem>>, vector<10240x128xf32>
    %sub3A = arith.subf %add3A, %get3A_11 : vector<10240x128xf32>
    %get3A_12 = arith.constant 0 : index
    %get3A_13 = arith.constant 0 : index
    %get3A_14 = vector.load %arg2[%get3A_12, %get3A_13] : memref<10240x1xf32, #tpu.memory_space<vmem>>, vector<10240x1xf32>
    %mul3A = arith.mulf %get3A_14, %get3A_14 : vector<10240x1xf32>
    %mul3A_15 = vector.broadcast %mul3A : vector<10240x1xf32> to vector<10240x128xf32>
    %mul3A_16 = arith.mulf %mul3A_15, %sub3A : vector<10240x128xf32>
    %swap3A = arith.constant 0 : index
    %swap3A_17 = arith.constant 0 : index
    %swap3A_18 = vector.load %arg3[%swap3A, %swap3A_17] : memref<10240x128xf32, #tpu.memory_space<vmem>>, vector<10240x128xf32>
    tpu.vector_store %arg3[%swap3A, %swap3A_17], %mul3A_16 {strides = array<i32>} : memref<10240x128xf32, #tpu.memory_space<vmem>>, vector<10240x128xf32>,
    return
  }
}

module attributes {stable_mosaic.version = 14 : i64} {
  func.func @_fin_body(%arg0: memref<2x10240x128xf32, #tpu.memory_space<vmem>>, %arg1: memref<10240x128xf32, #tpu.memory_space<vmem>>, %arg2: memref<10240x1xf32, #tpu.memory_space<vmem>>, %arg3: memref<128x128xf32, #tpu.memory_space<vmem>>, %arg4: memref<1x128xf32, #tpu.memory_space<vmem>>, %arg5: memref<10000x128xf32, #tpu.memory_space<vmem>>) attributes {dimension_semantics = [], scalar_prefetch = 0 : i64, scratch_operands = 0 : i64, tpu.core_type = #tpu.core_type<tc>} {
    %get3A = arith.constant 0 : index
    %get3A_0 = arith.constant 0 : index
    %get3A_1 = arith.constant 0 : index
    %get3A_2 = vector.load %arg0[%get3A, %get3A_0, %get3A_1] : memref<2x10240x128xf32, #tpu.memory_space<vmem>>, vector<1x10000x128xf32>
    %get3A_3 = vector.shape_cast %get3A_2 : vector<1x10000x128xf32> to vector<10000x128xf32>
    %get3A_4 = arith.constant 1 : index
    %get3A_5 = arith.constant 0 : index
    %get3A_6 = arith.constant 0 : index
    %get3A_7 = vector.load %arg0[%get3A_4, %get3A_5, %get3A_6] : memref<2x10240x128xf32, #tpu.memory_space<vmem>>, vector<1x10000x128xf32>
    %get3A_8 = vector.shape_cast %get3A_7 : vector<1x10000x128xf32> to vector<10000x128xf32>
    %add3A = arith.addf %get3A_3, %get3A_8 : vector<10000x128xf32>
    %get3A_9 = arith.constant 0 : index
    %get3A_10 = arith.constant 0 : index
    %get3A_11 = vector.load %arg1[%get3A_9, %get3A_10] : memref<10240x128xf32, #tpu.memory_space<vmem>>, vector<10000x128xf32>
    %sub3A = arith.subf %add3A, %get3A_11 : vector<10000x128xf32>
    %get3A_12 = arith.constant 0 : index
    %get3A_13 = arith.constant 0 : index
    %get3A_14 = vector.load %arg2[%get3A_12, %get3A_13] : memref<10240x1xf32, #tpu.memory_space<vmem>>, vector<10000x1xf32>
    %mul3A = vector.broadcast %get3A_14 : vector<10000x1xf32> to vector<10000x128xf32>
    %mul3A_15 = arith.mulf %mul3A, %sub3A : vector<10000x128xf32>
    %get3A_16 = arith.constant 0 : index
    %get3A_17 = arith.constant 0 : index
    %get3A_18 = vector.load %arg3[%get3A_16, %get3A_17] : memref<128x128xf32, #tpu.memory_space<vmem>>, vector<128x128xf32>
    %dot_general3A = arith.constant dense<0.000000e+00> : vector<10000x128xf32>
    %dot_general3A_19 = tpu.matmul %mul3A_15, %get3A_18, %dot_general3A {dimension_numbers = #tpu.dot_dimension_numbers<[1], [1], [0], [0], [0, 0, 1, 0], [], []>, transpose_lhs_hint = false} : vector<10000x128xf32>, vector<128x128xf32>, vector<10000x128xf32> -> vector<10000x128xf32>
    %get3A_20 = arith.constant 0 : index
    %get3A_21 = arith.constant 0 : index
    %get3A_22 = vector.load %arg4[%get3A_20, %get3A_21] : memref<1x128xf32, #tpu.memory_space<vmem>>, vector<1x128xf32>
    %add3A_23 = vector.broadcast %get3A_22 : vector<1x128xf32> to vector<10000x128xf32>
    %add3A_24 = arith.addf %dot_general3A_19, %add3A_23 : vector<10000x128xf32>
    %swap3A = arith.constant 0 : index
    %swap3A_25 = arith.constant 0 : index
    %swap3A_26 = vector.load %arg5[%swap3A, %swap3A_25] : memref<10000x128xf32, #tpu.memory_space<vmem>>, vector<10000x128xf32>
    tpu.vector_store %arg5[%swap3A, %swap3A_25], %add3A_24 {strides = array<i32>} : memref<10000x128xf32, #tpu.memory_space<vmem>>, vector<10000x128xf32>,
    return
  }
}

</mosaic_0001>

<sc_bundles>
// kernel: kernel.11.cloned.1.call-start
scs
__scs_entry_jumppad:
0x0: {  	(pc) =	sbr.rel $0x88, $3  }
0x1: {  	(tag) =	ssettag $0x0;
	lr =	simm.s32 $0x1  }
0x2: {  	[smem:$0x3F9D] =	sst lr;
	_ =	strace $0xD0000000  }
0x3: {  	_ = 	snop  }
0x4: {  	_ = 	snop  }
0x5: {  	_ = 	snop  }
0x6: {  	_ = 	snop  }
0x7: {  	_ = 	snop  }
__scs_overlays_trampoline_lowered:
0x8: {  	[smem:$0x3FAC] =	sst s0  }
0x9: {  	[smem:$0x3FAD] =	sst s1  }
0xa: {  	[smem:$0x3FAE] =	sst s2  }
0xb: {  	[smem:$0x3FAF] =	sst s3  }
0xc: {  	[smem:$0x3FB0] =	sst s4  }
0xd: {  	[smem:$0x3FB1] =	sst s5  }
0xe: {  	[smem:$0x3FB2] =	sst s6  }
0xf: {  	[smem:$0x3FB3] =	sst s7  }
0x10: {  	[smem:$0x3FB4] =	sst s8  }
0x11: {  	[smem:$0x3FB5] =	sst s9;
	s0 =	simm.s32 @!p0 $0x0  }
0x12: {  	s1 =	sld [smem:$0x3F9B];
	s0 =	simm.s32 @p0 $0x1  }
0x13: {  	[smem:$0x3FB6] =	sst s0;
	s0 =	simm.s32 @!p1 $0x0  }
0x14: {  	s2 =	sld [smem:$0x3F9A];
	s0 =	simm.s32 @p1 $0x1  }
0x15: {  	[smem:$0x3FB7] =	sst s0;
	s0 =	simm.s32 @!p2 $0x0  }
0x16: {  	s3 =	sld [smem:$0x3FDB];
	s0 =	simm.s32 @p2 $0x1  }
0x17: {  	s4 =	simm.s32 $0x1BF5;
	[smem:$0x3FB9] =	sst s0  }
0x18: {  	s0 =	sld [smem:$0x3F9C];
	_ =	swait.ge [sflag:s4], $0x0  }
0x19: {  	s7 =	sld [smem:$0x3F9D]  }
0x1a: {  	s8 =	sadd.s32 $0xFFFFE003, lr  }
0x1b: {  	s9 =	sadd.s32 $0xFFFFFEF7, lr;
	s5 =	simm.s32 $0xFFFFFFFF;
	p2 =	slt.u32 s8, $0xFFFFF086  }
0x1c: {  	p1 =	slt.u32 s9, $0xF7A;
	s5 =	simm.s32 @!p2 $0x0  }
0x1d: {  	s5 =	simm.s32 @p1 $0x1;
	p0 =	seq.s32 s7, s2  }
0x1e: {  	s7 =	smul.u32 @!p0 $0xF7A, s2;
	p2 =	seq.s32 @!p0 s5, $0x0  }
0x1f: {  	s9 =	smul.u32 $0xF7A, s1;
	s8 =	simm.s32 @!p0 $0x1BF5;
	p2 =	por !p2, p0  }
0x20: {  	[sflag:s8] =	ssyncset.s32 @!p0 $0xFFFFF086;
	s6 =	sadd.s32 @!p0 s3, s7;
	s7 =	simm.s32 @!p0 $0x108  }
0x21: {  	s3 =	sadd.s32 s3, s9;
	s6 =	sadd.s32 @!p0 $0x88, s6;
	s7 =	simm.s32 @p2 $0x1082  }
0x22: {  	[simem:s7], [sflag:s8] =	dma.local @!p0 [hbm:s6], $0xF7A  }
0x23: {  	s9 =	sor.u32 $0xD0000000, s2;
	s6 =	simm.s32 $0x108;
	_ =	swait.ge @!p0 [sflag:s8], $0x0  }
0x24: {  	s3 =	sadd.s32 $0x88, s3;
	s6 =	simm.s32 @!p1 $0x1082;
	[sflag:s4] =	ssyncset.s32 $0xFFFFF086  }
0x25: {  	[simem:s6], [sflag:s4] =	dma.local [hbm:s3], $0xF7A  }
0x26: {  	[smem:$0x3F9D] =	sst s1;
	(tag) =	ssettag s2;
	_ =	strace s9  }
0x27: {  	s1 =	sld [smem:$0x3FAD]  }
0x28: {  	s2 =	sld [smem:$0x3FAE]  }
0x29: {  	s4 =	sld [smem:$0x3FB0]  }
0x2a: {  	p0 =	seq.s32 s5, $0x0;
	s5 =	sld [smem:$0x3FB1]  }
0x2b: {  	s6 =	sld [smem:$0x3FB2]  }
0x2c: {  	s7 =	sld [smem:$0x3FB3]  }
0x2d: {  	s3 =	simm.s32 $0x108;
	s8 =	sld [smem:$0x3FB4]  }
0x2e: {  	s3 =	simm.s32 @!p0 $0x1082;
	s9 =	sld [smem:$0x3FB5]  }
0x2f: {  	lr =	sadd.s32 s0, s3;
	s0 =	sld [smem:$0x3FAC]  }
0x30: {  	s3 =	sld [smem:$0x3FAF]  }
0x31: {  	[smem:$0x3FB8] =	sst s10  }
0x32: {  	s10 =	sld [smem:$0x3FB6];
	_ =	sdelay $0x3  }
0x33: {  	p0 =	seq.s32 s10, $0x1;
	s10 =	sld [smem:$0x3FB8];
	_ =	sdelay $0x3  }
0x34: {  	[smem:$0x3FB8] =	sst s10  }
0x35: {  	s10 =	sld [smem:$0x3FB7];
	_ =	sdelay $0x3  }
0x36: {  	p1 =	seq.s32 s10, $0x1;
	s10 =	sld [smem:$0x3FB8];
	_ =	sdelay $0x3  }
0x37: {  	[smem:$0x3FB8] =	sst s10  }
0x38: {  	s10 =	sld [smem:$0x3FB9]  }
0x39: {  	_ = 	snop;
	(pc) =	sbr.ind lr, $3  }
0x3a: {  	_ = 	snop  }
0x3b: {  	_ = 	snop  }
0x3c: {  	p2 =	seq.s32 s10, $0x1;
	s10 =	sld [smem:$0x3FB8]  }
0x3d: {  	_ =	shalt  }
0x3e: {  	_ =	shalt  }
0x3f: {  	_ =	shalt  }
0x40: {  	_ =	shalt  }
0x41: {  	_ =	shalt  }
0x42: {  	_ =	shalt  }
0x43: {  	_ =	shalt  }
0x44: {  	_ =	shalt  }
0x45: {  	_ =	shalt  }
0x46: {  	_ =	shalt  }
0x47: {  	_ =	shalt  }
0x48: {  	_ =	shalt  }
0x49: {  	_ =	shalt  }
0x4a: {  	_ =	shalt  }
0x4b: {  	_ =	shalt  }
0x4c: {  	_ =	shalt  }
0x4d: {  	_ =	shalt  }
0x4e: {  	_ =	shalt  }
0x4f: {  	_ =	shalt  }
0x50: {  	_ =	shalt  }
0x51: {  	_ =	shalt  }
0x52: {  	_ =	shalt  }
0x53: {  	_ =	shalt  }
0x54: {  	_ =	shalt  }
0x55: {  	_ =	shalt  }
0x56: {  	_ =	shalt  }
0x57: {  	_ =	shalt  }
0x58: {  	_ =	shalt  }
0x59: {  	_ =	shalt  }
0x5a: {  	_ =	shalt  }
0x5b: {  	_ =	shalt  }
0x5c: {  	_ =	shalt  }
0x5d: {  	_ =	shalt  }
0x5e: {  	_ =	shalt  }
0x5f: {  	_ =	shalt  }
0x60: {  	_ =	shalt  }
0x61: {  	_ =	shalt  }
0x62: {  	_ =	shalt  }
0x63: {  	_ =	shalt  }
0x64: {  	_ =	shalt  }
0x65: {  	_ =	shalt  }
0x66: {  	_ =	shalt  }
0x67: {  	_ =	shalt  }
0x68: {  	_ =	shalt  }
0x69: {  	_ =	shalt  }
0x6a: {  	_ =	shalt  }
0x6b: {  	_ =	shalt  }
0x6c: {  	_ =	shalt  }
0x6d: {  	_ =	shalt  }
0x6e: {  	_ =	shalt  }
0x6f: {  	_ =	shalt  }
0x70: {  	_ =	shalt  }
0x71: {  	_ =	shalt  }
0x72: {  	_ =	shalt  }
0x73: {  	_ =	shalt  }
0x74: {  	_ =	shalt  }
0x75: {  	_ =	shalt  }
0x76: {  	_ =	shalt  }
0x77: {  	_ =	shalt  }
0x78: {  	_ =	shalt  }
0x79: {  	_ =	shalt  }
0x7a: {  	_ =	shalt  }
0x7b: {  	_ =	shalt  }
0x7c: {  	_ =	shalt  }
0x7d: {  	_ =	shalt  }
0x7e: {  	_ =	shalt  }
0x7f: {  	_ =	shalt  }
0x80: {  	_ =	shalt  }
0x81: {  	_ =	shalt  }
0x82: {  	_ =	shalt  }
0x83: {  	_ =	shalt  }
0x84: {  	_ =	shalt  }
0x85: {  	_ =	shalt  }
0x86: {  	_ =	shalt  }
0x87: {  	_ =	shalt  }
.Lfunc_end0:
.L_simem_size_0:
called_computation.1_lowered:
.L_overlay_start_0:
0x88: {  	s2 =	sld [smem:$0x3FD9]  }
0x89: {  	s3 =	sld [smem:$0x3FFE];
	_ =	sdelay $0x1  }
0x8a: {  	s1 =	srdreg.scid  }
0x8b: {  	s0 =	sand.u32 $0x1, s1  }
0x8c: {  	s17 =	sshll.u32 s0, $0xA;
	s2 =	sadd.s32 s3, s2  }
0x8d: {  	s2 =	sadd.s32 s2, s17  }
0x8e: {  	[smem:$0x3FC4] =	sst s2  }
0x8f: {  	_ = 	snop  }
0x90: {  	s2 =	sld [smem:$0x3FD0];
	(tm) =	ssettm $0x1  }
0x91: {  	s18 =	sld [smem:$0x3FFB];
	_ =	sdelay $0x3  }
0x92: {  	_ =	strace s18  }
0x93: {  	s3 =	sld [smem:$0x3FFC];
	_ =	sdelay $0x3  }
0x94: {  	_ =	strace s3  }
0x95: {  	s3 =	sld [smem:$0x3FFD];
	_ =	sdelay $0x3  }
0x96: {  	_ =	strace s3  }
0x97: {  	_ =	strace $0x8FFFFFFF  }
0x98: {  	s19 =	sld [smem:$0x3FDB];
	_ =	sdelay $0x1  }
0x99: {  	s4 =	simm.s32 $_scs_section_size  }
0x9a: {  	s5 =	simm.s32 $_size__tile_overlayer_lowered;
	s6 =	simm.s32 $_tile_overlayer_lowered  }
0x9b: {  	s22 =	simm.s32 $0x1BFF;
	s21 =	sshll.u32 s6, $0x1;
	s3 =	sadd.s32 s4, s19  }
0x9c: {  	s7 =	simm.s32 $0x0;
	s20 =	sshll.u32 s5, $0x1;
	s5 =	sadd.s32 s21, s3  }
0x9d: {  	[timem:s7], [sflag:s22] =	dma.local [hbm:s5], s20  }
0x9e: {  	_ =	swait.ge [sflag:s22], s20  }
0x9f: {  	s4 =	ssub.s32 $0x0, s20;
	[sflag:s22] =	ssyncset.done $0x0  }
0xa0: {  	[sflag:s22] =	ssyncadd.s32 s4;
	_ =	sdelay $0x1  }
0xa1: {  	s23 =	simm.s32 $0x1B8B  }
0xa2: {  	_ =	swait.ge [sflag:s23], $0x1  }
0xa3: {  	[sflag:s23] =	ssyncset.done $0x0  }
0xa4: {  	s25 =	simm.s32 $0x1B8E;
	s24 =	sld [smem:$0x3FFE];
	[sflag:s23] =	ssyncadd.s32 $0xFFFFFFFF  }
0xa5: {  	s26 =	simm.s32 $execute0_lowered;
	[smem:$0x3FD2] =	sst s25  }
0xa6: {  	s5 =	sshll.u32 s26, $0x1;
	_ =	strace $0x80000049;
	[dreg:$0x1] =	wrdreg $0xFFFFFFFF  }
0xa7: {  	s28 =	simm.s32 $_size_execute0_lowered;
	s3 =	sadd.s32 s3, s5;
	[dreg:$0x0] =	wrdreg $0x0  }
0xa8: {  	s5 =	sshll.u32 s28, $0x1;
	[dreg:$0x2] =	wrdreg s3  }
0xa9: {  	[dreg:$0x3] =	wrdreg s5  }
0xaa: {  	[dreg:$0x4] =	wrdreg $0xC0  }
0xab: {  	_ =	task [dreg:s7], $0x5FFFF  }
0xac: {  	[dreg:$0x1] =	wrdreg $0xFFFFFFFF  }
0xad: {  	[dreg:$0x0] =	wrdreg $0x60  }
0xae: {  	[dreg:$0x2] =	wrdreg s24  }
0xaf: {  	[dreg:$0x3] =	wrdreg s2  }
0xb0: {  	[dreg:$0x4] =	wrdreg $0xA8000  }
0xb1: {  	[dreg:$0x5] =	wrdreg $0x9  }
0xb2: {  	_ =	task.clear_ibuf [dreg:s7], $0x6FFFF;
	_ =	strace $0x90000049  }
0xb3: {  	s29 =	simm.s32 $0x9;
	_ =	strace $0x8000004B  }
0xb4: {  	_ =	swait.ge [sflag:s29], $0x1  }
0xb5: {  	[sflag:s29] =	ssyncadd.s32 $0xFFFFFFFF  }
0xb6: {  	_ =	strace $0x9000004B  }
0xb7: {  	_ =	sfence  }
0xb8: {  	s30 =	sld [smem:$0x0];
	_ =	sdelay $0x2  }
0xb9: {  	s31 =	sshll.u32 s1, $0xD;
	s1 =	sshrl.u32 s1, $0x2  }
0xba: {  	s3 =	sand.u32 $0x4000, s31;
	s1 =	sadd.s32 s1, s30  }
0xbb: {  	s0 =	sor.u32 s3, s0;
	s1 =	sshll.u32 s1, $0x11  }
0xbc: {  	s0 =	sor.u32 s1, s0  }
0xbd: {  	s0 =	sadd.s32 $0x8F2B, s0  }
0xbe: {  	[sflag:s0] =	ssyncadd.remote.s32 $0x1  }
0xbf: {  	_ =	sfence.sel $0xFFFF  }
0xc0: {  	[dreg:$0x0] =	wrdreg $0xFFFFFFFF;
	(pc) =	sbr.abs _section_cstart, $3  }
0xc1: {  	[dreg:$0x1] =	wrdreg $0xFFFFFFFF  }
0xc2: {  	_ =	task.clear_ibuf [dreg:s7], $0x2FFFF;
	_ =	strace $0x9FFFFFFF  }
0xc3: {  	(tm) =	ssettm $0x7FFFFFFF  }
tec
execute0_lowered:
.L_overlay_start_1:
0x0: {  	(tag) =	ssettag $0x1  }
0x1: {  	s0 =	rddreg [dreg:$0x0]  }
0x2: {  	s3 =	rddreg [dreg:$0x1]  }
0x3: {  	s1 =	rddreg [dreg:$0x2];
	s2 =	simm.s32 $0x0  }
0x4: {  	s4 =	srdreg.scid;
	s10 =	stileid.u32;
	s12 =	simm.s32 $0x1400  }
0x5: {  	s13 =	simm.s32 $0x80;
	s14 =	simm.s32 $0x2800;
	s15 =	simm.s32 $0x6800  }
0x6: {  	s16 =	simm.s32 $0x1;
	s18 =	simm.s32 $0x2;
	s30 =	simm.s32 $0x1000  }
0x7: {  	s31 =	simm.s32 $0x2380;
	s21 =	simm.s32 $0x1280;
	s9 =	smul.u32 $0x50000, s10  }
0x8: {  	s22 =	simm.s32 $0x2600;
	s28 =	simm.s32 $0x2700;
	s17 =	smul.u32 $0x2800, s10  }
0x9: {  	s29 =	simm.s32 $0x2780;
	s5 =	sand.u32 $0x1, s4;
	s26 =	smul.u32 $0x500, s10  }
0xa: {  	[smem:$0x7FF] =	sst s2;
	s4 =	sadd.s32 $0xC400, s0;
	s6 =	smul.u32 $0x5000, s5  }
0xb: {  	s25 =	sshll.u32 s10, $0x6;
	_ =	strace $0x8000004A;
	s7 =	smul.u32 $0x28000, s5  }
0xc: {  	s5 =	ssub.s32 $0x2, s5;
	s19 =	sor.u32 $0x1C03, s25;
	s25 =	simm.s32 $0x2680  }
0xd: {  	s23 =	sshrl.u32 s5, $0x1;
	s24 =	sshrl.u32 s9, $0x2;
	s11 =	sadd.s32 s4, s17  }
0xe: {  	s9 =	simm.s32 $0x3;
	[dreg:$0x5] =	wrdreg s19;
	s8 =	sadd.s32 s6, s0  }
0xf: {  	s0 =	sadd.s32 s7, s0;
	s5 =	ssub.s32 s5, s23;
	s7 =	sadd.s32 s24, s1  }
0x10: {  	[dreg:$0x4] =	wrdreg s11;
	s3 =	sadd.s32 s3, s6;
	s24 =	simm.s32 $0x1180  }
0x11: {  	s6 =	simm.s32 $0x2500;
	s23 =	simm.s32 $0x1300;
	s8 =	sadd.s32 $0x2400, s8  }
0x12: {  	s0 =	sadd.s32 $0x34400, s0;
	s5 =	smax.u32 s5, $0x1;
	s20 =	sshrl.u32 s7, $0x3  }
0x13: {  	s11 =	sadd.s32 s26, s3;
	s3 =	simm.s32 $0x2400;
	s7 =	simm.s32 $0x2480  }
0x14: {  	[dreg:$0x6] =	wrdreg s5;
	s10 =	sadd.s32 s26, s8;
	s0 =	sadd.s32 s17, s0  }
0x15: {  	[dreg:$0x7] =	wrdreg s20;
	s5 =	simm.s32 $0x1100;
	s8 =	simm.s32 $0x1200  }
0x16: {  	s26 =	simm.s32 $0x1380;
	[dreg:$0x8] =	wrdreg s0;
	s0 =	simm.s32 $0x0  }
.LBB2_1:
0x17: {  	[dreg:$0x9] =	wrdreg s0  }
0x18: {  	s17 =	rddreg [dreg:$0x4]  }
0x19: {  	[spmem:s20], [sflag:s19] =	dma.local [hbm:s17], $0x2800  }
0x1a: {  	_ =	swait.ge [sflag:s9], $0x2800  }
0x1b: {  	[sflag:s9] =	ssyncset.done $0x0  }
0x1c: {  	p0 =	por $0x1, $0x1;
	s0 =	simm.s32 $0x1080;
	[sflag:s9] =	ssyncadd.s32 $0xFFFFD800  }
0x1d: {  	s17 =	simm.s32 $0x0;
	s20 =	simm.s32 $0x2580;
	[bflag:$0x0] =	sbarrier.arrive $0xFFFF  }
.LBB2_2:
0x1e: {  	s19 =	sadd.s32 s17, s10  }
0x1f: {  	[tilespmem:s2], [sflag:$0x3] =	stream.linear.gather [hbm4b:s19+s2], $0x1400, $0x38;
	[tilespmem:$0x1E800] =	vst v63  }
0x20: {  	_ =	swait.ge [sflag:s9], $0x1400  }
0x21: {  	[sflag:s9] =	ssyncset.done $0x0  }
0x22: {  	s19 =	sadd.s32 s17, s11;
	[sflag:s9] =	ssyncadd.s32 $0xFFFFEC00  }
0x23: {  	[tilespmem:s12], [sflag:$0x3] =	stream.linear.gather [hbm4b:s19+s2], $0x1400, $0x38;
	[tilespmem:$0x1E800] =	vst v63  }
0x24: {  	_ =	swait.ge [sflag:s9], $0x1400  }
0x25: {  	[sflag:s9] =	ssyncset.done $0x0  }
0x26: {  	[sflag:s9] =	ssyncadd.s32 $0xFFFFEC00  }
0x27: {  	[tilespmem:s14], [sflag:$0x1] =	stream.indirect.gather [hbm4b:s4+s13], $0x80, s2, s13, $0xb8;
	[tilespmem:$0x1E800] =	vst v63  }
0x28: {  	_ = 	snop  }
0x29: {  	[tilespmem:s15], [sflag:$0x2] =	stream.indirect.gather [hbm4b:s4+s13], $0x80, s13, s13, $0xb8;
	[tilespmem:$0x1E800] =	vst v63  }
0x2a: {  	_ =	swait.ge [sflag:s16], $0x4000  }
0x2b: {  	[sflag:s16] =	ssyncset.done $0x0  }
0x2c: {  	[sflag:s16] =	ssyncadd.s32 $0xFFFFC000  }
0x2d: {  	[spmem:s1] =	stream.indirect.scatter.add.f32 [tilespmem:s14], [sflag:$0x3], $0x80, s12, s13, $0xb8;
	[tilespmem:$0x1E800] =	vst v63  }
0x2e: {  	_ =	swait.ge [sflag:s9], $0x4000  }
0x2f: {  	[sflag:s9] =	ssyncset.done $0x0  }
0x30: {  	s19 =	simm.s32 $0x100;
	[sflag:s9] =	ssyncadd.s32 $0xFFFFC000  }
0x31: {  	[tilespmem:s14], [sflag:$0x1] =	stream.indirect.gather [hbm4b:s4+s13], $0x80, s19, s13, $0xb8;
	[tilespmem:$0x1E800] =	vst v63  }
0x32: {  	_ =	swait.ge [sflag:s18], $0x4000  }
0x33: {  	[sflag:s18] =	ssyncset.done $0x0  }
0x34: {  	s19 =	simm.s32 $0x1480;
	[sflag:s18] =	ssyncadd.s32 $0xFFFFC000  }
0x35: {  	[spmem:s1] =	stream.indirect.scatter.add.f32 [tilespmem:s15], [sflag:$0x3], $0x80, s19, s13, $0xb8;
	[tilespmem:$0x1E800] =	vst v63  }
0x36: {  	_ =	swait.ge [sflag:s9], $0x4000  }
0x37: {  	[sflag:s9] =	ssyncset.done $0x0  }
0x38: {  	s19 =	simm.s32 $0x180;
	[sflag:s9] =	ssyncadd.s32 $0xFFFFC000  }
0x39: {  	[tilespmem:s15], [sflag:$0x2] =	stream.indirect.gather [hbm4b:s4+s13], $0x80, s19, s13, $0xb8;
	[tilespmem:$0x1E800] =	vst v63  }
0x3a: {  	_ =	swait.ge [sflag:s16], $0x4000  }
0x3b: {  	[sflag:s16] =	ssyncset.done $0x0  }
0x3c: {  	s19 =	simm.s32 $0x1500;
	[sflag:s16] =	ssyncadd.s32 $0xFFFFC000  }
0x3d: {  	[spmem:s1] =	stream.indirect.scatter.add.f32 [tilespmem:s14], [sflag:$0x3], $0x80, s19, s13, $0xb8;
	[tilespmem:$0x1E800] =	vst v63  }
0x3e: {  	_ =	swait.ge [sflag:s9], $0x4000  }
0x3f: {  	[sflag:s9] =	ssyncset.done $0x0  }
0x40: {  	s19 =	simm.s32 $0x200;
	[sflag:s9] =	ssyncadd.s32 $0xFFFFC000  }
0x41: {  	[tilespmem:s14], [sflag:$0x1] =	stream.indirect.gather [hbm4b:s4+s13], $0x80, s19, s13, $0xb8;
	[tilespmem:$0x1E800] =	vst v63  }
0x42: {  	_ =	swait.ge [sflag:s18], $0x4000  }
0x43: {  	[sflag:s18] =	ssyncset.done $0x0  }
0x44: {  	s19 =	simm.s32 $0x1580;
	[sflag:s18] =	ssyncadd.s32 $0xFFFFC000  }
0x45: {  	[spmem:s1] =	stream.indirect.scatter.add.f32 [tilespmem:s15], [sflag:$0x3], $0x80, s19, s13, $0xb8;
	[tilespmem:$0x1E800] =	vst v63  }
0x46: {  	_ =	swait.ge [sflag:s9], $0x4000  }
0x47: {  	[sflag:s9] =	ssyncset.done $0x0  }
0x48: {  	s17 =	simm.s32 $0x280;
	[sflag:s9] =	ssyncadd.s32 $0xFFFFC000  }
0x49: {  	[tilespmem:s15], [sflag:$0x2] =	stream.indirect.gather [hbm4b:s4+s13], $0x80, s17, s13, $0xb8;
	[tilespmem:$0x1E800] =	vst v63  }
0x4a: {  	_ =	swait.ge [sflag:s16], $0x4000  }
0x4b: {  	[sflag:s16] =	ssyncset.done $0x0  }
0x4c: {  	s19 =	simm.s32 $0x1600;
	[sflag:s16] =	ssyncadd.s32 $0xFFFFC000  }
0x4d: {  	[spmem:s1] =	stream.indirect.scatter.add.f32 [tilespmem:s14], [sflag:$0x3], $0x80, s19, s13, $0xb8;
	[tilespmem:$0x1E800] =	vst v63  }
0x4e: {  	_ =	swait.ge [sflag:s9], $0x4000  }
0x4f: {  	[sflag:s9] =	ssyncset.done $0x0  }
0x50: {  	s19 =	simm.s32 $0x300;
	[sflag:s9] =	ssyncadd.s32 $0xFFFFC000  }
0x51: {  	[tilespmem:s14], [sflag:$0x1] =	stream.indirect.gather [hbm4b:s4+s13], $0x80, s19, s13, $0xb8;
	[tilespmem:$0x1E800] =	vst v63  }
0x52: {  	_ =	swait.ge [sflag:s18], $0x4000  }
0x53: {  	[sflag:s18] =	ssyncset.done $0x0  }
0x54: {  	s19 =	simm.s32 $0x1680;
	[sflag:s18] =	ssyncadd.s32 $0xFFFFC000  }
0x55: {  	[spmem:s1] =	stream.indirect.scatter.add.f32 [tilespmem:s15], [sflag:$0x3], $0x80, s19, s13, $0xb8;
	[tilespmem:$0x1E800] =	vst v63  }
0x56: {  	_ =	swait.ge [sflag:s9], $0x4000  }
0x57: {  	[sflag:s9] =	ssyncset.done $0x0  }
0x58: {  	s19 =	simm.s32 $0x380;
	[sflag:s9] =	ssyncadd.s32 $0xFFFFC000  }
0x59: {  	[tilespmem:s15], [sflag:$0x2] =	stream.indirect.gather [hbm4b:s4+s13], $0x80, s19, s13, $0xb8;
	[tilespmem:$0x1E800] =	vst v63  }
0x5a: {  	_ =	swait.ge [sflag:s16], $0x4000  }
0x5b: {  	[sflag:s16] =	ssyncset.done $0x0  }
0x5c: {  	s19 =	simm.s32 $0x1700;
	[sflag:s16] =	ssyncadd.s32 $0xFFFFC000  }
0x5d: {  	[spmem:s1] =	stream.indirect.scatter.add.f32 [tilespmem:s14], [sflag:$0x3], $0x80, s19, s13, $0xb8;
	[tilespmem:$0x1E800] =	vst v63  }
0x5e: {  	_ =	swait.ge [sflag:s9], $0x4000  }
0x5f: {  	[sflag:s9] =	ssyncset.done $0x0  }
0x60: {  	s19 =	simm.s32 $0x400;
	[sflag:s9] =	ssyncadd.s32 $0xFFFFC000  }
0x61: {  	[tilespmem:s14], [sflag:$0x1] =	stream.indirect.gather [hbm4b:s4+s13], $0x80, s19, s13, $0xb8;
	[tilespmem:$0x1E800] =	vst v63  }
0x62: {  	_ =	swait.ge [sflag:s18], $0x4000  }
0x63: {  	[sflag:s18] =	ssyncset.done $0x0  }
0x64: {  	s19 =	simm.s32 $0x1780;
	[sflag:s18] =	ssyncadd.s32 $0xFFFFC000  }
0x65: {  	[spmem:s1] =	stream.indirect.scatter.add.f32 [tilespmem:s15], [sflag:$0x3], $0x80, s19, s13, $0xb8;
	[tilespmem:$0x1E800] =	vst v63  }
0x66: {  	_ =	swait.ge [sflag:s9], $0x4000  }
0x67: {  	[sflag:s9] =	ssyncset.done $0x0  }
0x68: {  	s19 =	simm.s32 $0x480;
	[sflag:s9] =	ssyncadd.s32 $0xFFFFC000  }
0x69: {  	[tilespmem:s15], [sflag:$0x2] =	stream.indirect.gather [hbm4b:s4+s13], $0x80, s19, s13, $0xb8;
	[tilespmem:$0x1E800] =	vst v63  }
0x6a: {  	_ =	swait.ge [sflag:s16], $0x4000  }
0x6b: {  	[sflag:s16] =	ssyncset.done $0x0  }
0x6c: {  	s19 =	simm.s32 $0x1800;
	[sflag:s16] =	ssyncadd.s32 $0xFFFFC000  }
0x6d: {  	[spmem:s1] =	stream.indirect.scatter.add.f32 [tilespmem:s14], [sflag:$0x3], $0x80, s19, s13, $0xb8;
	[tilespmem:$0x1E800] =	vst v63  }
0x6e: {  	_ =	swait.ge [sflag:s9], $0x4000  }
0x6f: {  	[sflag:s9] =	ssyncset.done $0x0  }
0x70: {  	s19 =	simm.s32 $0x500;
	[sflag:s9] =	ssyncadd.s32 $0xFFFFC000  }
0x71: {  	[tilespmem:s14], [sflag:$0x1] =	stream.indirect.gather [hbm4b:s4+s13], $0x80, s19, s13, $0xb8;
	[tilespmem:$0x1E800] =	vst v63  }
0x72: {  	_ =	swait.ge [sflag:s18], $0x4000  }
0x73: {  	[sflag:s18] =	ssyncset.done $0x0  }
0x74: {  	s19 =	simm.s32 $0x1880;
	[sflag:s18] =	ssyncadd.s32 $0xFFFFC000  }
0x75: {  	[spmem:s1] =	stream.indirect.scatter.add.f32 [tilespmem:s15], [sflag:$0x3], $0x80, s19, s13, $0xb8;
	[tilespmem:$0x1E800] =	vst v63  }
0x76: {  	_ =	swait.ge [sflag:s9], $0x4000  }
0x77: {  	[sflag:s9] =	ssyncset.done $0x0  }
0x78: {  	s19 =	simm.s32 $0x580;
	[sflag:s9] =	ssyncadd.s32 $0xFFFFC000  }
0x79: {  	[tilespmem:s15], [sflag:$0x2] =	stream.indirect.gather [hbm4b:s4+s13], $0x80, s19, s13, $0xb8;
	[tilespmem:$0x1E800] =	vst v63  }
0x7a: {  	_ =	swait.ge [sflag:s16], $0x4000  }
0x7b: {  	[sflag:s16] =	ssyncset.done $0x0  }
0x7c: {  	s19 =	simm.s32 $0x1900;
	[sflag:s16] =	ssyncadd.s32 $0xFFFFC000  }
0x7d: {  	[spmem:s1] =	stream.indirect.scatter.add.f32 [tilespmem:s14], [sflag:$0x3], $0x80, s19, s13, $0xb8;
	[tilespmem:$0x1E800] =	vst v63  }
0x7e: {  	_ =	swait.ge [sflag:s9], $0x4000  }
0x7f: {  	[sflag:s9] =	ssyncset.done $0x0  }
0x80: {  	s19 =	simm.s32 $0x600;
	[sflag:s9] =	ssyncadd.s32 $0xFFFFC000  }
0x81: {  	[tilespmem:s14], [sflag:$0x1] =	stream.indirect.gather [hbm4b:s4+s13], $0x80, s19, s13, $0xb8;
	[tilespmem:$0x1E800] =	vst v63  }
0x82: {  	_ =	swait.ge [sflag:s18], $0x4000  }
0x83: {  	[sflag:s18] =	ssyncset.done $0x0  }
0x84: {  	s19 =	simm.s32 $0x1980;
	[sflag:s18] =	ssyncadd.s32 $0xFFFFC000  }
0x85: {  	[spmem:s1] =	stream.indirect.scatter.add.f32 [tilespmem:s15], [sflag:$0x3], $0x80, s19, s13, $0xb8;
	[tilespmem:$0x1E800] =	vst v63  }
0x86: {  	_ =	swait.ge [sflag:s9], $0x4000  }
0x87: {  	[sflag:s9] =	ssyncset.done $0x0  }
0x88: {  	s19 =	simm.s32 $0x680;
	[sflag:s9] =	ssyncadd.s32 $0xFFFFC000  }
0x89: {  	[tilespmem:s15], [sflag:$0x2] =	stream.indirect.gather [hbm4b:s4+s13], $0x80, s19, s13, $0xb8;
	[tilespmem:$0x1E800] =	vst v63  }
0x8a: {  	_ =	swait.ge [sflag:s16], $0x4000  }
0x8b: {  	[sflag:s16] =	ssyncset.done $0x0  }
0x8c: {  	s19 =	simm.s32 $0x1A00;
	[sflag:s16] =	ssyncadd.s32 $0xFFFFC000  }
0x8d: {  	[spmem:s1] =	stream.indirect.scatter.add.f32 [tilespmem:s14], [sflag:$0x3], $0x80, s19, s13, $0xb8;
	[tilespmem:$0x1E800] =	vst v63  }
0x8e: {  	_ =	swait.ge [sflag:s9], $0x4000  }
0x8f: {  	[sflag:s9] =	ssyncset.done $0x0  }
0x90: {  	s19 =	simm.s32 $0x700;
	[sflag:s9] =	ssyncadd.s32 $0xFFFFC000  }
0x91: {  	[tilespmem:s14], [sflag:$0x1] =	stream.indirect.gather [hbm4b:s4+s13], $0x80, s19, s13, $0xb8;
	[tilespmem:$0x1E800] =	vst v63  }
0x92: {  	_ =	swait.ge [sflag:s18], $0x4000  }
0x93: {  	[sflag:s18] =	ssyncset.done $0x0  }
0x94: {  	s19 =	simm.s32 $0x1A80;
	[sflag:s18] =	ssyncadd.s32 $0xFFFFC000  }
0x95: {  	[spmem:s1] =	stream.indirect.scatter.add.f32 [tilespmem:s15], [sflag:$0x3], $0x80, s19, s13, $0xb8;
	[tilespmem:$0x1E800] =	vst v63  }
0x96: {  	_ =	swait.ge [sflag:s9], $0x4000  }
0x97: {  	[sflag:s9] =	ssyncset.done $0x0  }
0x98: {  	s19 =	simm.s32 $0x780;
	[sflag:s9] =	ssyncadd.s32 $0xFFFFC000  }
0x99: {  	[tilespmem:s15], [sflag:$0x2] =	stream.indirect.gather [hbm4b:s4+s13], $0x80, s19, s13, $0xb8;
	[tilespmem:$0x1E800] =	vst v63  }
0x9a: {  	_ =	swait.ge [sflag:s16], $0x4000  }
0x9b: {  	[sflag:s16] =	ssyncset.done $0x0  }
0x9c: {  	s19 =	simm.s32 $0x1B00;
	[sflag:s16] =	ssyncadd.s32 $0xFFFFC000  }
0x9d: {  	[spmem:s1] =	stream.indirect.scatter.add.f32 [tilespmem:s14], [sflag:$0x3], $0x80, s19, s13, $0xb8;
	[tilespmem:$0x1E800] =	vst v63  }
0x9e: {  	_ =	swait.ge [sflag:s9], $0x4000  }
0x9f: {  	[sflag:s9] =	ssyncset.done $0x0  }
0xa0: {  	s19 =	simm.s32 $0x800;
	[sflag:s9] =	ssyncadd.s32 $0xFFFFC000  }
0xa1: {  	[tilespmem:s14], [sflag:$0x1] =	stream.indirect.gather [hbm4b:s4+s13], $0x80, s19, s13, $0xb8;
	[tilespmem:$0x1E800] =	vst v63  }
0xa2: {  	_ =	swait.ge [sflag:s18], $0x4000  }
0xa3: {  	[sflag:s18] =	ssyncset.done $0x0  }
0xa4: {  	s19 =	simm.s32 $0x1B80;
	[sflag:s18] =	ssyncadd.s32 $0xFFFFC000  }
0xa5: {  	[spmem:s1] =	stream.indirect.scatter.add.f32 [tilespmem:s15], [sflag:$0x3], $0x80, s19, s13, $0xb8;
	[tilespmem:$0x1E800] =	vst v63  }
0xa6: {  	_ =	swait.ge [sflag:s9], $0x4000  }
0xa7: {  	[sflag:s9] =	ssyncset.done $0x0  }
0xa8: {  	s19 =	simm.s32 $0x880;
	[sflag:s9] =	ssyncadd.s32 $0xFFFFC000  }
0xa9: {  	[tilespmem:s15], [sflag:$0x2] =	stream.indirect.gather [hbm4b:s4+s13], $0x80, s19, s13, $0xb8;
	[tilespmem:$0x1E800] =	vst v63  }
0xaa: {  	_ =	swait.ge [sflag:s16], $0x4000  }
0xab: {  	[sflag:s16] =	ssyncset.done $0x0  }
0xac: {  	s19 =	simm.s32 $0x1C00;
	[sflag:s16] =	ssyncadd.s32 $0xFFFFC000  }
0xad: {  	[spmem:s1] =	stream.indirect.scatter.add.f32 [tilespmem:s14], [sflag:$0x3], $0x80, s19, s13, $0xb8;
	[tilespmem:$0x1E800] =	vst v63  }
0xae: {  	_ =	swait.ge [sflag:s9], $0x4000  }
0xaf: {  	[sflag:s9] =	ssyncset.done $0x0  }
0xb0: {  	s19 =	simm.s32 $0x900;
	[sflag:s9] =	ssyncadd.s32 $0xFFFFC000  }
0xb1: {  	[tilespmem:s14], [sflag:$0x1] =	stream.indirect.gather [hbm4b:s4+s13], $0x80, s19, s13, $0xb8;
	[tilespmem:$0x1E800] =	vst v63  }
0xb2: {  	_ =	swait.ge [sflag:s18], $0x4000  }
0xb3: {  	[sflag:s18] =	ssyncset.done $0x0  }
0xb4: {  	s19 =	simm.s32 $0x1C80;
	[sflag:s18] =	ssyncadd.s32 $0xFFFFC000  }
0xb5: {  	[spmem:s1] =	stream.indirect.scatter.add.f32 [tilespmem:s15], [sflag:$0x3], $0x80, s19, s13, $0xb8;
	[tilespmem:$0x1E800] =	vst v63  }
0xb6: {  	_ =	swait.ge [sflag:s9], $0x4000  }
0xb7: {  	[sflag:s9] =	ssyncset.done $0x0  }
0xb8: {  	s19 =	simm.s32 $0x980;
	[sflag:s9] =	ssyncadd.s32 $0xFFFFC000  }
0xb9: {  	[tilespmem:s15], [sflag:$0x2] =	stream.indirect.gather [hbm4b:s4+s13], $0x80, s19, s13, $0xb8;
	[tilespmem:$0x1E800] =	vst v63  }
0xba: {  	_ =	swait.ge [sflag:s16], $0x4000  }
0xbb: {  	[sflag:s16] =	ssyncset.done $0x0  }
0xbc: {  	s19 =	simm.s32 $0x1D00;
	[sflag:s16] =	ssyncadd.s32 $0xFFFFC000  }
0xbd: {  	[spmem:s1] =	stream.indirect.scatter.add.f32 [tilespmem:s14], [sflag:$0x3], $0x80, s19, s13, $0xb8;
	[tilespmem:$0x1E800] =	vst v63  }
0xbe: {  	_ =	swait.ge [sflag:s9], $0x4000  }
0xbf: {  	[sflag:s9] =	ssyncset.done $0x0  }
0xc0: {  	s19 =	simm.s32 $0xA00;
	[sflag:s9] =	ssyncadd.s32 $0xFFFFC000  }
0xc1: {  	[tilespmem:s14], [sflag:$0x1] =	stream.indirect.gather [hbm4b:s4+s13], $0x80, s19, s13, $0xb8;
	[tilespmem:$0x1E800] =	vst v63  }
0xc2: {  	_ =	swait.ge [sflag:s18], $0x4000  }
0xc3: {  	[sflag:s18] =	ssyncset.done $0x0  }
0xc4: {  	s19 =	simm.s32 $0x1D80;
	[sflag:s18] =	ssyncadd.s32 $0xFFFFC000  }
0xc5: {  	[spmem:s1] =	stream.indirect.scatter.add.f32 [tilespmem:s15], [sflag:$0x3], $0x80, s19, s13, $0xb8;
	[tilespmem:$0x1E800] =	vst v63  }
0xc6: {  	_ =	swait.ge [sflag:s9], $0x4000  }
0xc7: {  	[sflag:s9] =	ssyncset.done $0x0  }
0xc8: {  	s19 =	simm.s32 $0xA80;
	[sflag:s9] =	ssyncadd.s32 $0xFFFFC000  }
0xc9: {  	[tilespmem:s15], [sflag:$0x2] =	stream.indirect.gather [hbm4b:s4+s13], $0x80, s19, s13, $0xb8;
	[tilespmem:$0x1E800] =	vst v63  }
0xca: {  	_ =	swait.ge [sflag:s16], $0x4000  }
0xcb: {  	[sflag:s16] =	ssyncset.done $0x0  }
0xcc: {  	s19 =	simm.s32 $0x1E00;
	[sflag:s16] =	ssyncadd.s32 $0xFFFFC000  }
0xcd: {  	[spmem:s1] =	stream.indirect.scatter.add.f32 [tilespmem:s14], [sflag:$0x3], $0x80, s19, s13, $0xb8;
	[tilespmem:$0x1E800] =	vst v63  }
0xce: {  	_ =	swait.ge [sflag:s9], $0x4000  }
0xcf: {  	[sflag:s9] =	ssyncset.done $0x0  }
0xd0: {  	s19 =	simm.s32 $0xB00;
	[sflag:s9] =	ssyncadd.s32 $0xFFFFC000  }
0xd1: {  	[tilespmem:s14], [sflag:$0x1] =	stream.indirect.gather [hbm4b:s4+s13], $0x80, s19, s13, $0xb8;
	[tilespmem:$0x1E800] =	vst v63  }
0xd2: {  	_ =	swait.ge [sflag:s18], $0x4000  }
0xd3: {  	[sflag:s18] =	ssyncset.done $0x0  }
0xd4: {  	s19 =	simm.s32 $0x1E80;
	[sflag:s18] =	ssyncadd.s32 $0xFFFFC000  }
0xd5: {  	[spmem:s1] =	stream.indirect.scatter.add.f32 [tilespmem:s15], [sflag:$0x3], $0x80, s19, s13, $0xb8;
	[tilespmem:$0x1E800] =	vst v63  }
0xd6: {  	_ =	swait.ge [sflag:s9], $0x4000  }
0xd7: {  	[sflag:s9] =	ssyncset.done $0x0  }
0xd8: {  	s19 =	simm.s32 $0xB80;
	[sflag:s9] =	ssyncadd.s32 $0xFFFFC000  }
0xd9: {  	[tilespmem:s15], [sflag:$0x2] =	stream.indirect.gather [hbm4b:s4+s13], $0x80, s19, s13, $0xb8;
	[tilespmem:$0x1E800] =	vst v63  }
0xda: {  	_ =	swait.ge [sflag:s16], $0x4000  }
0xdb: {  	[sflag:s16] =	ssyncset.done $0x0  }
0xdc: {  	s19 =	simm.s32 $0x1F00;
	[sflag:s16] =	ssyncadd.s32 $0xFFFFC000  }
0xdd: {  	[spmem:s1] =	stream.indirect.scatter.add.f32 [tilespmem:s14], [sflag:$0x3], $0x80, s19, s13, $0xb8;
	[tilespmem:$0x1E800] =	vst v63  }
0xde: {  	_ =	swait.ge [sflag:s9], $0x4000  }
0xdf: {  	[sflag:s9] =	ssyncset.done $0x0  }
0xe0: {  	s19 =	simm.s32 $0xC00;
	[sflag:s9] =	ssyncadd.s32 $0xFFFFC000  }
0xe1: {  	[tilespmem:s14], [sflag:$0x1] =	stream.indirect.gather [hbm4b:s4+s13], $0x80, s19, s13, $0xb8;
	[tilespmem:$0x1E800] =	vst v63  }
0xe2: {  	_ =	swait.ge [sflag:s18], $0x4000  }
0xe3: {  	[sflag:s18] =	ssyncset.done $0x0  }
0xe4: {  	s19 =	simm.s32 $0x1F80;
	[sflag:s18] =	ssyncadd.s32 $0xFFFFC000  }
0xe5: {  	[spmem:s1] =	stream.indirect.scatter.add.f32 [tilespmem:s15], [sflag:$0x3], $0x80, s19, s13, $0xb8;
	[tilespmem:$0x1E800] =	vst v63  }
0xe6: {  	_ =	swait.ge [sflag:s9], $0x4000  }
0xe7: {  	[sflag:s9] =	ssyncset.done $0x0  }
0xe8: {  	s19 =	simm.s32 $0xC80;
	[sflag:s9] =	ssyncadd.s32 $0xFFFFC000  }
0xe9: {  	[tilespmem:s15], [sflag:$0x2] =	stream.indirect.gather [hbm4b:s4+s13], $0x80, s19, s13, $0xb8;
	[tilespmem:$0x1E800] =	vst v63  }
0xea: {  	_ =	swait.ge [sflag:s16], $0x4000  }
0xeb: {  	[sflag:s16] =	ssyncset.done $0x0  }
0xec: {  	s19 =	simm.s32 $0x2000;
	[sflag:s16] =	ssyncadd.s32 $0xFFFFC000  }
0xed: {  	[spmem:s1] =	stream.indirect.scatter.add.f32 [tilespmem:s14], [sflag:$0x3], $0x80, s19, s13, $0xb8;
	[tilespmem:$0x1E800] =	vst v63  }
0xee: {  	_ =	swait.ge [sflag:s9], $0x4000  }
0xef: {  	[sflag:s9] =	ssyncset.done $0x0  }
0xf0: {  	s19 =	simm.s32 $0xD00;
	[sflag:s9] =	ssyncadd.s32 $0xFFFFC000  }
0xf1: {  	[tilespmem:s14], [sflag:$0x1] =	stream.indirect.gather [hbm4b:s4+s13], $0x80, s19, s13, $0xb8;
	[tilespmem:$0x1E800] =	vst v63  }
0xf2: {  	_ =	swait.ge [sflag:s18], $0x4000  }
0xf3: {  	[sflag:s18] =	ssyncset.done $0x0  }
0xf4: {  	s19 =	simm.s32 $0x2080;
	[sflag:s18] =	ssyncadd.s32 $0xFFFFC000  }
0xf5: {  	[spmem:s1] =	stream.indirect.scatter.add.f32 [tilespmem:s15], [sflag:$0x3], $0x80, s19, s13, $0xb8;
	[tilespmem:$0x1E800] =	vst v63  }
0xf6: {  	_ =	swait.ge [sflag:s9], $0x4000  }
0xf7: {  	[sflag:s9] =	ssyncset.done $0x0  }
0xf8: {  	s19 =	simm.s32 $0xD80;
	[sflag:s9] =	ssyncadd.s32 $0xFFFFC000  }
0xf9: {  	[tilespmem:s15], [sflag:$0x2] =	stream.indirect.gather [hbm4b:s4+s13], $0x80, s19, s13, $0xb8;
	[tilespmem:$0x1E800] =	vst v63  }
0xfa: {  	_ =	swait.ge [sflag:s16], $0x4000  }
0xfb: {  	[sflag:s16] =	ssyncset.done $0x0  }
0xfc: {  	s19 =	simm.s32 $0x2100;
	[sflag:s16] =	ssyncadd.s32 $0xFFFFC000  }
0xfd: {  	[spmem:s1] =	stream.indirect.scatter.add.f32 [tilespmem:s14], [sflag:$0x3], $0x80, s19, s13, $0xb8;
	[tilespmem:$0x1E800] =	vst v63  }
0xfe: {  	_ =	swait.ge [sflag:s9], $0x4000  }
0xff: {  	[sflag:s9] =	ssyncset.done $0x0  }
0x100: {  	s19 =	simm.s32 $0xE00;
	[sflag:s9] =	ssyncadd.s32 $0xFFFFC000  }
0x101: {  	[tilespmem:s14], [sflag:$0x1] =	stream.indirect.gather [hbm4b:s4+s13], $0x80, s19, s13, $0xb8;
	[tilespmem:$0x1E800] =	vst v63  }
0x102: {  	_ =	swait.ge [sflag:s18], $0x4000  }
0x103: {  	[sflag:s18] =	ssyncset.done $0x0  }
0x104: {  	s19 =	simm.s32 $0x2180;
	[sflag:s18] =	ssyncadd.s32 $0xFFFFC000  }
0x105: {  	[spmem:s1] =	stream.indirect.scatter.add.f32 [tilespmem:s15], [sflag:$0x3], $0x80, s19, s13, $0xb8;
	[tilespmem:$0x1E800] =	vst v63  }
0x106: {  	_ =	swait.ge [sflag:s9], $0x4000  }
0x107: {  	[sflag:s9] =	ssyncset.done $0x0  }
0x108: {  	s19 =	simm.s32 $0xE80;
	[sflag:s9] =	ssyncadd.s32 $0xFFFFC000  }
0x109: {  	[tilespmem:s15], [sflag:$0x2] =	stream.indirect.gather [hbm4b:s4+s13], $0x80, s19, s13, $0xb8;
	[tilespmem:$0x1E800] =	vst v63  }
0x10a: {  	_ =	swait.ge [sflag:s16], $0x4000  }
0x10b: {  	[sflag:s16] =	ssyncset.done $0x0  }
0x10c: {  	s19 =	simm.s32 $0x2200;
	[sflag:s16] =	ssyncadd.s32 $0xFFFFC000  }
0x10d: {  	[spmem:s1] =	stream.indirect.scatter.add.f32 [tilespmem:s14], [sflag:$0x3], $0x80, s19, s13, $0xb8;
	[tilespmem:$0x1E800] =	vst v63  }
0x10e: {  	_ =	swait.ge [sflag:s9], $0x4000  }
0x10f: {  	[sflag:s9] =	ssyncset.done $0x0  }
0x110: {  	s19 =	simm.s32 $0xF00;
	[sflag:s9] =	ssyncadd.s32 $0xFFFFC000  }
0x111: {  	[tilespmem:s14], [sflag:$0x1] =	stream.indirect.gather [hbm4b:s4+s13], $0x80, s19, s13, $0xb8;
	[tilespmem:$0x1E800] =	vst v63  }
0x112: {  	_ =	swait.ge [sflag:s18], $0x4000  }
0x113: {  	[sflag:s18] =	ssyncset.done $0x0  }
0x114: {  	s19 =	simm.s32 $0x2280;
	[sflag:s18] =	ssyncadd.s32 $0xFFFFC000  }
0x115: {  	[spmem:s1] =	stream.indirect.scatter.add.f32 [tilespmem:s15], [sflag:$0x3], $0x80, s19, s13, $0xb8;
	[tilespmem:$0x1E800] =	vst v63  }
0x116: {  	_ =	swait.ge [sflag:s9], $0x4000  }
0x117: {  	[sflag:s9] =	ssyncset.done $0x0  }
0x118: {  	s19 =	simm.s32 $0xF80;
	[sflag:s9] =	ssyncadd.s32 $0xFFFFC000  }
0x119: {  	[tilespmem:s15], [sflag:$0x2] =	stream.indirect.gather [hbm4b:s4+s13], $0x80, s19, s13, $0xb8;
	[tilespmem:$0x1E800] =	vst v63  }
0x11a: {  	_ =	swait.ge [sflag:s16], $0x4000  }
0x11b: {  	[sflag:s16] =	ssyncset.done $0x0  }
0x11c: {  	s19 =	simm.s32 $0x2300;
	[sflag:s16] =	ssyncadd.s32 $0xFFFFC000  }
0x11d: {  	[spmem:s1] =	stream.indirect.scatter.add.f32 [tilespmem:s14], [sflag:$0x3], $0x80, s19, s13, $0xb8;
	[tilespmem:$0x1E800] =	vst v63  }
0x11e: {  	_ =	swait.ge [sflag:s9], $0x4000  }
0x11f: {  	[sflag:s9] =	ssyncset.done $0x0  }
0x120: {  	[sflag:s9] =	ssyncadd.s32 $0xFFFFC000  }
0x121: {  	[tilespmem:s14], [sflag:$0x1] =	stream.indirect.gather [hbm4b:s4+s13], $0x80, s30, s13, $0xb8;
	[tilespmem:$0x1E800] =	vst v63  }
0x122: {  	_ =	swait.ge [sflag:s18], $0x4000  }
0x123: {  	[sflag:s18] =	ssyncset.done $0x0  }
0x124: {  	[sflag:s18] =	ssyncadd.s32 $0xFFFFC000  }
0x125: {  	[spmem:s1] =	stream.indirect.scatter.add.f32 [tilespmem:s15], [sflag:$0x3], $0x80, s31, s13, $0xb8;
	[tilespmem:$0x1E800] =	vst v63  }
0x126: {  	_ =	swait.ge [sflag:s9], $0x4000  }
0x127: {  	[sflag:s9] =	ssyncset.done $0x0  }
0x128: {  	[sflag:s9] =	ssyncadd.s32 $0xFFFFC000  }
0x129: {  	[tilespmem:s15], [sflag:$0x2] =	stream.indirect.gather [hbm4b:s4+s13], $0x80, s0, s13, $0xb8;
	[tilespmem:$0x1E800] =	vst v63  }
0x12a: {  	_ =	swait.ge [sflag:s16], $0x4000  }
0x12b: {  	[sflag:s16] =	ssyncset.done $0x0  }
0x12c: {  	[sflag:s16] =	ssyncadd.s32 $0xFFFFC000  }
0x12d: {  	[spmem:s1] =	stream.indirect.scatter.add.f32 [tilespmem:s14], [sflag:$0x3], $0x80, s3, s13, $0xb8;
	[tilespmem:$0x1E800] =	vst v63  }
0x12e: {  	_ =	swait.ge [sflag:s9], $0x4000  }
0x12f: {  	[sflag:s9] =	ssyncset.done $0x0  }
0x130: {  	[sflag:s9] =	ssyncadd.s32 $0xFFFFC000  }
0x131: {  	[tilespmem:s14], [sflag:$0x1] =	stream.indirect.gather [hbm4b:s4+s13], $0x80, s5, s13, $0xb8;
	[tilespmem:$0x1E800] =	vst v63  }
0x132: {  	_ =	swait.ge [sflag:s18], $0x4000  }
0x133: {  	[sflag:s18] =	ssyncset.done $0x0  }
0x134: {  	[sflag:s18] =	ssyncadd.s32 $0xFFFFC000  }
0x135: {  	[spmem:s1] =	stream.indirect.scatter.add.f32 [tilespmem:s15], [sflag:$0x3], $0x80, s7, s13, $0xb8;
	[tilespmem:$0x1E800] =	vst v63  }
0x136: {  	_ =	swait.ge [sflag:s9], $0x4000  }
0x137: {  	[sflag:s9] =	ssyncset.done $0x0  }
0x138: {  	[sflag:s9] =	ssyncadd.s32 $0xFFFFC000  }
0x139: {  	[tilespmem:s15], [sflag:$0x2] =	stream.indirect.gather [hbm4b:s4+s13], $0x80, s24, s13, $0xb8;
	[tilespmem:$0x1E800] =	vst v63  }
0x13a: {  	_ =	swait.ge [sflag:s16], $0x4000  }
0x13b: {  	[sflag:s16] =	ssyncset.done $0x0  }
0x13c: {  	[sflag:s16] =	ssyncadd.s32 $0xFFFFC000  }
0x13d: {  	[spmem:s1] =	stream.indirect.scatter.add.f32 [tilespmem:s14], [sflag:$0x3], $0x80, s6, s13, $0xb8;
	[tilespmem:$0x1E800] =	vst v63  }
0x13e: {  	_ =	swait.ge [sflag:s9], $0x4000  }
0x13f: {  	[sflag:s9] =	ssyncset.done $0x0  }
0x140: {  	[sflag:s9] =	ssyncadd.s32 $0xFFFFC000  }
0x141: {  	[tilespmem:s14], [sflag:$0x1] =	stream.indirect.gather [hbm4b:s4+s13], $0x80, s8, s13, $0xb8;
	[tilespmem:$0x1E800] =	vst v63  }
0x142: {  	_ =	swait.ge [sflag:s18], $0x4000  }
0x143: {  	[sflag:s18] =	ssyncset.done $0x0  }
0x144: {  	[sflag:s18] =	ssyncadd.s32 $0xFFFFC000  }
0x145: {  	[spmem:s1] =	stream.indirect.scatter.add.f32 [tilespmem:s15], [sflag:$0x3], $0x80, s20, s13, $0xb8;
	[tilespmem:$0x1E800] =	vst v63  }
0x146: {  	_ =	swait.ge [sflag:s9], $0x4000  }
0x147: {  	[sflag:s9] =	ssyncset.done $0x0  }
0x148: {  	[sflag:s9] =	ssyncadd.s32 $0xFFFFC000  }
0x149: {  	[tilespmem:s15], [sflag:$0x2] =	stream.indirect.gather [hbm4b:s4+s13], $0x80, s21, s13, $0xb8;
	[tilespmem:$0x1E800] =	vst v63  }
0x14a: {  	_ =	swait.ge [sflag:s16], $0x4000  }
0x14b: {  	[sflag:s16] =	ssyncset.done $0x0  }
0x14c: {  	[sflag:s16] =	ssyncadd.s32 $0xFFFFC000  }
0x14d: {  	[spmem:s1] =	stream.indirect.scatter.add.f32 [tilespmem:s14], [sflag:$0x3], $0x80, s22, s13, $0xb8;
	[tilespmem:$0x1E800] =	vst v63  }
0x14e: {  	_ =	swait.ge [sflag:s9], $0x4000  }
0x14f: {  	[sflag:s9] =	ssyncset.done $0x0  }
0x150: {  	[sflag:s9] =	ssyncadd.s32 $0xFFFFC000  }
0x151: {  	[tilespmem:s14], [sflag:$0x1] =	stream.indirect.gather [hbm4b:s4+s13], $0x80, s23, s13, $0xb8;
	[tilespmem:$0x1E800] =	vst v63  }
0x152: {  	_ =	swait.ge [sflag:s18], $0x4000  }
0x153: {  	[sflag:s18] =	ssyncset.done $0x0  }
0x154: {  	[sflag:s18] =	ssyncadd.s32 $0xFFFFC000  }
0x155: {  	[spmem:s1] =	stream.indirect.scatter.add.f32 [tilespmem:s15], [sflag:$0x3], $0x80, s25, s13, $0xb8;
	[tilespmem:$0x1E800] =	vst v63  }
0x156: {  	_ =	swait.ge [sflag:s9], $0x4000  }
0x157: {  	[sflag:s9] =	ssyncset.done $0x0  }
0x158: {  	[sflag:s9] =	ssyncadd.s32 $0xFFFFC000  }
0x159: {  	[tilespmem:s15], [sflag:$0x2] =	stream.indirect.gather [hbm4b:s4+s13], $0x80, s26, s13, $0xb8;
	[tilespmem:$0x1E800] =	vst v63  }
0x15a: {  	_ =	swait.ge [sflag:s16], $0x4000  }
0x15b: {  	[sflag:s16] =	ssyncset.done $0x0  }
0x15c: {  	[sflag:s16] =	ssyncadd.s32 $0xFFFFC000  }
0x15d: {  	[spmem:s1] =	stream.indirect.scatter.add.f32 [tilespmem:s14], [sflag:$0x3], $0x80, s28, s13, $0xb8;
	[tilespmem:$0x1E800] =	vst v63  }
0x15e: {  	_ =	swait.ge [sflag:s9], $0x4000  }
0x15f: {  	[sflag:s9] =	ssyncset.done $0x0  }
0x160: {  	[sflag:s9] =	ssyncadd.s32 $0xFFFFC000  }
0x161: {  	_ =	swait.ge [sflag:s18], $0x4000  }
0x162: {  	p1 =	por p0, p0;
	[sflag:s18] =	ssyncset.done $0x0  }
.Ltmp0:
0x163: {  	[sflag:s18] =	ssyncadd.s32 $0xFFFFC000;
	(pc) =	sbr.rel @p1 .LBB2_2-.Ltmp0, $4  }
0x164: {  	[spmem:s1] =	stream.indirect.scatter.add.f32 [tilespmem:s15], [sflag:$0x3], $0x80, s29, s13, $0xb8;
	[tilespmem:$0x1E800] =	vst v63  }
0x165: {  	_ =	swait.ge [sflag:s9], $0x4000  }
0x166: {  	[sflag:s9] =	ssyncset.done $0x0  }
0x167: {  	p0 =	por $0x0, $0x0;
	[sflag:s9] =	ssyncadd.s32 $0xFFFFC000  }
0x168: {  	[bflag:$0x0] =	sbarrier.arrive $0xFFFF  }
0x169: {  	s19 =	rddreg [dreg:$0x5]  }
0x16a: {  	s20 =	rddreg [dreg:$0x7]  }
0x16b: {  	s17 =	rddreg [dreg:$0x8]  }
0x16c: {  	[hbm:s17], [sflag:s19] =	dma.local [spmem:s20], $0x2800  }
0x16d: {  	_ =	swait.ge [sflag:s9], $0x2800  }
0x16e: {  	s0 =	rddreg [dreg:$0x9]  }
0x16f: {  	s17 =	rddreg [dreg:$0x6];
	s0 =	sadd.s32 $0x1, s0  }
0x170: {  	p0 =	sne.s32 s0, s17  }
.Ltmp1:
0x171: {  	_ = 	snop;
	(pc) =	sbr.rel @p0 .LBB2_1-.Ltmp1, $3  }
0x172: {  	_ =	sdelay $0x1  }
0x173: {  	[sflag:s9] =	ssyncset.done $0x0  }
0x174: {  	[sflag:s9] =	ssyncadd.s32 $0xFFFFD800  }
0x175: {  	_ =	sfence.sel $0x180000  }
0x176: {  	[bflag:$0x0] =	sbarrier.arrive $0xFFFF  }
0x177: {  	_ =	strace $0x9000004A  }
0x178: {  	s0 =	stileid.u32;
	[bflag:$0x2] =	sbarrier.arrive $0xFFFF  }
0x179: {  	p0 =	sne.s32 s0, $0x0;
	s0 =	rddreg [dreg:$0x3]  }
0x17a: {  	s0 =	sadd.s32 @!p0 $0x100000, s0  }
0x17b: {  	[sflag:s0] =	ssyncadd.tile.s32 @!p0 $0x1;
	_ =	shalt  }
.Lfunc_end2:
_tile_overlayer_lowered:
.L_overlay_start_2:
0x17c: {  	(tag) =	ssettag $0x2  }
0x17d: {  	s0 =	rddreg [dreg:$0x0];
	s2 =	stileid.u32  }
0x17e: {  	s1 =	rddreg [dreg:$0x1];
	p0 =	sne.s32 s2, $0x0  }
0x17f: {  	s3 =	rddreg [dreg:$0x2];
	[bflag:$0x3] =	sbarrier.arrive $0xFFFF;
	s2 =	simm.s32 @!p0 $0x1C03  }
0x180: {  	[timem:s3], [sflag:s2] =	dma.local @!p0 [hbm:s0], s1  }
0x181: {  	s0 =	simm.s32 @!p0 $0x3  }
0x182: {  	_ =	swait.ge @!p0 [sflag:s0], s1  }
0x183: {  	s1 =	ssub.s32 @!p0 $0x0, s1;
	[sflag:s0] =	ssyncset.done @!p0 $0x0  }
0x184: {  	[sflag:s0] =	ssyncadd.s32 @!p0 s1  }
0x185: {  	[bflag:$0x3] =	sbarrier.arrive $0xFFFF  }
0x186: {  	_ =	shalt  }

// kernel: kernel.14.cloned.1.call-start
scs
__scs_entry_jumppad:
0x0: {  	(pc) =	sbr.rel $0x88, $3  }
0x1: {  	(tag) =	ssettag $0x0;
	lr =	simm.s32 $0x1  }
0x2: {  	[smem:$0x3F9D] =	sst lr;
	_ =	strace $0xD0000000  }
0x3: {  	_ = 	snop  }
0x4: {  	_ = 	snop  }
0x5: {  	_ = 	snop  }
0x6: {  	_ = 	snop  }
0x7: {  	_ = 	snop  }
__scs_overlays_trampoline_lowered:
0x8: {  	[smem:$0x3FAC] =	sst s0  }
0x9: {  	[smem:$0x3FAD] =	sst s1  }
0xa: {  	[smem:$0x3FAE] =	sst s2  }
0xb: {  	[smem:$0x3FAF] =	sst s3  }
0xc: {  	[smem:$0x3FB0] =	sst s4  }
0xd: {  	[smem:$0x3FB1] =	sst s5  }
0xe: {  	[smem:$0x3FB2] =	sst s6  }
0xf: {  	[smem:$0x3FB3] =	sst s7  }
0x10: {  	[smem:$0x3FB4] =	sst s8  }
0x11: {  	[smem:$0x3FB5] =	sst s9;
	s0 =	simm.s32 @!p0 $0x0  }
0x12: {  	s1 =	sld [smem:$0x3F9B];
	s0 =	simm.s32 @p0 $0x1  }
0x13: {  	[smem:$0x3FB6] =	sst s0;
	s0 =	simm.s32 @!p1 $0x0  }
0x14: {  	s2 =	sld [smem:$0x3F9A];
	s0 =	simm.s32 @p1 $0x1  }
0x15: {  	[smem:$0x3FB7] =	sst s0;
	s0 =	simm.s32 @!p2 $0x0  }
0x16: {  	s3 =	sld [smem:$0x3FDB];
	s0 =	simm.s32 @p2 $0x1  }
0x17: {  	s4 =	simm.s32 $0x1BF5;
	[smem:$0x3FB9] =	sst s0  }
0x18: {  	s0 =	sld [smem:$0x3F9C];
	_ =	swait.ge [sflag:s4], $0x0  }
0x19: {  	s7 =	sld [smem:$0x3F9D]  }
0x1a: {  	s8 =	sadd.s32 $0xFFFFE003, lr  }
0x1b: {  	s9 =	sadd.s32 $0xFFFFFEF7, lr;
	s5 =	simm.s32 $0xFFFFFFFF;
	p2 =	slt.u32 s8, $0xFFFFF086  }
0x1c: {  	p1 =	slt.u32 s9, $0xF7A;
	s5 =	simm.s32 @!p2 $0x0  }
0x1d: {  	s5 =	simm.s32 @p1 $0x1;
	p0 =	seq.s32 s7, s2  }
0x1e: {  	s7 =	smul.u32 @!p0 $0xF7A, s2;
	p2 =	seq.s32 @!p0 s5, $0x0  }
0x1f: {  	s9 =	smul.u32 $0xF7A, s1;
	s8 =	simm.s32 @!p0 $0x1BF5;
	p2 =	por !p2, p0  }
0x20: {  	[sflag:s8] =	ssyncset.s32 @!p0 $0xFFFFF086;
	s6 =	sadd.s32 @!p0 s3, s7;
	s7 =	simm.s32 @!p0 $0x108  }
0x21: {  	s3 =	sadd.s32 s3, s9;
	s6 =	sadd.s32 @!p0 $0x88, s6;
	s7 =	simm.s32 @p2 $0x1082  }
0x22: {  	[simem:s7], [sflag:s8] =	dma.local @!p0 [hbm:s6], $0xF7A  }
0x23: {  	s9 =	sor.u32 $0xD0000000, s2;
	s6 =	simm.s32 $0x108;
	_ =	swait.ge @!p0 [sflag:s8], $0x0  }
0x24: {  	s3 =	sadd.s32 $0x88, s3;
	s6 =	simm.s32 @!p1 $0x1082;
	[sflag:s4] =	ssyncset.s32 $0xFFFFF086  }
0x25: {  	[simem:s6], [sflag:s4] =	dma.local [hbm:s3], $0xF7A  }
0x26: {  	[smem:$0x3F9D] =	sst s1;
	(tag) =	ssettag s2;
	_ =	strace s9  }
0x27: {  	s1 =	sld [smem:$0x3FAD]  }
0x28: {  	s2 =	sld [smem:$0x3FAE]  }
0x29: {  	s4 =	sld [smem:$0x3FB0]  }
0x2a: {  	p0 =	seq.s32 s5, $0x0;
	s5 =	sld [smem:$0x3FB1]  }
0x2b: {  	s6 =	sld [smem:$0x3FB2]  }
0x2c: {  	s7 =	sld [smem:$0x3FB3]  }
0x2d: {  	s3 =	simm.s32 $0x108;
	s8 =	sld [smem:$0x3FB4]  }
0x2e: {  	s3 =	simm.s32 @!p0 $0x1082;
	s9 =	sld [smem:$0x3FB5]  }
0x2f: {  	lr =	sadd.s32 s0, s3;
	s0 =	sld [smem:$0x3FAC]  }
0x30: {  	s3 =	sld [smem:$0x3FAF]  }
0x31: {  	[smem:$0x3FB8] =	sst s10  }
0x32: {  	s10 =	sld [smem:$0x3FB6];
	_ =	sdelay $0x3  }
0x33: {  	p0 =	seq.s32 s10, $0x1;
	s10 =	sld [smem:$0x3FB8];
	_ =	sdelay $0x3  }
0x34: {  	[smem:$0x3FB8] =	sst s10  }
0x35: {  	s10 =	sld [smem:$0x3FB7];
	_ =	sdelay $0x3  }
0x36: {  	p1 =	seq.s32 s10, $0x1;
	s10 =	sld [smem:$0x3FB8];
	_ =	sdelay $0x3  }
0x37: {  	[smem:$0x3FB8] =	sst s10  }
0x38: {  	s10 =	sld [smem:$0x3FB9]  }
0x39: {  	_ = 	snop;
	(pc) =	sbr.ind lr, $3  }
0x3a: {  	_ = 	snop  }
0x3b: {  	_ = 	snop  }
0x3c: {  	p2 =	seq.s32 s10, $0x1;
	s10 =	sld [smem:$0x3FB8]  }
0x3d: {  	_ =	shalt  }
0x3e: {  	_ =	shalt  }
0x3f: {  	_ =	shalt  }
0x40: {  	_ =	shalt  }
0x41: {  	_ =	shalt  }
0x42: {  	_ =	shalt  }
0x43: {  	_ =	shalt  }
0x44: {  	_ =	shalt  }
0x45: {  	_ =	shalt  }
0x46: {  	_ =	shalt  }
0x47: {  	_ =	shalt  }
0x48: {  	_ =	shalt  }
0x49: {  	_ =	shalt  }
0x4a: {  	_ =	shalt  }
0x4b: {  	_ =	shalt  }
0x4c: {  	_ =	shalt  }
0x4d: {  	_ =	shalt  }
0x4e: {  	_ =	shalt  }
0x4f: {  	_ =	shalt  }
0x50: {  	_ =	shalt  }
0x51: {  	_ =	shalt  }
0x52: {  	_ =	shalt  }
0x53: {  	_ =	shalt  }
0x54: {  	_ =	shalt  }
0x55: {  	_ =	shalt  }
0x56: {  	_ =	shalt  }
0x57: {  	_ =	shalt  }
0x58: {  	_ =	shalt  }
0x59: {  	_ =	shalt  }
0x5a: {  	_ =	shalt  }
0x5b: {  	_ =	shalt  }
0x5c: {  	_ =	shalt  }
0x5d: {  	_ =	shalt  }
0x5e: {  	_ =	shalt  }
0x5f: {  	_ =	shalt  }
0x60: {  	_ =	shalt  }
0x61: {  	_ =	shalt  }
0x62: {  	_ =	shalt  }
0x63: {  	_ =	shalt  }
0x64: {  	_ =	shalt  }
0x65: {  	_ =	shalt  }
0x66: {  	_ =	shalt  }
0x67: {  	_ =	shalt  }
0x68: {  	_ =	shalt  }
0x69: {  	_ =	shalt  }
0x6a: {  	_ =	shalt  }
0x6b: {  	_ =	shalt  }
0x6c: {  	_ =	shalt  }
0x6d: {  	_ =	shalt  }
0x6e: {  	_ =	shalt  }
0x6f: {  	_ =	shalt  }
0x70: {  	_ =	shalt  }
0x71: {  	_ =	shalt  }
0x72: {  	_ =	shalt  }
0x73: {  	_ =	shalt  }
0x74: {  	_ =	shalt  }
0x75: {  	_ =	shalt  }
0x76: {  	_ =	shalt  }
0x77: {  	_ =	shalt  }
0x78: {  	_ =	shalt  }
0x79: {  	_ =	shalt  }
0x7a: {  	_ =	shalt  }
0x7b: {  	_ =	shalt  }
0x7c: {  	_ =	shalt  }
0x7d: {  	_ =	shalt  }
0x7e: {  	_ =	shalt  }
0x7f: {  	_ =	shalt  }
0x80: {  	_ =	shalt  }
0x81: {  	_ =	shalt  }
0x82: {  	_ =	shalt  }
0x83: {  	_ =	shalt  }
0x84: {  	_ =	shalt  }
0x85: {  	_ =	shalt  }
0x86: {  	_ =	shalt  }
0x87: {  	_ =	shalt  }
.Lfunc_end0:
.L_simem_size_0:
called_computation.2_lowered:
.L_overlay_start_0:
0x88: {  	s2 =	sld [smem:$0x3FD9]  }
0x89: {  	s3 =	sld [smem:$0x3FFE];
	_ =	sdelay $0x1  }
0x8a: {  	s1 =	srdreg.scid  }
0x8b: {  	s0 =	sand.u32 $0x1, s1  }
0x8c: {  	s17 =	sshll.u32 s0, $0xA;
	s2 =	sadd.s32 s3, s2  }
0x8d: {  	s2 =	sadd.s32 s2, s17  }
0x8e: {  	[smem:$0x3FC4] =	sst s2  }
0x8f: {  	_ = 	snop  }
0x90: {  	s2 =	sld [smem:$0x3FD0];
	(tm) =	ssettm $0x1  }
0x91: {  	s18 =	sld [smem:$0x3FFB];
	_ =	sdelay $0x3  }
0x92: {  	_ =	strace s18  }
0x93: {  	s3 =	sld [smem:$0x3FFC];
	_ =	sdelay $0x3  }
0x94: {  	_ =	strace s3  }
0x95: {  	s3 =	sld [smem:$0x3FFD];
	_ =	sdelay $0x3  }
0x96: {  	_ =	strace s3  }
0x97: {  	_ =	strace $0x8FFFFFFF  }
0x98: {  	s19 =	sld [smem:$0x3FDB];
	_ =	sdelay $0x1  }
0x99: {  	s4 =	simm.s32 $_scs_section_size  }
0x9a: {  	s5 =	simm.s32 $_size__tile_overlayer_lowered;
	s6 =	simm.s32 $_tile_overlayer_lowered  }
0x9b: {  	s22 =	simm.s32 $0x1BFF;
	s21 =	sshll.u32 s6, $0x1;
	s3 =	sadd.s32 s4, s19  }
0x9c: {  	s7 =	simm.s32 $0x0;
	s20 =	sshll.u32 s5, $0x1;
	s5 =	sadd.s32 s21, s3  }
0x9d: {  	[timem:s7], [sflag:s22] =	dma.local [hbm:s5], s20  }
0x9e: {  	_ =	swait.ge [sflag:s22], s20  }
0x9f: {  	s4 =	ssub.s32 $0x0, s20;
	[sflag:s22] =	ssyncset.done $0x0  }
0xa0: {  	[sflag:s22] =	ssyncadd.s32 s4;
	_ =	sdelay $0x1  }
0xa1: {  	s23 =	simm.s32 $0x1B8B  }
0xa2: {  	_ =	swait.ge [sflag:s23], $0x1  }
0xa3: {  	[sflag:s23] =	ssyncset.done $0x0  }
0xa4: {  	s25 =	simm.s32 $0x1B8E;
	s24 =	sld [smem:$0x3FFE];
	[sflag:s23] =	ssyncadd.s32 $0xFFFFFFFF  }
0xa5: {  	s26 =	simm.s32 $execute0_lowered;
	[smem:$0x3FD2] =	sst s25  }
0xa6: {  	s5 =	sshll.u32 s26, $0x1;
	_ =	strace $0x8000004C;
	[dreg:$0x1] =	wrdreg $0xFFFFFFFF  }
0xa7: {  	s28 =	simm.s32 $_size_execute0_lowered;
	s3 =	sadd.s32 s3, s5;
	[dreg:$0x0] =	wrdreg $0x0  }
0xa8: {  	s5 =	sshll.u32 s28, $0x1;
	[dreg:$0x2] =	wrdreg s3  }
0xa9: {  	[dreg:$0x3] =	wrdreg s5  }
0xaa: {  	[dreg:$0x4] =	wrdreg $0xC0  }
0xab: {  	_ =	task [dreg:s7], $0x5FFFF  }
0xac: {  	[dreg:$0x1] =	wrdreg $0xFFFFFFFF  }
0xad: {  	[dreg:$0x0] =	wrdreg $0x60  }
0xae: {  	[dreg:$0x2] =	wrdreg s24  }
0xaf: {  	[dreg:$0x3] =	wrdreg s2  }
0xb0: {  	[dreg:$0x4] =	wrdreg $0xA8000  }
0xb1: {  	[dreg:$0x5] =	wrdreg $0x9  }
0xb2: {  	_ =	task.clear_ibuf [dreg:s7], $0x6FFFF;
	_ =	strace $0x9000004C  }
0xb3: {  	s29 =	simm.s32 $0x9;
	_ =	strace $0x8000004E  }
0xb4: {  	_ =	swait.ge [sflag:s29], $0x1  }
0xb5: {  	[sflag:s29] =	ssyncadd.s32 $0xFFFFFFFF  }
0xb6: {  	_ =	strace $0x9000004E  }
0xb7: {  	_ =	sfence  }
0xb8: {  	s30 =	sld [smem:$0x0];
	_ =	sdelay $0x2  }
0xb9: {  	s31 =	sshll.u32 s1, $0xD;
	s1 =	sshrl.u32 s1, $0x2  }
0xba: {  	s3 =	sand.u32 $0x4000, s31;
	s1 =	sadd.s32 s1, s30  }
0xbb: {  	s0 =	sor.u32 s3, s0;
	s1 =	sshll.u32 s1, $0x11  }
0xbc: {  	s0 =	sor.u32 s1, s0  }
0xbd: {  	s0 =	sadd.s32 $0x8F2B, s0  }
0xbe: {  	[sflag:s0] =	ssyncadd.remote.s32 $0x1  }
0xbf: {  	_ =	sfence.sel $0xFFFF  }
0xc0: {  	[dreg:$0x0] =	wrdreg $0xFFFFFFFF;
	(pc) =	sbr.abs _section_cstart, $3  }
0xc1: {  	[dreg:$0x1] =	wrdreg $0xFFFFFFFF  }
0xc2: {  	_ =	task.clear_ibuf [dreg:s7], $0x2FFFF;
	_ =	strace $0x9FFFFFFF  }
0xc3: {  	(tm) =	ssettm $0x7FFFFFFF  }
tec
execute0_lowered:
.L_overlay_start_1:
0x0: {  	(tag) =	ssettag $0x1  }
0x1: {  	s0 =	rddreg [dreg:$0x0]  }
0x2: {  	s3 =	rddreg [dreg:$0x1]  }
0x3: {  	s1 =	rddreg [dreg:$0x2];
	s2 =	simm.s32 $0x0  }
0x4: {  	s4 =	srdreg.scid;
	s10 =	stileid.u32;
	s12 =	simm.s32 $0x1400  }
0x5: {  	s13 =	simm.s32 $0x80;
	s14 =	simm.s32 $0x2800;
	s15 =	simm.s32 $0x6800  }
0x6: {  	s16 =	simm.s32 $0x1;
	s18 =	simm.s32 $0x2;
	s30 =	simm.s32 $0x1000  }
0x7: {  	s31 =	simm.s32 $0x2380;
	s21 =	simm.s32 $0x1280;
	s9 =	smul.u32 $0x50000, s10  }
0x8: {  	s22 =	simm.s32 $0x2600;
	s28 =	simm.s32 $0x2700;
	s17 =	smul.u32 $0x2800, s10  }
0x9: {  	s29 =	simm.s32 $0x2780;
	s5 =	sand.u32 $0x1, s4;
	s26 =	smul.u32 $0x500, s10  }
0xa: {  	[smem:$0x7FF] =	sst s2;
	s4 =	sadd.s32 $0xC400, s0;
	s6 =	smul.u32 $0x5000, s5  }
0xb: {  	s25 =	sshll.u32 s10, $0x6;
	_ =	strace $0x8000004D;
	s7 =	smul.u32 $0x28000, s5  }
0xc: {  	s5 =	ssub.s32 $0x2, s5;
	s19 =	sor.u32 $0x1C03, s25;
	s25 =	simm.s32 $0x2680  }
0xd: {  	s23 =	sshrl.u32 s5, $0x1;
	s24 =	sshrl.u32 s9, $0x2;
	s11 =	sadd.s32 s4, s17  }
0xe: {  	s9 =	simm.s32 $0x3;
	[dreg:$0x5] =	wrdreg s19;
	s8 =	sadd.s32 s6, s0  }
0xf: {  	s0 =	sadd.s32 s7, s0;
	s5 =	ssub.s32 s5, s23;
	s7 =	sadd.s32 s24, s1  }
0x10: {  	[dreg:$0x4] =	wrdreg s11;
	s3 =	sadd.s32 s3, s6;
	s24 =	simm.s32 $0x1180  }
0x11: {  	s6 =	simm.s32 $0x2500;
	s23 =	simm.s32 $0x1300;
	s8 =	sadd.s32 $0x2400, s8  }
0x12: {  	s0 =	sadd.s32 $0x34400, s0;
	s5 =	smax.u32 s5, $0x1;
	s20 =	sshrl.u32 s7, $0x3  }
0x13: {  	s11 =	sadd.s32 s26, s3;
	s3 =	simm.s32 $0x2400;
	s7 =	simm.s32 $0x2480  }
0x14: {  	[dreg:$0x6] =	wrdreg s5;
	s10 =	sadd.s32 s26, s8;
	s0 =	sadd.s32 s17, s0  }
0x15: {  	[dreg:$0x7] =	wrdreg s20;
	s5 =	simm.s32 $0x1100;
	s8 =	simm.s32 $0x1200  }
0x16: {  	s26 =	simm.s32 $0x1380;
	[dreg:$0x8] =	wrdreg s0;
	s0 =	simm.s32 $0x0  }
.LBB2_1:
0x17: {  	[dreg:$0x9] =	wrdreg s0  }
0x18: {  	s17 =	rddreg [dreg:$0x4]  }
0x19: {  	[spmem:s20], [sflag:s19] =	dma.local [hbm:s17], $0x2800  }
0x1a: {  	_ =	swait.ge [sflag:s9], $0x2800  }
0x1b: {  	[sflag:s9] =	ssyncset.done $0x0  }
0x1c: {  	p0 =	por $0x1, $0x1;
	s0 =	simm.s32 $0x1080;
	[sflag:s9] =	ssyncadd.s32 $0xFFFFD800  }
0x1d: {  	s17 =	simm.s32 $0x0;
	s20 =	simm.s32 $0x2580;
	[bflag:$0x0] =	sbarrier.arrive $0xFFFF  }
.LBB2_2:
0x1e: {  	s19 =	sadd.s32 s17, s10  }
0x1f: {  	[tilespmem:s2], [sflag:$0x3] =	stream.linear.gather [hbm4b:s19+s2], $0x1400, $0x38;
	[tilespmem:$0x1E800] =	vst v63  }
0x20: {  	_ =	swait.ge [sflag:s9], $0x1400  }
0x21: {  	[sflag:s9] =	ssyncset.done $0x0  }
0x22: {  	s19 =	sadd.s32 s17, s11;
	[sflag:s9] =	ssyncadd.s32 $0xFFFFEC00  }
0x23: {  	[tilespmem:s12], [sflag:$0x3] =	stream.linear.gather [hbm4b:s19+s2], $0x1400, $0x38;
	[tilespmem:$0x1E800] =	vst v63  }
0x24: {  	_ =	swait.ge [sflag:s9], $0x1400  }
0x25: {  	[sflag:s9] =	ssyncset.done $0x0  }
0x26: {  	[sflag:s9] =	ssyncadd.s32 $0xFFFFEC00  }
0x27: {  	[tilespmem:s14], [sflag:$0x1] =	stream.indirect.gather [hbm4b:s4+s13], $0x80, s2, s13, $0xb8;
	[tilespmem:$0x1E800] =	vst v63  }
0x28: {  	_ = 	snop  }
0x29: {  	[tilespmem:s15], [sflag:$0x2] =	stream.indirect.gather [hbm4b:s4+s13], $0x80, s13, s13, $0xb8;
	[tilespmem:$0x1E800] =	vst v63  }
0x2a: {  	_ =	swait.ge [sflag:s16], $0x4000  }
0x2b: {  	[sflag:s16] =	ssyncset.done $0x0  }
0x2c: {  	[sflag:s16] =	ssyncadd.s32 $0xFFFFC000  }
0x2d: {  	[spmem:s1] =	stream.indirect.scatter.add.f32 [tilespmem:s14], [sflag:$0x3], $0x80, s12, s13, $0xb8;
	[tilespmem:$0x1E800] =	vst v63  }
0x2e: {  	_ =	swait.ge [sflag:s9], $0x4000  }
0x2f: {  	[sflag:s9] =	ssyncset.done $0x0  }
0x30: {  	s19 =	simm.s32 $0x100;
	[sflag:s9] =	ssyncadd.s32 $0xFFFFC000  }
0x31: {  	[tilespmem:s14], [sflag:$0x1] =	stream.indirect.gather [hbm4b:s4+s13], $0x80, s19, s13, $0xb8;
	[tilespmem:$0x1E800] =	vst v63  }
0x32: {  	_ =	swait.ge [sflag:s18], $0x4000  }
0x33: {  	[sflag:s18] =	ssyncset.done $0x0  }
0x34: {  	s19 =	simm.s32 $0x1480;
	[sflag:s18] =	ssyncadd.s32 $0xFFFFC000  }
0x35: {  	[spmem:s1] =	stream.indirect.scatter.add.f32 [tilespmem:s15], [sflag:$0x3], $0x80, s19, s13, $0xb8;
	[tilespmem:$0x1E800] =	vst v63  }
0x36: {  	_ =	swait.ge [sflag:s9], $0x4000  }
0x37: {  	[sflag:s9] =	ssyncset.done $0x0  }
0x38: {  	s19 =	simm.s32 $0x180;
	[sflag:s9] =	ssyncadd.s32 $0xFFFFC000  }
0x39: {  	[tilespmem:s15], [sflag:$0x2] =	stream.indirect.gather [hbm4b:s4+s13], $0x80, s19, s13, $0xb8;
	[tilespmem:$0x1E800] =	vst v63  }
0x3a: {  	_ =	swait.ge [sflag:s16], $0x4000  }
0x3b: {  	[sflag:s16] =	ssyncset.done $0x0  }
0x3c: {  	s19 =	simm.s32 $0x1500;
	[sflag:s16] =	ssyncadd.s32 $0xFFFFC000  }
0x3d: {  	[spmem:s1] =	stream.indirect.scatter.add.f32 [tilespmem:s14], [sflag:$0x3], $0x80, s19, s13, $0xb8;
	[tilespmem:$0x1E800] =	vst v63  }
0x3e: {  	_ =	swait.ge [sflag:s9], $0x4000  }
0x3f: {  	[sflag:s9] =	ssyncset.done $0x0  }
0x40: {  	s19 =	simm.s32 $0x200;
	[sflag:s9] =	ssyncadd.s32 $0xFFFFC000  }
0x41: {  	[tilespmem:s14], [sflag:$0x1] =	stream.indirect.gather [hbm4b:s4+s13], $0x80, s19, s13, $0xb8;
	[tilespmem:$0x1E800] =	vst v63  }
0x42: {  	_ =	swait.ge [sflag:s18], $0x4000  }
0x43: {  	[sflag:s18] =	ssyncset.done $0x0  }
0x44: {  	s19 =	simm.s32 $0x1580;
	[sflag:s18] =	ssyncadd.s32 $0xFFFFC000  }
0x45: {  	[spmem:s1] =	stream.indirect.scatter.add.f32 [tilespmem:s15], [sflag:$0x3], $0x80, s19, s13, $0xb8;
	[tilespmem:$0x1E800] =	vst v63  }
0x46: {  	_ =	swait.ge [sflag:s9], $0x4000  }
0x47: {  	[sflag:s9] =	ssyncset.done $0x0  }
0x48: {  	s17 =	simm.s32 $0x280;
	[sflag:s9] =	ssyncadd.s32 $0xFFFFC000  }
0x49: {  	[tilespmem:s15], [sflag:$0x2] =	stream.indirect.gather [hbm4b:s4+s13], $0x80, s17, s13, $0xb8;
	[tilespmem:$0x1E800] =	vst v63  }
0x4a: {  	_ =	swait.ge [sflag:s16], $0x4000  }
0x4b: {  	[sflag:s16] =	ssyncset.done $0x0  }
0x4c: {  	s19 =	simm.s32 $0x1600;
	[sflag:s16] =	ssyncadd.s32 $0xFFFFC000  }
0x4d: {  	[spmem:s1] =	stream.indirect.scatter.add.f32 [tilespmem:s14], [sflag:$0x3], $0x80, s19, s13, $0xb8;
	[tilespmem:$0x1E800] =	vst v63  }
0x4e: {  	_ =	swait.ge [sflag:s9], $0x4000  }
0x4f: {  	[sflag:s9] =	ssyncset.done $0x0  }
0x50: {  	s19 =	simm.s32 $0x300;
	[sflag:s9] =	ssyncadd.s32 $0xFFFFC000  }
0x51: {  	[tilespmem:s14], [sflag:$0x1] =	stream.indirect.gather [hbm4b:s4+s13], $0x80, s19, s13, $0xb8;
	[tilespmem:$0x1E800] =	vst v63  }
0x52: {  	_ =	swait.ge [sflag:s18], $0x4000  }
0x53: {  	[sflag:s18] =	ssyncset.done $0x0  }
0x54: {  	s19 =	simm.s32 $0x1680;
	[sflag:s18] =	ssyncadd.s32 $0xFFFFC000  }
0x55: {  	[spmem:s1] =	stream.indirect.scatter.add.f32 [tilespmem:s15], [sflag:$0x3], $0x80, s19, s13, $0xb8;
	[tilespmem:$0x1E800] =	vst v63  }
0x56: {  	_ =	swait.ge [sflag:s9], $0x4000  }
0x57: {  	[sflag:s9] =	ssyncset.done $0x0  }
0x58: {  	s19 =	simm.s32 $0x380;
	[sflag:s9] =	ssyncadd.s32 $0xFFFFC000  }
0x59: {  	[tilespmem:s15], [sflag:$0x2] =	stream.indirect.gather [hbm4b:s4+s13], $0x80, s19, s13, $0xb8;
	[tilespmem:$0x1E800] =	vst v63  }
0x5a: {  	_ =	swait.ge [sflag:s16], $0x4000  }
0x5b: {  	[sflag:s16] =	ssyncset.done $0x0  }
0x5c: {  	s19 =	simm.s32 $0x1700;
	[sflag:s16] =	ssyncadd.s32 $0xFFFFC000  }
0x5d: {  	[spmem:s1] =	stream.indirect.scatter.add.f32 [tilespmem:s14], [sflag:$0x3], $0x80, s19, s13, $0xb8;
	[tilespmem:$0x1E800] =	vst v63  }
0x5e: {  	_ =	swait.ge [sflag:s9], $0x4000  }
0x5f: {  	[sflag:s9] =	ssyncset.done $0x0  }
0x60: {  	s19 =	simm.s32 $0x400;
	[sflag:s9] =	ssyncadd.s32 $0xFFFFC000  }
0x61: {  	[tilespmem:s14], [sflag:$0x1] =	stream.indirect.gather [hbm4b:s4+s13], $0x80, s19, s13, $0xb8;
	[tilespmem:$0x1E800] =	vst v63  }
0x62: {  	_ =	swait.ge [sflag:s18], $0x4000  }
0x63: {  	[sflag:s18] =	ssyncset.done $0x0  }
0x64: {  	s19 =	simm.s32 $0x1780;
	[sflag:s18] =	ssyncadd.s32 $0xFFFFC000  }
0x65: {  	[spmem:s1] =	stream.indirect.scatter.add.f32 [tilespmem:s15], [sflag:$0x3], $0x80, s19, s13, $0xb8;
	[tilespmem:$0x1E800] =	vst v63  }
0x66: {  	_ =	swait.ge [sflag:s9], $0x4000  }
0x67: {  	[sflag:s9] =	ssyncset.done $0x0  }
0x68: {  	s19 =	simm.s32 $0x480;
	[sflag:s9] =	ssyncadd.s32 $0xFFFFC000  }
0x69: {  	[tilespmem:s15], [sflag:$0x2] =	stream.indirect.gather [hbm4b:s4+s13], $0x80, s19, s13, $0xb8;
	[tilespmem:$0x1E800] =	vst v63  }
0x6a: {  	_ =	swait.ge [sflag:s16], $0x4000  }
0x6b: {  	[sflag:s16] =	ssyncset.done $0x0  }
0x6c: {  	s19 =	simm.s32 $0x1800;
	[sflag:s16] =	ssyncadd.s32 $0xFFFFC000  }
0x6d: {  	[spmem:s1] =	stream.indirect.scatter.add.f32 [tilespmem:s14], [sflag:$0x3], $0x80, s19, s13, $0xb8;
	[tilespmem:$0x1E800] =	vst v63  }
0x6e: {  	_ =	swait.ge [sflag:s9], $0x4000  }
0x6f: {  	[sflag:s9] =	ssyncset.done $0x0  }
0x70: {  	s19 =	simm.s32 $0x500;
	[sflag:s9] =	ssyncadd.s32 $0xFFFFC000  }
0x71: {  	[tilespmem:s14], [sflag:$0x1] =	stream.indirect.gather [hbm4b:s4+s13], $0x80, s19, s13, $0xb8;
	[tilespmem:$0x1E800] =	vst v63  }
0x72: {  	_ =	swait.ge [sflag:s18], $0x4000  }
0x73: {  	[sflag:s18] =	ssyncset.done $0x0  }
0x74: {  	s19 =	simm.s32 $0x1880;
	[sflag:s18] =	ssyncadd.s32 $0xFFFFC000  }
0x75: {  	[spmem:s1] =	stream.indirect.scatter.add.f32 [tilespmem:s15], [sflag:$0x3], $0x80, s19, s13, $0xb8;
	[tilespmem:$0x1E800] =	vst v63  }
0x76: {  	_ =	swait.ge [sflag:s9], $0x4000  }
0x77: {  	[sflag:s9] =	ssyncset.done $0x0  }
0x78: {  	s19 =	simm.s32 $0x580;
	[sflag:s9] =	ssyncadd.s32 $0xFFFFC000  }
0x79: {  	[tilespmem:s15], [sflag:$0x2] =	stream.indirect.gather [hbm4b:s4+s13], $0x80, s19, s13, $0xb8;
	[tilespmem:$0x1E800] =	vst v63  }
0x7a: {  	_ =	swait.ge [sflag:s16], $0x4000  }
0x7b: {  	[sflag:s16] =	ssyncset.done $0x0  }
0x7c: {  	s19 =	simm.s32 $0x1900;
	[sflag:s16] =	ssyncadd.s32 $0xFFFFC000  }
0x7d: {  	[spmem:s1] =	stream.indirect.scatter.add.f32 [tilespmem:s14], [sflag:$0x3], $0x80, s19, s13, $0xb8;
	[tilespmem:$0x1E800] =	vst v63  }
0x7e: {  	_ =	swait.ge [sflag:s9], $0x4000  }
0x7f: {  	[sflag:s9] =	ssyncset.done $0x0  }
0x80: {  	s19 =	simm.s32 $0x600;
	[sflag:s9] =	ssyncadd.s32 $0xFFFFC000  }
0x81: {  	[tilespmem:s14], [sflag:$0x1] =	stream.indirect.gather [hbm4b:s4+s13], $0x80, s19, s13, $0xb8;
	[tilespmem:$0x1E800] =	vst v63  }
0x82: {  	_ =	swait.ge [sflag:s18], $0x4000  }
0x83: {  	[sflag:s18] =	ssyncset.done $0x0  }
0x84: {  	s19 =	simm.s32 $0x1980;
	[sflag:s18] =	ssyncadd.s32 $0xFFFFC000  }
0x85: {  	[spmem:s1] =	stream.indirect.scatter.add.f32 [tilespmem:s15], [sflag:$0x3], $0x80, s19, s13, $0xb8;
	[tilespmem:$0x1E800] =	vst v63  }
0x86: {  	_ =	swait.ge [sflag:s9], $0x4000  }
0x87: {  	[sflag:s9] =	ssyncset.done $0x0  }
0x88: {  	s19 =	simm.s32 $0x680;
	[sflag:s9] =	ssyncadd.s32 $0xFFFFC000  }
0x89: {  	[tilespmem:s15], [sflag:$0x2] =	stream.indirect.gather [hbm4b:s4+s13], $0x80, s19, s13, $0xb8;
	[tilespmem:$0x1E800] =	vst v63  }
0x8a: {  	_ =	swait.ge [sflag:s16], $0x4000  }
0x8b: {  	[sflag:s16] =	ssyncset.done $0x0  }
0x8c: {  	s19 =	simm.s32 $0x1A00;
	[sflag:s16] =	ssyncadd.s32 $0xFFFFC000  }
0x8d: {  	[spmem:s1] =	stream.indirect.scatter.add.f32 [tilespmem:s14], [sflag:$0x3], $0x80, s19, s13, $0xb8;
	[tilespmem:$0x1E800] =	vst v63  }
0x8e: {  	_ =	swait.ge [sflag:s9], $0x4000  }
0x8f: {  	[sflag:s9] =	ssyncset.done $0x0  }
0x90: {  	s19 =	simm.s32 $0x700;
	[sflag:s9] =	ssyncadd.s32 $0xFFFFC000  }
0x91: {  	[tilespmem:s14], [sflag:$0x1] =	stream.indirect.gather [hbm4b:s4+s13], $0x80, s19, s13, $0xb8;
	[tilespmem:$0x1E800] =	vst v63  }
0x92: {  	_ =	swait.ge [sflag:s18], $0x4000  }
0x93: {  	[sflag:s18] =	ssyncset.done $0x0  }
0x94: {  	s19 =	simm.s32 $0x1A80;
	[sflag:s18] =	ssyncadd.s32 $0xFFFFC000  }
0x95: {  	[spmem:s1] =	stream.indirect.scatter.add.f32 [tilespmem:s15], [sflag:$0x3], $0x80, s19, s13, $0xb8;
	[tilespmem:$0x1E800] =	vst v63  }
0x96: {  	_ =	swait.ge [sflag:s9], $0x4000  }
0x97: {  	[sflag:s9] =	ssyncset.done $0x0  }
0x98: {  	s19 =	simm.s32 $0x780;
	[sflag:s9] =	ssyncadd.s32 $0xFFFFC000  }
0x99: {  	[tilespmem:s15], [sflag:$0x2] =	stream.indirect.gather [hbm4b:s4+s13], $0x80, s19, s13, $0xb8;
	[tilespmem:$0x1E800] =	vst v63  }
0x9a: {  	_ =	swait.ge [sflag:s16], $0x4000  }
0x9b: {  	[sflag:s16] =	ssyncset.done $0x0  }
0x9c: {  	s19 =	simm.s32 $0x1B00;
	[sflag:s16] =	ssyncadd.s32 $0xFFFFC000  }
0x9d: {  	[spmem:s1] =	stream.indirect.scatter.add.f32 [tilespmem:s14], [sflag:$0x3], $0x80, s19, s13, $0xb8;
	[tilespmem:$0x1E800] =	vst v63  }
0x9e: {  	_ =	swait.ge [sflag:s9], $0x4000  }
0x9f: {  	[sflag:s9] =	ssyncset.done $0x0  }
0xa0: {  	s19 =	simm.s32 $0x800;
	[sflag:s9] =	ssyncadd.s32 $0xFFFFC000  }
0xa1: {  	[tilespmem:s14], [sflag:$0x1] =	stream.indirect.gather [hbm4b:s4+s13], $0x80, s19, s13, $0xb8;
	[tilespmem:$0x1E800] =	vst v63  }
0xa2: {  	_ =	swait.ge [sflag:s18], $0x4000  }
0xa3: {  	[sflag:s18] =	ssyncset.done $0x0  }
0xa4: {  	s19 =	simm.s32 $0x1B80;
	[sflag:s18] =	ssyncadd.s32 $0xFFFFC000  }
0xa5: {  	[spmem:s1] =	stream.indirect.scatter.add.f32 [tilespmem:s15], [sflag:$0x3], $0x80, s19, s13, $0xb8;
	[tilespmem:$0x1E800] =	vst v63  }
0xa6: {  	_ =	swait.ge [sflag:s9], $0x4000  }
0xa7: {  	[sflag:s9] =	ssyncset.done $0x0  }
0xa8: {  	s19 =	simm.s32 $0x880;
	[sflag:s9] =	ssyncadd.s32 $0xFFFFC000  }
0xa9: {  	[tilespmem:s15], [sflag:$0x2] =	stream.indirect.gather [hbm4b:s4+s13], $0x80, s19, s13, $0xb8;
	[tilespmem:$0x1E800] =	vst v63  }
0xaa: {  	_ =	swait.ge [sflag:s16], $0x4000  }
0xab: {  	[sflag:s16] =	ssyncset.done $0x0  }
0xac: {  	s19 =	simm.s32 $0x1C00;
	[sflag:s16] =	ssyncadd.s32 $0xFFFFC000  }
0xad: {  	[spmem:s1] =	stream.indirect.scatter.add.f32 [tilespmem:s14], [sflag:$0x3], $0x80, s19, s13, $0xb8;
	[tilespmem:$0x1E800] =	vst v63  }
0xae: {  	_ =	swait.ge [sflag:s9], $0x4000  }
0xaf: {  	[sflag:s9] =	ssyncset.done $0x0  }
0xb0: {  	s19 =	simm.s32 $0x900;
	[sflag:s9] =	ssyncadd.s32 $0xFFFFC000  }
0xb1: {  	[tilespmem:s14], [sflag:$0x1] =	stream.indirect.gather [hbm4b:s4+s13], $0x80, s19, s13, $0xb8;
	[tilespmem:$0x1E800] =	vst v63  }
0xb2: {  	_ =	swait.ge [sflag:s18], $0x4000  }
0xb3: {  	[sflag:s18] =	ssyncset.done $0x0  }
0xb4: {  	s19 =	simm.s32 $0x1C80;
	[sflag:s18] =	ssyncadd.s32 $0xFFFFC000  }
0xb5: {  	[spmem:s1] =	stream.indirect.scatter.add.f32 [tilespmem:s15], [sflag:$0x3], $0x80, s19, s13, $0xb8;
	[tilespmem:$0x1E800] =	vst v63  }
0xb6: {  	_ =	swait.ge [sflag:s9], $0x4000  }
0xb7: {  	[sflag:s9] =	ssyncset.done $0x0  }
0xb8: {  	s19 =	simm.s32 $0x980;
	[sflag:s9] =	ssyncadd.s32 $0xFFFFC000  }
0xb9: {  	[tilespmem:s15], [sflag:$0x2] =	stream.indirect.gather [hbm4b:s4+s13], $0x80, s19, s13, $0xb8;
	[tilespmem:$0x1E800] =	vst v63  }
0xba: {  	_ =	swait.ge [sflag:s16], $0x4000  }
0xbb: {  	[sflag:s16] =	ssyncset.done $0x0  }
0xbc: {  	s19 =	simm.s32 $0x1D00;
	[sflag:s16] =	ssyncadd.s32 $0xFFFFC000  }
0xbd: {  	[spmem:s1] =	stream.indirect.scatter.add.f32 [tilespmem:s14], [sflag:$0x3], $0x80, s19, s13, $0xb8;
	[tilespmem:$0x1E800] =	vst v63  }
0xbe: {  	_ =	swait.ge [sflag:s9], $0x4000  }
0xbf: {  	[sflag:s9] =	ssyncset.done $0x0  }
0xc0: {  	s19 =	simm.s32 $0xA00;
	[sflag:s9] =	ssyncadd.s32 $0xFFFFC000  }
0xc1: {  	[tilespmem:s14], [sflag:$0x1] =	stream.indirect.gather [hbm4b:s4+s13], $0x80, s19, s13, $0xb8;
	[tilespmem:$0x1E800] =	vst v63  }
0xc2: {  	_ =	swait.ge [sflag:s18], $0x4000  }
0xc3: {  	[sflag:s18] =	ssyncset.done $0x0  }
0xc4: {  	s19 =	simm.s32 $0x1D80;
	[sflag:s18] =	ssyncadd.s32 $0xFFFFC000  }
0xc5: {  	[spmem:s1] =	stream.indirect.scatter.add.f32 [tilespmem:s15], [sflag:$0x3], $0x80, s19, s13, $0xb8;
	[tilespmem:$0x1E800] =	vst v63  }
0xc6: {  	_ =	swait.ge [sflag:s9], $0x4000  }
0xc7: {  	[sflag:s9] =	ssyncset.done $0x0  }
0xc8: {  	s19 =	simm.s32 $0xA80;
	[sflag:s9] =	ssyncadd.s32 $0xFFFFC000  }
0xc9: {  	[tilespmem:s15], [sflag:$0x2] =	stream.indirect.gather [hbm4b:s4+s13], $0x80, s19, s13, $0xb8;
	[tilespmem:$0x1E800] =	vst v63  }
0xca: {  	_ =	swait.ge [sflag:s16], $0x4000  }
0xcb: {  	[sflag:s16] =	ssyncset.done $0x0  }
0xcc: {  	s19 =	simm.s32 $0x1E00;
	[sflag:s16] =	ssyncadd.s32 $0xFFFFC000  }
0xcd: {  	[spmem:s1] =	stream.indirect.scatter.add.f32 [tilespmem:s14], [sflag:$0x3], $0x80, s19, s13, $0xb8;
	[tilespmem:$0x1E800] =	vst v63  }
0xce: {  	_ =	swait.ge [sflag:s9], $0x4000  }
0xcf: {  	[sflag:s9] =	ssyncset.done $0x0  }
0xd0: {  	s19 =	simm.s32 $0xB00;
	[sflag:s9] =	ssyncadd.s32 $0xFFFFC000  }
0xd1: {  	[tilespmem:s14], [sflag:$0x1] =	stream.indirect.gather [hbm4b:s4+s13], $0x80, s19, s13, $0xb8;
	[tilespmem:$0x1E800] =	vst v63  }
0xd2: {  	_ =	swait.ge [sflag:s18], $0x4000  }
0xd3: {  	[sflag:s18] =	ssyncset.done $0x0  }
0xd4: {  	s19 =	simm.s32 $0x1E80;
	[sflag:s18] =	ssyncadd.s32 $0xFFFFC000  }
0xd5: {  	[spmem:s1] =	stream.indirect.scatter.add.f32 [tilespmem:s15], [sflag:$0x3], $0x80, s19, s13, $0xb8;
	[tilespmem:$0x1E800] =	vst v63  }
0xd6: {  	_ =	swait.ge [sflag:s9], $0x4000  }
0xd7: {  	[sflag:s9] =	ssyncset.done $0x0  }
0xd8: {  	s19 =	simm.s32 $0xB80;
	[sflag:s9] =	ssyncadd.s32 $0xFFFFC000  }
0xd9: {  	[tilespmem:s15], [sflag:$0x2] =	stream.indirect.gather [hbm4b:s4+s13], $0x80, s19, s13, $0xb8;
	[tilespmem:$0x1E800] =	vst v63  }
0xda: {  	_ =	swait.ge [sflag:s16], $0x4000  }
0xdb: {  	[sflag:s16] =	ssyncset.done $0x0  }
0xdc: {  	s19 =	simm.s32 $0x1F00;
	[sflag:s16] =	ssyncadd.s32 $0xFFFFC000  }
0xdd: {  	[spmem:s1] =	stream.indirect.scatter.add.f32 [tilespmem:s14], [sflag:$0x3], $0x80, s19, s13, $0xb8;
	[tilespmem:$0x1E800] =	vst v63  }
0xde: {  	_ =	swait.ge [sflag:s9], $0x4000  }
0xdf: {  	[sflag:s9] =	ssyncset.done $0x0  }
0xe0: {  	s19 =	simm.s32 $0xC00;
	[sflag:s9] =	ssyncadd.s32 $0xFFFFC000  }
0xe1: {  	[tilespmem:s14], [sflag:$0x1] =	stream.indirect.gather [hbm4b:s4+s13], $0x80, s19, s13, $0xb8;
	[tilespmem:$0x1E800] =	vst v63  }
0xe2: {  	_ =	swait.ge [sflag:s18], $0x4000  }
0xe3: {  	[sflag:s18] =	ssyncset.done $0x0  }
0xe4: {  	s19 =	simm.s32 $0x1F80;
	[sflag:s18] =	ssyncadd.s32 $0xFFFFC000  }
0xe5: {  	[spmem:s1] =	stream.indirect.scatter.add.f32 [tilespmem:s15], [sflag:$0x3], $0x80, s19, s13, $0xb8;
	[tilespmem:$0x1E800] =	vst v63  }
0xe6: {  	_ =	swait.ge [sflag:s9], $0x4000  }
0xe7: {  	[sflag:s9] =	ssyncset.done $0x0  }
0xe8: {  	s19 =	simm.s32 $0xC80;
	[sflag:s9] =	ssyncadd.s32 $0xFFFFC000  }
0xe9: {  	[tilespmem:s15], [sflag:$0x2] =	stream.indirect.gather [hbm4b:s4+s13], $0x80, s19, s13, $0xb8;
	[tilespmem:$0x1E800] =	vst v63  }
0xea: {  	_ =	swait.ge [sflag:s16], $0x4000  }
0xeb: {  	[sflag:s16] =	ssyncset.done $0x0  }
0xec: {  	s19 =	simm.s32 $0x2000;
	[sflag:s16] =	ssyncadd.s32 $0xFFFFC000  }
0xed: {  	[spmem:s1] =	stream.indirect.scatter.add.f32 [tilespmem:s14], [sflag:$0x3], $0x80, s19, s13, $0xb8;
	[tilespmem:$0x1E800] =	vst v63  }
0xee: {  	_ =	swait.ge [sflag:s9], $0x4000  }
0xef: {  	[sflag:s9] =	ssyncset.done $0x0  }
0xf0: {  	s19 =	simm.s32 $0xD00;
	[sflag:s9] =	ssyncadd.s32 $0xFFFFC000  }
0xf1: {  	[tilespmem:s14], [sflag:$0x1] =	stream.indirect.gather [hbm4b:s4+s13], $0x80, s19, s13, $0xb8;
	[tilespmem:$0x1E800] =	vst v63  }
0xf2: {  	_ =	swait.ge [sflag:s18], $0x4000  }
0xf3: {  	[sflag:s18] =	ssyncset.done $0x0  }
0xf4: {  	s19 =	simm.s32 $0x2080;
	[sflag:s18] =	ssyncadd.s32 $0xFFFFC000  }
0xf5: {  	[spmem:s1] =	stream.indirect.scatter.add.f32 [tilespmem:s15], [sflag:$0x3], $0x80, s19, s13, $0xb8;
	[tilespmem:$0x1E800] =	vst v63  }
0xf6: {  	_ =	swait.ge [sflag:s9], $0x4000  }
0xf7: {  	[sflag:s9] =	ssyncset.done $0x0  }
0xf8: {  	s19 =	simm.s32 $0xD80;
	[sflag:s9] =	ssyncadd.s32 $0xFFFFC000  }
0xf9: {  	[tilespmem:s15], [sflag:$0x2] =	stream.indirect.gather [hbm4b:s4+s13], $0x80, s19, s13, $0xb8;
	[tilespmem:$0x1E800] =	vst v63  }
0xfa: {  	_ =	swait.ge [sflag:s16], $0x4000  }
0xfb: {  	[sflag:s16] =	ssyncset.done $0x0  }
0xfc: {  	s19 =	simm.s32 $0x2100;
	[sflag:s16] =	ssyncadd.s32 $0xFFFFC000  }
0xfd: {  	[spmem:s1] =	stream.indirect.scatter.add.f32 [tilespmem:s14], [sflag:$0x3], $0x80, s19, s13, $0xb8;
	[tilespmem:$0x1E800] =	vst v63  }
0xfe: {  	_ =	swait.ge [sflag:s9], $0x4000  }
0xff: {  	[sflag:s9] =	ssyncset.done $0x0  }
0x100: {  	s19 =	simm.s32 $0xE00;
	[sflag:s9] =	ssyncadd.s32 $0xFFFFC000  }
0x101: {  	[tilespmem:s14], [sflag:$0x1] =	stream.indirect.gather [hbm4b:s4+s13], $0x80, s19, s13, $0xb8;
	[tilespmem:$0x1E800] =	vst v63  }
0x102: {  	_ =	swait.ge [sflag:s18], $0x4000  }
0x103: {  	[sflag:s18] =	ssyncset.done $0x0  }
0x104: {  	s19 =	simm.s32 $0x2180;
	[sflag:s18] =	ssyncadd.s32 $0xFFFFC000  }
0x105: {  	[spmem:s1] =	stream.indirect.scatter.add.f32 [tilespmem:s15], [sflag:$0x3], $0x80, s19, s13, $0xb8;
	[tilespmem:$0x1E800] =	vst v63  }
0x106: {  	_ =	swait.ge [sflag:s9], $0x4000  }
0x107: {  	[sflag:s9] =	ssyncset.done $0x0  }
0x108: {  	s19 =	simm.s32 $0xE80;
	[sflag:s9] =	ssyncadd.s32 $0xFFFFC000  }
0x109: {  	[tilespmem:s15], [sflag:$0x2] =	stream.indirect.gather [hbm4b:s4+s13], $0x80, s19, s13, $0xb8;
	[tilespmem:$0x1E800] =	vst v63  }
0x10a: {  	_ =	swait.ge [sflag:s16], $0x4000  }
0x10b: {  	[sflag:s16] =	ssyncset.done $0x0  }
0x10c: {  	s19 =	simm.s32 $0x2200;
	[sflag:s16] =	ssyncadd.s32 $0xFFFFC000  }
0x10d: {  	[spmem:s1] =	stream.indirect.scatter.add.f32 [tilespmem:s14], [sflag:$0x3], $0x80, s19, s13, $0xb8;
	[tilespmem:$0x1E800] =	vst v63  }
0x10e: {  	_ =	swait.ge [sflag:s9], $0x4000  }
0x10f: {  	[sflag:s9] =	ssyncset.done $0x0  }
0x110: {  	s19 =	simm.s32 $0xF00;
	[sflag:s9] =	ssyncadd.s32 $0xFFFFC000  }
0x111: {  	[tilespmem:s14], [sflag:$0x1] =	stream.indirect.gather [hbm4b:s4+s13], $0x80, s19, s13, $0xb8;
	[tilespmem:$0x1E800] =	vst v63  }
0x112: {  	_ =	swait.ge [sflag:s18], $0x4000  }
0x113: {  	[sflag:s18] =	ssyncset.done $0x0  }
0x114: {  	s19 =	simm.s32 $0x2280;
	[sflag:s18] =	ssyncadd.s32 $0xFFFFC000  }
0x115: {  	[spmem:s1] =	stream.indirect.scatter.add.f32 [tilespmem:s15], [sflag:$0x3], $0x80, s19, s13, $0xb8;
	[tilespmem:$0x1E800] =	vst v63  }
0x116: {  	_ =	swait.ge [sflag:s9], $0x4000  }
0x117: {  	[sflag:s9] =	ssyncset.done $0x0  }
0x118: {  	s19 =	simm.s32 $0xF80;
	[sflag:s9] =	ssyncadd.s32 $0xFFFFC000  }
0x119: {  	[tilespmem:s15], [sflag:$0x2] =	stream.indirect.gather [hbm4b:s4+s13], $0x80, s19, s13, $0xb8;
	[tilespmem:$0x1E800] =	vst v63  }
0x11a: {  	_ =	swait.ge [sflag:s16], $0x4000  }
0x11b: {  	[sflag:s16] =	ssyncset.done $0x0  }
0x11c: {  	s19 =	simm.s32 $0x2300;
	[sflag:s16] =	ssyncadd.s32 $0xFFFFC000  }
0x11d: {  	[spmem:s1] =	stream.indirect.scatter.add.f32 [tilespmem:s14], [sflag:$0x3], $0x80, s19, s13, $0xb8;
	[tilespmem:$0x1E800] =	vst v63  }
0x11e: {  	_ =	swait.ge [sflag:s9], $0x4000  }
0x11f: {  	[sflag:s9] =	ssyncset.done $0x0  }
0x120: {  	[sflag:s9] =	ssyncadd.s32 $0xFFFFC000  }
0x121: {  	[tilespmem:s14], [sflag:$0x1] =	stream.indirect.gather [hbm4b:s4+s13], $0x80, s30, s13, $0xb8;
	[tilespmem:$0x1E800] =	vst v63  }
0x122: {  	_ =	swait.ge [sflag:s18], $0x4000  }
0x123: {  	[sflag:s18] =	ssyncset.done $0x0  }
0x124: {  	[sflag:s18] =	ssyncadd.s32 $0xFFFFC000  }
0x125: {  	[spmem:s1] =	stream.indirect.scatter.add.f32 [tilespmem:s15], [sflag:$0x3], $0x80, s31, s13, $0xb8;
	[tilespmem:$0x1E800] =	vst v63  }
0x126: {  	_ =	swait.ge [sflag:s9], $0x4000  }
0x127: {  	[sflag:s9] =	ssyncset.done $0x0  }
0x128: {  	[sflag:s9] =	ssyncadd.s32 $0xFFFFC000  }
0x129: {  	[tilespmem:s15], [sflag:$0x2] =	stream.indirect.gather [hbm4b:s4+s13], $0x80, s0, s13, $0xb8;
	[tilespmem:$0x1E800] =	vst v63  }
0x12a: {  	_ =	swait.ge [sflag:s16], $0x4000  }
0x12b: {  	[sflag:s16] =	ssyncset.done $0x0  }
0x12c: {  	[sflag:s16] =	ssyncadd.s32 $0xFFFFC000  }
0x12d: {  	[spmem:s1] =	stream.indirect.scatter.add.f32 [tilespmem:s14], [sflag:$0x3], $0x80, s3, s13, $0xb8;
	[tilespmem:$0x1E800] =	vst v63  }
0x12e: {  	_ =	swait.ge [sflag:s9], $0x4000  }
0x12f: {  	[sflag:s9] =	ssyncset.done $0x0  }
0x130: {  	[sflag:s9] =	ssyncadd.s32 $0xFFFFC000  }
0x131: {  	[tilespmem:s14], [sflag:$0x1] =	stream.indirect.gather [hbm4b:s4+s13], $0x80, s5, s13, $0xb8;
	[tilespmem:$0x1E800] =	vst v63  }
0x132: {  	_ =	swait.ge [sflag:s18], $0x4000  }
0x133: {  	[sflag:s18] =	ssyncset.done $0x0  }
0x134: {  	[sflag:s18] =	ssyncadd.s32 $0xFFFFC000  }
0x135: {  	[spmem:s1] =	stream.indirect.scatter.add.f32 [tilespmem:s15], [sflag:$0x3], $0x80, s7, s13, $0xb8;
	[tilespmem:$0x1E800] =	vst v63  }
0x136: {  	_ =	swait.ge [sflag:s9], $0x4000  }
0x137: {  	[sflag:s9] =	ssyncset.done $0x0  }
0x138: {  	[sflag:s9] =	ssyncadd.s32 $0xFFFFC000  }
0x139: {  	[tilespmem:s15], [sflag:$0x2] =	stream.indirect.gather [hbm4b:s4+s13], $0x80, s24, s13, $0xb8;
	[tilespmem:$0x1E800] =	vst v63  }
0x13a: {  	_ =	swait.ge [sflag:s16], $0x4000  }
0x13b: {  	[sflag:s16] =	ssyncset.done $0x0  }
0x13c: {  	[sflag:s16] =	ssyncadd.s32 $0xFFFFC000  }
0x13d: {  	[spmem:s1] =	stream.indirect.scatter.add.f32 [tilespmem:s14], [sflag:$0x3], $0x80, s6, s13, $0xb8;
	[tilespmem:$0x1E800] =	vst v63  }
0x13e: {  	_ =	swait.ge [sflag:s9], $0x4000  }
0x13f: {  	[sflag:s9] =	ssyncset.done $0x0  }
0x140: {  	[sflag:s9] =	ssyncadd.s32 $0xFFFFC000  }
0x141: {  	[tilespmem:s14], [sflag:$0x1] =	stream.indirect.gather [hbm4b:s4+s13], $0x80, s8, s13, $0xb8;
	[tilespmem:$0x1E800] =	vst v63  }
0x142: {  	_ =	swait.ge [sflag:s18], $0x4000  }
0x143: {  	[sflag:s18] =	ssyncset.done $0x0  }
0x144: {  	[sflag:s18] =	ssyncadd.s32 $0xFFFFC000  }
0x145: {  	[spmem:s1] =	stream.indirect.scatter.add.f32 [tilespmem:s15], [sflag:$0x3], $0x80, s20, s13, $0xb8;
	[tilespmem:$0x1E800] =	vst v63  }
0x146: {  	_ =	swait.ge [sflag:s9], $0x4000  }
0x147: {  	[sflag:s9] =	ssyncset.done $0x0  }
0x148: {  	[sflag:s9] =	ssyncadd.s32 $0xFFFFC000  }
0x149: {  	[tilespmem:s15], [sflag:$0x2] =	stream.indirect.gather [hbm4b:s4+s13], $0x80, s21, s13, $0xb8;
	[tilespmem:$0x1E800] =	vst v63  }
0x14a: {  	_ =	swait.ge [sflag:s16], $0x4000  }
0x14b: {  	[sflag:s16] =	ssyncset.done $0x0  }
0x14c: {  	[sflag:s16] =	ssyncadd.s32 $0xFFFFC000  }
0x14d: {  	[spmem:s1] =	stream.indirect.scatter.add.f32 [tilespmem:s14], [sflag:$0x3], $0x80, s22, s13, $0xb8;
	[tilespmem:$0x1E800] =	vst v63  }
0x14e: {  	_ =	swait.ge [sflag:s9], $0x4000  }
0x14f: {  	[sflag:s9] =	ssyncset.done $0x0  }
0x150: {  	[sflag:s9] =	ssyncadd.s32 $0xFFFFC000  }
0x151: {  	[tilespmem:s14], [sflag:$0x1] =	stream.indirect.gather [hbm4b:s4+s13], $0x80, s23, s13, $0xb8;
	[tilespmem:$0x1E800] =	vst v63  }
0x152: {  	_ =	swait.ge [sflag:s18], $0x4000  }
0x153: {  	[sflag:s18] =	ssyncset.done $0x0  }
0x154: {  	[sflag:s18] =	ssyncadd.s32 $0xFFFFC000  }
0x155: {  	[spmem:s1] =	stream.indirect.scatter.add.f32 [tilespmem:s15], [sflag:$0x3], $0x80, s25, s13, $0xb8;
	[tilespmem:$0x1E800] =	vst v63  }
0x156: {  	_ =	swait.ge [sflag:s9], $0x4000  }
0x157: {  	[sflag:s9] =	ssyncset.done $0x0  }
0x158: {  	[sflag:s9] =	ssyncadd.s32 $0xFFFFC000  }
0x159: {  	[tilespmem:s15], [sflag:$0x2] =	stream.indirect.gather [hbm4b:s4+s13], $0x80, s26, s13, $0xb8;
	[tilespmem:$0x1E800] =	vst v63  }
0x15a: {  	_ =	swait.ge [sflag:s16], $0x4000  }
0x15b: {  	[sflag:s16] =	ssyncset.done $0x0  }
0x15c: {  	[sflag:s16] =	ssyncadd.s32 $0xFFFFC000  }
0x15d: {  	[spmem:s1] =	stream.indirect.scatter.add.f32 [tilespmem:s14], [sflag:$0x3], $0x80, s28, s13, $0xb8;
	[tilespmem:$0x1E800] =	vst v63  }
0x15e: {  	_ =	swait.ge [sflag:s9], $0x4000  }
0x15f: {  	[sflag:s9] =	ssyncset.done $0x0  }
0x160: {  	[sflag:s9] =	ssyncadd.s32 $0xFFFFC000  }
0x161: {  	_ =	swait.ge [sflag:s18], $0x4000  }
0x162: {  	p1 =	por p0, p0;
	[sflag:s18] =	ssyncset.done $0x0  }
.Ltmp0:
0x163: {  	[sflag:s18] =	ssyncadd.s32 $0xFFFFC000;
	(pc) =	sbr.rel @p1 .LBB2_2-.Ltmp0, $4  }
0x164: {  	[spmem:s1] =	stream.indirect.scatter.add.f32 [tilespmem:s15], [sflag:$0x3], $0x80, s29, s13, $0xb8;
	[tilespmem:$0x1E800] =	vst v63  }
0x165: {  	_ =	swait.ge [sflag:s9], $0x4000  }
0x166: {  	[sflag:s9] =	ssyncset.done $0x0  }
0x167: {  	p0 =	por $0x0, $0x0;
	[sflag:s9] =	ssyncadd.s32 $0xFFFFC000  }
0x168: {  	[bflag:$0x0] =	sbarrier.arrive $0xFFFF  }
0x169: {  	s19 =	rddreg [dreg:$0x5]  }
0x16a: {  	s20 =	rddreg [dreg:$0x7]  }
0x16b: {  	s17 =	rddreg [dreg:$0x8]  }
0x16c: {  	[hbm:s17], [sflag:s19] =	dma.local [spmem:s20], $0x2800  }
0x16d: {  	_ =	swait.ge [sflag:s9], $0x2800  }
0x16e: {  	s0 =	rddreg [dreg:$0x9]  }
0x16f: {  	s17 =	rddreg [dreg:$0x6];
	s0 =	sadd.s32 $0x1, s0  }
0x170: {  	p0 =	sne.s32 s0, s17  }
.Ltmp1:
0x171: {  	_ = 	snop;
	(pc) =	sbr.rel @p0 .LBB2_1-.Ltmp1, $3  }
0x172: {  	_ =	sdelay $0x1  }
0x173: {  	[sflag:s9] =	ssyncset.done $0x0  }
0x174: {  	[sflag:s9] =	ssyncadd.s32 $0xFFFFD800  }
0x175: {  	_ =	sfence.sel $0x180000  }
0x176: {  	[bflag:$0x0] =	sbarrier.arrive $0xFFFF  }
0x177: {  	_ =	strace $0x9000004D  }
0x178: {  	s0 =	stileid.u32;
	[bflag:$0x2] =	sbarrier.arrive $0xFFFF  }
0x179: {  	p0 =	sne.s32 s0, $0x0;
	s0 =	rddreg [dreg:$0x3]  }
0x17a: {  	s0 =	sadd.s32 @!p0 $0x100000, s0  }
0x17b: {  	[sflag:s0] =	ssyncadd.tile.s32 @!p0 $0x1;
	_ =	shalt  }
.Lfunc_end2:
_tile_overlayer_lowered:
.L_overlay_start_2:
0x17c: {  	(tag) =	ssettag $0x2  }
0x17d: {  	s0 =	rddreg [dreg:$0x0];
	s2 =	stileid.u32  }
0x17e: {  	s1 =	rddreg [dreg:$0x1];
	p0 =	sne.s32 s2, $0x0  }
0x17f: {  	s3 =	rddreg [dreg:$0x2];
	[bflag:$0x3] =	sbarrier.arrive $0xFFFF;
	s2 =	simm.s32 @!p0 $0x1C03  }
0x180: {  	[timem:s3], [sflag:s2] =	dma.local @!p0 [hbm:s0], s1  }
0x181: {  	s0 =	simm.s32 @!p0 $0x3  }
0x182: {  	_ =	swait.ge @!p0 [sflag:s0], s1  }
0x183: {  	s1 =	ssub.s32 @!p0 $0x0, s1;
	[sflag:s0] =	ssyncset.done @!p0 $0x0  }
0x184: {  	[sflag:s0] =	ssyncadd.s32 @!p0 s1  }
0x185: {  	[bflag:$0x3] =	sbarrier.arrive $0xFFFF  }
0x186: {  	_ =	shalt  }

// kernel: kernel.8.cloned.1.call-start
scs
__scs_entry_jumppad:
0x0: {  	(pc) =	sbr.rel $0x88, $3  }
0x1: {  	(tag) =	ssettag $0x0;
	lr =	simm.s32 $0x1  }
0x2: {  	[smem:$0x3F9D] =	sst lr;
	_ =	strace $0xD0000000  }
0x3: {  	_ = 	snop  }
0x4: {  	_ = 	snop  }
0x5: {  	_ = 	snop  }
0x6: {  	_ = 	snop  }
0x7: {  	_ = 	snop  }
__scs_overlays_trampoline_lowered:
0x8: {  	[smem:$0x3FAC] =	sst s0  }
0x9: {  	[smem:$0x3FAD] =	sst s1  }
0xa: {  	[smem:$0x3FAE] =	sst s2  }
0xb: {  	[smem:$0x3FAF] =	sst s3  }
0xc: {  	[smem:$0x3FB0] =	sst s4  }
0xd: {  	[smem:$0x3FB1] =	sst s5  }
0xe: {  	[smem:$0x3FB2] =	sst s6  }
0xf: {  	[smem:$0x3FB3] =	sst s7  }
0x10: {  	[smem:$0x3FB4] =	sst s8  }
0x11: {  	[smem:$0x3FB5] =	sst s9;
	s0 =	simm.s32 @!p0 $0x0  }
0x12: {  	s1 =	sld [smem:$0x3F9B];
	s0 =	simm.s32 @p0 $0x1  }
0x13: {  	[smem:$0x3FB6] =	sst s0;
	s0 =	simm.s32 @!p1 $0x0  }
0x14: {  	s2 =	sld [smem:$0x3F9A];
	s0 =	simm.s32 @p1 $0x1  }
0x15: {  	[smem:$0x3FB7] =	sst s0;
	s0 =	simm.s32 @!p2 $0x0  }
0x16: {  	s3 =	sld [smem:$0x3FDB];
	s0 =	simm.s32 @p2 $0x1  }
0x17: {  	s4 =	simm.s32 $0x1BF5;
	[smem:$0x3FB9] =	sst s0  }
0x18: {  	s0 =	sld [smem:$0x3F9C];
	_ =	swait.ge [sflag:s4], $0x0  }
0x19: {  	s7 =	sld [smem:$0x3F9D]  }
0x1a: {  	s8 =	sadd.s32 $0xFFFFE003, lr  }
0x1b: {  	s9 =	sadd.s32 $0xFFFFFEF7, lr;
	s5 =	simm.s32 $0xFFFFFFFF;
	p2 =	slt.u32 s8, $0xFFFFF086  }
0x1c: {  	p1 =	slt.u32 s9, $0xF7A;
	s5 =	simm.s32 @!p2 $0x0  }
0x1d: {  	s5 =	simm.s32 @p1 $0x1;
	p0 =	seq.s32 s7, s2  }
0x1e: {  	s7 =	smul.u32 @!p0 $0xF7A, s2;
	p2 =	seq.s32 @!p0 s5, $0x0  }
0x1f: {  	s9 =	smul.u32 $0xF7A, s1;
	s8 =	simm.s32 @!p0 $0x1BF5;
	p2 =	por !p2, p0  }
0x20: {  	[sflag:s8] =	ssyncset.s32 @!p0 $0xFFFFF086;
	s6 =	sadd.s32 @!p0 s3, s7;
	s7 =	simm.s32 @!p0 $0x108  }
0x21: {  	s3 =	sadd.s32 s3, s9;
	s6 =	sadd.s32 @!p0 $0x88, s6;
	s7 =	simm.s32 @p2 $0x1082  }
0x22: {  	[simem:s7], [sflag:s8] =	dma.local @!p0 [hbm:s6], $0xF7A  }
0x23: {  	s9 =	sor.u32 $0xD0000000, s2;
	s6 =	simm.s32 $0x108;
	_ =	swait.ge @!p0 [sflag:s8], $0x0  }
0x24: {  	s3 =	sadd.s32 $0x88, s3;
	s6 =	simm.s32 @!p1 $0x1082;
	[sflag:s4] =	ssyncset.s32 $0xFFFFF086  }
0x25: {  	[simem:s6], [sflag:s4] =	dma.local [hbm:s3], $0xF7A  }
0x26: {  	[smem:$0x3F9D] =	sst s1;
	(tag) =	ssettag s2;
	_ =	strace s9  }
0x27: {  	s1 =	sld [smem:$0x3FAD]  }
0x28: {  	s2 =	sld [smem:$0x3FAE]  }
0x29: {  	s4 =	sld [smem:$0x3FB0]  }
0x2a: {  	p0 =	seq.s32 s5, $0x0;
	s5 =	sld [smem:$0x3FB1]  }
0x2b: {  	s6 =	sld [smem:$0x3FB2]  }
0x2c: {  	s7 =	sld [smem:$0x3FB3]  }
0x2d: {  	s3 =	simm.s32 $0x108;
	s8 =	sld [smem:$0x3FB4]  }
0x2e: {  	s3 =	simm.s32 @!p0 $0x1082;
	s9 =	sld [smem:$0x3FB5]  }
0x2f: {  	lr =	sadd.s32 s0, s3;
	s0 =	sld [smem:$0x3FAC]  }
0x30: {  	s3 =	sld [smem:$0x3FAF]  }
0x31: {  	[smem:$0x3FB8] =	sst s10  }
0x32: {  	s10 =	sld [smem:$0x3FB6];
	_ =	sdelay $0x3  }
0x33: {  	p0 =	seq.s32 s10, $0x1;
	s10 =	sld [smem:$0x3FB8];
	_ =	sdelay $0x3  }
0x34: {  	[smem:$0x3FB8] =	sst s10  }
0x35: {  	s10 =	sld [smem:$0x3FB7];
	_ =	sdelay $0x3  }
0x36: {  	p1 =	seq.s32 s10, $0x1;
	s10 =	sld [smem:$0x3FB8];
	_ =	sdelay $0x3  }
0x37: {  	[smem:$0x3FB8] =	sst s10  }
0x38: {  	s10 =	sld [smem:$0x3FB9]  }
0x39: {  	_ = 	snop;
	(pc) =	sbr.ind lr, $3  }
0x3a: {  	_ = 	snop  }
0x3b: {  	_ = 	snop  }
0x3c: {  	p2 =	seq.s32 s10, $0x1;
	s10 =	sld [smem:$0x3FB8]  }
0x3d: {  	_ =	shalt  }
0x3e: {  	_ =	shalt  }
0x3f: {  	_ =	shalt  }
0x40: {  	_ =	shalt  }
0x41: {  	_ =	shalt  }
0x42: {  	_ =	shalt  }
0x43: {  	_ =	shalt  }
0x44: {  	_ =	shalt  }
0x45: {  	_ =	shalt  }
0x46: {  	_ =	shalt  }
0x47: {  	_ =	shalt  }
0x48: {  	_ =	shalt  }
0x49: {  	_ =	shalt  }
0x4a: {  	_ =	shalt  }
0x4b: {  	_ =	shalt  }
0x4c: {  	_ =	shalt  }
0x4d: {  	_ =	shalt  }
0x4e: {  	_ =	shalt  }
0x4f: {  	_ =	shalt  }
0x50: {  	_ =	shalt  }
0x51: {  	_ =	shalt  }
0x52: {  	_ =	shalt  }
0x53: {  	_ =	shalt  }
0x54: {  	_ =	shalt  }
0x55: {  	_ =	shalt  }
0x56: {  	_ =	shalt  }
0x57: {  	_ =	shalt  }
0x58: {  	_ =	shalt  }
0x59: {  	_ =	shalt  }
0x5a: {  	_ =	shalt  }
0x5b: {  	_ =	shalt  }
0x5c: {  	_ =	shalt  }
0x5d: {  	_ =	shalt  }
0x5e: {  	_ =	shalt  }
0x5f: {  	_ =	shalt  }
0x60: {  	_ =	shalt  }
0x61: {  	_ =	shalt  }
0x62: {  	_ =	shalt  }
0x63: {  	_ =	shalt  }
0x64: {  	_ =	shalt  }
0x65: {  	_ =	shalt  }
0x66: {  	_ =	shalt  }
0x67: {  	_ =	shalt  }
0x68: {  	_ =	shalt  }
0x69: {  	_ =	shalt  }
0x6a: {  	_ =	shalt  }
0x6b: {  	_ =	shalt  }
0x6c: {  	_ =	shalt  }
0x6d: {  	_ =	shalt  }
0x6e: {  	_ =	shalt  }
0x6f: {  	_ =	shalt  }
0x70: {  	_ =	shalt  }
0x71: {  	_ =	shalt  }
0x72: {  	_ =	shalt  }
0x73: {  	_ =	shalt  }
0x74: {  	_ =	shalt  }
0x75: {  	_ =	shalt  }
0x76: {  	_ =	shalt  }
0x77: {  	_ =	shalt  }
0x78: {  	_ =	shalt  }
0x79: {  	_ =	shalt  }
0x7a: {  	_ =	shalt  }
0x7b: {  	_ =	shalt  }
0x7c: {  	_ =	shalt  }
0x7d: {  	_ =	shalt  }
0x7e: {  	_ =	shalt  }
0x7f: {  	_ =	shalt  }
0x80: {  	_ =	shalt  }
0x81: {  	_ =	shalt  }
0x82: {  	_ =	shalt  }
0x83: {  	_ =	shalt  }
0x84: {  	_ =	shalt  }
0x85: {  	_ =	shalt  }
0x86: {  	_ =	shalt  }
0x87: {  	_ =	shalt  }
.Lfunc_end0:
.L_simem_size_0:
called_computation_lowered:
.L_overlay_start_0:
0x88: {  	s2 =	sld [smem:$0x3FD9]  }
0x89: {  	s3 =	sld [smem:$0x3FFE];
	_ =	sdelay $0x1  }
0x8a: {  	s1 =	srdreg.scid  }
0x8b: {  	s0 =	sand.u32 $0x1, s1  }
0x8c: {  	s17 =	sshll.u32 s0, $0xA;
	s2 =	sadd.s32 s3, s2  }
0x8d: {  	s2 =	sadd.s32 s2, s17  }
0x8e: {  	[smem:$0x3FC4] =	sst s2  }
0x8f: {  	_ = 	snop  }
0x90: {  	s2 =	sld [smem:$0x3FD0];
	(tm) =	ssettm $0x1  }
0x91: {  	s18 =	sld [smem:$0x3FFB];
	_ =	sdelay $0x3  }
0x92: {  	_ =	strace s18  }
0x93: {  	s3 =	sld [smem:$0x3FFC];
	_ =	sdelay $0x3  }
0x94: {  	_ =	strace s3  }
0x95: {  	s3 =	sld [smem:$0x3FFD];
	_ =	sdelay $0x3  }
0x96: {  	_ =	strace s3  }
0x97: {  	_ =	strace $0x8FFFFFFF  }
0x98: {  	s19 =	sld [smem:$0x3FDB];
	_ =	sdelay $0x1  }
0x99: {  	s4 =	simm.s32 $_scs_section_size  }
0x9a: {  	s5 =	simm.s32 $_size__tile_overlayer_lowered;
	s6 =	simm.s32 $_tile_overlayer_lowered  }
0x9b: {  	s22 =	simm.s32 $0x1BFF;
	s21 =	sshll.u32 s6, $0x1;
	s3 =	sadd.s32 s4, s19  }
0x9c: {  	s7 =	simm.s32 $0x0;
	s20 =	sshll.u32 s5, $0x1;
	s5 =	sadd.s32 s21, s3  }
0x9d: {  	[timem:s7], [sflag:s22] =	dma.local [hbm:s5], s20  }
0x9e: {  	_ =	swait.ge [sflag:s22], s20  }
0x9f: {  	s4 =	ssub.s32 $0x0, s20;
	[sflag:s22] =	ssyncset.done $0x0  }
0xa0: {  	[sflag:s22] =	ssyncadd.s32 s4;
	_ =	sdelay $0x1  }
0xa1: {  	s23 =	simm.s32 $0x1B8B  }
0xa2: {  	_ =	swait.ge [sflag:s23], $0x1  }
0xa3: {  	[sflag:s23] =	ssyncset.done $0x0  }
0xa4: {  	s25 =	simm.s32 $0x1B8E;
	s24 =	sld [smem:$0x3FFE];
	[sflag:s23] =	ssyncadd.s32 $0xFFFFFFFF  }
0xa5: {  	s26 =	simm.s32 $execute0_lowered;
	[smem:$0x3FD2] =	sst s25  }
0xa6: {  	s5 =	sshll.u32 s26, $0x1;
	_ =	strace $0x80000046;
	[dreg:$0x1] =	wrdreg $0xFFFFFFFF  }
0xa7: {  	s28 =	simm.s32 $_size_execute0_lowered;
	s3 =	sadd.s32 s3, s5;
	[dreg:$0x0] =	wrdreg $0x0  }
0xa8: {  	s5 =	sshll.u32 s28, $0x1;
	[dreg:$0x2] =	wrdreg s3  }
0xa9: {  	[dreg:$0x3] =	wrdreg s5  }
0xaa: {  	[dreg:$0x4] =	wrdreg $0xC0  }
0xab: {  	_ =	task [dreg:s7], $0x5FFFF  }
0xac: {  	[dreg:$0x1] =	wrdreg $0xFFFFFFFF  }
0xad: {  	[dreg:$0x0] =	wrdreg $0x60  }
0xae: {  	[dreg:$0x2] =	wrdreg s2  }
0xaf: {  	[dreg:$0x3] =	wrdreg s24  }
0xb0: {  	[dreg:$0x4] =	wrdreg $0x2B000  }
0xb1: {  	[dreg:$0x5] =	wrdreg $0x9  }
0xb2: {  	_ =	task.clear_ibuf [dreg:s7], $0x6FFFF;
	_ =	strace $0x90000046  }
0xb3: {  	s29 =	simm.s32 $0x9;
	_ =	strace $0x80000048  }
0xb4: {  	_ =	swait.ge [sflag:s29], $0x1  }
0xb5: {  	[sflag:s29] =	ssyncadd.s32 $0xFFFFFFFF  }
0xb6: {  	_ =	strace $0x90000048  }
0xb7: {  	_ =	sfence  }
0xb8: {  	s30 =	sld [smem:$0x0];
	_ =	sdelay $0x2  }
0xb9: {  	s31 =	sshll.u32 s1, $0xD;
	s1 =	sshrl.u32 s1, $0x2  }
0xba: {  	s3 =	sand.u32 $0x4000, s31;
	s1 =	sadd.s32 s1, s30  }
0xbb: {  	s0 =	sor.u32 s3, s0;
	s1 =	sshll.u32 s1, $0x11  }
0xbc: {  	s0 =	sor.u32 s1, s0  }
0xbd: {  	s0 =	sadd.s32 $0x8F2B, s0  }
0xbe: {  	[sflag:s0] =	ssyncadd.remote.s32 $0x1  }
0xbf: {  	_ =	sfence.sel $0xFFFF  }
0xc0: {  	[dreg:$0x0] =	wrdreg $0xFFFFFFFF;
	(pc) =	sbr.abs _section_cstart, $3  }
0xc1: {  	[dreg:$0x1] =	wrdreg $0xFFFFFFFF  }
0xc2: {  	_ =	task.clear_ibuf [dreg:s7], $0x2FFFF;
	_ =	strace $0x9FFFFFFF  }
0xc3: {  	(tm) =	ssettm $0x7FFFFFFF  }
tec
execute0_lowered:
.L_overlay_start_1:
0x0: {  	(tag) =	ssettag $0x1  }
0x1: {  	s4 =	rddreg [dreg:$0x0]  }
0x2: {  	s5 =	rddreg [dreg:$0x1]  }
0x3: {  	s1 =	rddreg [dreg:$0x2]  }
0x4: {  	s0 =	rddreg [dreg:$0x3];
	s3 =	simm.s32 $0x0;
	s2 =	srdreg.scid  }
0x5: {  	s14 =	simm.s32 $0x20;
	[smem:$0x7FF] =	sst s3;
	s6 =	sand.u32 $0x1, s2  }
0x6: {  	s15 =	simm.s32 $0x10;
	s2 =	stileid.u32;
	s7 =	smul.u32 $0x5000, s6  }
0x7: {  	s16 =	simm.s32 $0x0;
	_ =	strace $0x80000047;
	s8 =	smul.u32 $0x500, s2  }
0x8: {  	s9 =	sshll.u32 s6, $0x4;
	s6 =	ssub.s32 $0x2, s6;
	s10 =	smul.u32 $0xA00, s2  }
0x9: {  	s12 =	smul.u32 $0xA0, s2;
	s13 =	sshll.u32 s2, $0x6;
	s30 =	sshrl.u32 s6, $0x1  }
0xa: {  	s9 =	sadd.s32 s9, s5;
	s4 =	sadd.s32 s4, s7;
	s6 =	ssub.s32 s6, s30  }
0xb: {  	s31 =	sshrl.u32 s10, $0x2;
	s11 =	sadd.s32 $0xC400, s9;
	s7 =	simm.s32 $0x1  }
0xc: {  	s9 =	simm.s32 $0x80;
	s10 =	simm.s32 $0x2800;
	s4 =	sadd.s32 s8, s4  }
0xd: {  	s5 =	sadd.s32 s31, s1;
	s6 =	smax.u32 s6, $0x1;
	s8 =	simm.s32 $0x2880  }
0xe: {  	v0 =	vimm.f32 $0.0e+00;
	v1 =	vimm.f32 $1.000000000e+00;
	s11 =	sadd.s32 s12, s11;
	s12 =	sor.u32 $0x1C01, s13;
	s13 =	sshrl.u32 s5, $0x3  }
.LBB2_1:
0xf: {  	[tilespmem:s3], [sflag:$0x1] =	stream.linear.gather [hbm4b:s4+s3], $0x2800, $0x38;
	[tilespmem:$0x2D80] =	vst v63  }
0x10: {  	_ =	swait.ge [sflag:s7], $0x2800  }
0x11: {  	[sflag:s7] =	ssyncset.done $0x0  }
0x12: {  	[sflag:s7] =	ssyncadd.s32 $0xFFFFD800  }
0x13: {  	[tilespmem:$0x2880] =	vst v0  }
0x14: {  	[tilespmem:$0x2890] =	vst v0  }
0x15: {  	[tilespmem:$0x28A0] =	vst v0  }
0x16: {  	[tilespmem:$0x28B0] =	vst v0  }
0x17: {  	[tilespmem:$0x28C0] =	vst v0  }
0x18: {  	[tilespmem:$0x28D0] =	vst v0  }
0x19: {  	[tilespmem:$0x28E0] =	vst v0  }
0x1a: {  	[tilespmem:$0x28F0] =	vst v0  }
0x1b: {  	[tilespmem:$0x2900] =	vst v0  }
0x1c: {  	[tilespmem:$0x2910] =	vst v0  }
0x1d: {  	[tilespmem:$0x2920] =	vst v0  }
0x1e: {  	[tilespmem:$0x2930] =	vst v0  }
0x1f: {  	[tilespmem:$0x2940] =	vst v0  }
0x20: {  	[tilespmem:$0x2950] =	vst v0  }
0x21: {  	[tilespmem:$0x2960] =	vst v0  }
0x22: {  	[tilespmem:$0x2970] =	vst v0  }
0x23: {  	[tilespmem:$0x2980] =	vst v0  }
0x24: {  	[tilespmem:$0x2990] =	vst v0  }
0x25: {  	[tilespmem:$0x29A0] =	vst v0  }
0x26: {  	[tilespmem:$0x29B0] =	vst v0  }
0x27: {  	[tilespmem:$0x29C0] =	vst v0  }
0x28: {  	[tilespmem:$0x29D0] =	vst v0  }
0x29: {  	[tilespmem:$0x29E0] =	vst v0  }
0x2a: {  	[tilespmem:$0x29F0] =	vst v0  }
0x2b: {  	[tilespmem:$0x2A00] =	vst v0  }
0x2c: {  	[tilespmem:$0x2A10] =	vst v0  }
0x2d: {  	[tilespmem:$0x2A20] =	vst v0  }
0x2e: {  	[tilespmem:$0x2A30] =	vst v0  }
0x2f: {  	[tilespmem:$0x2A40] =	vst v0  }
0x30: {  	[tilespmem:$0x2A50] =	vst v0  }
0x31: {  	[tilespmem:$0x2A60] =	vst v0  }
0x32: {  	[tilespmem:$0x2A70] =	vst v0  }
0x33: {  	[tilespmem:$0x2A80] =	vst v0  }
0x34: {  	[tilespmem:$0x2A90] =	vst v0  }
0x35: {  	[tilespmem:$0x2AA0] =	vst v0  }
0x36: {  	[tilespmem:$0x2AB0] =	vst v0  }
0x37: {  	[tilespmem:$0x2AC0] =	vst v0  }
0x38: {  	[tilespmem:$0x2AD0] =	vst v0  }
0x39: {  	[tilespmem:$0x2AE0] =	vst v0  }
0x3a: {  	[tilespmem:$0x2AF0] =	vst v0  }
0x3b: {  	[tilespmem:$0x2800] =	vst v1  }
0x3c: {  	[tilespmem:$0x2810] =	vst v1  }
0x3d: {  	[tilespmem:$0x2820] =	vst v1  }
0x3e: {  	[tilespmem:$0x2830] =	vst v1  }
0x3f: {  	[tilespmem:$0x2840] =	vst v1  }
0x40: {  	[tilespmem:$0x2850] =	vst v1  }
0x41: {  	[tilespmem:$0x2860] =	vst v1  }
0x42: {  	[tilespmem:$0x2870] =	vst v1  }
0x43: {  	[spmem:s5] =	stream.linear.scatter [tilespmem:s8], [sflag:$0x1], $0x280, $0x38;
	[tilespmem:$0x2D80] =	vst v63  }
0x44: {  	_ =	swait.ge [sflag:s7], $0x280  }
0x45: {  	[sflag:s7] =	ssyncset.done $0x0  }
0x46: {  	[sflag:s7] =	ssyncadd.s32 $0xFFFFFD80  }
0x47: {  	s17 =	simm.s32 $0x0;
	[bflag:$0x0] =	sbarrier.arrive $0xFFFF  }
0x48: {  	[spmem:s1] =	stream.indirect.scatter.add.f32 [tilespmem:s10], [sflag:$0x1], $0x1, s17, s9, $0xb8;
	[tilespmem:$0x2D80] =	vst v63  }
0x49: {  	_ =	swait.ge [sflag:s7], $0x80  }
0x4a: {  	s17 =	simm.s32 $0x200;
	[sflag:s7] =	ssyncset.done $0x0  }
.LBB2_2:
0x4b: {  	s18 =	sshra.s32 s17, $0x2;
	[sflag:s7] =	ssyncadd.s32 $0xFFFFFF80;
	p0 =	sne.s32 s17, $0x9E00  }
0x4c: {  	[spmem:s1] =	stream.indirect.scatter.add.f32 [tilespmem:s10], [sflag:$0x1], $0x1, s18, s9, $0xb8;
	[tilespmem:$0x2D80] =	vst v63  }
.Ltmp0:
0x4d: {  	_ = 	snop;
	(pc) =	sbr.rel @p0 .LBB2_2-.Ltmp0, $4  }
0x4e: {  	_ = 	snop  }
0x4f: {  	s17 =	sadd.s32 $0x200, s17  }
0x50: {  	_ =	swait.ge [sflag:s7], $0x80  }
0x51: {  	[sflag:s7] =	ssyncset.done $0x0  }
0x52: {  	s16 =	sadd.s32 $0x1, s16  }
0x53: {  	[sflag:s7] =	ssyncadd.s32 $0xFFFFFF80;
	p0 =	sne.s32 s16, s6  }
.Ltmp1:
0x54: {  	[bflag:$0x0] =	sbarrier.arrive $0xFFFF;
	(pc) =	sbr.rel @p0 .LBB2_1-.Ltmp1, $4  }
0x55: {  	[hbm:s11@s14], [sflag:s12] =	dma.strided [spmem:s13@s15], $0x50, s7, $0x10   }
0x56: {  	_ =	swait.ge [sflag:s7], $0x50  }
0x57: {  	[sflag:s7] =	ssyncset.done $0x0  }
0x58: {  	[sflag:s7] =	ssyncadd.s32 $0xFFFFFFB0  }
0x59: {  	_ =	sfence.sel $0x180000  }
0x5a: {  	[bflag:$0x0] =	sbarrier.arrive $0xFFFF  }
0x5b: {  	p0 =	sne.s32 s2, $0x0;
	_ =	strace $0x90000047  }
0x5c: {  	s0 =	sadd.s32 @!p0 $0x100000, s0;
	[bflag:$0x2] =	sbarrier.arrive $0xFFFF  }
0x5d: {  	[sflag:s0] =	ssyncadd.tile.s32 @!p0 $0x1;
	_ =	shalt  }
.Lfunc_end2:
_tile_overlayer_lowered:
.L_overlay_start_2:
0x5e: {  	(tag) =	ssettag $0x2  }
0x5f: {  	s0 =	rddreg [dreg:$0x0];
	s2 =	stileid.u32  }
0x60: {  	s1 =	rddreg [dreg:$0x1];
	p0 =	sne.s32 s2, $0x0  }
0x61: {  	s3 =	rddreg [dreg:$0x2];
	[bflag:$0x3] =	sbarrier.arrive $0xFFFF;
	s2 =	simm.s32 @!p0 $0x1C01  }
0x62: {  	[timem:s3], [sflag:s2] =	dma.local @!p0 [hbm:s0], s1  }
0x63: {  	s0 =	simm.s32 @!p0 $0x1  }
0x64: {  	_ =	swait.ge @!p0 [sflag:s0], s1  }
0x65: {  	s1 =	ssub.s32 @!p0 $0x0, s1;
	[sflag:s0] =	ssyncset.done @!p0 $0x0  }
0x66: {  	[sflag:s0] =	ssyncadd.s32 @!p0 s1  }
0x67: {  	[bflag:$0x3] =	sbarrier.arrive $0xFFFF  }
0x68: {  	_ =	shalt  }

</sc_bundles>
